<compile_context>
chip_gen: v7x
topology: tpu7x:2x2x1
jax: 0.10.2.dev20260603
libtpu: 0.0.44.dev20260713+nightly
codegen_flags: <defaults>
</compile_context>

<pallas_src>
import functools

import jax
import jax.numpy as jnp
from jax import lax
from jax.experimental import pallas as pl
from jax.experimental.pallas import tpu as pltpu
from jax.experimental.pallas import tpu_sc as plsc

N_N = 10000
N_PAD = 10240
E_PAD = 327680
CCH = 120
CNCH = 86
C_PAD = 2 * 16 * CNCH * CCH
IN_CH = 128
HID = 256
HALF = 128
NC = 2
NS = 16
ROWS_T = N_PAD // NS
ECH = 128
HCH = E_PAD // (NC * NS)
AGG_CH = E_PAD // NS // ECH

_MESH = plsc.VectorSubcoreMesh(
    core_axis_name="c", subcore_axis_name="s", num_cores=NC, num_subcores=NS)
_SC_PARAMS = pltpu.CompilerParams(needs_layout_passes=False)



def _hist_body(dst_hbm, cnt_hbm, dstv, histv):
    c = lax.axis_index("c")
    s = lax.axis_index("s")
    w = s * NC + c
    pltpu.sync_copy(dst_hbm.at[w], dstv)
    z16 = jnp.zeros((16,), jnp.float32)

    def zstep(i, carry):
        histv[pl.ds(i * 16, 16)] = z16
        return carry

    lax.fori_loop(0, N_PAD // 16, zstep, 0)
    ones16 = jnp.full((16,), 1.0, jnp.float32)

    def estep(i, carry):
        idx = dstv[pl.ds(i * 16, 16)]
        plsc.addupdate_scatter(histv, [idx], ones16)
        return carry

    lax.fori_loop(0, HCH // 16, estep, 0)
    pltpu.sync_copy(histv, cnt_hbm.at[w])


_hist = functools.partial(
    pl.kernel,
    out_type=jax.ShapeDtypeStruct((NC * NS, N_PAD), jnp.float32),
    mesh=_MESH,
    scratch_types=[
        pltpu.VMEM((HCH,), jnp.int32),
        pltpu.VMEM((N_PAD,), jnp.float32),
    ],
    compiler_params=_SC_PARAMS,
)(_hist_body)



GRP = 8
NGRP = AGG_CH // GRP
NMM = NGRP // 2


def _agg_body(gst_hbm, src_hbm, dst_hbm, out_hbm,
              srcg, dstg, rowb0, rowb1, acc_sh, gs0, gs1, ss0, ss1, is0, is1):
    c = lax.axis_index("c")
    s = lax.axis_index("s")
    rs_g = pl.ds(c * N_PAD + s * ROWS_T, ROWS_T)
    rs_a = pl.ds(s * ROWS_T, ROWS_T)
    base = c * (NS * AGG_CH) + s * AGG_CH
    dbase = s * AGG_CH
    rowbs = (rowb0, rowb1)
    gsems = (gs0, gs1)
    ssems = (ss0, ss1)
    isems = (is0, is1)

    def idx_start(h, grp_start):
        pltpu.async_copy(src_hbm.at[pl.ds(base + grp_start, GRP)],
                         srcg.at[h], isems[h])
        pltpu.async_copy(dst_hbm.at[pl.ds(dbase + grp_start, GRP)],
                         dstg.at[h], isems[h])

    def idx_wait(h, grp_start):
        pltpu.make_async_copy(src_hbm.at[pl.ds(base + grp_start, GRP)],
                              srcg.at[h], isems[h]).wait()
        pltpu.make_async_copy(dst_hbm.at[pl.ds(dbase + grp_start, GRP)],
                              dstg.at[h], isems[h]).wait()

    def gat_start(b, h, r):
        pltpu.async_copy(gst_hbm.at[srcg.at[h].at[r]], rowbs[b], gsems[b])

    def gat_wait(b, h, r):
        pltpu.make_async_copy(gst_hbm.at[srcg.at[h].at[r]],
                              rowbs[b], gsems[b]).wait()

    def sca_start(b, h, r):
        pltpu.async_copy(rowbs[b], acc_sh.at[dstg.at[h].at[r]],
                         ssems[b], add=True)

    def sca_wait(b, h, r):
        pltpu.make_async_copy(rowbs[b], acc_sh.at[dstg.at[h].at[r]],
                              ssems[b]).wait()

    pltpu.sync_copy(gst_hbm.at[rs_g], acc_sh.at[rs_a])
    idx_start(0, 0)
    plsc.subcore_barrier()

    def body(mm, carry):
        j0 = 16 * mm
        for k in range(16):
            h, r, b = k // 8, k % 8, k % 2
            if k < 2:
                @pl.when(mm > 0)
                def _(b=b, ph=1, pr=(k + 14) % 8):
                    sca_wait(b, ph, pr)
            else:
                sca_wait(b, (k - 2) // 8, (k - 2) % 8)
            if k == 0:
                idx_wait(0, j0)
            if k == 8:
                idx_wait(1, j0 + 8)
            gat_start(b, h, r)
            if k > 0:
                pb, ph, pr = (k - 1) % 2, (k - 1) // 8, (k - 1) % 8
                gat_wait(pb, ph, pr)
                sca_start(pb, ph, pr)
            if k == 2:
                idx_start(1, j0 + 8)
            if k == 9:
                @pl.when(mm < NMM - 1)
                def _():
                    idx_start(0, j0 + 16)
        gat_wait(1, 1, 7)
        sca_start(1, 1, 7)
        return carry

    lax.fori_loop(0, NMM, body, 0)
    sca_wait(0, 1, 6)
    sca_wait(1, 1, 7)
    plsc.subcore_barrier()
    pltpu.sync_copy(acc_sh.at[rs_a], out_hbm.at[rs_g])


_agg = functools.partial(
    pl.kernel,
    out_type=jax.ShapeDtypeStruct((2 * N_PAD, HALF), jnp.float32),
    mesh=_MESH,
    scratch_types=[
        pltpu.VMEM((2, GRP, ECH), jnp.int32),
        pltpu.VMEM((2, GRP, ECH), jnp.int32),
        pltpu.VMEM((ECH, HALF), jnp.float32),
        pltpu.VMEM((ECH, HALF), jnp.float32),
        pltpu.VMEM_SHARED((N_PAD, HALF), jnp.float32),
        pltpu.SemaphoreType.DMA,
        pltpu.SemaphoreType.DMA,
        pltpu.SemaphoreType.DMA,
        pltpu.SemaphoreType.DMA,
        pltpu.SemaphoreType.DMA,
        pltpu.SemaphoreType.DMA,
    ],
    compiler_params=_SC_PARAMS,
)(_agg_body)



def _cand_body(a_hbm, b_hbm, c0_hbm, c1_hbm, oa_hbm, ob_hbm,
               i0, i1, ba0, ba1, bb0, bb1,
               gsa0, gsa1, gsb0, gsb1, wa0, wa1, wb0, wb1, is0, is1):
    c = lax.axis_index("c")
    s = lax.axis_index("s")
    w = s * NC + c
    ibase = w * CNCH
    bufA = (ba0, ba1)
    bufB = (bb0, bb1)
    gsA = (gsa0, gsa1)
    gsB = (gsb0, gsb1)
    wsA = (wa0, wa1)
    wsB = (wb0, wb1)
    iss = (is0, is1)

    def idx_start(q, j):
        pltpu.async_copy(c0_hbm.at[ibase + j], i0.at[q], iss[q])
        pltpu.async_copy(c1_hbm.at[ibase + j], i1.at[q], iss[q])

    def idx_wait(q, j):
        pltpu.make_async_copy(c0_hbm.at[ibase + j], i0.at[q], iss[q]).wait()
        pltpu.make_async_copy(c1_hbm.at[ibase + j], i1.at[q], iss[q]).wait()

    def gath_start(b, q):
        pltpu.async_copy(a_hbm.at[i0.at[q]], bufA[b], gsA[b])
        pltpu.async_copy(b_hbm.at[i1.at[q]], bufB[b], gsB[b])

    def gath_wait(b, q):
        pltpu.make_async_copy(a_hbm.at[i0.at[q]], bufA[b], gsA[b]).wait()
        pltpu.make_async_copy(b_hbm.at[i1.at[q]], bufB[b], gsB[b]).wait()

    def wr_start(b, j):
        pltpu.async_copy(bufA[b], oa_hbm.at[ibase + j], wsA[b])
        pltpu.async_copy(bufB[b], ob_hbm.at[ibase + j], wsB[b])

    def wr_wait(b, j):
        pltpu.make_async_copy(bufA[b], oa_hbm.at[ibase + j], wsA[b]).wait()
        pltpu.make_async_copy(bufB[b], ob_hbm.at[ibase + j], wsB[b]).wait()

    def step(t, b, q, first_write_guard=None):
        gath_wait(1 - b, 1 - q)
        idx_start(1 - q, t + 1)
        if first_write_guard is None:
            wr_wait(b, t - 2)
        else:
            @pl.when(first_write_guard)
            def _():
                wr_wait(b, t - 2)
        idx_wait(q, t)
        gath_start(b, q)
        wr_start(1 - b, t - 1)

    idx_start(0, 0)
    idx_wait(0, 0)
    gath_start(0, 0)
    idx_start(1, 1)

    def body(m, carry):
        step(2 * m + 1, 1, 1, first_write_guard=(m > 0))
        step(2 * m + 2, 0, 0)
        return carry

    lax.fori_loop(0, (CNCH - 2) // 2, body, 0)
    t = CNCH - 1
    gath_wait(0, 0)
    wr_wait(1, t - 2)
    idx_wait(1, t)
    gath_start(1, 1)
    wr_start(0, t - 1)
    gath_wait(1, 1)
    wr_start(1, t)
    wr_wait(0, t - 1)
    wr_wait(1, t)


_cand = functools.partial(
    pl.kernel,
    out_type=[jax.ShapeDtypeStruct((NC * NS * CNCH, CCH, HALF), jnp.uint32),
              jax.ShapeDtypeStruct((NC * NS * CNCH, CCH, HALF), jnp.uint32)],
    mesh=_MESH,
    scratch_types=[
        pltpu.VMEM((2, CCH), jnp.int32),
        pltpu.VMEM((2, CCH), jnp.int32),
        pltpu.VMEM((CCH, HALF), jnp.uint32),
        pltpu.VMEM((CCH, HALF), jnp.uint32),
        pltpu.VMEM((CCH, HALF), jnp.uint32),
        pltpu.VMEM((CCH, HALF), jnp.uint32),
        pltpu.SemaphoreType.DMA,
        pltpu.SemaphoreType.DMA,
        pltpu.SemaphoreType.DMA,
        pltpu.SemaphoreType.DMA,
        pltpu.SemaphoreType.DMA,
        pltpu.SemaphoreType.DMA,
        pltpu.SemaphoreType.DMA,
        pltpu.SemaphoreType.DMA,
        pltpu.SemaphoreType.DMA,
        pltpu.SemaphoreType.DMA,
    ],
    compiler_params=_SC_PARAMS,
)(_cand_body)



BLK = 1024


def _tc1_body(cnt_ref, x_ref, w_ref, g_ref, dinv_ref):
    deg = jnp.sum(cnt_ref[...], axis=0) + 1.0
    dinv = lax.rsqrt(deg)[:, None]
    dinv_ref[...] = dinv
    g = jnp.dot(x_ref[...], w_ref[...], preferred_element_type=jnp.float32) * dinv
    g_ref[0] = g[:, :HALF]
    g_ref[1] = g[:, HALF:]


def _tc1(cnt, x_p, W1):
    return pl.pallas_call(
        _tc1_body,
        grid=(N_PAD // BLK,),
        in_specs=[
            pl.BlockSpec((NC * NS, BLK), lambda i: (0, i)),
            pl.BlockSpec((BLK, IN_CH), lambda i: (i, 0)),
            pl.BlockSpec((IN_CH, HID), lambda i: (0, 0)),
        ],
        out_specs=[
            pl.BlockSpec((2, BLK, HALF), lambda i: (0, i, 0)),
            pl.BlockSpec((BLK, 1), lambda i: (i, 0)),
        ],
        out_shape=[
            jax.ShapeDtypeStruct((2, N_PAD, HALF), jnp.float32),
            jax.ShapeDtypeStruct((N_PAD, 1), jnp.float32),
        ],
    )(cnt, x_p, W1)


def _tc2_body(alo_ref, ahi_ref, dinv_ref, b_ref, w_ref, g_ref):
    a = jnp.concatenate([alo_ref[...], ahi_ref[...]], axis=1)
    dv = dinv_ref[...]
    h = jnp.maximum(a * dv + b_ref[...], 0.0)
    g = jnp.dot(h, w_ref[...], preferred_element_type=jnp.float32) * dv
    g_ref[0] = g[:, :HALF]
    g_ref[1] = g[:, HALF:]


NB = N_PAD // BLK


def _tc2(agg, dinv, b1, W2):
    return pl.pallas_call(
        _tc2_body,
        grid=(NB,),
        in_specs=[
            pl.BlockSpec((BLK, HALF), lambda i: (i, 0)),
            pl.BlockSpec((BLK, HALF), lambda i: (i + NB, 0)),
            pl.BlockSpec((BLK, 1), lambda i: (i, 0)),
            pl.BlockSpec((1, HID), lambda i: (0, 0)),
            pl.BlockSpec((HID, HID), lambda i: (0, 0)),
        ],
        out_specs=pl.BlockSpec((2, BLK, HALF), lambda i: (0, i, 0)),
        out_shape=jax.ShapeDtypeStruct((2, N_PAD, HALF), jnp.float32),
    )(agg, agg, dinv, b1, W2)


def _pack_bf16(x):
    xb = x.astype(jnp.bfloat16)
    lo = lax.bitcast_convert_type(xb[:, :HALF], jnp.uint16).astype(jnp.uint32)
    hi = lax.bitcast_convert_type(xb[:, HALF:], jnp.uint16).astype(jnp.uint32)
    return lo | (hi << 16)


def _unpack_bf16(p):
    lo = lax.bitcast_convert_type((p & 0xFFFF).astype(jnp.uint16),
                                  jnp.bfloat16).astype(jnp.float32)
    hi = lax.bitcast_convert_type((p >> 16).astype(jnp.uint16),
                                  jnp.bfloat16).astype(jnp.float32)
    return lo, hi


def _tc3_body(alo_ref, ahi_ref, dinv_ref, b_ref, wm1_ref, bm1_ref,
              h_ref, a_ref, bb_ref):
    a = jnp.concatenate([alo_ref[...], ahi_ref[...]], axis=1)
    dv = dinv_ref[...]
    h = jnp.maximum(a * dv + b_ref[...], 0.0)
    h_ref[...] = h
    a_ref[...] = _pack_bf16(jnp.dot(h, wm1_ref[:HID, :],
                                    preferred_element_type=jnp.float32)
                            + bm1_ref[...])
    bb_ref[...] = _pack_bf16(jnp.dot(h, wm1_ref[HID:, :],
                                     preferred_element_type=jnp.float32))


def _tc3(agg, dinv, b2, Wm1, bm1):
    return pl.pallas_call(
        _tc3_body,
        grid=(NB,),
        in_specs=[
            pl.BlockSpec((BLK, HALF), lambda i: (i, 0)),
            pl.BlockSpec((BLK, HALF), lambda i: (i + NB, 0)),
            pl.BlockSpec((BLK, 1), lambda i: (i, 0)),
            pl.BlockSpec((1, HID), lambda i: (0, 0)),
            pl.BlockSpec((2 * HID, HID), lambda i: (0, 0)),
            pl.BlockSpec((1, HID), lambda i: (0, 0)),
        ],
        out_specs=[
            pl.BlockSpec((BLK, HID), lambda i: (i, 0)),
            pl.BlockSpec((BLK, HALF), lambda i: (i, 0)),
            pl.BlockSpec((BLK, HALF), lambda i: (i, 0)),
        ],
        out_shape=[
            jax.ShapeDtypeStruct((N_PAD, HID), jnp.float32),
            jax.ShapeDtypeStruct((N_PAD, HALF), jnp.uint32),
            jax.ShapeDtypeStruct((N_PAD, HALF), jnp.uint32),
        ],
    )(agg, agg, dinv, b2, Wm1, bm1)


CBLK = 1920


def _tc4_body(sa_ref, sb_ref, wm2_ref, bm2_ref, o_ref):
    la, ha = _unpack_bf16(sa_ref[...])
    lb, hb = _unpack_bf16(sb_ref[...])
    hid = jnp.maximum(jnp.concatenate([la + lb, ha + hb], axis=1), 0.0)
    o_ref[...] = jnp.dot(hid, wm2_ref[...],
                         preferred_element_type=jnp.float32) + bm2_ref[...]


def _tc4(sa, sb, Wm2, bm2):
    n_cls = Wm2.shape[1]
    return pl.pallas_call(
        _tc4_body,
        grid=(C_PAD // CBLK,),
        in_specs=[
            pl.BlockSpec((CBLK, HALF), lambda i: (i, 0)),
            pl.BlockSpec((CBLK, HALF), lambda i: (i, 0)),
            pl.BlockSpec((HID, n_cls), lambda i: (0, 0)),
            pl.BlockSpec((1, n_cls), lambda i: (0, 0)),
        ],
        out_specs=pl.BlockSpec((CBLK, n_cls), lambda i: (i, 0)),
        out_shape=jax.ShapeDtypeStruct((C_PAD, n_cls), jnp.float32),
    )(sa, sb, Wm2, bm2)



def kernel(x, edge_index, override_candidates, W1, b1, W2, b2, Wm1, bm1, Wm2, bm2):
    n_edges = edge_index.shape[1]
    n_cand = override_candidates.shape[0]

    src = edge_index[0]
    dst = edge_index[1]
    pe = E_PAD - n_edges
    src_p = jnp.concatenate([src, jnp.zeros((pe,), jnp.int32)])
    dst_p = jnp.concatenate([dst, jnp.full((pe,), N_N, jnp.int32)])
    dst_hist = dst_p.reshape(NC * NS, HCH)
    sbase = src_p.reshape(NS * AGG_CH, ECH)
    src_agg = jnp.concatenate([sbase, sbase + N_PAD], axis=0)
    dst_agg = dst_p.reshape(NS * AGG_CH, ECH)

    pc = C_PAD - n_cand
    zc = jnp.zeros((pc,), jnp.int32)
    c0_p = jnp.concatenate([override_candidates[:, 0], zc]).reshape(NC * NS * CNCH, CCH)
    c1_p = jnp.concatenate([override_candidates[:, 1], zc]).reshape(NC * NS * CNCH, CCH)

    x_p = jnp.concatenate(
        [x, jnp.zeros((N_PAD - x.shape[0], x.shape[1]), jnp.float32)])

    cnt = _hist(dst_hist)
    g1, dinv = _tc1(cnt, x_p, W1)
    a1 = _agg(g1.reshape(2 * N_PAD, HALF), src_agg, dst_agg)
    g2 = _tc2(a1, dinv, b1.reshape(1, -1), W2)
    a2 = _agg(g2.reshape(2 * N_PAD, HALF), src_agg, dst_agg)
    h2, A, B = _tc3(a2, dinv, b2.reshape(1, -1), Wm1, bm1.reshape(1, -1))
    sa, sb = _cand(A, B, c0_p, c1_p)
    logits_p = _tc4(sa.reshape(C_PAD, HALF), sb.reshape(C_PAD, HALF),
                    Wm2, bm2.reshape(1, -1))

    return (logits_p[:n_cand], override_candidates, h2[:N_N])

# --- scband reference (transcript-rebuilt; emitter-appended) ---
"""Pipeline reference for scband-constraint-predictor-gnn-56891136803303 (READ-ONLY COPY).

The authoritative reference and input builder live on the scoring server;
editing this copy changes nothing except your own understanding.
"""

import jax, jax.numpy as jnp
import numpy as np

N_NODES = 10000
N_EDGES = 320000
IN_CH = 128
HID = 256
N_CLS = 8
N_CAND = 320000


def gcn_conv(x, edge_index, W, b):
    n = x.shape[0]
    src = edge_index[0]
    dst = edge_index[1]
    loop = jnp.arange(n, dtype=src.dtype)
    src = jnp.concatenate([src, loop])
    dst = jnp.concatenate([dst, loop])
    deg = jnp.zeros((n,), x.dtype).at[dst].add(1.0)
    dinv = jnp.where(deg > 0, jax.lax.rsqrt(jnp.maximum(deg, 1e-12)), 0.0)
    norm = dinv[src] * dinv[dst]
    h = x @ W
    msg = h[src] * norm[:, None]
    out = jnp.zeros((n, W.shape[1]), x.dtype).at[dst].add(msg)
    return out + b


def setup_inputs(seed: int = 0) -> dict:
    key = jax.random.key(seed)
    ks = jax.random.split(key, 12)
    x = jax.random.normal(ks[0], (N_NODES, IN_CH), dtype=jnp.float32)
    edge_index = jax.random.randint(ks[1], (2, N_EDGES), 0, N_NODES, dtype=jnp.int32)
    override_candidates = jax.random.randint(ks[2], (N_CAND, 2), 0, N_NODES, dtype=jnp.int32)
    W1 = jax.random.normal(ks[3], (IN_CH, HID), dtype=jnp.float32) * 0.05
    b1 = jnp.zeros((HID,), dtype=jnp.float32)
    W2 = jax.random.normal(ks[4], (HID, HID), dtype=jnp.float32) * 0.05
    b2 = jnp.zeros((HID,), dtype=jnp.float32)
    Wm1 = jax.random.normal(ks[5], (HID * 2, HID), dtype=jnp.float32) * 0.05
    bm1 = jnp.zeros((HID,), dtype=jnp.float32)
    Wm2 = jax.random.normal(ks[6], (HID, N_CLS), dtype=jnp.float32) * 0.05
    bm2 = jnp.zeros((N_CLS,), dtype=jnp.float32)
    return {"x": x, "edge_index": edge_index, "override_candidates": override_candidates,
            "W1": W1, "b1": b1, "W2": W2, "b2": b2,
            "Wm1": Wm1, "bm1": bm1, "Wm2": Wm2, "bm2": bm2}


def reference(x, edge_index, override_candidates, W1, b1, W2, b2, Wm1, bm1, Wm2, bm2):
    h = jax.nn.relu(gcn_conv(x, edge_index, W1, b1))
    h = jax.nn.relu(gcn_conv(h, edge_index, W2, b2))
    cand = override_candidates
    node_feats = jnp.concatenate([h[cand[:, 0]], h[cand[:, 1]]], axis=1)
    hid = jax.nn.relu(node_feats @ Wm1 + bm1)
    edge_logits = hid @ Wm2 + bm2
    return (edge_logits, cand, h)

if __name__ == "__main__":
    import jax
    _d = setup_inputs()
    print(jax.jit(kernel)(*tuple(_d.values())))

</pallas_src>

<mosaic_0001>
#map = affine_map<(d0, d1) -> (0, 0)>
module attributes {stable_mosaic.version = 14 : i64} {
  func.func @_agg_body(%arg0: i32, %arg1: i32, %arg2: memref<20480x128xf32, #tpu.memory_space<hbm>>, %arg3: memref<5120x128xi32, #tpu.memory_space<hbm>>, %arg4: memref<2560x128xi32, #tpu.memory_space<hbm>>, %arg5: memref<20480x128xf32, #tpu.memory_space<hbm>>, %arg6: memref<2x8x128xi32, #tpu.memory_space<vmem>>, %arg7: memref<2x8x128xi32, #tpu.memory_space<vmem>>, %arg8: memref<128x128xf32, #tpu.memory_space<vmem>>, %arg9: memref<128x128xf32, #tpu.memory_space<vmem>>, %arg10: memref<10240x128xf32, #tpu.memory_space<vmem_shared>>, %arg11: memref<!tpu.dma_semaphore, #tpu.memory_space<semaphore_mem>>, %arg12: memref<!tpu.dma_semaphore, #tpu.memory_space<semaphore_mem>>, %arg13: memref<!tpu.dma_semaphore, #tpu.memory_space<semaphore_mem>>, %arg14: memref<!tpu.dma_semaphore, #tpu.memory_space<semaphore_mem>>, %arg15: memref<!tpu.dma_semaphore, #tpu.memory_space<semaphore_mem>>, %arg16: memref<!tpu.dma_semaphore, #tpu.memory_space<semaphore_mem>>) attributes {dimension_semantics = [#tpu.dimension_semantics<core_parallel>, #tpu.dimension_semantics<subcore_parallel>], iteration_bounds = array<i64: 2, 16>, scalar_prefetch = 0 : i64, scratch_operands = 11 : i64, tpu.core_type = #tpu.core_type<sc_vector_subcore>, window_params = [{transform_indices = #map}, {transform_indices = #map}, {transform_indices = #map}, {transform_indices = #map}]} {
    %mul3A = arith.constant 10240 : i32
    %mul3A_0 = arith.muli %arg0, %mul3A : i32
    %mul3A_1 = arith.constant 640 : i32
    %mul3A_2 = arith.muli %arg1, %mul3A_1 : i32
    %add3A = arith.addi %mul3A_0, %mul3A_2 : i32
    %mul3A_3 = arith.constant 640 : i32
    %mul3A_4 = arith.muli %arg1, %mul3A_3 : i32
    %mul3A_5 = arith.constant 2560 : i32
    %mul3A_6 = arith.muli %arg0, %mul3A_5 : i32
    %mul3A_7 = arith.constant 160 : i32
    %mul3A_8 = arith.muli %arg1, %mul3A_7 : i32
    %add3A_9 = arith.addi %mul3A_6, %mul3A_8 : i32
    %mul3A_10 = arith.constant 160 : i32
    %mul3A_11 = arith.muli %arg1, %mul3A_10 : i32
    "tpu.region"() ({
      %run_scoped3A = tpu.sem_alloc : memref<!tpu.dma_semaphore, #tpu.memory_space<semaphore_mem>>
      %dma_start3A_70 = arith.constant 0 : i32
      %dma_start3A_71 = tpu.memref_slice %arg10[%mul3A_4, %dma_start3A_70] : memref<10240x128xf32, #tpu.memory_space<vmem_shared>> -> memref<640x128xf32, #tpu.memory_space<vmem_shared>>
      %dma_start3A_72 = arith.constant 0 : i32
      %dma_start3A_73 = tpu.memref_slice %arg2[%add3A, %dma_start3A_72] : memref<20480x128xf32, #tpu.memory_space<hbm>> -> memref<640x128xf32, #tpu.memory_space<hbm>>
      tpu.enqueue_dma source(%dma_start3A_73 : memref<640x128xf32, #tpu.memory_space<hbm>>) target(%dma_start3A_71 : memref<640x128xf32, #tpu.memory_space<vmem_shared>>) target_semaphore(%run_scoped3A : memref<!tpu.dma_semaphore, #tpu.memory_space<semaphore_mem>>)
      %dma_wait3A_74 = arith.constant 0 : i32
      %dma_wait3A_75 = tpu.memref_slice %arg10[%mul3A_4, %dma_wait3A_74] : memref<10240x128xf32, #tpu.memory_space<vmem_shared>> -> memref<640x128xf32, #tpu.memory_space<vmem_shared>>
      %dma_wait3A_76 = arith.constant 0 : i32
      %dma_wait3A_77 = tpu.memref_slice %arg2[%add3A, %dma_wait3A_76] : memref<20480x128xf32, #tpu.memory_space<hbm>> -> memref<640x128xf32, #tpu.memory_space<hbm>>
      tpu.wait_dma2 semaphore(%run_scoped3A : memref<!tpu.dma_semaphore, #tpu.memory_space<semaphore_mem>>) src(%dma_wait3A_77 : memref<640x128xf32, #tpu.memory_space<hbm>>) dst(%dma_wait3A_75 : memref<640x128xf32, #tpu.memory_space<vmem_shared>>)
      tpu.yield
    }) : () -> ()
    %add3A_12 = arith.constant 0 : i32
    %add3A_13 = arith.addi %add3A_9, %add3A_12 : i32
    %dma_start3A = arith.constant 0 : i32
    %dma_start3A_14 = arith.constant 0 : i32
    %dma_start3A_15 = arith.constant 0 : i32
    %dma_start3A_16 = tpu.memref_slice %arg6[%dma_start3A, %dma_start3A_14, %dma_start3A_15] : memref<2x8x128xi32, #tpu.memory_space<vmem>> -> memref<1x8x128xi32, #tpu.memory_space<vmem>>
    %dma_start3A_17 = tpu.memref_squeeze %dma_start3A_16 : memref<1x8x128xi32, #tpu.memory_space<vmem>> -> memref<8x128xi32, #tpu.memory_space<vmem>>
    %dma_start3A_18 = arith.constant 0 : i32
    %dma_start3A_19 = tpu.memref_slice %arg3[%add3A_13, %dma_start3A_18] : memref<5120x128xi32, #tpu.memory_space<hbm>> -> memref<8x128xi32, #tpu.memory_space<hbm>>
    %dma_start3A_20 = arith.constant 0 : i32
    %dma_start3A_21 = arith.constant 0 : i32
    %dma_start3A_22 = tpu.memref_slice %arg6[%dma_start3A, %dma_start3A_20, %dma_start3A_21] : memref<2x8x128xi32, #tpu.memory_space<vmem>> -> memref<1x8x128xi32, #tpu.memory_space<vmem>>
    %dma_start3A_23 = tpu.memref_squeeze %dma_start3A_22 : memref<1x8x128xi32, #tpu.memory_space<vmem>> -> memref<8x128xi32, #tpu.memory_space<vmem>>
    %dma_start3A_24 = arith.constant 0 : i32
    %dma_start3A_25 = tpu.memref_slice %arg3[%add3A_13, %dma_start3A_24] : memref<5120x128xi32, #tpu.memory_space<hbm>> -> memref<8x128xi32, #tpu.memory_space<hbm>>
    tpu.enqueue_dma source(%dma_start3A_25 : memref<8x128xi32, #tpu.memory_space<hbm>>) target(%dma_start3A_23 : memref<8x128xi32, #tpu.memory_space<vmem>>) target_semaphore(%arg15 : memref<!tpu.dma_semaphore, #tpu.memory_space<semaphore_mem>>)
    %add3A_26 = arith.constant 0 : i32
    %add3A_27 = arith.addi %mul3A_11, %add3A_26 : i32
    %dma_start3A_28 = arith.constant 0 : i32
    %dma_start3A_29 = arith.constant 0 : i32
    %dma_start3A_30 = arith.constant 0 : i32
    %dma_start3A_31 = tpu.memref_slice %arg7[%dma_start3A_28, %dma_start3A_29, %dma_start3A_30] : memref<2x8x128xi32, #tpu.memory_space<vmem>> -> memref<1x8x128xi32, #tpu.memory_space<vmem>>
    %dma_start3A_32 = tpu.memref_squeeze %dma_start3A_31 : memref<1x8x128xi32, #tpu.memory_space<vmem>> -> memref<8x128xi32, #tpu.memory_space<vmem>>
    %dma_start3A_33 = arith.constant 0 : i32
    %dma_start3A_34 = tpu.memref_slice %arg4[%add3A_27, %dma_start3A_33] : memref<2560x128xi32, #tpu.memory_space<hbm>> -> memref<8x128xi32, #tpu.memory_space<hbm>>
    %dma_start3A_35 = arith.constant 0 : i32
    %dma_start3A_36 = arith.constant 0 : i32
    %dma_start3A_37 = tpu.memref_slice %arg7[%dma_start3A_28, %dma_start3A_35, %dma_start3A_36] : memref<2x8x128xi32, #tpu.memory_space<vmem>> -> memref<1x8x128xi32, #tpu.memory_space<vmem>>
    %dma_start3A_38 = tpu.memref_squeeze %dma_start3A_37 : memref<1x8x128xi32, #tpu.memory_space<vmem>> -> memref<8x128xi32, #tpu.memory_space<vmem>>
    %dma_start3A_39 = arith.constant 0 : i32
    %dma_start3A_40 = tpu.memref_slice %arg4[%add3A_27, %dma_start3A_39] : memref<2560x128xi32, #tpu.memory_space<hbm>> -> memref<8x128xi32, #tpu.memory_space<hbm>>
    tpu.enqueue_dma source(%dma_start3A_40 : memref<8x128xi32, #tpu.memory_space<hbm>>) target(%dma_start3A_38 : memref<8x128xi32, #tpu.memory_space<vmem>>) target_semaphore(%arg15 : memref<!tpu.dma_semaphore, #tpu.memory_space<semaphore_mem>>)
    %barrier3A = arith.constant 0 : index
    tpu.barrier barrier_id(%barrier3A)
    %scan3A = arith.constant 0 : i32
    %scan3A_41 = arith.constant 0 : i32
    %scan3A_42 = arith.constant 10 : i32
    %scan3A_43 = arith.addi %scan3A_41, %scan3A_42 : i32
    %scan3A_44 = arith.constant 1 : i32
    scf.for %scan3A_70 = %scan3A_41 to %scan3A_43 step %scan3A_44  : i32 {
      %mul3A_71 = arith.constant 16 : i32
      %mul3A_72 = arith.muli %mul3A_71, %scan3A_70 : i32
      %gt3A = arith.constant 0 : i32
      %gt3A_73 = arith.cmpi sgt, %scan3A_70, %gt3A : i32
      %convert_element_type3A = arith.extui %gt3A_73 : i1 to i32
      %cond3A = arith.constant 0 : i32
      %cond3A_74 = arith.cmpi ne, %convert_element_type3A, %cond3A : i32
      scf.if %cond3A_74 {
        %dma_wait3A_916 = arith.constant 1 : i32
        %dma_wait3A_917 = arith.constant 6 : i32
        %dma_wait3A_918 = arith.constant 0 : i32
        %dma_wait3A_919 = arith.constant 0 : i32
        %dma_wait3A_920 = tpu.memref_slice %arg7[%dma_wait3A_916, %dma_wait3A_918, %dma_wait3A_919] : memref<2x8x128xi32, #tpu.memory_space<vmem>> -> memref<1x8x128xi32, #tpu.memory_space<vmem>>
        %dma_wait3A_921 = tpu.memref_squeeze %dma_wait3A_920 : memref<1x8x128xi32, #tpu.memory_space<vmem>> -> memref<8x128xi32, #tpu.memory_space<vmem>>
        %dma_wait3A_922 = arith.constant 0 : i32
        %dma_wait3A_923 = tpu.memref_slice %dma_wait3A_921[%dma_wait3A_917, %dma_wait3A_922] : memref<8x128xi32, #tpu.memory_space<vmem>> -> memref<1x128xi32, #tpu.memory_space<vmem>>
        %dma_wait3A_924 = tpu.memref_squeeze %dma_wait3A_923 : memref<1x128xi32, #tpu.memory_space<vmem>> -> memref<128xi32, #tpu.memory_space<vmem>>
        %dma_wait3A_925 = arith.constant 0 : i32
        %dma_wait3A_926 = arith.constant 0 : i32
        %dma_wait3A_927 = tpu.memref_slice %arg10[%dma_wait3A_925, %dma_wait3A_926] : memref<10240x128xf32, #tpu.memory_space<vmem_shared>> -> memref<10240x128xf32, #tpu.memory_space<vmem_shared>>
        tpu.wait_indirect_dma semaphore(%arg13 : memref<!tpu.dma_semaphore, #tpu.memory_space<semaphore_mem>>) src(%arg8 : memref<128x128xf32, #tpu.memory_space<vmem>>) dst(%dma_wait3A_927 : memref<10240x128xf32, #tpu.memory_space<vmem_shared>>)
      } else {
      }
      %add3A_75 = arith.addi %add3A_9, %mul3A_72 : i32
      %dma_wait3A_76 = arith.constant 0 : i32
      %dma_wait3A_77 = arith.constant 0 : i32
      %dma_wait3A_78 = arith.constant 0 : i32
      %dma_wait3A_79 = tpu.memref_slice %arg6[%dma_wait3A_76, %dma_wait3A_77, %dma_wait3A_78] : memref<2x8x128xi32, #tpu.memory_space<vmem>> -> memref<1x8x128xi32, #tpu.memory_space<vmem>>
      %dma_wait3A_80 = tpu.memref_squeeze %dma_wait3A_79 : memref<1x8x128xi32, #tpu.memory_space<vmem>> -> memref<8x128xi32, #tpu.memory_space<vmem>>
      %dma_wait3A_81 = arith.constant 0 : i32
      %dma_wait3A_82 = tpu.memref_slice %arg3[%add3A_75, %dma_wait3A_81] : memref<5120x128xi32, #tpu.memory_space<hbm>> -> memref<8x128xi32, #tpu.memory_space<hbm>>
      %dma_wait3A_83 = arith.constant 0 : i32
      %dma_wait3A_84 = arith.constant 0 : i32
      %dma_wait3A_85 = tpu.memref_slice %arg6[%dma_wait3A_76, %dma_wait3A_83, %dma_wait3A_84] : memref<2x8x128xi32, #tpu.memory_space<vmem>> -> memref<1x8x128xi32, #tpu.memory_space<vmem>>
      %dma_wait3A_86 = tpu.memref_squeeze %dma_wait3A_85 : memref<1x8x128xi32, #tpu.memory_space<vmem>> -> memref<8x128xi32, #tpu.memory_space<vmem>>
      %dma_wait3A_87 = arith.constant 0 : i32
      %dma_wait3A_88 = tpu.memref_slice %arg3[%add3A_75, %dma_wait3A_87] : memref<5120x128xi32, #tpu.memory_space<hbm>> -> memref<8x128xi32, #tpu.memory_space<hbm>>
      tpu.wait_dma2 semaphore(%arg15 : memref<!tpu.dma_semaphore, #tpu.memory_space<semaphore_mem>>) src(%dma_wait3A_88 : memref<8x128xi32, #tpu.memory_space<hbm>>) dst(%dma_wait3A_86 : memref<8x128xi32, #tpu.memory_space<vmem>>)
      %add3A_89 = arith.addi %mul3A_11, %mul3A_72 : i32
      %dma_wait3A_90 = arith.constant 0 : i32
      %dma_wait3A_91 = arith.constant 0 : i32
      %dma_wait3A_92 = arith.constant 0 : i32
      %dma_wait3A_93 = tpu.memref_slice %arg7[%dma_wait3A_90, %dma_wait3A_91, %dma_wait3A_92] : memref<2x8x128xi32, #tpu.memory_space<vmem>> -> memref<1x8x128xi32, #tpu.memory_space<vmem>>
      %dma_wait3A_94 = tpu.memref_squeeze %dma_wait3A_93 : memref<1x8x128xi32, #tpu.memory_space<vmem>> -> memref<8x128xi32, #tpu.memory_space<vmem>>
      %dma_wait3A_95 = arith.constant 0 : i32
      %dma_wait3A_96 = tpu.memref_slice %arg4[%add3A_89, %dma_wait3A_95] : memref<2560x128xi32, #tpu.memory_space<hbm>> -> memref<8x128xi32, #tpu.memory_space<hbm>>
      %dma_wait3A_97 = arith.constant 0 : i32
      %dma_wait3A_98 = arith.constant 0 : i32
      %dma_wait3A_99 = tpu.memref_slice %arg7[%dma_wait3A_90, %dma_wait3A_97, %dma_wait3A_98] : memref<2x8x128xi32, #tpu.memory_space<vmem>> -> memref<1x8x128xi32, #tpu.memory_space<vmem>>
      %dma_wait3A_100 = tpu.memref_squeeze %dma_wait3A_99 : memref<1x8x128xi32, #tpu.memory_space<vmem>> -> memref<8x128xi32, #tpu.memory_space<vmem>>
      %dma_wait3A_101 = arith.constant 0 : i32
      %dma_wait3A_102 = tpu.memref_slice %arg4[%add3A_89, %dma_wait3A_101] : memref<2560x128xi32, #tpu.memory_space<hbm>> -> memref<8x128xi32, #tpu.memory_space<hbm>>
      tpu.wait_dma2 semaphore(%arg15 : memref<!tpu.dma_semaphore, #tpu.memory_space<semaphore_mem>>) src(%dma_wait3A_102 : memref<8x128xi32, #tpu.memory_space<hbm>>) dst(%dma_wait3A_100 : memref<8x128xi32, #tpu.memory_space<vmem>>)
      %dma_start3A_103 = arith.constant 0 : i32
      %dma_start3A_104 = arith.constant 0 : i32
      %dma_start3A_105 = arith.constant 0 : i32
      %dma_start3A_106 = arith.constant 0 : i32
      %dma_start3A_107 = tpu.memref_slice %arg6[%dma_start3A_103, %dma_start3A_105, %dma_start3A_106] : memref<2x8x128xi32, #tpu.memory_space<vmem>> -> memref<1x8x128xi32, #tpu.memory_space<vmem>>
      %dma_start3A_108 = tpu.memref_squeeze %dma_start3A_107 : memref<1x8x128xi32, #tpu.memory_space<vmem>> -> memref<8x128xi32, #tpu.memory_space<vmem>>
      %dma_start3A_109 = arith.constant 0 : i32
      %dma_start3A_110 = tpu.memref_slice %dma_start3A_108[%dma_start3A_104, %dma_start3A_109] : memref<8x128xi32, #tpu.memory_space<vmem>> -> memref<1x128xi32, #tpu.memory_space<vmem>>
      %dma_start3A_111 = tpu.memref_squeeze %dma_start3A_110 : memref<1x128xi32, #tpu.memory_space<vmem>> -> memref<128xi32, #tpu.memory_space<vmem>>
      %dma_start3A_112 = arith.constant 0 : i32
      %dma_start3A_113 = arith.constant 0 : i32
      %dma_start3A_114 = tpu.memref_slice %arg2[%dma_start3A_112, %dma_start3A_113] : memref<20480x128xf32, #tpu.memory_space<hbm>> -> memref<20480x128xf32, #tpu.memory_space<hbm>>
      tpu.enqueue_indirect_dma source(%dma_start3A_114 : memref<20480x128xf32, #tpu.memory_space<hbm>>) target(%arg8 : memref<128x128xf32, #tpu.memory_space<vmem>>) offsets(%dma_start3A_111 : memref<128xi32, #tpu.memory_space<vmem>>) semaphore(%arg11 : memref<!tpu.dma_semaphore, #tpu.memory_space<semaphore_mem>>)
      %gt3A_115 = arith.constant 0 : i32
      %gt3A_116 = arith.cmpi sgt, %scan3A_70, %gt3A_115 : i32
      %convert_element_type3A_117 = arith.extui %gt3A_116 : i1 to i32
      %cond3A_118 = arith.constant 0 : i32
      %cond3A_119 = arith.cmpi ne, %convert_element_type3A_117, %cond3A_118 : i32
      scf.if %cond3A_119 {
        %dma_wait3A_916 = arith.constant 1 : i32
        %dma_wait3A_917 = arith.constant 7 : i32
        %dma_wait3A_918 = arith.constant 0 : i32
        %dma_wait3A_919 = arith.constant 0 : i32
        %dma_wait3A_920 = tpu.memref_slice %arg7[%dma_wait3A_916, %dma_wait3A_918, %dma_wait3A_919] : memref<2x8x128xi32, #tpu.memory_space<vmem>> -> memref<1x8x128xi32, #tpu.memory_space<vmem>>
        %dma_wait3A_921 = tpu.memref_squeeze %dma_wait3A_920 : memref<1x8x128xi32, #tpu.memory_space<vmem>> -> memref<8x128xi32, #tpu.memory_space<vmem>>
        %dma_wait3A_922 = arith.constant 0 : i32
        %dma_wait3A_923 = tpu.memref_slice %dma_wait3A_921[%dma_wait3A_917, %dma_wait3A_922] : memref<8x128xi32, #tpu.memory_space<vmem>> -> memref<1x128xi32, #tpu.memory_space<vmem>>
        %dma_wait3A_924 = tpu.memref_squeeze %dma_wait3A_923 : memref<1x128xi32, #tpu.memory_space<vmem>> -> memref<128xi32, #tpu.memory_space<vmem>>
        %dma_wait3A_925 = arith.constant 0 : i32
        %dma_wait3A_926 = arith.constant 0 : i32
        %dma_wait3A_927 = tpu.memref_slice %arg10[%dma_wait3A_925, %dma_wait3A_926] : memref<10240x128xf32, #tpu.memory_space<vmem_shared>> -> memref<10240x128xf32, #tpu.memory_space<vmem_shared>>
        tpu.wait_indirect_dma semaphore(%arg14 : memref<!tpu.dma_semaphore, #tpu.memory_space<semaphore_mem>>) src(%arg9 : memref<128x128xf32, #tpu.memory_space<vmem>>) dst(%dma_wait3A_927 : memref<10240x128xf32, #tpu.memory_space<vmem_shared>>)
      } else {
      }
      %dma_start3A_120 = arith.constant 0 : i32
      %dma_start3A_121 = arith.constant 1 : i32
      %dma_start3A_122 = arith.constant 0 : i32
      %dma_start3A_123 = arith.constant 0 : i32
      %dma_start3A_124 = tpu.memref_slice %arg6[%dma_start3A_120, %dma_start3A_122, %dma_start3A_123] : memref<2x8x128xi32, #tpu.memory_space<vmem>> -> memref<1x8x128xi32, #tpu.memory_space<vmem>>
      %dma_start3A_125 = tpu.memref_squeeze %dma_start3A_124 : memref<1x8x128xi32, #tpu.memory_space<vmem>> -> memref<8x128xi32, #tpu.memory_space<vmem>>
      %dma_start3A_126 = arith.constant 0 : i32
      %dma_start3A_127 = tpu.memref_slice %dma_start3A_125[%dma_start3A_121, %dma_start3A_126] : memref<8x128xi32, #tpu.memory_space<vmem>> -> memref<1x128xi32, #tpu.memory_space<vmem>>
      %dma_start3A_128 = tpu.memref_squeeze %dma_start3A_127 : memref<1x128xi32, #tpu.memory_space<vmem>> -> memref<128xi32, #tpu.memory_space<vmem>>
      %dma_start3A_129 = arith.constant 0 : i32
      %dma_start3A_130 = arith.constant 0 : i32
      %dma_start3A_131 = tpu.memref_slice %arg2[%dma_start3A_129, %dma_start3A_130] : memref<20480x128xf32, #tpu.memory_space<hbm>> -> memref<20480x128xf32, #tpu.memory_space<hbm>>
      tpu.enqueue_indirect_dma source(%dma_start3A_131 : memref<20480x128xf32, #tpu.memory_space<hbm>>) target(%arg9 : memref<128x128xf32, #tpu.memory_space<vmem>>) offsets(%dma_start3A_128 : memref<128xi32, #tpu.memory_space<vmem>>) semaphore(%arg12 : memref<!tpu.dma_semaphore, #tpu.memory_space<semaphore_mem>>)
      %dma_wait3A_132 = arith.constant 0 : i32
      %dma_wait3A_133 = arith.constant 0 : i32
      %dma_wait3A_134 = arith.constant 0 : i32
      %dma_wait3A_135 = arith.constant 0 : i32
      %dma_wait3A_136 = tpu.memref_slice %arg6[%dma_wait3A_132, %dma_wait3A_134, %dma_wait3A_135] : memref<2x8x128xi32, #tpu.memory_space<vmem>> -> memref<1x8x128xi32, #tpu.memory_space<vmem>>
      %dma_wait3A_137 = tpu.memref_squeeze %dma_wait3A_136 : memref<1x8x128xi32, #tpu.memory_space<vmem>> -> memref<8x128xi32, #tpu.memory_space<vmem>>
      %dma_wait3A_138 = arith.constant 0 : i32
      %dma_wait3A_139 = tpu.memref_slice %dma_wait3A_137[%dma_wait3A_133, %dma_wait3A_138] : memref<8x128xi32, #tpu.memory_space<vmem>> -> memref<1x128xi32, #tpu.memory_space<vmem>>
      %dma_wait3A_140 = tpu.memref_squeeze %dma_wait3A_139 : memref<1x128xi32, #tpu.memory_space<vmem>> -> memref<128xi32, #tpu.memory_space<vmem>>
      %dma_wait3A_141 = arith.constant 0 : i32
      %dma_wait3A_142 = arith.constant 0 : i32
      %dma_wait3A_143 = tpu.memref_slice %arg2[%dma_wait3A_141, %dma_wait3A_142] : memref<20480x128xf32, #tpu.memory_space<hbm>> -> memref<20480x128xf32, #tpu.memory_space<hbm>>
      tpu.wait_indirect_dma semaphore(%arg11 : memref<!tpu.dma_semaphore, #tpu.memory_space<semaphore_mem>>) src(%dma_wait3A_143 : memref<20480x128xf32, #tpu.memory_space<hbm>>) dst(%arg8 : memref<128x128xf32, #tpu.memory_space<vmem>>)
      %dma_start3A_144 = arith.constant 0 : i32
      %dma_start3A_145 = arith.constant 0 : i32
      %dma_start3A_146 = arith.constant 0 : i32
      %dma_start3A_147 = arith.constant 0 : i32
      %dma_start3A_148 = tpu.memref_slice %arg7[%dma_start3A_144, %dma_start3A_146, %dma_start3A_147] : memref<2x8x128xi32, #tpu.memory_space<vmem>> -> memref<1x8x128xi32, #tpu.memory_space<vmem>>
      %dma_start3A_149 = tpu.memref_squeeze %dma_start3A_148 : memref<1x8x128xi32, #tpu.memory_space<vmem>> -> memref<8x128xi32, #tpu.memory_space<vmem>>
      %dma_start3A_150 = arith.constant 0 : i32
      %dma_start3A_151 = tpu.memref_slice %dma_start3A_149[%dma_start3A_145, %dma_start3A_150] : memref<8x128xi32, #tpu.memory_space<vmem>> -> memref<1x128xi32, #tpu.memory_space<vmem>>
      %dma_start3A_152 = tpu.memref_squeeze %dma_start3A_151 : memref<1x128xi32, #tpu.memory_space<vmem>> -> memref<128xi32, #tpu.memory_space<vmem>>
      %dma_start3A_153 = arith.constant 0 : i32
      %dma_start3A_154 = arith.constant 0 : i32
      %dma_start3A_155 = tpu.memref_slice %arg10[%dma_start3A_153, %dma_start3A_154] : memref<10240x128xf32, #tpu.memory_space<vmem_shared>> -> memref<10240x128xf32, #tpu.memory_space<vmem_shared>>
      tpu.enqueue_indirect_dma source(%arg8 : memref<128x128xf32, #tpu.memory_space<vmem>>) target(%dma_start3A_155 : memref<10240x128xf32, #tpu.memory_space<vmem_shared>>) offsets(%dma_start3A_152 : memref<128xi32, #tpu.memory_space<vmem>>) semaphore(%arg13 : memref<!tpu.dma_semaphore, #tpu.memory_space<semaphore_mem>>) {add = true}
      %dma_wait3A_156 = arith.constant 0 : i32
      %dma_wait3A_157 = arith.constant 0 : i32
      %dma_wait3A_158 = arith.constant 0 : i32
      %dma_wait3A_159 = arith.constant 0 : i32
      %dma_wait3A_160 = tpu.memref_slice %arg7[%dma_wait3A_156, %dma_wait3A_158, %dma_wait3A_159] : memref<2x8x128xi32, #tpu.memory_space<vmem>> -> memref<1x8x128xi32, #tpu.memory_space<vmem>>
      %dma_wait3A_161 = tpu.memref_squeeze %dma_wait3A_160 : memref<1x8x128xi32, #tpu.memory_space<vmem>> -> memref<8x128xi32, #tpu.memory_space<vmem>>
      %dma_wait3A_162 = arith.constant 0 : i32
      %dma_wait3A_163 = tpu.memref_slice %dma_wait3A_161[%dma_wait3A_157, %dma_wait3A_162] : memref<8x128xi32, #tpu.memory_space<vmem>> -> memref<1x128xi32, #tpu.memory_space<vmem>>
      %dma_wait3A_164 = tpu.memref_squeeze %dma_wait3A_163 : memref<1x128xi32, #tpu.memory_space<vmem>> -> memref<128xi32, #tpu.memory_space<vmem>>
      %dma_wait3A_165 = arith.constant 0 : i32
      %dma_wait3A_166 = arith.constant 0 : i32
      %dma_wait3A_167 = tpu.memref_slice %arg10[%dma_wait3A_165, %dma_wait3A_166] : memref<10240x128xf32, #tpu.memory_space<vmem_shared>> -> memref<10240x128xf32, #tpu.memory_space<vmem_shared>>
      tpu.wait_indirect_dma semaphore(%arg13 : memref<!tpu.dma_semaphore, #tpu.memory_space<semaphore_mem>>) src(%arg8 : memref<128x128xf32, #tpu.memory_space<vmem>>) dst(%dma_wait3A_167 : memref<10240x128xf32, #tpu.memory_space<vmem_shared>>)
      %dma_start3A_168 = arith.constant 0 : i32
      %dma_start3A_169 = arith.constant 2 : i32
      %dma_start3A_170 = arith.constant 0 : i32
      %dma_start3A_171 = arith.constant 0 : i32
      %dma_start3A_172 = tpu.memref_slice %arg6[%dma_start3A_168, %dma_start3A_170, %dma_start3A_171] : memref<2x8x128xi32, #tpu.memory_space<vmem>> -> memref<1x8x128xi32, #tpu.memory_space<vmem>>
      %dma_start3A_173 = tpu.memref_squeeze %dma_start3A_172 : memref<1x8x128xi32, #tpu.memory_space<vmem>> -> memref<8x128xi32, #tpu.memory_space<vmem>>
      %dma_start3A_174 = arith.constant 0 : i32
      %dma_start3A_175 = tpu.memref_slice %dma_start3A_173[%dma_start3A_169, %dma_start3A_174] : memref<8x128xi32, #tpu.memory_space<vmem>> -> memref<1x128xi32, #tpu.memory_space<vmem>>
      %dma_start3A_176 = tpu.memref_squeeze %dma_start3A_175 : memref<1x128xi32, #tpu.memory_space<vmem>> -> memref<128xi32, #tpu.memory_space<vmem>>
      %dma_start3A_177 = arith.constant 0 : i32
      %dma_start3A_178 = arith.constant 0 : i32
      %dma_start3A_179 = tpu.memref_slice %arg2[%dma_start3A_177, %dma_start3A_178] : memref<20480x128xf32, #tpu.memory_space<hbm>> -> memref<20480x128xf32, #tpu.memory_space<hbm>>
      tpu.enqueue_indirect_dma source(%dma_start3A_179 : memref<20480x128xf32, #tpu.memory_space<hbm>>) target(%arg8 : memref<128x128xf32, #tpu.memory_space<vmem>>) offsets(%dma_start3A_176 : memref<128xi32, #tpu.memory_space<vmem>>) semaphore(%arg11 : memref<!tpu.dma_semaphore, #tpu.memory_space<semaphore_mem>>)
      %dma_wait3A_180 = arith.constant 0 : i32
      %dma_wait3A_181 = arith.constant 1 : i32
      %dma_wait3A_182 = arith.constant 0 : i32
      %dma_wait3A_183 = arith.constant 0 : i32
      %dma_wait3A_184 = tpu.memref_slice %arg6[%dma_wait3A_180, %dma_wait3A_182, %dma_wait3A_183] : memref<2x8x128xi32, #tpu.memory_space<vmem>> -> memref<1x8x128xi32, #tpu.memory_space<vmem>>
      %dma_wait3A_185 = tpu.memref_squeeze %dma_wait3A_184 : memref<1x8x128xi32, #tpu.memory_space<vmem>> -> memref<8x128xi32, #tpu.memory_space<vmem>>
      %dma_wait3A_186 = arith.constant 0 : i32
      %dma_wait3A_187 = tpu.memref_slice %dma_wait3A_185[%dma_wait3A_181, %dma_wait3A_186] : memref<8x128xi32, #tpu.memory_space<vmem>> -> memref<1x128xi32, #tpu.memory_space<vmem>>
      %dma_wait3A_188 = tpu.memref_squeeze %dma_wait3A_187 : memref<1x128xi32, #tpu.memory_space<vmem>> -> memref<128xi32, #tpu.memory_space<vmem>>
      %dma_wait3A_189 = arith.constant 0 : i32
      %dma_wait3A_190 = arith.constant 0 : i32
      %dma_wait3A_191 = tpu.memref_slice %arg2[%dma_wait3A_189, %dma_wait3A_190] : memref<20480x128xf32, #tpu.memory_space<hbm>> -> memref<20480x128xf32, #tpu.memory_space<hbm>>
      tpu.wait_indirect_dma semaphore(%arg12 : memref<!tpu.dma_semaphore, #tpu.memory_space<semaphore_mem>>) src(%dma_wait3A_191 : memref<20480x128xf32, #tpu.memory_space<hbm>>) dst(%arg9 : memref<128x128xf32, #tpu.memory_space<vmem>>)
      %dma_start3A_192 = arith.constant 0 : i32
      %dma_start3A_193 = arith.constant 1 : i32
      %dma_start3A_194 = arith.constant 0 : i32
      %dma_start3A_195 = arith.constant 0 : i32
      %dma_start3A_196 = tpu.memref_slice %arg7[%dma_start3A_192, %dma_start3A_194, %dma_start3A_195] : memref<2x8x128xi32, #tpu.memory_space<vmem>> -> memref<1x8x128xi32, #tpu.memory_space<vmem>>
      %dma_start3A_197 = tpu.memref_squeeze %dma_start3A_196 : memref<1x8x128xi32, #tpu.memory_space<vmem>> -> memref<8x128xi32, #tpu.memory_space<vmem>>
      %dma_start3A_198 = arith.constant 0 : i32
      %dma_start3A_199 = tpu.memref_slice %dma_start3A_197[%dma_start3A_193, %dma_start3A_198] : memref<8x128xi32, #tpu.memory_space<vmem>> -> memref<1x128xi32, #tpu.memory_space<vmem>>
      %dma_start3A_200 = tpu.memref_squeeze %dma_start3A_199 : memref<1x128xi32, #tpu.memory_space<vmem>> -> memref<128xi32, #tpu.memory_space<vmem>>
      %dma_start3A_201 = arith.constant 0 : i32
      %dma_start3A_202 = arith.constant 0 : i32
      %dma_start3A_203 = tpu.memref_slice %arg10[%dma_start3A_201, %dma_start3A_202] : memref<10240x128xf32, #tpu.memory_space<vmem_shared>> -> memref<10240x128xf32, #tpu.memory_space<vmem_shared>>
      tpu.enqueue_indirect_dma source(%arg9 : memref<128x128xf32, #tpu.memory_space<vmem>>) target(%dma_start3A_203 : memref<10240x128xf32, #tpu.memory_space<vmem_shared>>) offsets(%dma_start3A_200 : memref<128xi32, #tpu.memory_space<vmem>>) semaphore(%arg14 : memref<!tpu.dma_semaphore, #tpu.memory_space<semaphore_mem>>) {add = true}
      %add3A_204 = arith.constant 8 : i32
      %add3A_205 = arith.addi %mul3A_72, %add3A_204 : i32
      %add3A_206 = arith.addi %add3A_9, %add3A_205 : i32
      %dma_start3A_207 = arith.constant 1 : i32
      %dma_start3A_208 = arith.constant 0 : i32
      %dma_start3A_209 = arith.constant 0 : i32
      %dma_start3A_210 = tpu.memref_slice %arg6[%dma_start3A_207, %dma_start3A_208, %dma_start3A_209] : memref<2x8x128xi32, #tpu.memory_space<vmem>> -> memref<1x8x128xi32, #tpu.memory_space<vmem>>
      %dma_start3A_211 = tpu.memref_squeeze %dma_start3A_210 : memref<1x8x128xi32, #tpu.memory_space<vmem>> -> memref<8x128xi32, #tpu.memory_space<vmem>>
      %dma_start3A_212 = arith.constant 0 : i32
      %dma_start3A_213 = tpu.memref_slice %arg3[%add3A_206, %dma_start3A_212] : memref<5120x128xi32, #tpu.memory_space<hbm>> -> memref<8x128xi32, #tpu.memory_space<hbm>>
      %dma_start3A_214 = arith.constant 0 : i32
      %dma_start3A_215 = arith.constant 0 : i32
      %dma_start3A_216 = tpu.memref_slice %arg6[%dma_start3A_207, %dma_start3A_214, %dma_start3A_215] : memref<2x8x128xi32, #tpu.memory_space<vmem>> -> memref<1x8x128xi32, #tpu.memory_space<vmem>>
      %dma_start3A_217 = tpu.memref_squeeze %dma_start3A_216 : memref<1x8x128xi32, #tpu.memory_space<vmem>> -> memref<8x128xi32, #tpu.memory_space<vmem>>
      %dma_start3A_218 = arith.constant 0 : i32
      %dma_start3A_219 = tpu.memref_slice %arg3[%add3A_206, %dma_start3A_218] : memref<5120x128xi32, #tpu.memory_space<hbm>> -> memref<8x128xi32, #tpu.memory_space<hbm>>
      tpu.enqueue_dma source(%dma_start3A_219 : memref<8x128xi32, #tpu.memory_space<hbm>>) target(%dma_start3A_217 : memref<8x128xi32, #tpu.memory_space<vmem>>) target_semaphore(%arg16 : memref<!tpu.dma_semaphore, #tpu.memory_space<semaphore_mem>>)
      %add3A_220 = arith.addi %mul3A_11, %add3A_205 : i32
      %dma_start3A_221 = arith.constant 1 : i32
      %dma_start3A_222 = arith.constant 0 : i32
      %dma_start3A_223 = arith.constant 0 : i32
      %dma_start3A_224 = tpu.memref_slice %arg7[%dma_start3A_221, %dma_start3A_222, %dma_start3A_223] : memref<2x8x128xi32, #tpu.memory_space<vmem>> -> memref<1x8x128xi32, #tpu.memory_space<vmem>>
      %dma_start3A_225 = tpu.memref_squeeze %dma_start3A_224 : memref<1x8x128xi32, #tpu.memory_space<vmem>> -> memref<8x128xi32, #tpu.memory_space<vmem>>
      %dma_start3A_226 = arith.constant 0 : i32
      %dma_start3A_227 = tpu.memref_slice %arg4[%add3A_220, %dma_start3A_226] : memref<2560x128xi32, #tpu.memory_space<hbm>> -> memref<8x128xi32, #tpu.memory_space<hbm>>
      %dma_start3A_228 = arith.constant 0 : i32
      %dma_start3A_229 = arith.constant 0 : i32
      %dma_start3A_230 = tpu.memref_slice %arg7[%dma_start3A_221, %dma_start3A_228, %dma_start3A_229] : memref<2x8x128xi32, #tpu.memory_space<vmem>> -> memref<1x8x128xi32, #tpu.memory_space<vmem>>
      %dma_start3A_231 = tpu.memref_squeeze %dma_start3A_230 : memref<1x8x128xi32, #tpu.memory_space<vmem>> -> memref<8x128xi32, #tpu.memory_space<vmem>>
      %dma_start3A_232 = arith.constant 0 : i32
      %dma_start3A_233 = tpu.memref_slice %arg4[%add3A_220, %dma_start3A_232] : memref<2560x128xi32, #tpu.memory_space<hbm>> -> memref<8x128xi32, #tpu.memory_space<hbm>>
      tpu.enqueue_dma source(%dma_start3A_233 : memref<8x128xi32, #tpu.memory_space<hbm>>) target(%dma_start3A_231 : memref<8x128xi32, #tpu.memory_space<vmem>>) target_semaphore(%arg16 : memref<!tpu.dma_semaphore, #tpu.memory_space<semaphore_mem>>)
      %dma_wait3A_234 = arith.constant 0 : i32
      %dma_wait3A_235 = arith.constant 1 : i32
      %dma_wait3A_236 = arith.constant 0 : i32
      %dma_wait3A_237 = arith.constant 0 : i32
      %dma_wait3A_238 = tpu.memref_slice %arg7[%dma_wait3A_234, %dma_wait3A_236, %dma_wait3A_237] : memref<2x8x128xi32, #tpu.memory_space<vmem>> -> memref<1x8x128xi32, #tpu.memory_space<vmem>>
      %dma_wait3A_239 = tpu.memref_squeeze %dma_wait3A_238 : memref<1x8x128xi32, #tpu.memory_space<vmem>> -> memref<8x128xi32, #tpu.memory_space<vmem>>
      %dma_wait3A_240 = arith.constant 0 : i32
      %dma_wait3A_241 = tpu.memref_slice %dma_wait3A_239[%dma_wait3A_235, %dma_wait3A_240] : memref<8x128xi32, #tpu.memory_space<vmem>> -> memref<1x128xi32, #tpu.memory_space<vmem>>
      %dma_wait3A_242 = tpu.memref_squeeze %dma_wait3A_241 : memref<1x128xi32, #tpu.memory_space<vmem>> -> memref<128xi32, #tpu.memory_space<vmem>>
      %dma_wait3A_243 = arith.constant 0 : i32
      %dma_wait3A_244 = arith.constant 0 : i32
      %dma_wait3A_245 = tpu.memref_slice %arg10[%dma_wait3A_243, %dma_wait3A_244] : memref<10240x128xf32, #tpu.memory_space<vmem_shared>> -> memref<10240x128xf32, #tpu.memory_space<vmem_shared>>
      tpu.wait_indirect_dma semaphore(%arg14 : memref<!tpu.dma_semaphore, #tpu.memory_space<semaphore_mem>>) src(%arg9 : memref<128x128xf32, #tpu.memory_space<vmem>>) dst(%dma_wait3A_245 : memref<10240x128xf32, #tpu.memory_space<vmem_shared>>)
      %dma_start3A_246 = arith.constant 0 : i32
      %dma_start3A_247 = arith.constant 3 : i32
      %dma_start3A_248 = arith.constant 0 : i32
      %dma_start3A_249 = arith.constant 0 : i32
      %dma_start3A_250 = tpu.memref_slice %arg6[%dma_start3A_246, %dma_start3A_248, %dma_start3A_249] : memref<2x8x128xi32, #tpu.memory_space<vmem>> -> memref<1x8x128xi32, #tpu.memory_space<vmem>>
      %dma_start3A_251 = tpu.memref_squeeze %dma_start3A_250 : memref<1x8x128xi32, #tpu.memory_space<vmem>> -> memref<8x128xi32, #tpu.memory_space<vmem>>
      %dma_start3A_252 = arith.constant 0 : i32
      %dma_start3A_253 = tpu.memref_slice %dma_start3A_251[%dma_start3A_247, %dma_start3A_252] : memref<8x128xi32, #tpu.memory_space<vmem>> -> memref<1x128xi32, #tpu.memory_space<vmem>>
      %dma_start3A_254 = tpu.memref_squeeze %dma_start3A_253 : memref<1x128xi32, #tpu.memory_space<vmem>> -> memref<128xi32, #tpu.memory_space<vmem>>
      %dma_start3A_255 = arith.constant 0 : i32
      %dma_start3A_256 = arith.constant 0 : i32
      %dma_start3A_257 = tpu.memref_slice %arg2[%dma_start3A_255, %dma_start3A_256] : memref<20480x128xf32, #tpu.memory_space<hbm>> -> memref<20480x128xf32, #tpu.memory_space<hbm>>
      tpu.enqueue_indirect_dma source(%dma_start3A_257 : memref<20480x128xf32, #tpu.memory_space<hbm>>) target(%arg9 : memref<128x128xf32, #tpu.memory_space<vmem>>) offsets(%dma_start3A_254 : memref<128xi32, #tpu.memory_space<vmem>>) semaphore(%arg12 : memref<!tpu.dma_semaphore, #tpu.memory_space<semaphore_mem>>)
      %dma_wait3A_258 = arith.constant 0 : i32
      %dma_wait3A_259 = arith.constant 2 : i32
      %dma_wait3A_260 = arith.constant 0 : i32
      %dma_wait3A_261 = arith.constant 0 : i32
      %dma_wait3A_262 = tpu.memref_slice %arg6[%dma_wait3A_258, %dma_wait3A_260, %dma_wait3A_261] : memref<2x8x128xi32, #tpu.memory_space<vmem>> -> memref<1x8x128xi32, #tpu.memory_space<vmem>>
      %dma_wait3A_263 = tpu.memref_squeeze %dma_wait3A_262 : memref<1x8x128xi32, #tpu.memory_space<vmem>> -> memref<8x128xi32, #tpu.memory_space<vmem>>
      %dma_wait3A_264 = arith.constant 0 : i32
      %dma_wait3A_265 = tpu.memref_slice %dma_wait3A_263[%dma_wait3A_259, %dma_wait3A_264] : memref<8x128xi32, #tpu.memory_space<vmem>> -> memref<1x128xi32, #tpu.memory_space<vmem>>
      %dma_wait3A_266 = tpu.memref_squeeze %dma_wait3A_265 : memref<1x128xi32, #tpu.memory_space<vmem>> -> memref<128xi32, #tpu.memory_space<vmem>>
      %dma_wait3A_267 = arith.constant 0 : i32
      %dma_wait3A_268 = arith.constant 0 : i32
      %dma_wait3A_269 = tpu.memref_slice %arg2[%dma_wait3A_267, %dma_wait3A_268] : memref<20480x128xf32, #tpu.memory_space<hbm>> -> memref<20480x128xf32, #tpu.memory_space<hbm>>
      tpu.wait_indirect_dma semaphore(%arg11 : memref<!tpu.dma_semaphore, #tpu.memory_space<semaphore_mem>>) src(%dma_wait3A_269 : memref<20480x128xf32, #tpu.memory_space<hbm>>) dst(%arg8 : memref<128x128xf32, #tpu.memory_space<vmem>>)
      %dma_start3A_270 = arith.constant 0 : i32
      %dma_start3A_271 = arith.constant 2 : i32
      %dma_start3A_272 = arith.constant 0 : i32
      %dma_start3A_273 = arith.constant 0 : i32
      %dma_start3A_274 = tpu.memref_slice %arg7[%dma_start3A_270, %dma_start3A_272, %dma_start3A_273] : memref<2x8x128xi32, #tpu.memory_space<vmem>> -> memref<1x8x128xi32, #tpu.memory_space<vmem>>
      %dma_start3A_275 = tpu.memref_squeeze %dma_start3A_274 : memref<1x8x128xi32, #tpu.memory_space<vmem>> -> memref<8x128xi32, #tpu.memory_space<vmem>>
      %dma_start3A_276 = arith.constant 0 : i32
      %dma_start3A_277 = tpu.memref_slice %dma_start3A_275[%dma_start3A_271, %dma_start3A_276] : memref<8x128xi32, #tpu.memory_space<vmem>> -> memref<1x128xi32, #tpu.memory_space<vmem>>
      %dma_start3A_278 = tpu.memref_squeeze %dma_start3A_277 : memref<1x128xi32, #tpu.memory_space<vmem>> -> memref<128xi32, #tpu.memory_space<vmem>>
      %dma_start3A_279 = arith.constant 0 : i32
      %dma_start3A_280 = arith.constant 0 : i32
      %dma_start3A_281 = tpu.memref_slice %arg10[%dma_start3A_279, %dma_start3A_280] : memref<10240x128xf32, #tpu.memory_space<vmem_shared>> -> memref<10240x128xf32, #tpu.memory_space<vmem_shared>>
      tpu.enqueue_indirect_dma source(%arg8 : memref<128x128xf32, #tpu.memory_space<vmem>>) target(%dma_start3A_281 : memref<10240x128xf32, #tpu.memory_space<vmem_shared>>) offsets(%dma_start3A_278 : memref<128xi32, #tpu.memory_space<vmem>>) semaphore(%arg13 : memref<!tpu.dma_semaphore, #tpu.memory_space<semaphore_mem>>) {add = true}
      %dma_wait3A_282 = arith.constant 0 : i32
      %dma_wait3A_283 = arith.constant 2 : i32
      %dma_wait3A_284 = arith.constant 0 : i32
      %dma_wait3A_285 = arith.constant 0 : i32
      %dma_wait3A_286 = tpu.memref_slice %arg7[%dma_wait3A_282, %dma_wait3A_284, %dma_wait3A_285] : memref<2x8x128xi32, #tpu.memory_space<vmem>> -> memref<1x8x128xi32, #tpu.memory_space<vmem>>
      %dma_wait3A_287 = tpu.memref_squeeze %dma_wait3A_286 : memref<1x8x128xi32, #tpu.memory_space<vmem>> -> memref<8x128xi32, #tpu.memory_space<vmem>>
      %dma_wait3A_288 = arith.constant 0 : i32
      %dma_wait3A_289 = tpu.memref_slice %dma_wait3A_287[%dma_wait3A_283, %dma_wait3A_288] : memref<8x128xi32, #tpu.memory_space<vmem>> -> memref<1x128xi32, #tpu.memory_space<vmem>>
      %dma_wait3A_290 = tpu.memref_squeeze %dma_wait3A_289 : memref<1x128xi32, #tpu.memory_space<vmem>> -> memref<128xi32, #tpu.memory_space<vmem>>
      %dma_wait3A_291 = arith.constant 0 : i32
      %dma_wait3A_292 = arith.constant 0 : i32
      %dma_wait3A_293 = tpu.memref_slice %arg10[%dma_wait3A_291, %dma_wait3A_292] : memref<10240x128xf32, #tpu.memory_space<vmem_shared>> -> memref<10240x128xf32, #tpu.memory_space<vmem_shared>>
      tpu.wait_indirect_dma semaphore(%arg13 : memref<!tpu.dma_semaphore, #tpu.memory_space<semaphore_mem>>) src(%arg8 : memref<128x128xf32, #tpu.memory_space<vmem>>) dst(%dma_wait3A_293 : memref<10240x128xf32, #tpu.memory_space<vmem_shared>>)
      %dma_start3A_294 = arith.constant 0 : i32
      %dma_start3A_295 = arith.constant 4 : i32
      %dma_start3A_296 = arith.constant 0 : i32
      %dma_start3A_297 = arith.constant 0 : i32
      %dma_start3A_298 = tpu.memref_slice %arg6[%dma_start3A_294, %dma_start3A_296, %dma_start3A_297] : memref<2x8x128xi32, #tpu.memory_space<vmem>> -> memref<1x8x128xi32, #tpu.memory_space<vmem>>
      %dma_start3A_299 = tpu.memref_squeeze %dma_start3A_298 : memref<1x8x128xi32, #tpu.memory_space<vmem>> -> memref<8x128xi32, #tpu.memory_space<vmem>>
      %dma_start3A_300 = arith.constant 0 : i32
      %dma_start3A_301 = tpu.memref_slice %dma_start3A_299[%dma_start3A_295, %dma_start3A_300] : memref<8x128xi32, #tpu.memory_space<vmem>> -> memref<1x128xi32, #tpu.memory_space<vmem>>
      %dma_start3A_302 = tpu.memref_squeeze %dma_start3A_301 : memref<1x128xi32, #tpu.memory_space<vmem>> -> memref<128xi32, #tpu.memory_space<vmem>>
      %dma_start3A_303 = arith.constant 0 : i32
      %dma_start3A_304 = arith.constant 0 : i32
      %dma_start3A_305 = tpu.memref_slice %arg2[%dma_start3A_303, %dma_start3A_304] : memref<20480x128xf32, #tpu.memory_space<hbm>> -> memref<20480x128xf32, #tpu.memory_space<hbm>>
      tpu.enqueue_indirect_dma source(%dma_start3A_305 : memref<20480x128xf32, #tpu.memory_space<hbm>>) target(%arg8 : memref<128x128xf32, #tpu.memory_space<vmem>>) offsets(%dma_start3A_302 : memref<128xi32, #tpu.memory_space<vmem>>) semaphore(%arg11 : memref<!tpu.dma_semaphore, #tpu.memory_space<semaphore_mem>>)
      %dma_wait3A_306 = arith.constant 0 : i32
      %dma_wait3A_307 = arith.constant 3 : i32
      %dma_wait3A_308 = arith.constant 0 : i32
      %dma_wait3A_309 = arith.constant 0 : i32
      %dma_wait3A_310 = tpu.memref_slice %arg6[%dma_wait3A_306, %dma_wait3A_308, %dma_wait3A_309] : memref<2x8x128xi32, #tpu.memory_space<vmem>> -> memref<1x8x128xi32, #tpu.memory_space<vmem>>
      %dma_wait3A_311 = tpu.memref_squeeze %dma_wait3A_310 : memref<1x8x128xi32, #tpu.memory_space<vmem>> -> memref<8x128xi32, #tpu.memory_space<vmem>>
      %dma_wait3A_312 = arith.constant 0 : i32
      %dma_wait3A_313 = tpu.memref_slice %dma_wait3A_311[%dma_wait3A_307, %dma_wait3A_312] : memref<8x128xi32, #tpu.memory_space<vmem>> -> memref<1x128xi32, #tpu.memory_space<vmem>>
      %dma_wait3A_314 = tpu.memref_squeeze %dma_wait3A_313 : memref<1x128xi32, #tpu.memory_space<vmem>> -> memref<128xi32, #tpu.memory_space<vmem>>
      %dma_wait3A_315 = arith.constant 0 : i32
      %dma_wait3A_316 = arith.constant 0 : i32
      %dma_wait3A_317 = tpu.memref_slice %arg2[%dma_wait3A_315, %dma_wait3A_316] : memref<20480x128xf32, #tpu.memory_space<hbm>> -> memref<20480x128xf32, #tpu.memory_space<hbm>>
      tpu.wait_indirect_dma semaphore(%arg12 : memref<!tpu.dma_semaphore, #tpu.memory_space<semaphore_mem>>) src(%dma_wait3A_317 : memref<20480x128xf32, #tpu.memory_space<hbm>>) dst(%arg9 : memref<128x128xf32, #tpu.memory_space<vmem>>)
      %dma_start3A_318 = arith.constant 0 : i32
      %dma_start3A_319 = arith.constant 3 : i32
      %dma_start3A_320 = arith.constant 0 : i32
      %dma_start3A_321 = arith.constant 0 : i32
      %dma_start3A_322 = tpu.memref_slice %arg7[%dma_start3A_318, %dma_start3A_320, %dma_start3A_321] : memref<2x8x128xi32, #tpu.memory_space<vmem>> -> memref<1x8x128xi32, #tpu.memory_space<vmem>>
      %dma_start3A_323 = tpu.memref_squeeze %dma_start3A_322 : memref<1x8x128xi32, #tpu.memory_space<vmem>> -> memref<8x128xi32, #tpu.memory_space<vmem>>
      %dma_start3A_324 = arith.constant 0 : i32
      %dma_start3A_325 = tpu.memref_slice %dma_start3A_323[%dma_start3A_319, %dma_start3A_324] : memref<8x128xi32, #tpu.memory_space<vmem>> -> memref<1x128xi32, #tpu.memory_space<vmem>>
      %dma_start3A_326 = tpu.memref_squeeze %dma_start3A_325 : memref<1x128xi32, #tpu.memory_space<vmem>> -> memref<128xi32, #tpu.memory_space<vmem>>
      %dma_start3A_327 = arith.constant 0 : i32
      %dma_start3A_328 = arith.constant 0 : i32
      %dma_start3A_329 = tpu.memref_slice %arg10[%dma_start3A_327, %dma_start3A_328] : memref<10240x128xf32, #tpu.memory_space<vmem_shared>> -> memref<10240x128xf32, #tpu.memory_space<vmem_shared>>
      tpu.enqueue_indirect_dma source(%arg9 : memref<128x128xf32, #tpu.memory_space<vmem>>) target(%dma_start3A_329 : memref<10240x128xf32, #tpu.memory_space<vmem_shared>>) offsets(%dma_start3A_326 : memref<128xi32, #tpu.memory_space<vmem>>) semaphore(%arg14 : memref<!tpu.dma_semaphore, #tpu.memory_space<semaphore_mem>>) {add = true}
      %dma_wait3A_330 = arith.constant 0 : i32
      %dma_wait3A_331 = arith.constant 3 : i32
      %dma_wait3A_332 = arith.constant 0 : i32
      %dma_wait3A_333 = arith.constant 0 : i32
      %dma_wait3A_334 = tpu.memref_slice %arg7[%dma_wait3A_330, %dma_wait3A_332, %dma_wait3A_333] : memref<2x8x128xi32, #tpu.memory_space<vmem>> -> memref<1x8x128xi32, #tpu.memory_space<vmem>>
      %dma_wait3A_335 = tpu.memref_squeeze %dma_wait3A_334 : memref<1x8x128xi32, #tpu.memory_space<vmem>> -> memref<8x128xi32, #tpu.memory_space<vmem>>
      %dma_wait3A_336 = arith.constant 0 : i32
      %dma_wait3A_337 = tpu.memref_slice %dma_wait3A_335[%dma_wait3A_331, %dma_wait3A_336] : memref<8x128xi32, #tpu.memory_space<vmem>> -> memref<1x128xi32, #tpu.memory_space<vmem>>
      %dma_wait3A_338 = tpu.memref_squeeze %dma_wait3A_337 : memref<1x128xi32, #tpu.memory_space<vmem>> -> memref<128xi32, #tpu.memory_space<vmem>>
      %dma_wait3A_339 = arith.constant 0 : i32
      %dma_wait3A_340 = arith.constant 0 : i32
      %dma_wait3A_341 = tpu.memref_slice %arg10[%dma_wait3A_339, %dma_wait3A_340] : memref<10240x128xf32, #tpu.memory_space<vmem_shared>> -> memref<10240x128xf32, #tpu.memory_space<vmem_shared>>
      tpu.wait_indirect_dma semaphore(%arg14 : memref<!tpu.dma_semaphore, #tpu.memory_space<semaphore_mem>>) src(%arg9 : memref<128x128xf32, #tpu.memory_space<vmem>>) dst(%dma_wait3A_341 : memref<10240x128xf32, #tpu.memory_space<vmem_shared>>)
      %dma_start3A_342 = arith.constant 0 : i32
      %dma_start3A_343 = arith.constant 5 : i32
      %dma_start3A_344 = arith.constant 0 : i32
      %dma_start3A_345 = arith.constant 0 : i32
      %dma_start3A_346 = tpu.memref_slice %arg6[%dma_start3A_342, %dma_start3A_344, %dma_start3A_345] : memref<2x8x128xi32, #tpu.memory_space<vmem>> -> memref<1x8x128xi32, #tpu.memory_space<vmem>>
      %dma_start3A_347 = tpu.memref_squeeze %dma_start3A_346 : memref<1x8x128xi32, #tpu.memory_space<vmem>> -> memref<8x128xi32, #tpu.memory_space<vmem>>
      %dma_start3A_348 = arith.constant 0 : i32
      %dma_start3A_349 = tpu.memref_slice %dma_start3A_347[%dma_start3A_343, %dma_start3A_348] : memref<8x128xi32, #tpu.memory_space<vmem>> -> memref<1x128xi32, #tpu.memory_space<vmem>>
      %dma_start3A_350 = tpu.memref_squeeze %dma_start3A_349 : memref<1x128xi32, #tpu.memory_space<vmem>> -> memref<128xi32, #tpu.memory_space<vmem>>
      %dma_start3A_351 = arith.constant 0 : i32
      %dma_start3A_352 = arith.constant 0 : i32
      %dma_start3A_353 = tpu.memref_slice %arg2[%dma_start3A_351, %dma_start3A_352] : memref<20480x128xf32, #tpu.memory_space<hbm>> -> memref<20480x128xf32, #tpu.memory_space<hbm>>
      tpu.enqueue_indirect_dma source(%dma_start3A_353 : memref<20480x128xf32, #tpu.memory_space<hbm>>) target(%arg9 : memref<128x128xf32, #tpu.memory_space<vmem>>) offsets(%dma_start3A_350 : memref<128xi32, #tpu.memory_space<vmem>>) semaphore(%arg12 : memref<!tpu.dma_semaphore, #tpu.memory_space<semaphore_mem>>)
      %dma_wait3A_354 = arith.constant 0 : i32
      %dma_wait3A_355 = arith.constant 4 : i32
      %dma_wait3A_356 = arith.constant 0 : i32
      %dma_wait3A_357 = arith.constant 0 : i32
      %dma_wait3A_358 = tpu.memref_slice %arg6[%dma_wait3A_354, %dma_wait3A_356, %dma_wait3A_357] : memref<2x8x128xi32, #tpu.memory_space<vmem>> -> memref<1x8x128xi32, #tpu.memory_space<vmem>>
      %dma_wait3A_359 = tpu.memref_squeeze %dma_wait3A_358 : memref<1x8x128xi32, #tpu.memory_space<vmem>> -> memref<8x128xi32, #tpu.memory_space<vmem>>
      %dma_wait3A_360 = arith.constant 0 : i32
      %dma_wait3A_361 = tpu.memref_slice %dma_wait3A_359[%dma_wait3A_355, %dma_wait3A_360] : memref<8x128xi32, #tpu.memory_space<vmem>> -> memref<1x128xi32, #tpu.memory_space<vmem>>
      %dma_wait3A_362 = tpu.memref_squeeze %dma_wait3A_361 : memref<1x128xi32, #tpu.memory_space<vmem>> -> memref<128xi32, #tpu.memory_space<vmem>>
      %dma_wait3A_363 = arith.constant 0 : i32
      %dma_wait3A_364 = arith.constant 0 : i32
      %dma_wait3A_365 = tpu.memref_slice %arg2[%dma_wait3A_363, %dma_wait3A_364] : memref<20480x128xf32, #tpu.memory_space<hbm>> -> memref<20480x128xf32, #tpu.memory_space<hbm>>
      tpu.wait_indirect_dma semaphore(%arg11 : memref<!tpu.dma_semaphore, #tpu.memory_space<semaphore_mem>>) src(%dma_wait3A_365 : memref<20480x128xf32, #tpu.memory_space<hbm>>) dst(%arg8 : memref<128x128xf32, #tpu.memory_space<vmem>>)
      %dma_start3A_366 = arith.constant 0 : i32
      %dma_start3A_367 = arith.constant 4 : i32
      %dma_start3A_368 = arith.constant 0 : i32
      %dma_start3A_369 = arith.constant 0 : i32
      %dma_start3A_370 = tpu.memref_slice %arg7[%dma_start3A_366, %dma_start3A_368, %dma_start3A_369] : memref<2x8x128xi32, #tpu.memory_space<vmem>> -> memref<1x8x128xi32, #tpu.memory_space<vmem>>
      %dma_start3A_371 = tpu.memref_squeeze %dma_start3A_370 : memref<1x8x128xi32, #tpu.memory_space<vmem>> -> memref<8x128xi32, #tpu.memory_space<vmem>>
      %dma_start3A_372 = arith.constant 0 : i32
      %dma_start3A_373 = tpu.memref_slice %dma_start3A_371[%dma_start3A_367, %dma_start3A_372] : memref<8x128xi32, #tpu.memory_space<vmem>> -> memref<1x128xi32, #tpu.memory_space<vmem>>
      %dma_start3A_374 = tpu.memref_squeeze %dma_start3A_373 : memref<1x128xi32, #tpu.memory_space<vmem>> -> memref<128xi32, #tpu.memory_space<vmem>>
      %dma_start3A_375 = arith.constant 0 : i32
      %dma_start3A_376 = arith.constant 0 : i32
      %dma_start3A_377 = tpu.memref_slice %arg10[%dma_start3A_375, %dma_start3A_376] : memref<10240x128xf32, #tpu.memory_space<vmem_shared>> -> memref<10240x128xf32, #tpu.memory_space<vmem_shared>>
      tpu.enqueue_indirect_dma source(%arg8 : memref<128x128xf32, #tpu.memory_space<vmem>>) target(%dma_start3A_377 : memref<10240x128xf32, #tpu.memory_space<vmem_shared>>) offsets(%dma_start3A_374 : memref<128xi32, #tpu.memory_space<vmem>>) semaphore(%arg13 : memref<!tpu.dma_semaphore, #tpu.memory_space<semaphore_mem>>) {add = true}
      %dma_wait3A_378 = arith.constant 0 : i32
      %dma_wait3A_379 = arith.constant 4 : i32
      %dma_wait3A_380 = arith.constant 0 : i32
      %dma_wait3A_381 = arith.constant 0 : i32
      %dma_wait3A_382 = tpu.memref_slice %arg7[%dma_wait3A_378, %dma_wait3A_380, %dma_wait3A_381] : memref<2x8x128xi32, #tpu.memory_space<vmem>> -> memref<1x8x128xi32, #tpu.memory_space<vmem>>
      %dma_wait3A_383 = tpu.memref_squeeze %dma_wait3A_382 : memref<1x8x128xi32, #tpu.memory_space<vmem>> -> memref<8x128xi32, #tpu.memory_space<vmem>>
      %dma_wait3A_384 = arith.constant 0 : i32
      %dma_wait3A_385 = tpu.memref_slice %dma_wait3A_383[%dma_wait3A_379, %dma_wait3A_384] : memref<8x128xi32, #tpu.memory_space<vmem>> -> memref<1x128xi32, #tpu.memory_space<vmem>>
      %dma_wait3A_386 = tpu.memref_squeeze %dma_wait3A_385 : memref<1x128xi32, #tpu.memory_space<vmem>> -> memref<128xi32, #tpu.memory_space<vmem>>
      %dma_wait3A_387 = arith.constant 0 : i32
      %dma_wait3A_388 = arith.constant 0 : i32
      %dma_wait3A_389 = tpu.memref_slice %arg10[%dma_wait3A_387, %dma_wait3A_388] : memref<10240x128xf32, #tpu.memory_space<vmem_shared>> -> memref<10240x128xf32, #tpu.memory_space<vmem_shared>>
      tpu.wait_indirect_dma semaphore(%arg13 : memref<!tpu.dma_semaphore, #tpu.memory_space<semaphore_mem>>) src(%arg8 : memref<128x128xf32, #tpu.memory_space<vmem>>) dst(%dma_wait3A_389 : memref<10240x128xf32, #tpu.memory_space<vmem_shared>>)
      %dma_start3A_390 = arith.constant 0 : i32
      %dma_start3A_391 = arith.constant 6 : i32
      %dma_start3A_392 = arith.constant 0 : i32
      %dma_start3A_393 = arith.constant 0 : i32
      %dma_start3A_394 = tpu.memref_slice %arg6[%dma_start3A_390, %dma_start3A_392, %dma_start3A_393] : memref<2x8x128xi32, #tpu.memory_space<vmem>> -> memref<1x8x128xi32, #tpu.memory_space<vmem>>
      %dma_start3A_395 = tpu.memref_squeeze %dma_start3A_394 : memref<1x8x128xi32, #tpu.memory_space<vmem>> -> memref<8x128xi32, #tpu.memory_space<vmem>>
      %dma_start3A_396 = arith.constant 0 : i32
      %dma_start3A_397 = tpu.memref_slice %dma_start3A_395[%dma_start3A_391, %dma_start3A_396] : memref<8x128xi32, #tpu.memory_space<vmem>> -> memref<1x128xi32, #tpu.memory_space<vmem>>
      %dma_start3A_398 = tpu.memref_squeeze %dma_start3A_397 : memref<1x128xi32, #tpu.memory_space<vmem>> -> memref<128xi32, #tpu.memory_space<vmem>>
      %dma_start3A_399 = arith.constant 0 : i32
      %dma_start3A_400 = arith.constant 0 : i32
      %dma_start3A_401 = tpu.memref_slice %arg2[%dma_start3A_399, %dma_start3A_400] : memref<20480x128xf32, #tpu.memory_space<hbm>> -> memref<20480x128xf32, #tpu.memory_space<hbm>>
      tpu.enqueue_indirect_dma source(%dma_start3A_401 : memref<20480x128xf32, #tpu.memory_space<hbm>>) target(%arg8 : memref<128x128xf32, #tpu.memory_space<vmem>>) offsets(%dma_start3A_398 : memref<128xi32, #tpu.memory_space<vmem>>) semaphore(%arg11 : memref<!tpu.dma_semaphore, #tpu.memory_space<semaphore_mem>>)
      %dma_wait3A_402 = arith.constant 0 : i32
      %dma_wait3A_403 = arith.constant 5 : i32
      %dma_wait3A_404 = arith.constant 0 : i32
      %dma_wait3A_405 = arith.constant 0 : i32
      %dma_wait3A_406 = tpu.memref_slice %arg6[%dma_wait3A_402, %dma_wait3A_404, %dma_wait3A_405] : memref<2x8x128xi32, #tpu.memory_space<vmem>> -> memref<1x8x128xi32, #tpu.memory_space<vmem>>
      %dma_wait3A_407 = tpu.memref_squeeze %dma_wait3A_406 : memref<1x8x128xi32, #tpu.memory_space<vmem>> -> memref<8x128xi32, #tpu.memory_space<vmem>>
      %dma_wait3A_408 = arith.constant 0 : i32
      %dma_wait3A_409 = tpu.memref_slice %dma_wait3A_407[%dma_wait3A_403, %dma_wait3A_408] : memref<8x128xi32, #tpu.memory_space<vmem>> -> memref<1x128xi32, #tpu.memory_space<vmem>>
      %dma_wait3A_410 = tpu.memref_squeeze %dma_wait3A_409 : memref<1x128xi32, #tpu.memory_space<vmem>> -> memref<128xi32, #tpu.memory_space<vmem>>
      %dma_wait3A_411 = arith.constant 0 : i32
      %dma_wait3A_412 = arith.constant 0 : i32
      %dma_wait3A_413 = tpu.memref_slice %arg2[%dma_wait3A_411, %dma_wait3A_412] : memref<20480x128xf32, #tpu.memory_space<hbm>> -> memref<20480x128xf32, #tpu.memory_space<hbm>>
      tpu.wait_indirect_dma semaphore(%arg12 : memref<!tpu.dma_semaphore, #tpu.memory_space<semaphore_mem>>) src(%dma_wait3A_413 : memref<20480x128xf32, #tpu.memory_space<hbm>>) dst(%arg9 : memref<128x128xf32, #tpu.memory_space<vmem>>)
      %dma_start3A_414 = arith.constant 0 : i32
      %dma_start3A_415 = arith.constant 5 : i32
      %dma_start3A_416 = arith.constant 0 : i32
      %dma_start3A_417 = arith.constant 0 : i32
      %dma_start3A_418 = tpu.memref_slice %arg7[%dma_start3A_414, %dma_start3A_416, %dma_start3A_417] : memref<2x8x128xi32, #tpu.memory_space<vmem>> -> memref<1x8x128xi32, #tpu.memory_space<vmem>>
      %dma_start3A_419 = tpu.memref_squeeze %dma_start3A_418 : memref<1x8x128xi32, #tpu.memory_space<vmem>> -> memref<8x128xi32, #tpu.memory_space<vmem>>
      %dma_start3A_420 = arith.constant 0 : i32
      %dma_start3A_421 = tpu.memref_slice %dma_start3A_419[%dma_start3A_415, %dma_start3A_420] : memref<8x128xi32, #tpu.memory_space<vmem>> -> memref<1x128xi32, #tpu.memory_space<vmem>>
      %dma_start3A_422 = tpu.memref_squeeze %dma_start3A_421 : memref<1x128xi32, #tpu.memory_space<vmem>> -> memref<128xi32, #tpu.memory_space<vmem>>
      %dma_start3A_423 = arith.constant 0 : i32
      %dma_start3A_424 = arith.constant 0 : i32
      %dma_start3A_425 = tpu.memref_slice %arg10[%dma_start3A_423, %dma_start3A_424] : memref<10240x128xf32, #tpu.memory_space<vmem_shared>> -> memref<10240x128xf32, #tpu.memory_space<vmem_shared>>
      tpu.enqueue_indirect_dma source(%arg9 : memref<128x128xf32, #tpu.memory_space<vmem>>) target(%dma_start3A_425 : memref<10240x128xf32, #tpu.memory_space<vmem_shared>>) offsets(%dma_start3A_422 : memref<128xi32, #tpu.memory_space<vmem>>) semaphore(%arg14 : memref<!tpu.dma_semaphore, #tpu.memory_space<semaphore_mem>>) {add = true}
      %dma_wait3A_426 = arith.constant 0 : i32
      %dma_wait3A_427 = arith.constant 5 : i32
      %dma_wait3A_428 = arith.constant 0 : i32
      %dma_wait3A_429 = arith.constant 0 : i32
      %dma_wait3A_430 = tpu.memref_slice %arg7[%dma_wait3A_426, %dma_wait3A_428, %dma_wait3A_429] : memref<2x8x128xi32, #tpu.memory_space<vmem>> -> memref<1x8x128xi32, #tpu.memory_space<vmem>>
      %dma_wait3A_431 = tpu.memref_squeeze %dma_wait3A_430 : memref<1x8x128xi32, #tpu.memory_space<vmem>> -> memref<8x128xi32, #tpu.memory_space<vmem>>
      %dma_wait3A_432 = arith.constant 0 : i32
      %dma_wait3A_433 = tpu.memref_slice %dma_wait3A_431[%dma_wait3A_427, %dma_wait3A_432] : memref<8x128xi32, #tpu.memory_space<vmem>> -> memref<1x128xi32, #tpu.memory_space<vmem>>
      %dma_wait3A_434 = tpu.memref_squeeze %dma_wait3A_433 : memref<1x128xi32, #tpu.memory_space<vmem>> -> memref<128xi32, #tpu.memory_space<vmem>>
      %dma_wait3A_435 = arith.constant 0 : i32
      %dma_wait3A_436 = arith.constant 0 : i32
      %dma_wait3A_437 = tpu.memref_slice %arg10[%dma_wait3A_435, %dma_wait3A_436] : memref<10240x128xf32, #tpu.memory_space<vmem_shared>> -> memref<10240x128xf32, #tpu.memory_space<vmem_shared>>
      tpu.wait_indirect_dma semaphore(%arg14 : memref<!tpu.dma_semaphore, #tpu.memory_space<semaphore_mem>>) src(%arg9 : memref<128x128xf32, #tpu.memory_space<vmem>>) dst(%dma_wait3A_437 : memref<10240x128xf32, #tpu.memory_space<vmem_shared>>)
      %dma_start3A_438 = arith.constant 0 : i32
      %dma_start3A_439 = arith.constant 7 : i32
      %dma_start3A_440 = arith.constant 0 : i32
      %dma_start3A_441 = arith.constant 0 : i32
      %dma_start3A_442 = tpu.memref_slice %arg6[%dma_start3A_438, %dma_start3A_440, %dma_start3A_441] : memref<2x8x128xi32, #tpu.memory_space<vmem>> -> memref<1x8x128xi32, #tpu.memory_space<vmem>>
      %dma_start3A_443 = tpu.memref_squeeze %dma_start3A_442 : memref<1x8x128xi32, #tpu.memory_space<vmem>> -> memref<8x128xi32, #tpu.memory_space<vmem>>
      %dma_start3A_444 = arith.constant 0 : i32
      %dma_start3A_445 = tpu.memref_slice %dma_start3A_443[%dma_start3A_439, %dma_start3A_444] : memref<8x128xi32, #tpu.memory_space<vmem>> -> memref<1x128xi32, #tpu.memory_space<vmem>>
      %dma_start3A_446 = tpu.memref_squeeze %dma_start3A_445 : memref<1x128xi32, #tpu.memory_space<vmem>> -> memref<128xi32, #tpu.memory_space<vmem>>
      %dma_start3A_447 = arith.constant 0 : i32
      %dma_start3A_448 = arith.constant 0 : i32
      %dma_start3A_449 = tpu.memref_slice %arg2[%dma_start3A_447, %dma_start3A_448] : memref<20480x128xf32, #tpu.memory_space<hbm>> -> memref<20480x128xf32, #tpu.memory_space<hbm>>
      tpu.enqueue_indirect_dma source(%dma_start3A_449 : memref<20480x128xf32, #tpu.memory_space<hbm>>) target(%arg9 : memref<128x128xf32, #tpu.memory_space<vmem>>) offsets(%dma_start3A_446 : memref<128xi32, #tpu.memory_space<vmem>>) semaphore(%arg12 : memref<!tpu.dma_semaphore, #tpu.memory_space<semaphore_mem>>)
      %dma_wait3A_450 = arith.constant 0 : i32
      %dma_wait3A_451 = arith.constant 6 : i32
      %dma_wait3A_452 = arith.constant 0 : i32
      %dma_wait3A_453 = arith.constant 0 : i32
      %dma_wait3A_454 = tpu.memref_slice %arg6[%dma_wait3A_450, %dma_wait3A_452, %dma_wait3A_453] : memref<2x8x128xi32, #tpu.memory_space<vmem>> -> memref<1x8x128xi32, #tpu.memory_space<vmem>>
      %dma_wait3A_455 = tpu.memref_squeeze %dma_wait3A_454 : memref<1x8x128xi32, #tpu.memory_space<vmem>> -> memref<8x128xi32, #tpu.memory_space<vmem>>
      %dma_wait3A_456 = arith.constant 0 : i32
      %dma_wait3A_457 = tpu.memref_slice %dma_wait3A_455[%dma_wait3A_451, %dma_wait3A_456] : memref<8x128xi32, #tpu.memory_space<vmem>> -> memref<1x128xi32, #tpu.memory_space<vmem>>
      %dma_wait3A_458 = tpu.memref_squeeze %dma_wait3A_457 : memref<1x128xi32, #tpu.memory_space<vmem>> -> memref<128xi32, #tpu.memory_space<vmem>>
      %dma_wait3A_459 = arith.constant 0 : i32
      %dma_wait3A_460 = arith.constant 0 : i32
      %dma_wait3A_461 = tpu.memref_slice %arg2[%dma_wait3A_459, %dma_wait3A_460] : memref<20480x128xf32, #tpu.memory_space<hbm>> -> memref<20480x128xf32, #tpu.memory_space<hbm>>
      tpu.wait_indirect_dma semaphore(%arg11 : memref<!tpu.dma_semaphore, #tpu.memory_space<semaphore_mem>>) src(%dma_wait3A_461 : memref<20480x128xf32, #tpu.memory_space<hbm>>) dst(%arg8 : memref<128x128xf32, #tpu.memory_space<vmem>>)
      %dma_start3A_462 = arith.constant 0 : i32
      %dma_start3A_463 = arith.constant 6 : i32
      %dma_start3A_464 = arith.constant 0 : i32
      %dma_start3A_465 = arith.constant 0 : i32
      %dma_start3A_466 = tpu.memref_slice %arg7[%dma_start3A_462, %dma_start3A_464, %dma_start3A_465] : memref<2x8x128xi32, #tpu.memory_space<vmem>> -> memref<1x8x128xi32, #tpu.memory_space<vmem>>
      %dma_start3A_467 = tpu.memref_squeeze %dma_start3A_466 : memref<1x8x128xi32, #tpu.memory_space<vmem>> -> memref<8x128xi32, #tpu.memory_space<vmem>>
      %dma_start3A_468 = arith.constant 0 : i32
      %dma_start3A_469 = tpu.memref_slice %dma_start3A_467[%dma_start3A_463, %dma_start3A_468] : memref<8x128xi32, #tpu.memory_space<vmem>> -> memref<1x128xi32, #tpu.memory_space<vmem>>
      %dma_start3A_470 = tpu.memref_squeeze %dma_start3A_469 : memref<1x128xi32, #tpu.memory_space<vmem>> -> memref<128xi32, #tpu.memory_space<vmem>>
      %dma_start3A_471 = arith.constant 0 : i32
      %dma_start3A_472 = arith.constant 0 : i32
      %dma_start3A_473 = tpu.memref_slice %arg10[%dma_start3A_471, %dma_start3A_472] : memref<10240x128xf32, #tpu.memory_space<vmem_shared>> -> memref<10240x128xf32, #tpu.memory_space<vmem_shared>>
      tpu.enqueue_indirect_dma source(%arg8 : memref<128x128xf32, #tpu.memory_space<vmem>>) target(%dma_start3A_473 : memref<10240x128xf32, #tpu.memory_space<vmem_shared>>) offsets(%dma_start3A_470 : memref<128xi32, #tpu.memory_space<vmem>>) semaphore(%arg13 : memref<!tpu.dma_semaphore, #tpu.memory_space<semaphore_mem>>) {add = true}
      %dma_wait3A_474 = arith.constant 0 : i32
      %dma_wait3A_475 = arith.constant 6 : i32
      %dma_wait3A_476 = arith.constant 0 : i32
      %dma_wait3A_477 = arith.constant 0 : i32
      %dma_wait3A_478 = tpu.memref_slice %arg7[%dma_wait3A_474, %dma_wait3A_476, %dma_wait3A_477] : memref<2x8x128xi32, #tpu.memory_space<vmem>> -> memref<1x8x128xi32, #tpu.memory_space<vmem>>
      %dma_wait3A_479 = tpu.memref_squeeze %dma_wait3A_478 : memref<1x8x128xi32, #tpu.memory_space<vmem>> -> memref<8x128xi32, #tpu.memory_space<vmem>>
      %dma_wait3A_480 = arith.constant 0 : i32
      %dma_wait3A_481 = tpu.memref_slice %dma_wait3A_479[%dma_wait3A_475, %dma_wait3A_480] : memref<8x128xi32, #tpu.memory_space<vmem>> -> memref<1x128xi32, #tpu.memory_space<vmem>>
      %dma_wait3A_482 = tpu.memref_squeeze %dma_wait3A_481 : memref<1x128xi32, #tpu.memory_space<vmem>> -> memref<128xi32, #tpu.memory_space<vmem>>
      %dma_wait3A_483 = arith.constant 0 : i32
      %dma_wait3A_484 = arith.constant 0 : i32
      %dma_wait3A_485 = tpu.memref_slice %arg10[%dma_wait3A_483, %dma_wait3A_484] : memref<10240x128xf32, #tpu.memory_space<vmem_shared>> -> memref<10240x128xf32, #tpu.memory_space<vmem_shared>>
      tpu.wait_indirect_dma semaphore(%arg13 : memref<!tpu.dma_semaphore, #tpu.memory_space<semaphore_mem>>) src(%arg8 : memref<128x128xf32, #tpu.memory_space<vmem>>) dst(%dma_wait3A_485 : memref<10240x128xf32, #tpu.memory_space<vmem_shared>>)
      %add3A_486 = arith.constant 8 : i32
      %add3A_487 = arith.addi %mul3A_72, %add3A_486 : i32
      %add3A_488 = arith.addi %add3A_9, %add3A_487 : i32
      %dma_wait3A_489 = arith.constant 1 : i32
      %dma_wait3A_490 = arith.constant 0 : i32
      %dma_wait3A_491 = arith.constant 0 : i32
      %dma_wait3A_492 = tpu.memref_slice %arg6[%dma_wait3A_489, %dma_wait3A_490, %dma_wait3A_491] : memref<2x8x128xi32, #tpu.memory_space<vmem>> -> memref<1x8x128xi32, #tpu.memory_space<vmem>>
      %dma_wait3A_493 = tpu.memref_squeeze %dma_wait3A_492 : memref<1x8x128xi32, #tpu.memory_space<vmem>> -> memref<8x128xi32, #tpu.memory_space<vmem>>
      %dma_wait3A_494 = arith.constant 0 : i32
      %dma_wait3A_495 = tpu.memref_slice %arg3[%add3A_488, %dma_wait3A_494] : memref<5120x128xi32, #tpu.memory_space<hbm>> -> memref<8x128xi32, #tpu.memory_space<hbm>>
      %dma_wait3A_496 = arith.constant 0 : i32
      %dma_wait3A_497 = arith.constant 0 : i32
      %dma_wait3A_498 = tpu.memref_slice %arg6[%dma_wait3A_489, %dma_wait3A_496, %dma_wait3A_497] : memref<2x8x128xi32, #tpu.memory_space<vmem>> -> memref<1x8x128xi32, #tpu.memory_space<vmem>>
      %dma_wait3A_499 = tpu.memref_squeeze %dma_wait3A_498 : memref<1x8x128xi32, #tpu.memory_space<vmem>> -> memref<8x128xi32, #tpu.memory_space<vmem>>
      %dma_wait3A_500 = arith.constant 0 : i32
      %dma_wait3A_501 = tpu.memref_slice %arg3[%add3A_488, %dma_wait3A_500] : memref<5120x128xi32, #tpu.memory_space<hbm>> -> memref<8x128xi32, #tpu.memory_space<hbm>>
      tpu.wait_dma2 semaphore(%arg16 : memref<!tpu.dma_semaphore, #tpu.memory_space<semaphore_mem>>) src(%dma_wait3A_501 : memref<8x128xi32, #tpu.memory_space<hbm>>) dst(%dma_wait3A_499 : memref<8x128xi32, #tpu.memory_space<vmem>>)
      %add3A_502 = arith.addi %mul3A_11, %add3A_487 : i32
      %dma_wait3A_503 = arith.constant 1 : i32
      %dma_wait3A_504 = arith.constant 0 : i32
      %dma_wait3A_505 = arith.constant 0 : i32
      %dma_wait3A_506 = tpu.memref_slice %arg7[%dma_wait3A_503, %dma_wait3A_504, %dma_wait3A_505] : memref<2x8x128xi32, #tpu.memory_space<vmem>> -> memref<1x8x128xi32, #tpu.memory_space<vmem>>
      %dma_wait3A_507 = tpu.memref_squeeze %dma_wait3A_506 : memref<1x8x128xi32, #tpu.memory_space<vmem>> -> memref<8x128xi32, #tpu.memory_space<vmem>>
      %dma_wait3A_508 = arith.constant 0 : i32
      %dma_wait3A_509 = tpu.memref_slice %arg4[%add3A_502, %dma_wait3A_508] : memref<2560x128xi32, #tpu.memory_space<hbm>> -> memref<8x128xi32, #tpu.memory_space<hbm>>
      %dma_wait3A_510 = arith.constant 0 : i32
      %dma_wait3A_511 = arith.constant 0 : i32
      %dma_wait3A_512 = tpu.memref_slice %arg7[%dma_wait3A_503, %dma_wait3A_510, %dma_wait3A_511] : memref<2x8x128xi32, #tpu.memory_space<vmem>> -> memref<1x8x128xi32, #tpu.memory_space<vmem>>
      %dma_wait3A_513 = tpu.memref_squeeze %dma_wait3A_512 : memref<1x8x128xi32, #tpu.memory_space<vmem>> -> memref<8x128xi32, #tpu.memory_space<vmem>>
      %dma_wait3A_514 = arith.constant 0 : i32
      %dma_wait3A_515 = tpu.memref_slice %arg4[%add3A_502, %dma_wait3A_514] : memref<2560x128xi32, #tpu.memory_space<hbm>> -> memref<8x128xi32, #tpu.memory_space<hbm>>
      tpu.wait_dma2 semaphore(%arg16 : memref<!tpu.dma_semaphore, #tpu.memory_space<semaphore_mem>>) src(%dma_wait3A_515 : memref<8x128xi32, #tpu.memory_space<hbm>>) dst(%dma_wait3A_513 : memref<8x128xi32, #tpu.memory_space<vmem>>)
      %dma_start3A_516 = arith.constant 1 : i32
      %dma_start3A_517 = arith.constant 0 : i32
      %dma_start3A_518 = arith.constant 0 : i32
      %dma_start3A_519 = arith.constant 0 : i32
      %dma_start3A_520 = tpu.memref_slice %arg6[%dma_start3A_516, %dma_start3A_518, %dma_start3A_519] : memref<2x8x128xi32, #tpu.memory_space<vmem>> -> memref<1x8x128xi32, #tpu.memory_space<vmem>>
      %dma_start3A_521 = tpu.memref_squeeze %dma_start3A_520 : memref<1x8x128xi32, #tpu.memory_space<vmem>> -> memref<8x128xi32, #tpu.memory_space<vmem>>
      %dma_start3A_522 = arith.constant 0 : i32
      %dma_start3A_523 = tpu.memref_slice %dma_start3A_521[%dma_start3A_517, %dma_start3A_522] : memref<8x128xi32, #tpu.memory_space<vmem>> -> memref<1x128xi32, #tpu.memory_space<vmem>>
      %dma_start3A_524 = tpu.memref_squeeze %dma_start3A_523 : memref<1x128xi32, #tpu.memory_space<vmem>> -> memref<128xi32, #tpu.memory_space<vmem>>
      %dma_start3A_525 = arith.constant 0 : i32
      %dma_start3A_526 = arith.constant 0 : i32
      %dma_start3A_527 = tpu.memref_slice %arg2[%dma_start3A_525, %dma_start3A_526] : memref<20480x128xf32, #tpu.memory_space<hbm>> -> memref<20480x128xf32, #tpu.memory_space<hbm>>
      tpu.enqueue_indirect_dma source(%dma_start3A_527 : memref<20480x128xf32, #tpu.memory_space<hbm>>) target(%arg8 : memref<128x128xf32, #tpu.memory_space<vmem>>) offsets(%dma_start3A_524 : memref<128xi32, #tpu.memory_space<vmem>>) semaphore(%arg11 : memref<!tpu.dma_semaphore, #tpu.memory_space<semaphore_mem>>)
      %dma_wait3A_528 = arith.constant 0 : i32
      %dma_wait3A_529 = arith.constant 7 : i32
      %dma_wait3A_530 = arith.constant 0 : i32
      %dma_wait3A_531 = arith.constant 0 : i32
      %dma_wait3A_532 = tpu.memref_slice %arg6[%dma_wait3A_528, %dma_wait3A_530, %dma_wait3A_531] : memref<2x8x128xi32, #tpu.memory_space<vmem>> -> memref<1x8x128xi32, #tpu.memory_space<vmem>>
      %dma_wait3A_533 = tpu.memref_squeeze %dma_wait3A_532 : memref<1x8x128xi32, #tpu.memory_space<vmem>> -> memref<8x128xi32, #tpu.memory_space<vmem>>
      %dma_wait3A_534 = arith.constant 0 : i32
      %dma_wait3A_535 = tpu.memref_slice %dma_wait3A_533[%dma_wait3A_529, %dma_wait3A_534] : memref<8x128xi32, #tpu.memory_space<vmem>> -> memref<1x128xi32, #tpu.memory_space<vmem>>
      %dma_wait3A_536 = tpu.memref_squeeze %dma_wait3A_535 : memref<1x128xi32, #tpu.memory_space<vmem>> -> memref<128xi32, #tpu.memory_space<vmem>>
      %dma_wait3A_537 = arith.constant 0 : i32
      %dma_wait3A_538 = arith.constant 0 : i32
      %dma_wait3A_539 = tpu.memref_slice %arg2[%dma_wait3A_537, %dma_wait3A_538] : memref<20480x128xf32, #tpu.memory_space<hbm>> -> memref<20480x128xf32, #tpu.memory_space<hbm>>
      tpu.wait_indirect_dma semaphore(%arg12 : memref<!tpu.dma_semaphore, #tpu.memory_space<semaphore_mem>>) src(%dma_wait3A_539 : memref<20480x128xf32, #tpu.memory_space<hbm>>) dst(%arg9 : memref<128x128xf32, #tpu.memory_space<vmem>>)
      %dma_start3A_540 = arith.constant 0 : i32
      %dma_start3A_541 = arith.constant 7 : i32
      %dma_start3A_542 = arith.constant 0 : i32
      %dma_start3A_543 = arith.constant 0 : i32
      %dma_start3A_544 = tpu.memref_slice %arg7[%dma_start3A_540, %dma_start3A_542, %dma_start3A_543] : memref<2x8x128xi32, #tpu.memory_space<vmem>> -> memref<1x8x128xi32, #tpu.memory_space<vmem>>
      %dma_start3A_545 = tpu.memref_squeeze %dma_start3A_544 : memref<1x8x128xi32, #tpu.memory_space<vmem>> -> memref<8x128xi32, #tpu.memory_space<vmem>>
      %dma_start3A_546 = arith.constant 0 : i32
      %dma_start3A_547 = tpu.memref_slice %dma_start3A_545[%dma_start3A_541, %dma_start3A_546] : memref<8x128xi32, #tpu.memory_space<vmem>> -> memref<1x128xi32, #tpu.memory_space<vmem>>
      %dma_start3A_548 = tpu.memref_squeeze %dma_start3A_547 : memref<1x128xi32, #tpu.memory_space<vmem>> -> memref<128xi32, #tpu.memory_space<vmem>>
      %dma_start3A_549 = arith.constant 0 : i32
      %dma_start3A_550 = arith.constant 0 : i32
      %dma_start3A_551 = tpu.memref_slice %arg10[%dma_start3A_549, %dma_start3A_550] : memref<10240x128xf32, #tpu.memory_space<vmem_shared>> -> memref<10240x128xf32, #tpu.memory_space<vmem_shared>>
      tpu.enqueue_indirect_dma source(%arg9 : memref<128x128xf32, #tpu.memory_space<vmem>>) target(%dma_start3A_551 : memref<10240x128xf32, #tpu.memory_space<vmem_shared>>) offsets(%dma_start3A_548 : memref<128xi32, #tpu.memory_space<vmem>>) semaphore(%arg14 : memref<!tpu.dma_semaphore, #tpu.memory_space<semaphore_mem>>) {add = true}
      %dma_wait3A_552 = arith.constant 0 : i32
      %dma_wait3A_553 = arith.constant 7 : i32
      %dma_wait3A_554 = arith.constant 0 : i32
      %dma_wait3A_555 = arith.constant 0 : i32
      %dma_wait3A_556 = tpu.memref_slice %arg7[%dma_wait3A_552, %dma_wait3A_554, %dma_wait3A_555] : memref<2x8x128xi32, #tpu.memory_space<vmem>> -> memref<1x8x128xi32, #tpu.memory_space<vmem>>
      %dma_wait3A_557 = tpu.memref_squeeze %dma_wait3A_556 : memref<1x8x128xi32, #tpu.memory_space<vmem>> -> memref<8x128xi32, #tpu.memory_space<vmem>>
      %dma_wait3A_558 = arith.constant 0 : i32
      %dma_wait3A_559 = tpu.memref_slice %dma_wait3A_557[%dma_wait3A_553, %dma_wait3A_558] : memref<8x128xi32, #tpu.memory_space<vmem>> -> memref<1x128xi32, #tpu.memory_space<vmem>>
      %dma_wait3A_560 = tpu.memref_squeeze %dma_wait3A_559 : memref<1x128xi32, #tpu.memory_space<vmem>> -> memref<128xi32, #tpu.memory_space<vmem>>
      %dma_wait3A_561 = arith.constant 0 : i32
      %dma_wait3A_562 = arith.constant 0 : i32
      %dma_wait3A_563 = tpu.memref_slice %arg10[%dma_wait3A_561, %dma_wait3A_562] : memref<10240x128xf32, #tpu.memory_space<vmem_shared>> -> memref<10240x128xf32, #tpu.memory_space<vmem_shared>>
      tpu.wait_indirect_dma semaphore(%arg14 : memref<!tpu.dma_semaphore, #tpu.memory_space<semaphore_mem>>) src(%arg9 : memref<128x128xf32, #tpu.memory_space<vmem>>) dst(%dma_wait3A_563 : memref<10240x128xf32, #tpu.memory_space<vmem_shared>>)
      %dma_start3A_564 = arith.constant 1 : i32
      %dma_start3A_565 = arith.constant 1 : i32
      %dma_start3A_566 = arith.constant 0 : i32
      %dma_start3A_567 = arith.constant 0 : i32
      %dma_start3A_568 = tpu.memref_slice %arg6[%dma_start3A_564, %dma_start3A_566, %dma_start3A_567] : memref<2x8x128xi32, #tpu.memory_space<vmem>> -> memref<1x8x128xi32, #tpu.memory_space<vmem>>
      %dma_start3A_569 = tpu.memref_squeeze %dma_start3A_568 : memref<1x8x128xi32, #tpu.memory_space<vmem>> -> memref<8x128xi32, #tpu.memory_space<vmem>>
      %dma_start3A_570 = arith.constant 0 : i32
      %dma_start3A_571 = tpu.memref_slice %dma_start3A_569[%dma_start3A_565, %dma_start3A_570] : memref<8x128xi32, #tpu.memory_space<vmem>> -> memref<1x128xi32, #tpu.memory_space<vmem>>
      %dma_start3A_572 = tpu.memref_squeeze %dma_start3A_571 : memref<1x128xi32, #tpu.memory_space<vmem>> -> memref<128xi32, #tpu.memory_space<vmem>>
      %dma_start3A_573 = arith.constant 0 : i32
      %dma_start3A_574 = arith.constant 0 : i32
      %dma_start3A_575 = tpu.memref_slice %arg2[%dma_start3A_573, %dma_start3A_574] : memref<20480x128xf32, #tpu.memory_space<hbm>> -> memref<20480x128xf32, #tpu.memory_space<hbm>>
      tpu.enqueue_indirect_dma source(%dma_start3A_575 : memref<20480x128xf32, #tpu.memory_space<hbm>>) target(%arg9 : memref<128x128xf32, #tpu.memory_space<vmem>>) offsets(%dma_start3A_572 : memref<128xi32, #tpu.memory_space<vmem>>) semaphore(%arg12 : memref<!tpu.dma_semaphore, #tpu.memory_space<semaphore_mem>>)
      %dma_wait3A_576 = arith.constant 1 : i32
      %dma_wait3A_577 = arith.constant 0 : i32
      %dma_wait3A_578 = arith.constant 0 : i32
      %dma_wait3A_579 = arith.constant 0 : i32
      %dma_wait3A_580 = tpu.memref_slice %arg6[%dma_wait3A_576, %dma_wait3A_578, %dma_wait3A_579] : memref<2x8x128xi32, #tpu.memory_space<vmem>> -> memref<1x8x128xi32, #tpu.memory_space<vmem>>
      %dma_wait3A_581 = tpu.memref_squeeze %dma_wait3A_580 : memref<1x8x128xi32, #tpu.memory_space<vmem>> -> memref<8x128xi32, #tpu.memory_space<vmem>>
      %dma_wait3A_582 = arith.constant 0 : i32
      %dma_wait3A_583 = tpu.memref_slice %dma_wait3A_581[%dma_wait3A_577, %dma_wait3A_582] : memref<8x128xi32, #tpu.memory_space<vmem>> -> memref<1x128xi32, #tpu.memory_space<vmem>>
      %dma_wait3A_584 = tpu.memref_squeeze %dma_wait3A_583 : memref<1x128xi32, #tpu.memory_space<vmem>> -> memref<128xi32, #tpu.memory_space<vmem>>
      %dma_wait3A_585 = arith.constant 0 : i32
      %dma_wait3A_586 = arith.constant 0 : i32
      %dma_wait3A_587 = tpu.memref_slice %arg2[%dma_wait3A_585, %dma_wait3A_586] : memref<20480x128xf32, #tpu.memory_space<hbm>> -> memref<20480x128xf32, #tpu.memory_space<hbm>>
      tpu.wait_indirect_dma semaphore(%arg11 : memref<!tpu.dma_semaphore, #tpu.memory_space<semaphore_mem>>) src(%dma_wait3A_587 : memref<20480x128xf32, #tpu.memory_space<hbm>>) dst(%arg8 : memref<128x128xf32, #tpu.memory_space<vmem>>)
      %dma_start3A_588 = arith.constant 1 : i32
      %dma_start3A_589 = arith.constant 0 : i32
      %dma_start3A_590 = arith.constant 0 : i32
      %dma_start3A_591 = arith.constant 0 : i32
      %dma_start3A_592 = tpu.memref_slice %arg7[%dma_start3A_588, %dma_start3A_590, %dma_start3A_591] : memref<2x8x128xi32, #tpu.memory_space<vmem>> -> memref<1x8x128xi32, #tpu.memory_space<vmem>>
      %dma_start3A_593 = tpu.memref_squeeze %dma_start3A_592 : memref<1x8x128xi32, #tpu.memory_space<vmem>> -> memref<8x128xi32, #tpu.memory_space<vmem>>
      %dma_start3A_594 = arith.constant 0 : i32
      %dma_start3A_595 = tpu.memref_slice %dma_start3A_593[%dma_start3A_589, %dma_start3A_594] : memref<8x128xi32, #tpu.memory_space<vmem>> -> memref<1x128xi32, #tpu.memory_space<vmem>>
      %dma_start3A_596 = tpu.memref_squeeze %dma_start3A_595 : memref<1x128xi32, #tpu.memory_space<vmem>> -> memref<128xi32, #tpu.memory_space<vmem>>
      %dma_start3A_597 = arith.constant 0 : i32
      %dma_start3A_598 = arith.constant 0 : i32
      %dma_start3A_599 = tpu.memref_slice %arg10[%dma_start3A_597, %dma_start3A_598] : memref<10240x128xf32, #tpu.memory_space<vmem_shared>> -> memref<10240x128xf32, #tpu.memory_space<vmem_shared>>
      tpu.enqueue_indirect_dma source(%arg8 : memref<128x128xf32, #tpu.memory_space<vmem>>) target(%dma_start3A_599 : memref<10240x128xf32, #tpu.memory_space<vmem_shared>>) offsets(%dma_start3A_596 : memref<128xi32, #tpu.memory_space<vmem>>) semaphore(%arg13 : memref<!tpu.dma_semaphore, #tpu.memory_space<semaphore_mem>>) {add = true}
      %lt3A = arith.constant 9 : i32
      %lt3A_600 = arith.cmpi slt, %scan3A_70, %lt3A : i32
      %convert_element_type3A_601 = arith.extui %lt3A_600 : i1 to i32
      %cond3A_602 = arith.constant 0 : i32
      %cond3A_603 = arith.cmpi ne, %convert_element_type3A_601, %cond3A_602 : i32
      scf.if %cond3A_603 {
        %add3A_916 = arith.constant 16 : i32
        %add3A_917 = arith.addi %mul3A_72, %add3A_916 : i32
        %add3A_918 = arith.addi %add3A_9, %add3A_917 : i32
        %dma_start3A_919 = arith.constant 0 : i32
        %dma_start3A_920 = arith.constant 0 : i32
        %dma_start3A_921 = arith.constant 0 : i32
        %dma_start3A_922 = tpu.memref_slice %arg6[%dma_start3A_919, %dma_start3A_920, %dma_start3A_921] : memref<2x8x128xi32, #tpu.memory_space<vmem>> -> memref<1x8x128xi32, #tpu.memory_space<vmem>>
        %dma_start3A_923 = tpu.memref_squeeze %dma_start3A_922 : memref<1x8x128xi32, #tpu.memory_space<vmem>> -> memref<8x128xi32, #tpu.memory_space<vmem>>
        %dma_start3A_924 = arith.constant 0 : i32
        %dma_start3A_925 = tpu.memref_slice %arg3[%add3A_918, %dma_start3A_924] : memref<5120x128xi32, #tpu.memory_space<hbm>> -> memref<8x128xi32, #tpu.memory_space<hbm>>
        %dma_start3A_926 = arith.constant 0 : i32
        %dma_start3A_927 = arith.constant 0 : i32
        %dma_start3A_928 = tpu.memref_slice %arg6[%dma_start3A_919, %dma_start3A_926, %dma_start3A_927] : memref<2x8x128xi32, #tpu.memory_space<vmem>> -> memref<1x8x128xi32, #tpu.memory_space<vmem>>
        %dma_start3A_929 = tpu.memref_squeeze %dma_start3A_928 : memref<1x8x128xi32, #tpu.memory_space<vmem>> -> memref<8x128xi32, #tpu.memory_space<vmem>>
        %dma_start3A_930 = arith.constant 0 : i32
        %dma_start3A_931 = tpu.memref_slice %arg3[%add3A_918, %dma_start3A_930] : memref<5120x128xi32, #tpu.memory_space<hbm>> -> memref<8x128xi32, #tpu.memory_space<hbm>>
        tpu.enqueue_dma source(%dma_start3A_931 : memref<8x128xi32, #tpu.memory_space<hbm>>) target(%dma_start3A_929 : memref<8x128xi32, #tpu.memory_space<vmem>>) target_semaphore(%arg15 : memref<!tpu.dma_semaphore, #tpu.memory_space<semaphore_mem>>)
        %add3A_932 = arith.addi %mul3A_11, %add3A_917 : i32
        %dma_start3A_933 = arith.constant 0 : i32
        %dma_start3A_934 = arith.constant 0 : i32
        %dma_start3A_935 = arith.constant 0 : i32
        %dma_start3A_936 = tpu.memref_slice %arg7[%dma_start3A_933, %dma_start3A_934, %dma_start3A_935] : memref<2x8x128xi32, #tpu.memory_space<vmem>> -> memref<1x8x128xi32, #tpu.memory_space<vmem>>
        %dma_start3A_937 = tpu.memref_squeeze %dma_start3A_936 : memref<1x8x128xi32, #tpu.memory_space<vmem>> -> memref<8x128xi32, #tpu.memory_space<vmem>>
        %dma_start3A_938 = arith.constant 0 : i32
        %dma_start3A_939 = tpu.memref_slice %arg4[%add3A_932, %dma_start3A_938] : memref<2560x128xi32, #tpu.memory_space<hbm>> -> memref<8x128xi32, #tpu.memory_space<hbm>>
        %dma_start3A_940 = arith.constant 0 : i32
        %dma_start3A_941 = arith.constant 0 : i32
        %dma_start3A_942 = tpu.memref_slice %arg7[%dma_start3A_933, %dma_start3A_940, %dma_start3A_941] : memref<2x8x128xi32, #tpu.memory_space<vmem>> -> memref<1x8x128xi32, #tpu.memory_space<vmem>>
        %dma_start3A_943 = tpu.memref_squeeze %dma_start3A_942 : memref<1x8x128xi32, #tpu.memory_space<vmem>> -> memref<8x128xi32, #tpu.memory_space<vmem>>
        %dma_start3A_944 = arith.constant 0 : i32
        %dma_start3A_945 = tpu.memref_slice %arg4[%add3A_932, %dma_start3A_944] : memref<2560x128xi32, #tpu.memory_space<hbm>> -> memref<8x128xi32, #tpu.memory_space<hbm>>
        tpu.enqueue_dma source(%dma_start3A_945 : memref<8x128xi32, #tpu.memory_space<hbm>>) target(%dma_start3A_943 : memref<8x128xi32, #tpu.memory_space<vmem>>) target_semaphore(%arg15 : memref<!tpu.dma_semaphore, #tpu.memory_space<semaphore_mem>>)
      } else {
      }
      %dma_wait3A_604 = arith.constant 1 : i32
      %dma_wait3A_605 = arith.constant 0 : i32
      %dma_wait3A_606 = arith.constant 0 : i32
      %dma_wait3A_607 = arith.constant 0 : i32
      %dma_wait3A_608 = tpu.memref_slice %arg7[%dma_wait3A_604, %dma_wait3A_606, %dma_wait3A_607] : memref<2x8x128xi32, #tpu.memory_space<vmem>> -> memref<1x8x128xi32, #tpu.memory_space<vmem>>
      %dma_wait3A_609 = tpu.memref_squeeze %dma_wait3A_608 : memref<1x8x128xi32, #tpu.memory_space<vmem>> -> memref<8x128xi32, #tpu.memory_space<vmem>>
      %dma_wait3A_610 = arith.constant 0 : i32
      %dma_wait3A_611 = tpu.memref_slice %dma_wait3A_609[%dma_wait3A_605, %dma_wait3A_610] : memref<8x128xi32, #tpu.memory_space<vmem>> -> memref<1x128xi32, #tpu.memory_space<vmem>>
      %dma_wait3A_612 = tpu.memref_squeeze %dma_wait3A_611 : memref<1x128xi32, #tpu.memory_space<vmem>> -> memref<128xi32, #tpu.memory_space<vmem>>
      %dma_wait3A_613 = arith.constant 0 : i32
      %dma_wait3A_614 = arith.constant 0 : i32
      %dma_wait3A_615 = tpu.memref_slice %arg10[%dma_wait3A_613, %dma_wait3A_614] : memref<10240x128xf32, #tpu.memory_space<vmem_shared>> -> memref<10240x128xf32, #tpu.memory_space<vmem_shared>>
      tpu.wait_indirect_dma semaphore(%arg13 : memref<!tpu.dma_semaphore, #tpu.memory_space<semaphore_mem>>) src(%arg8 : memref<128x128xf32, #tpu.memory_space<vmem>>) dst(%dma_wait3A_615 : memref<10240x128xf32, #tpu.memory_space<vmem_shared>>)
      %dma_start3A_616 = arith.constant 1 : i32
      %dma_start3A_617 = arith.constant 2 : i32
      %dma_start3A_618 = arith.constant 0 : i32
      %dma_start3A_619 = arith.constant 0 : i32
      %dma_start3A_620 = tpu.memref_slice %arg6[%dma_start3A_616, %dma_start3A_618, %dma_start3A_619] : memref<2x8x128xi32, #tpu.memory_space<vmem>> -> memref<1x8x128xi32, #tpu.memory_space<vmem>>
      %dma_start3A_621 = tpu.memref_squeeze %dma_start3A_620 : memref<1x8x128xi32, #tpu.memory_space<vmem>> -> memref<8x128xi32, #tpu.memory_space<vmem>>
      %dma_start3A_622 = arith.constant 0 : i32
      %dma_start3A_623 = tpu.memref_slice %dma_start3A_621[%dma_start3A_617, %dma_start3A_622] : memref<8x128xi32, #tpu.memory_space<vmem>> -> memref<1x128xi32, #tpu.memory_space<vmem>>
      %dma_start3A_624 = tpu.memref_squeeze %dma_start3A_623 : memref<1x128xi32, #tpu.memory_space<vmem>> -> memref<128xi32, #tpu.memory_space<vmem>>
      %dma_start3A_625 = arith.constant 0 : i32
      %dma_start3A_626 = arith.constant 0 : i32
      %dma_start3A_627 = tpu.memref_slice %arg2[%dma_start3A_625, %dma_start3A_626] : memref<20480x128xf32, #tpu.memory_space<hbm>> -> memref<20480x128xf32, #tpu.memory_space<hbm>>
      tpu.enqueue_indirect_dma source(%dma_start3A_627 : memref<20480x128xf32, #tpu.memory_space<hbm>>) target(%arg8 : memref<128x128xf32, #tpu.memory_space<vmem>>) offsets(%dma_start3A_624 : memref<128xi32, #tpu.memory_space<vmem>>) semaphore(%arg11 : memref<!tpu.dma_semaphore, #tpu.memory_space<semaphore_mem>>)
      %dma_wait3A_628 = arith.constant 1 : i32
      %dma_wait3A_629 = arith.constant 1 : i32
      %dma_wait3A_630 = arith.constant 0 : i32
      %dma_wait3A_631 = arith.constant 0 : i32
      %dma_wait3A_632 = tpu.memref_slice %arg6[%dma_wait3A_628, %dma_wait3A_630, %dma_wait3A_631] : memref<2x8x128xi32, #tpu.memory_space<vmem>> -> memref<1x8x128xi32, #tpu.memory_space<vmem>>
      %dma_wait3A_633 = tpu.memref_squeeze %dma_wait3A_632 : memref<1x8x128xi32, #tpu.memory_space<vmem>> -> memref<8x128xi32, #tpu.memory_space<vmem>>
      %dma_wait3A_634 = arith.constant 0 : i32
      %dma_wait3A_635 = tpu.memref_slice %dma_wait3A_633[%dma_wait3A_629, %dma_wait3A_634] : memref<8x128xi32, #tpu.memory_space<vmem>> -> memref<1x128xi32, #tpu.memory_space<vmem>>
      %dma_wait3A_636 = tpu.memref_squeeze %dma_wait3A_635 : memref<1x128xi32, #tpu.memory_space<vmem>> -> memref<128xi32, #tpu.memory_space<vmem>>
      %dma_wait3A_637 = arith.constant 0 : i32
      %dma_wait3A_638 = arith.constant 0 : i32
      %dma_wait3A_639 = tpu.memref_slice %arg2[%dma_wait3A_637, %dma_wait3A_638] : memref<20480x128xf32, #tpu.memory_space<hbm>> -> memref<20480x128xf32, #tpu.memory_space<hbm>>
      tpu.wait_indirect_dma semaphore(%arg12 : memref<!tpu.dma_semaphore, #tpu.memory_space<semaphore_mem>>) src(%dma_wait3A_639 : memref<20480x128xf32, #tpu.memory_space<hbm>>) dst(%arg9 : memref<128x128xf32, #tpu.memory_space<vmem>>)
      %dma_start3A_640 = arith.constant 1 : i32
      %dma_start3A_641 = arith.constant 1 : i32
      %dma_start3A_642 = arith.constant 0 : i32
      %dma_start3A_643 = arith.constant 0 : i32
      %dma_start3A_644 = tpu.memref_slice %arg7[%dma_start3A_640, %dma_start3A_642, %dma_start3A_643] : memref<2x8x128xi32, #tpu.memory_space<vmem>> -> memref<1x8x128xi32, #tpu.memory_space<vmem>>
      %dma_start3A_645 = tpu.memref_squeeze %dma_start3A_644 : memref<1x8x128xi32, #tpu.memory_space<vmem>> -> memref<8x128xi32, #tpu.memory_space<vmem>>
      %dma_start3A_646 = arith.constant 0 : i32
      %dma_start3A_647 = tpu.memref_slice %dma_start3A_645[%dma_start3A_641, %dma_start3A_646] : memref<8x128xi32, #tpu.memory_space<vmem>> -> memref<1x128xi32, #tpu.memory_space<vmem>>
      %dma_start3A_648 = tpu.memref_squeeze %dma_start3A_647 : memref<1x128xi32, #tpu.memory_space<vmem>> -> memref<128xi32, #tpu.memory_space<vmem>>
      %dma_start3A_649 = arith.constant 0 : i32
      %dma_start3A_650 = arith.constant 0 : i32
      %dma_start3A_651 = tpu.memref_slice %arg10[%dma_start3A_649, %dma_start3A_650] : memref<10240x128xf32, #tpu.memory_space<vmem_shared>> -> memref<10240x128xf32, #tpu.memory_space<vmem_shared>>
      tpu.enqueue_indirect_dma source(%arg9 : memref<128x128xf32, #tpu.memory_space<vmem>>) target(%dma_start3A_651 : memref<10240x128xf32, #tpu.memory_space<vmem_shared>>) offsets(%dma_start3A_648 : memref<128xi32, #tpu.memory_space<vmem>>) semaphore(%arg14 : memref<!tpu.dma_semaphore, #tpu.memory_space<semaphore_mem>>) {add = true}
      %dma_wait3A_652 = arith.constant 1 : i32
      %dma_wait3A_653 = arith.constant 1 : i32
      %dma_wait3A_654 = arith.constant 0 : i32
      %dma_wait3A_655 = arith.constant 0 : i32
      %dma_wait3A_656 = tpu.memref_slice %arg7[%dma_wait3A_652, %dma_wait3A_654, %dma_wait3A_655] : memref<2x8x128xi32, #tpu.memory_space<vmem>> -> memref<1x8x128xi32, #tpu.memory_space<vmem>>
      %dma_wait3A_657 = tpu.memref_squeeze %dma_wait3A_656 : memref<1x8x128xi32, #tpu.memory_space<vmem>> -> memref<8x128xi32, #tpu.memory_space<vmem>>
      %dma_wait3A_658 = arith.constant 0 : i32
      %dma_wait3A_659 = tpu.memref_slice %dma_wait3A_657[%dma_wait3A_653, %dma_wait3A_658] : memref<8x128xi32, #tpu.memory_space<vmem>> -> memref<1x128xi32, #tpu.memory_space<vmem>>
      %dma_wait3A_660 = tpu.memref_squeeze %dma_wait3A_659 : memref<1x128xi32, #tpu.memory_space<vmem>> -> memref<128xi32, #tpu.memory_space<vmem>>
      %dma_wait3A_661 = arith.constant 0 : i32
      %dma_wait3A_662 = arith.constant 0 : i32
      %dma_wait3A_663 = tpu.memref_slice %arg10[%dma_wait3A_661, %dma_wait3A_662] : memref<10240x128xf32, #tpu.memory_space<vmem_shared>> -> memref<10240x128xf32, #tpu.memory_space<vmem_shared>>
      tpu.wait_indirect_dma semaphore(%arg14 : memref<!tpu.dma_semaphore, #tpu.memory_space<semaphore_mem>>) src(%arg9 : memref<128x128xf32, #tpu.memory_space<vmem>>) dst(%dma_wait3A_663 : memref<10240x128xf32, #tpu.memory_space<vmem_shared>>)
      %dma_start3A_664 = arith.constant 1 : i32
      %dma_start3A_665 = arith.constant 3 : i32
      %dma_start3A_666 = arith.constant 0 : i32
      %dma_start3A_667 = arith.constant 0 : i32
      %dma_start3A_668 = tpu.memref_slice %arg6[%dma_start3A_664, %dma_start3A_666, %dma_start3A_667] : memref<2x8x128xi32, #tpu.memory_space<vmem>> -> memref<1x8x128xi32, #tpu.memory_space<vmem>>
      %dma_start3A_669 = tpu.memref_squeeze %dma_start3A_668 : memref<1x8x128xi32, #tpu.memory_space<vmem>> -> memref<8x128xi32, #tpu.memory_space<vmem>>
      %dma_start3A_670 = arith.constant 0 : i32
      %dma_start3A_671 = tpu.memref_slice %dma_start3A_669[%dma_start3A_665, %dma_start3A_670] : memref<8x128xi32, #tpu.memory_space<vmem>> -> memref<1x128xi32, #tpu.memory_space<vmem>>
      %dma_start3A_672 = tpu.memref_squeeze %dma_start3A_671 : memref<1x128xi32, #tpu.memory_space<vmem>> -> memref<128xi32, #tpu.memory_space<vmem>>
      %dma_start3A_673 = arith.constant 0 : i32
      %dma_start3A_674 = arith.constant 0 : i32
      %dma_start3A_675 = tpu.memref_slice %arg2[%dma_start3A_673, %dma_start3A_674] : memref<20480x128xf32, #tpu.memory_space<hbm>> -> memref<20480x128xf32, #tpu.memory_space<hbm>>
      tpu.enqueue_indirect_dma source(%dma_start3A_675 : memref<20480x128xf32, #tpu.memory_space<hbm>>) target(%arg9 : memref<128x128xf32, #tpu.memory_space<vmem>>) offsets(%dma_start3A_672 : memref<128xi32, #tpu.memory_space<vmem>>) semaphore(%arg12 : memref<!tpu.dma_semaphore, #tpu.memory_space<semaphore_mem>>)
      %dma_wait3A_676 = arith.constant 1 : i32
      %dma_wait3A_677 = arith.constant 2 : i32
      %dma_wait3A_678 = arith.constant 0 : i32
      %dma_wait3A_679 = arith.constant 0 : i32
      %dma_wait3A_680 = tpu.memref_slice %arg6[%dma_wait3A_676, %dma_wait3A_678, %dma_wait3A_679] : memref<2x8x128xi32, #tpu.memory_space<vmem>> -> memref<1x8x128xi32, #tpu.memory_space<vmem>>
      %dma_wait3A_681 = tpu.memref_squeeze %dma_wait3A_680 : memref<1x8x128xi32, #tpu.memory_space<vmem>> -> memref<8x128xi32, #tpu.memory_space<vmem>>
      %dma_wait3A_682 = arith.constant 0 : i32
      %dma_wait3A_683 = tpu.memref_slice %dma_wait3A_681[%dma_wait3A_677, %dma_wait3A_682] : memref<8x128xi32, #tpu.memory_space<vmem>> -> memref<1x128xi32, #tpu.memory_space<vmem>>
      %dma_wait3A_684 = tpu.memref_squeeze %dma_wait3A_683 : memref<1x128xi32, #tpu.memory_space<vmem>> -> memref<128xi32, #tpu.memory_space<vmem>>
      %dma_wait3A_685 = arith.constant 0 : i32
      %dma_wait3A_686 = arith.constant 0 : i32
      %dma_wait3A_687 = tpu.memref_slice %arg2[%dma_wait3A_685, %dma_wait3A_686] : memref<20480x128xf32, #tpu.memory_space<hbm>> -> memref<20480x128xf32, #tpu.memory_space<hbm>>
      tpu.wait_indirect_dma semaphore(%arg11 : memref<!tpu.dma_semaphore, #tpu.memory_space<semaphore_mem>>) src(%dma_wait3A_687 : memref<20480x128xf32, #tpu.memory_space<hbm>>) dst(%arg8 : memref<128x128xf32, #tpu.memory_space<vmem>>)
      %dma_start3A_688 = arith.constant 1 : i32
      %dma_start3A_689 = arith.constant 2 : i32
      %dma_start3A_690 = arith.constant 0 : i32
      %dma_start3A_691 = arith.constant 0 : i32
      %dma_start3A_692 = tpu.memref_slice %arg7[%dma_start3A_688, %dma_start3A_690, %dma_start3A_691] : memref<2x8x128xi32, #tpu.memory_space<vmem>> -> memref<1x8x128xi32, #tpu.memory_space<vmem>>
      %dma_start3A_693 = tpu.memref_squeeze %dma_start3A_692 : memref<1x8x128xi32, #tpu.memory_space<vmem>> -> memref<8x128xi32, #tpu.memory_space<vmem>>
      %dma_start3A_694 = arith.constant 0 : i32
      %dma_start3A_695 = tpu.memref_slice %dma_start3A_693[%dma_start3A_689, %dma_start3A_694] : memref<8x128xi32, #tpu.memory_space<vmem>> -> memref<1x128xi32, #tpu.memory_space<vmem>>
      %dma_start3A_696 = tpu.memref_squeeze %dma_start3A_695 : memref<1x128xi32, #tpu.memory_space<vmem>> -> memref<128xi32, #tpu.memory_space<vmem>>
      %dma_start3A_697 = arith.constant 0 : i32
      %dma_start3A_698 = arith.constant 0 : i32
      %dma_start3A_699 = tpu.memref_slice %arg10[%dma_start3A_697, %dma_start3A_698] : memref<10240x128xf32, #tpu.memory_space<vmem_shared>> -> memref<10240x128xf32, #tpu.memory_space<vmem_shared>>
      tpu.enqueue_indirect_dma source(%arg8 : memref<128x128xf32, #tpu.memory_space<vmem>>) target(%dma_start3A_699 : memref<10240x128xf32, #tpu.memory_space<vmem_shared>>) offsets(%dma_start3A_696 : memref<128xi32, #tpu.memory_space<vmem>>) semaphore(%arg13 : memref<!tpu.dma_semaphore, #tpu.memory_space<semaphore_mem>>) {add = true}
      %dma_wait3A_700 = arith.constant 1 : i32
      %dma_wait3A_701 = arith.constant 2 : i32
      %dma_wait3A_702 = arith.constant 0 : i32
      %dma_wait3A_703 = arith.constant 0 : i32
      %dma_wait3A_704 = tpu.memref_slice %arg7[%dma_wait3A_700, %dma_wait3A_702, %dma_wait3A_703] : memref<2x8x128xi32, #tpu.memory_space<vmem>> -> memref<1x8x128xi32, #tpu.memory_space<vmem>>
      %dma_wait3A_705 = tpu.memref_squeeze %dma_wait3A_704 : memref<1x8x128xi32, #tpu.memory_space<vmem>> -> memref<8x128xi32, #tpu.memory_space<vmem>>
      %dma_wait3A_706 = arith.constant 0 : i32
      %dma_wait3A_707 = tpu.memref_slice %dma_wait3A_705[%dma_wait3A_701, %dma_wait3A_706] : memref<8x128xi32, #tpu.memory_space<vmem>> -> memref<1x128xi32, #tpu.memory_space<vmem>>
      %dma_wait3A_708 = tpu.memref_squeeze %dma_wait3A_707 : memref<1x128xi32, #tpu.memory_space<vmem>> -> memref<128xi32, #tpu.memory_space<vmem>>
      %dma_wait3A_709 = arith.constant 0 : i32
      %dma_wait3A_710 = arith.constant 0 : i32
      %dma_wait3A_711 = tpu.memref_slice %arg10[%dma_wait3A_709, %dma_wait3A_710] : memref<10240x128xf32, #tpu.memory_space<vmem_shared>> -> memref<10240x128xf32, #tpu.memory_space<vmem_shared>>
      tpu.wait_indirect_dma semaphore(%arg13 : memref<!tpu.dma_semaphore, #tpu.memory_space<semaphore_mem>>) src(%arg8 : memref<128x128xf32, #tpu.memory_space<vmem>>) dst(%dma_wait3A_711 : memref<10240x128xf32, #tpu.memory_space<vmem_shared>>)
      %dma_start3A_712 = arith.constant 1 : i32
      %dma_start3A_713 = arith.constant 4 : i32
      %dma_start3A_714 = arith.constant 0 : i32
      %dma_start3A_715 = arith.constant 0 : i32
      %dma_start3A_716 = tpu.memref_slice %arg6[%dma_start3A_712, %dma_start3A_714, %dma_start3A_715] : memref<2x8x128xi32, #tpu.memory_space<vmem>> -> memref<1x8x128xi32, #tpu.memory_space<vmem>>
      %dma_start3A_717 = tpu.memref_squeeze %dma_start3A_716 : memref<1x8x128xi32, #tpu.memory_space<vmem>> -> memref<8x128xi32, #tpu.memory_space<vmem>>
      %dma_start3A_718 = arith.constant 0 : i32
      %dma_start3A_719 = tpu.memref_slice %dma_start3A_717[%dma_start3A_713, %dma_start3A_718] : memref<8x128xi32, #tpu.memory_space<vmem>> -> memref<1x128xi32, #tpu.memory_space<vmem>>
      %dma_start3A_720 = tpu.memref_squeeze %dma_start3A_719 : memref<1x128xi32, #tpu.memory_space<vmem>> -> memref<128xi32, #tpu.memory_space<vmem>>
      %dma_start3A_721 = arith.constant 0 : i32
      %dma_start3A_722 = arith.constant 0 : i32
      %dma_start3A_723 = tpu.memref_slice %arg2[%dma_start3A_721, %dma_start3A_722] : memref<20480x128xf32, #tpu.memory_space<hbm>> -> memref<20480x128xf32, #tpu.memory_space<hbm>>
      tpu.enqueue_indirect_dma source(%dma_start3A_723 : memref<20480x128xf32, #tpu.memory_space<hbm>>) target(%arg8 : memref<128x128xf32, #tpu.memory_space<vmem>>) offsets(%dma_start3A_720 : memref<128xi32, #tpu.memory_space<vmem>>) semaphore(%arg11 : memref<!tpu.dma_semaphore, #tpu.memory_space<semaphore_mem>>)
      %dma_wait3A_724 = arith.constant 1 : i32
      %dma_wait3A_725 = arith.constant 3 : i32
      %dma_wait3A_726 = arith.constant 0 : i32
      %dma_wait3A_727 = arith.constant 0 : i32
      %dma_wait3A_728 = tpu.memref_slice %arg6[%dma_wait3A_724, %dma_wait3A_726, %dma_wait3A_727] : memref<2x8x128xi32, #tpu.memory_space<vmem>> -> memref<1x8x128xi32, #tpu.memory_space<vmem>>
      %dma_wait3A_729 = tpu.memref_squeeze %dma_wait3A_728 : memref<1x8x128xi32, #tpu.memory_space<vmem>> -> memref<8x128xi32, #tpu.memory_space<vmem>>
      %dma_wait3A_730 = arith.constant 0 : i32
      %dma_wait3A_731 = tpu.memref_slice %dma_wait3A_729[%dma_wait3A_725, %dma_wait3A_730] : memref<8x128xi32, #tpu.memory_space<vmem>> -> memref<1x128xi32, #tpu.memory_space<vmem>>
      %dma_wait3A_732 = tpu.memref_squeeze %dma_wait3A_731 : memref<1x128xi32, #tpu.memory_space<vmem>> -> memref<128xi32, #tpu.memory_space<vmem>>
      %dma_wait3A_733 = arith.constant 0 : i32
      %dma_wait3A_734 = arith.constant 0 : i32
      %dma_wait3A_735 = tpu.memref_slice %arg2[%dma_wait3A_733, %dma_wait3A_734] : memref<20480x128xf32, #tpu.memory_space<hbm>> -> memref<20480x128xf32, #tpu.memory_space<hbm>>
      tpu.wait_indirect_dma semaphore(%arg12 : memref<!tpu.dma_semaphore, #tpu.memory_space<semaphore_mem>>) src(%dma_wait3A_735 : memref<20480x128xf32, #tpu.memory_space<hbm>>) dst(%arg9 : memref<128x128xf32, #tpu.memory_space<vmem>>)
      %dma_start3A_736 = arith.constant 1 : i32
      %dma_start3A_737 = arith.constant 3 : i32
      %dma_start3A_738 = arith.constant 0 : i32
      %dma_start3A_739 = arith.constant 0 : i32
      %dma_start3A_740 = tpu.memref_slice %arg7[%dma_start3A_736, %dma_start3A_738, %dma_start3A_739] : memref<2x8x128xi32, #tpu.memory_space<vmem>> -> memref<1x8x128xi32, #tpu.memory_space<vmem>>
      %dma_start3A_741 = tpu.memref_squeeze %dma_start3A_740 : memref<1x8x128xi32, #tpu.memory_space<vmem>> -> memref<8x128xi32, #tpu.memory_space<vmem>>
      %dma_start3A_742 = arith.constant 0 : i32
      %dma_start3A_743 = tpu.memref_slice %dma_start3A_741[%dma_start3A_737, %dma_start3A_742] : memref<8x128xi32, #tpu.memory_space<vmem>> -> memref<1x128xi32, #tpu.memory_space<vmem>>
      %dma_start3A_744 = tpu.memref_squeeze %dma_start3A_743 : memref<1x128xi32, #tpu.memory_space<vmem>> -> memref<128xi32, #tpu.memory_space<vmem>>
      %dma_start3A_745 = arith.constant 0 : i32
      %dma_start3A_746 = arith.constant 0 : i32
      %dma_start3A_747 = tpu.memref_slice %arg10[%dma_start3A_745, %dma_start3A_746] : memref<10240x128xf32, #tpu.memory_space<vmem_shared>> -> memref<10240x128xf32, #tpu.memory_space<vmem_shared>>
      tpu.enqueue_indirect_dma source(%arg9 : memref<128x128xf32, #tpu.memory_space<vmem>>) target(%dma_start3A_747 : memref<10240x128xf32, #tpu.memory_space<vmem_shared>>) offsets(%dma_start3A_744 : memref<128xi32, #tpu.memory_space<vmem>>) semaphore(%arg14 : memref<!tpu.dma_semaphore, #tpu.memory_space<semaphore_mem>>) {add = true}
      %dma_wait3A_748 = arith.constant 1 : i32
      %dma_wait3A_749 = arith.constant 3 : i32
      %dma_wait3A_750 = arith.constant 0 : i32
      %dma_wait3A_751 = arith.constant 0 : i32
      %dma_wait3A_752 = tpu.memref_slice %arg7[%dma_wait3A_748, %dma_wait3A_750, %dma_wait3A_751] : memref<2x8x128xi32, #tpu.memory_space<vmem>> -> memref<1x8x128xi32, #tpu.memory_space<vmem>>
      %dma_wait3A_753 = tpu.memref_squeeze %dma_wait3A_752 : memref<1x8x128xi32, #tpu.memory_space<vmem>> -> memref<8x128xi32, #tpu.memory_space<vmem>>
      %dma_wait3A_754 = arith.constant 0 : i32
      %dma_wait3A_755 = tpu.memref_slice %dma_wait3A_753[%dma_wait3A_749, %dma_wait3A_754] : memref<8x128xi32, #tpu.memory_space<vmem>> -> memref<1x128xi32, #tpu.memory_space<vmem>>
      %dma_wait3A_756 = tpu.memref_squeeze %dma_wait3A_755 : memref<1x128xi32, #tpu.memory_space<vmem>> -> memref<128xi32, #tpu.memory_space<vmem>>
      %dma_wait3A_757 = arith.constant 0 : i32
      %dma_wait3A_758 = arith.constant 0 : i32
      %dma_wait3A_759 = tpu.memref_slice %arg10[%dma_wait3A_757, %dma_wait3A_758] : memref<10240x128xf32, #tpu.memory_space<vmem_shared>> -> memref<10240x128xf32, #tpu.memory_space<vmem_shared>>
      tpu.wait_indirect_dma semaphore(%arg14 : memref<!tpu.dma_semaphore, #tpu.memory_space<semaphore_mem>>) src(%arg9 : memref<128x128xf32, #tpu.memory_space<vmem>>) dst(%dma_wait3A_759 : memref<10240x128xf32, #tpu.memory_space<vmem_shared>>)
      %dma_start3A_760 = arith.constant 1 : i32
      %dma_start3A_761 = arith.constant 5 : i32
      %dma_start3A_762 = arith.constant 0 : i32
      %dma_start3A_763 = arith.constant 0 : i32
      %dma_start3A_764 = tpu.memref_slice %arg6[%dma_start3A_760, %dma_start3A_762, %dma_start3A_763] : memref<2x8x128xi32, #tpu.memory_space<vmem>> -> memref<1x8x128xi32, #tpu.memory_space<vmem>>
      %dma_start3A_765 = tpu.memref_squeeze %dma_start3A_764 : memref<1x8x128xi32, #tpu.memory_space<vmem>> -> memref<8x128xi32, #tpu.memory_space<vmem>>
      %dma_start3A_766 = arith.constant 0 : i32
      %dma_start3A_767 = tpu.memref_slice %dma_start3A_765[%dma_start3A_761, %dma_start3A_766] : memref<8x128xi32, #tpu.memory_space<vmem>> -> memref<1x128xi32, #tpu.memory_space<vmem>>
      %dma_start3A_768 = tpu.memref_squeeze %dma_start3A_767 : memref<1x128xi32, #tpu.memory_space<vmem>> -> memref<128xi32, #tpu.memory_space<vmem>>
      %dma_start3A_769 = arith.constant 0 : i32
      %dma_start3A_770 = arith.constant 0 : i32
      %dma_start3A_771 = tpu.memref_slice %arg2[%dma_start3A_769, %dma_start3A_770] : memref<20480x128xf32, #tpu.memory_space<hbm>> -> memref<20480x128xf32, #tpu.memory_space<hbm>>
      tpu.enqueue_indirect_dma source(%dma_start3A_771 : memref<20480x128xf32, #tpu.memory_space<hbm>>) target(%arg9 : memref<128x128xf32, #tpu.memory_space<vmem>>) offsets(%dma_start3A_768 : memref<128xi32, #tpu.memory_space<vmem>>) semaphore(%arg12 : memref<!tpu.dma_semaphore, #tpu.memory_space<semaphore_mem>>)
      %dma_wait3A_772 = arith.constant 1 : i32
      %dma_wait3A_773 = arith.constant 4 : i32
      %dma_wait3A_774 = arith.constant 0 : i32
      %dma_wait3A_775 = arith.constant 0 : i32
      %dma_wait3A_776 = tpu.memref_slice %arg6[%dma_wait3A_772, %dma_wait3A_774, %dma_wait3A_775] : memref<2x8x128xi32, #tpu.memory_space<vmem>> -> memref<1x8x128xi32, #tpu.memory_space<vmem>>
      %dma_wait3A_777 = tpu.memref_squeeze %dma_wait3A_776 : memref<1x8x128xi32, #tpu.memory_space<vmem>> -> memref<8x128xi32, #tpu.memory_space<vmem>>
      %dma_wait3A_778 = arith.constant 0 : i32
      %dma_wait3A_779 = tpu.memref_slice %dma_wait3A_777[%dma_wait3A_773, %dma_wait3A_778] : memref<8x128xi32, #tpu.memory_space<vmem>> -> memref<1x128xi32, #tpu.memory_space<vmem>>
      %dma_wait3A_780 = tpu.memref_squeeze %dma_wait3A_779 : memref<1x128xi32, #tpu.memory_space<vmem>> -> memref<128xi32, #tpu.memory_space<vmem>>
      %dma_wait3A_781 = arith.constant 0 : i32
      %dma_wait3A_782 = arith.constant 0 : i32
      %dma_wait3A_783 = tpu.memref_slice %arg2[%dma_wait3A_781, %dma_wait3A_782] : memref<20480x128xf32, #tpu.memory_space<hbm>> -> memref<20480x128xf32, #tpu.memory_space<hbm>>
      tpu.wait_indirect_dma semaphore(%arg11 : memref<!tpu.dma_semaphore, #tpu.memory_space<semaphore_mem>>) src(%dma_wait3A_783 : memref<20480x128xf32, #tpu.memory_space<hbm>>) dst(%arg8 : memref<128x128xf32, #tpu.memory_space<vmem>>)
      %dma_start3A_784 = arith.constant 1 : i32
      %dma_start3A_785 = arith.constant 4 : i32
      %dma_start3A_786 = arith.constant 0 : i32
      %dma_start3A_787 = arith.constant 0 : i32
      %dma_start3A_788 = tpu.memref_slice %arg7[%dma_start3A_784, %dma_start3A_786, %dma_start3A_787] : memref<2x8x128xi32, #tpu.memory_space<vmem>> -> memref<1x8x128xi32, #tpu.memory_space<vmem>>
      %dma_start3A_789 = tpu.memref_squeeze %dma_start3A_788 : memref<1x8x128xi32, #tpu.memory_space<vmem>> -> memref<8x128xi32, #tpu.memory_space<vmem>>
      %dma_start3A_790 = arith.constant 0 : i32
      %dma_start3A_791 = tpu.memref_slice %dma_start3A_789[%dma_start3A_785, %dma_start3A_790] : memref<8x128xi32, #tpu.memory_space<vmem>> -> memref<1x128xi32, #tpu.memory_space<vmem>>
      %dma_start3A_792 = tpu.memref_squeeze %dma_start3A_791 : memref<1x128xi32, #tpu.memory_space<vmem>> -> memref<128xi32, #tpu.memory_space<vmem>>
      %dma_start3A_793 = arith.constant 0 : i32
      %dma_start3A_794 = arith.constant 0 : i32
      %dma_start3A_795 = tpu.memref_slice %arg10[%dma_start3A_793, %dma_start3A_794] : memref<10240x128xf32, #tpu.memory_space<vmem_shared>> -> memref<10240x128xf32, #tpu.memory_space<vmem_shared>>
      tpu.enqueue_indirect_dma source(%arg8 : memref<128x128xf32, #tpu.memory_space<vmem>>) target(%dma_start3A_795 : memref<10240x128xf32, #tpu.memory_space<vmem_shared>>) offsets(%dma_start3A_792 : memref<128xi32, #tpu.memory_space<vmem>>) semaphore(%arg13 : memref<!tpu.dma_semaphore, #tpu.memory_space<semaphore_mem>>) {add = true}
      %dma_wait3A_796 = arith.constant 1 : i32
      %dma_wait3A_797 = arith.constant 4 : i32
      %dma_wait3A_798 = arith.constant 0 : i32
      %dma_wait3A_799 = arith.constant 0 : i32
      %dma_wait3A_800 = tpu.memref_slice %arg7[%dma_wait3A_796, %dma_wait3A_798, %dma_wait3A_799] : memref<2x8x128xi32, #tpu.memory_space<vmem>> -> memref<1x8x128xi32, #tpu.memory_space<vmem>>
      %dma_wait3A_801 = tpu.memref_squeeze %dma_wait3A_800 : memref<1x8x128xi32, #tpu.memory_space<vmem>> -> memref<8x128xi32, #tpu.memory_space<vmem>>
      %dma_wait3A_802 = arith.constant 0 : i32
      %dma_wait3A_803 = tpu.memref_slice %dma_wait3A_801[%dma_wait3A_797, %dma_wait3A_802] : memref<8x128xi32, #tpu.memory_space<vmem>> -> memref<1x128xi32, #tpu.memory_space<vmem>>
      %dma_wait3A_804 = tpu.memref_squeeze %dma_wait3A_803 : memref<1x128xi32, #tpu.memory_space<vmem>> -> memref<128xi32, #tpu.memory_space<vmem>>
      %dma_wait3A_805 = arith.constant 0 : i32
      %dma_wait3A_806 = arith.constant 0 : i32
      %dma_wait3A_807 = tpu.memref_slice %arg10[%dma_wait3A_805, %dma_wait3A_806] : memref<10240x128xf32, #tpu.memory_space<vmem_shared>> -> memref<10240x128xf32, #tpu.memory_space<vmem_shared>>
      tpu.wait_indirect_dma semaphore(%arg13 : memref<!tpu.dma_semaphore, #tpu.memory_space<semaphore_mem>>) src(%arg8 : memref<128x128xf32, #tpu.memory_space<vmem>>) dst(%dma_wait3A_807 : memref<10240x128xf32, #tpu.memory_space<vmem_shared>>)
      %dma_start3A_808 = arith.constant 1 : i32
      %dma_start3A_809 = arith.constant 6 : i32
      %dma_start3A_810 = arith.constant 0 : i32
      %dma_start3A_811 = arith.constant 0 : i32
      %dma_start3A_812 = tpu.memref_slice %arg6[%dma_start3A_808, %dma_start3A_810, %dma_start3A_811] : memref<2x8x128xi32, #tpu.memory_space<vmem>> -> memref<1x8x128xi32, #tpu.memory_space<vmem>>
      %dma_start3A_813 = tpu.memref_squeeze %dma_start3A_812 : memref<1x8x128xi32, #tpu.memory_space<vmem>> -> memref<8x128xi32, #tpu.memory_space<vmem>>
      %dma_start3A_814 = arith.constant 0 : i32
      %dma_start3A_815 = tpu.memref_slice %dma_start3A_813[%dma_start3A_809, %dma_start3A_814] : memref<8x128xi32, #tpu.memory_space<vmem>> -> memref<1x128xi32, #tpu.memory_space<vmem>>
      %dma_start3A_816 = tpu.memref_squeeze %dma_start3A_815 : memref<1x128xi32, #tpu.memory_space<vmem>> -> memref<128xi32, #tpu.memory_space<vmem>>
      %dma_start3A_817 = arith.constant 0 : i32
      %dma_start3A_818 = arith.constant 0 : i32
      %dma_start3A_819 = tpu.memref_slice %arg2[%dma_start3A_817, %dma_start3A_818] : memref<20480x128xf32, #tpu.memory_space<hbm>> -> memref<20480x128xf32, #tpu.memory_space<hbm>>
      tpu.enqueue_indirect_dma source(%dma_start3A_819 : memref<20480x128xf32, #tpu.memory_space<hbm>>) target(%arg8 : memref<128x128xf32, #tpu.memory_space<vmem>>) offsets(%dma_start3A_816 : memref<128xi32, #tpu.memory_space<vmem>>) semaphore(%arg11 : memref<!tpu.dma_semaphore, #tpu.memory_space<semaphore_mem>>)
      %dma_wait3A_820 = arith.constant 1 : i32
      %dma_wait3A_821 = arith.constant 5 : i32
      %dma_wait3A_822 = arith.constant 0 : i32
      %dma_wait3A_823 = arith.constant 0 : i32
      %dma_wait3A_824 = tpu.memref_slice %arg6[%dma_wait3A_820, %dma_wait3A_822, %dma_wait3A_823] : memref<2x8x128xi32, #tpu.memory_space<vmem>> -> memref<1x8x128xi32, #tpu.memory_space<vmem>>
      %dma_wait3A_825 = tpu.memref_squeeze %dma_wait3A_824 : memref<1x8x128xi32, #tpu.memory_space<vmem>> -> memref<8x128xi32, #tpu.memory_space<vmem>>
      %dma_wait3A_826 = arith.constant 0 : i32
      %dma_wait3A_827 = tpu.memref_slice %dma_wait3A_825[%dma_wait3A_821, %dma_wait3A_826] : memref<8x128xi32, #tpu.memory_space<vmem>> -> memref<1x128xi32, #tpu.memory_space<vmem>>
      %dma_wait3A_828 = tpu.memref_squeeze %dma_wait3A_827 : memref<1x128xi32, #tpu.memory_space<vmem>> -> memref<128xi32, #tpu.memory_space<vmem>>
      %dma_wait3A_829 = arith.constant 0 : i32
      %dma_wait3A_830 = arith.constant 0 : i32
      %dma_wait3A_831 = tpu.memref_slice %arg2[%dma_wait3A_829, %dma_wait3A_830] : memref<20480x128xf32, #tpu.memory_space<hbm>> -> memref<20480x128xf32, #tpu.memory_space<hbm>>
      tpu.wait_indirect_dma semaphore(%arg12 : memref<!tpu.dma_semaphore, #tpu.memory_space<semaphore_mem>>) src(%dma_wait3A_831 : memref<20480x128xf32, #tpu.memory_space<hbm>>) dst(%arg9 : memref<128x128xf32, #tpu.memory_space<vmem>>)
      %dma_start3A_832 = arith.constant 1 : i32
      %dma_start3A_833 = arith.constant 5 : i32
      %dma_start3A_834 = arith.constant 0 : i32
      %dma_start3A_835 = arith.constant 0 : i32
      %dma_start3A_836 = tpu.memref_slice %arg7[%dma_start3A_832, %dma_start3A_834, %dma_start3A_835] : memref<2x8x128xi32, #tpu.memory_space<vmem>> -> memref<1x8x128xi32, #tpu.memory_space<vmem>>
      %dma_start3A_837 = tpu.memref_squeeze %dma_start3A_836 : memref<1x8x128xi32, #tpu.memory_space<vmem>> -> memref<8x128xi32, #tpu.memory_space<vmem>>
      %dma_start3A_838 = arith.constant 0 : i32
      %dma_start3A_839 = tpu.memref_slice %dma_start3A_837[%dma_start3A_833, %dma_start3A_838] : memref<8x128xi32, #tpu.memory_space<vmem>> -> memref<1x128xi32, #tpu.memory_space<vmem>>
      %dma_start3A_840 = tpu.memref_squeeze %dma_start3A_839 : memref<1x128xi32, #tpu.memory_space<vmem>> -> memref<128xi32, #tpu.memory_space<vmem>>
      %dma_start3A_841 = arith.constant 0 : i32
      %dma_start3A_842 = arith.constant 0 : i32
      %dma_start3A_843 = tpu.memref_slice %arg10[%dma_start3A_841, %dma_start3A_842] : memref<10240x128xf32, #tpu.memory_space<vmem_shared>> -> memref<10240x128xf32, #tpu.memory_space<vmem_shared>>
      tpu.enqueue_indirect_dma source(%arg9 : memref<128x128xf32, #tpu.memory_space<vmem>>) target(%dma_start3A_843 : memref<10240x128xf32, #tpu.memory_space<vmem_shared>>) offsets(%dma_start3A_840 : memref<128xi32, #tpu.memory_space<vmem>>) semaphore(%arg14 : memref<!tpu.dma_semaphore, #tpu.memory_space<semaphore_mem>>) {add = true}
      %dma_wait3A_844 = arith.constant 1 : i32
      %dma_wait3A_845 = arith.constant 5 : i32
      %dma_wait3A_846 = arith.constant 0 : i32
      %dma_wait3A_847 = arith.constant 0 : i32
      %dma_wait3A_848 = tpu.memref_slice %arg7[%dma_wait3A_844, %dma_wait3A_846, %dma_wait3A_847] : memref<2x8x128xi32, #tpu.memory_space<vmem>> -> memref<1x8x128xi32, #tpu.memory_space<vmem>>
      %dma_wait3A_849 = tpu.memref_squeeze %dma_wait3A_848 : memref<1x8x128xi32, #tpu.memory_space<vmem>> -> memref<8x128xi32, #tpu.memory_space<vmem>>
      %dma_wait3A_850 = arith.constant 0 : i32
      %dma_wait3A_851 = tpu.memref_slice %dma_wait3A_849[%dma_wait3A_845, %dma_wait3A_850] : memref<8x128xi32, #tpu.memory_space<vmem>> -> memref<1x128xi32, #tpu.memory_space<vmem>>
      %dma_wait3A_852 = tpu.memref_squeeze %dma_wait3A_851 : memref<1x128xi32, #tpu.memory_space<vmem>> -> memref<128xi32, #tpu.memory_space<vmem>>
      %dma_wait3A_853 = arith.constant 0 : i32
      %dma_wait3A_854 = arith.constant 0 : i32
      %dma_wait3A_855 = tpu.memref_slice %arg10[%dma_wait3A_853, %dma_wait3A_854] : memref<10240x128xf32, #tpu.memory_space<vmem_shared>> -> memref<10240x128xf32, #tpu.memory_space<vmem_shared>>
      tpu.wait_indirect_dma semaphore(%arg14 : memref<!tpu.dma_semaphore, #tpu.memory_space<semaphore_mem>>) src(%arg9 : memref<128x128xf32, #tpu.memory_space<vmem>>) dst(%dma_wait3A_855 : memref<10240x128xf32, #tpu.memory_space<vmem_shared>>)
      %dma_start3A_856 = arith.constant 1 : i32
      %dma_start3A_857 = arith.constant 7 : i32
      %dma_start3A_858 = arith.constant 0 : i32
      %dma_start3A_859 = arith.constant 0 : i32
      %dma_start3A_860 = tpu.memref_slice %arg6[%dma_start3A_856, %dma_start3A_858, %dma_start3A_859] : memref<2x8x128xi32, #tpu.memory_space<vmem>> -> memref<1x8x128xi32, #tpu.memory_space<vmem>>
      %dma_start3A_861 = tpu.memref_squeeze %dma_start3A_860 : memref<1x8x128xi32, #tpu.memory_space<vmem>> -> memref<8x128xi32, #tpu.memory_space<vmem>>
      %dma_start3A_862 = arith.constant 0 : i32
      %dma_start3A_863 = tpu.memref_slice %dma_start3A_861[%dma_start3A_857, %dma_start3A_862] : memref<8x128xi32, #tpu.memory_space<vmem>> -> memref<1x128xi32, #tpu.memory_space<vmem>>
      %dma_start3A_864 = tpu.memref_squeeze %dma_start3A_863 : memref<1x128xi32, #tpu.memory_space<vmem>> -> memref<128xi32, #tpu.memory_space<vmem>>
      %dma_start3A_865 = arith.constant 0 : i32
      %dma_start3A_866 = arith.constant 0 : i32
      %dma_start3A_867 = tpu.memref_slice %arg2[%dma_start3A_865, %dma_start3A_866] : memref<20480x128xf32, #tpu.memory_space<hbm>> -> memref<20480x128xf32, #tpu.memory_space<hbm>>
      tpu.enqueue_indirect_dma source(%dma_start3A_867 : memref<20480x128xf32, #tpu.memory_space<hbm>>) target(%arg9 : memref<128x128xf32, #tpu.memory_space<vmem>>) offsets(%dma_start3A_864 : memref<128xi32, #tpu.memory_space<vmem>>) semaphore(%arg12 : memref<!tpu.dma_semaphore, #tpu.memory_space<semaphore_mem>>)
      %dma_wait3A_868 = arith.constant 1 : i32
      %dma_wait3A_869 = arith.constant 6 : i32
      %dma_wait3A_870 = arith.constant 0 : i32
      %dma_wait3A_871 = arith.constant 0 : i32
      %dma_wait3A_872 = tpu.memref_slice %arg6[%dma_wait3A_868, %dma_wait3A_870, %dma_wait3A_871] : memref<2x8x128xi32, #tpu.memory_space<vmem>> -> memref<1x8x128xi32, #tpu.memory_space<vmem>>
      %dma_wait3A_873 = tpu.memref_squeeze %dma_wait3A_872 : memref<1x8x128xi32, #tpu.memory_space<vmem>> -> memref<8x128xi32, #tpu.memory_space<vmem>>
      %dma_wait3A_874 = arith.constant 0 : i32
      %dma_wait3A_875 = tpu.memref_slice %dma_wait3A_873[%dma_wait3A_869, %dma_wait3A_874] : memref<8x128xi32, #tpu.memory_space<vmem>> -> memref<1x128xi32, #tpu.memory_space<vmem>>
      %dma_wait3A_876 = tpu.memref_squeeze %dma_wait3A_875 : memref<1x128xi32, #tpu.memory_space<vmem>> -> memref<128xi32, #tpu.memory_space<vmem>>
      %dma_wait3A_877 = arith.constant 0 : i32
      %dma_wait3A_878 = arith.constant 0 : i32
      %dma_wait3A_879 = tpu.memref_slice %arg2[%dma_wait3A_877, %dma_wait3A_878] : memref<20480x128xf32, #tpu.memory_space<hbm>> -> memref<20480x128xf32, #tpu.memory_space<hbm>>
      tpu.wait_indirect_dma semaphore(%arg11 : memref<!tpu.dma_semaphore, #tpu.memory_space<semaphore_mem>>) src(%dma_wait3A_879 : memref<20480x128xf32, #tpu.memory_space<hbm>>) dst(%arg8 : memref<128x128xf32, #tpu.memory_space<vmem>>)
      %dma_start3A_880 = arith.constant 1 : i32
      %dma_start3A_881 = arith.constant 6 : i32
      %dma_start3A_882 = arith.constant 0 : i32
      %dma_start3A_883 = arith.constant 0 : i32
      %dma_start3A_884 = tpu.memref_slice %arg7[%dma_start3A_880, %dma_start3A_882, %dma_start3A_883] : memref<2x8x128xi32, #tpu.memory_space<vmem>> -> memref<1x8x128xi32, #tpu.memory_space<vmem>>
      %dma_start3A_885 = tpu.memref_squeeze %dma_start3A_884 : memref<1x8x128xi32, #tpu.memory_space<vmem>> -> memref<8x128xi32, #tpu.memory_space<vmem>>
      %dma_start3A_886 = arith.constant 0 : i32
      %dma_start3A_887 = tpu.memref_slice %dma_start3A_885[%dma_start3A_881, %dma_start3A_886] : memref<8x128xi32, #tpu.memory_space<vmem>> -> memref<1x128xi32, #tpu.memory_space<vmem>>
      %dma_start3A_888 = tpu.memref_squeeze %dma_start3A_887 : memref<1x128xi32, #tpu.memory_space<vmem>> -> memref<128xi32, #tpu.memory_space<vmem>>
      %dma_start3A_889 = arith.constant 0 : i32
      %dma_start3A_890 = arith.constant 0 : i32
      %dma_start3A_891 = tpu.memref_slice %arg10[%dma_start3A_889, %dma_start3A_890] : memref<10240x128xf32, #tpu.memory_space<vmem_shared>> -> memref<10240x128xf32, #tpu.memory_space<vmem_shared>>
      tpu.enqueue_indirect_dma source(%arg8 : memref<128x128xf32, #tpu.memory_space<vmem>>) target(%dma_start3A_891 : memref<10240x128xf32, #tpu.memory_space<vmem_shared>>) offsets(%dma_start3A_888 : memref<128xi32, #tpu.memory_space<vmem>>) semaphore(%arg13 : memref<!tpu.dma_semaphore, #tpu.memory_space<semaphore_mem>>) {add = true}
      %dma_wait3A_892 = arith.constant 1 : i32
      %dma_wait3A_893 = arith.constant 7 : i32
      %dma_wait3A_894 = arith.constant 0 : i32
      %dma_wait3A_895 = arith.constant 0 : i32
      %dma_wait3A_896 = tpu.memref_slice %arg6[%dma_wait3A_892, %dma_wait3A_894, %dma_wait3A_895] : memref<2x8x128xi32, #tpu.memory_space<vmem>> -> memref<1x8x128xi32, #tpu.memory_space<vmem>>
      %dma_wait3A_897 = tpu.memref_squeeze %dma_wait3A_896 : memref<1x8x128xi32, #tpu.memory_space<vmem>> -> memref<8x128xi32, #tpu.memory_space<vmem>>
      %dma_wait3A_898 = arith.constant 0 : i32
      %dma_wait3A_899 = tpu.memref_slice %dma_wait3A_897[%dma_wait3A_893, %dma_wait3A_898] : memref<8x128xi32, #tpu.memory_space<vmem>> -> memref<1x128xi32, #tpu.memory_space<vmem>>
      %dma_wait3A_900 = tpu.memref_squeeze %dma_wait3A_899 : memref<1x128xi32, #tpu.memory_space<vmem>> -> memref<128xi32, #tpu.memory_space<vmem>>
      %dma_wait3A_901 = arith.constant 0 : i32
      %dma_wait3A_902 = arith.constant 0 : i32
      %dma_wait3A_903 = tpu.memref_slice %arg2[%dma_wait3A_901, %dma_wait3A_902] : memref<20480x128xf32, #tpu.memory_space<hbm>> -> memref<20480x128xf32, #tpu.memory_space<hbm>>
      tpu.wait_indirect_dma semaphore(%arg12 : memref<!tpu.dma_semaphore, #tpu.memory_space<semaphore_mem>>) src(%dma_wait3A_903 : memref<20480x128xf32, #tpu.memory_space<hbm>>) dst(%arg9 : memref<128x128xf32, #tpu.memory_space<vmem>>)
      %dma_start3A_904 = arith.constant 1 : i32
      %dma_start3A_905 = arith.constant 7 : i32
      %dma_start3A_906 = arith.constant 0 : i32
      %dma_start3A_907 = arith.constant 0 : i32
      %dma_start3A_908 = tpu.memref_slice %arg7[%dma_start3A_904, %dma_start3A_906, %dma_start3A_907] : memref<2x8x128xi32, #tpu.memory_space<vmem>> -> memref<1x8x128xi32, #tpu.memory_space<vmem>>
      %dma_start3A_909 = tpu.memref_squeeze %dma_start3A_908 : memref<1x8x128xi32, #tpu.memory_space<vmem>> -> memref<8x128xi32, #tpu.memory_space<vmem>>
      %dma_start3A_910 = arith.constant 0 : i32
      %dma_start3A_911 = tpu.memref_slice %dma_start3A_909[%dma_start3A_905, %dma_start3A_910] : memref<8x128xi32, #tpu.memory_space<vmem>> -> memref<1x128xi32, #tpu.memory_space<vmem>>
      %dma_start3A_912 = tpu.memref_squeeze %dma_start3A_911 : memref<1x128xi32, #tpu.memory_space<vmem>> -> memref<128xi32, #tpu.memory_space<vmem>>
      %dma_start3A_913 = arith.constant 0 : i32
      %dma_start3A_914 = arith.constant 0 : i32
      %dma_start3A_915 = tpu.memref_slice %arg10[%dma_start3A_913, %dma_start3A_914] : memref<10240x128xf32, #tpu.memory_space<vmem_shared>> -> memref<10240x128xf32, #tpu.memory_space<vmem_shared>>
      tpu.enqueue_indirect_dma source(%arg9 : memref<128x128xf32, #tpu.memory_space<vmem>>) target(%dma_start3A_915 : memref<10240x128xf32, #tpu.memory_space<vmem_shared>>) offsets(%dma_start3A_912 : memref<128xi32, #tpu.memory_space<vmem>>) semaphore(%arg14 : memref<!tpu.dma_semaphore, #tpu.memory_space<semaphore_mem>>) {add = true}
    }
    %scan3A_45 = arith.constant 10 : i32
    %dma_wait3A = arith.constant 1 : i32
    %dma_wait3A_46 = arith.constant 6 : i32
    %dma_wait3A_47 = arith.constant 0 : i32
    %dma_wait3A_48 = arith.constant 0 : i32
    %dma_wait3A_49 = tpu.memref_slice %arg7[%dma_wait3A, %dma_wait3A_47, %dma_wait3A_48] : memref<2x8x128xi32, #tpu.memory_space<vmem>> -> memref<1x8x128xi32, #tpu.memory_space<vmem>>
    %dma_wait3A_50 = tpu.memref_squeeze %dma_wait3A_49 : memref<1x8x128xi32, #tpu.memory_space<vmem>> -> memref<8x128xi32, #tpu.memory_space<vmem>>
    %dma_wait3A_51 = arith.constant 0 : i32
    %dma_wait3A_52 = tpu.memref_slice %dma_wait3A_50[%dma_wait3A_46, %dma_wait3A_51] : memref<8x128xi32, #tpu.memory_space<vmem>> -> memref<1x128xi32, #tpu.memory_space<vmem>>
    %dma_wait3A_53 = tpu.memref_squeeze %dma_wait3A_52 : memref<1x128xi32, #tpu.memory_space<vmem>> -> memref<128xi32, #tpu.memory_space<vmem>>
    %dma_wait3A_54 = arith.constant 0 : i32
    %dma_wait3A_55 = arith.constant 0 : i32
    %dma_wait3A_56 = tpu.memref_slice %arg10[%dma_wait3A_54, %dma_wait3A_55] : memref<10240x128xf32, #tpu.memory_space<vmem_shared>> -> memref<10240x128xf32, #tpu.memory_space<vmem_shared>>
    tpu.wait_indirect_dma semaphore(%arg13 : memref<!tpu.dma_semaphore, #tpu.memory_space<semaphore_mem>>) src(%arg8 : memref<128x128xf32, #tpu.memory_space<vmem>>) dst(%dma_wait3A_56 : memref<10240x128xf32, #tpu.memory_space<vmem_shared>>)
    %dma_wait3A_57 = arith.constant 1 : i32
    %dma_wait3A_58 = arith.constant 7 : i32
    %dma_wait3A_59 = arith.constant 0 : i32
    %dma_wait3A_60 = arith.constant 0 : i32
    %dma_wait3A_61 = tpu.memref_slice %arg7[%dma_wait3A_57, %dma_wait3A_59, %dma_wait3A_60] : memref<2x8x128xi32, #tpu.memory_space<vmem>> -> memref<1x8x128xi32, #tpu.memory_space<vmem>>
    %dma_wait3A_62 = tpu.memref_squeeze %dma_wait3A_61 : memref<1x8x128xi32, #tpu.memory_space<vmem>> -> memref<8x128xi32, #tpu.memory_space<vmem>>
    %dma_wait3A_63 = arith.constant 0 : i32
    %dma_wait3A_64 = tpu.memref_slice %dma_wait3A_62[%dma_wait3A_58, %dma_wait3A_63] : memref<8x128xi32, #tpu.memory_space<vmem>> -> memref<1x128xi32, #tpu.memory_space<vmem>>
    %dma_wait3A_65 = tpu.memref_squeeze %dma_wait3A_64 : memref<1x128xi32, #tpu.memory_space<vmem>> -> memref<128xi32, #tpu.memory_space<vmem>>
    %dma_wait3A_66 = arith.constant 0 : i32
    %dma_wait3A_67 = arith.constant 0 : i32
    %dma_wait3A_68 = tpu.memref_slice %arg10[%dma_wait3A_66, %dma_wait3A_67] : memref<10240x128xf32, #tpu.memory_space<vmem_shared>> -> memref<10240x128xf32, #tpu.memory_space<vmem_shared>>
    tpu.wait_indirect_dma semaphore(%arg14 : memref<!tpu.dma_semaphore, #tpu.memory_space<semaphore_mem>>) src(%arg9 : memref<128x128xf32, #tpu.memory_space<vmem>>) dst(%dma_wait3A_68 : memref<10240x128xf32, #tpu.memory_space<vmem_shared>>)
    %barrier3A_69 = arith.constant 0 : index
    tpu.barrier barrier_id(%barrier3A_69)
    "tpu.region"() ({
      %run_scoped3A = tpu.sem_alloc : memref<!tpu.dma_semaphore, #tpu.memory_space<semaphore_mem>>
      %dma_start3A_70 = arith.constant 0 : i32
      %dma_start3A_71 = tpu.memref_slice %arg5[%add3A, %dma_start3A_70] : memref<20480x128xf32, #tpu.memory_space<hbm>> -> memref<640x128xf32, #tpu.memory_space<hbm>>
      %dma_start3A_72 = arith.constant 0 : i32
      %dma_start3A_73 = tpu.memref_slice %arg10[%mul3A_4, %dma_start3A_72] : memref<10240x128xf32, #tpu.memory_space<vmem_shared>> -> memref<640x128xf32, #tpu.memory_space<vmem_shared>>
      tpu.enqueue_dma source(%dma_start3A_73 : memref<640x128xf32, #tpu.memory_space<vmem_shared>>) target(%dma_start3A_71 : memref<640x128xf32, #tpu.memory_space<hbm>>) target_semaphore(%run_scoped3A : memref<!tpu.dma_semaphore, #tpu.memory_space<semaphore_mem>>)
      %dma_wait3A_74 = arith.constant 0 : i32
      %dma_wait3A_75 = tpu.memref_slice %arg5[%add3A, %dma_wait3A_74] : memref<20480x128xf32, #tpu.memory_space<hbm>> -> memref<640x128xf32, #tpu.memory_space<hbm>>
      %dma_wait3A_76 = arith.constant 0 : i32
      %dma_wait3A_77 = tpu.memref_slice %arg10[%mul3A_4, %dma_wait3A_76] : memref<10240x128xf32, #tpu.memory_space<vmem_shared>> -> memref<640x128xf32, #tpu.memory_space<vmem_shared>>
      tpu.wait_dma2 semaphore(%run_scoped3A : memref<!tpu.dma_semaphore, #tpu.memory_space<semaphore_mem>>) src(%dma_wait3A_77 : memref<640x128xf32, #tpu.memory_space<vmem_shared>>) dst(%dma_wait3A_75 : memref<640x128xf32, #tpu.memory_space<hbm>>)
      tpu.yield
    }) : () -> ()
    return
  }
}

#map = affine_map<(d0, d1) -> (0, 0)>
module attributes {stable_mosaic.version = 14 : i64} {
  func.func @_agg_body(%arg0: i32, %arg1: i32, %arg2: memref<20480x128xf32, #tpu.memory_space<hbm>>, %arg3: memref<5120x128xi32, #tpu.memory_space<hbm>>, %arg4: memref<2560x128xi32, #tpu.memory_space<hbm>>, %arg5: memref<20480x128xf32, #tpu.memory_space<hbm>>, %arg6: memref<2x8x128xi32, #tpu.memory_space<vmem>>, %arg7: memref<2x8x128xi32, #tpu.memory_space<vmem>>, %arg8: memref<128x128xf32, #tpu.memory_space<vmem>>, %arg9: memref<128x128xf32, #tpu.memory_space<vmem>>, %arg10: memref<10240x128xf32, #tpu.memory_space<vmem_shared>>, %arg11: memref<!tpu.dma_semaphore, #tpu.memory_space<semaphore_mem>>, %arg12: memref<!tpu.dma_semaphore, #tpu.memory_space<semaphore_mem>>, %arg13: memref<!tpu.dma_semaphore, #tpu.memory_space<semaphore_mem>>, %arg14: memref<!tpu.dma_semaphore, #tpu.memory_space<semaphore_mem>>, %arg15: memref<!tpu.dma_semaphore, #tpu.memory_space<semaphore_mem>>, %arg16: memref<!tpu.dma_semaphore, #tpu.memory_space<semaphore_mem>>) attributes {dimension_semantics = [#tpu.dimension_semantics<core_parallel>, #tpu.dimension_semantics<subcore_parallel>], iteration_bounds = array<i64: 2, 16>, scalar_prefetch = 0 : i64, scratch_operands = 11 : i64, tpu.core_type = #tpu.core_type<sc_vector_subcore>, window_params = [{transform_indices = #map}, {transform_indices = #map}, {transform_indices = #map}, {transform_indices = #map}]} {
    %mul3A = arith.constant 10240 : i32
    %mul3A_0 = arith.muli %arg0, %mul3A : i32
    %mul3A_1 = arith.constant 640 : i32
    %mul3A_2 = arith.muli %arg1, %mul3A_1 : i32
    %add3A = arith.addi %mul3A_0, %mul3A_2 : i32
    %mul3A_3 = arith.constant 640 : i32
    %mul3A_4 = arith.muli %arg1, %mul3A_3 : i32
    %mul3A_5 = arith.constant 2560 : i32
    %mul3A_6 = arith.muli %arg0, %mul3A_5 : i32
    %mul3A_7 = arith.constant 160 : i32
    %mul3A_8 = arith.muli %arg1, %mul3A_7 : i32
    %add3A_9 = arith.addi %mul3A_6, %mul3A_8 : i32
    %mul3A_10 = arith.constant 160 : i32
    %mul3A_11 = arith.muli %arg1, %mul3A_10 : i32
    "tpu.region"() ({
      %run_scoped3A = tpu.sem_alloc : memref<!tpu.dma_semaphore, #tpu.memory_space<semaphore_mem>>
      %dma_start3A_70 = arith.constant 0 : i32
      %dma_start3A_71 = tpu.memref_slice %arg10[%mul3A_4, %dma_start3A_70] : memref<10240x128xf32, #tpu.memory_space<vmem_shared>> -> memref<640x128xf32, #tpu.memory_space<vmem_shared>>
      %dma_start3A_72 = arith.constant 0 : i32
      %dma_start3A_73 = tpu.memref_slice %arg2[%add3A, %dma_start3A_72] : memref<20480x128xf32, #tpu.memory_space<hbm>> -> memref<640x128xf32, #tpu.memory_space<hbm>>
      tpu.enqueue_dma source(%dma_start3A_73 : memref<640x128xf32, #tpu.memory_space<hbm>>) target(%dma_start3A_71 : memref<640x128xf32, #tpu.memory_space<vmem_shared>>) target_semaphore(%run_scoped3A : memref<!tpu.dma_semaphore, #tpu.memory_space<semaphore_mem>>)
      %dma_wait3A_74 = arith.constant 0 : i32
      %dma_wait3A_75 = tpu.memref_slice %arg10[%mul3A_4, %dma_wait3A_74] : memref<10240x128xf32, #tpu.memory_space<vmem_shared>> -> memref<640x128xf32, #tpu.memory_space<vmem_shared>>
      %dma_wait3A_76 = arith.constant 0 : i32
      %dma_wait3A_77 = tpu.memref_slice %arg2[%add3A, %dma_wait3A_76] : memref<20480x128xf32, #tpu.memory_space<hbm>> -> memref<640x128xf32, #tpu.memory_space<hbm>>
      tpu.wait_dma2 semaphore(%run_scoped3A : memref<!tpu.dma_semaphore, #tpu.memory_space<semaphore_mem>>) src(%dma_wait3A_77 : memref<640x128xf32, #tpu.memory_space<hbm>>) dst(%dma_wait3A_75 : memref<640x128xf32, #tpu.memory_space<vmem_shared>>)
      tpu.yield
    }) : () -> ()
    %add3A_12 = arith.constant 0 : i32
    %add3A_13 = arith.addi %add3A_9, %add3A_12 : i32
    %dma_start3A = arith.constant 0 : i32
    %dma_start3A_14 = arith.constant 0 : i32
    %dma_start3A_15 = arith.constant 0 : i32
    %dma_start3A_16 = tpu.memref_slice %arg6[%dma_start3A, %dma_start3A_14, %dma_start3A_15] : memref<2x8x128xi32, #tpu.memory_space<vmem>> -> memref<1x8x128xi32, #tpu.memory_space<vmem>>
    %dma_start3A_17 = tpu.memref_squeeze %dma_start3A_16 : memref<1x8x128xi32, #tpu.memory_space<vmem>> -> memref<8x128xi32, #tpu.memory_space<vmem>>
    %dma_start3A_18 = arith.constant 0 : i32
    %dma_start3A_19 = tpu.memref_slice %arg3[%add3A_13, %dma_start3A_18] : memref<5120x128xi32, #tpu.memory_space<hbm>> -> memref<8x128xi32, #tpu.memory_space<hbm>>
    %dma_start3A_20 = arith.constant 0 : i32
    %dma_start3A_21 = arith.constant 0 : i32
    %dma_start3A_22 = tpu.memref_slice %arg6[%dma_start3A, %dma_start3A_20, %dma_start3A_21] : memref<2x8x128xi32, #tpu.memory_space<vmem>> -> memref<1x8x128xi32, #tpu.memory_space<vmem>>
    %dma_start3A_23 = tpu.memref_squeeze %dma_start3A_22 : memref<1x8x128xi32, #tpu.memory_space<vmem>> -> memref<8x128xi32, #tpu.memory_space<vmem>>
    %dma_start3A_24 = arith.constant 0 : i32
    %dma_start3A_25 = tpu.memref_slice %arg3[%add3A_13, %dma_start3A_24] : memref<5120x128xi32, #tpu.memory_space<hbm>> -> memref<8x128xi32, #tpu.memory_space<hbm>>
    tpu.enqueue_dma source(%dma_start3A_25 : memref<8x128xi32, #tpu.memory_space<hbm>>) target(%dma_start3A_23 : memref<8x128xi32, #tpu.memory_space<vmem>>) target_semaphore(%arg15 : memref<!tpu.dma_semaphore, #tpu.memory_space<semaphore_mem>>)
    %add3A_26 = arith.constant 0 : i32
    %add3A_27 = arith.addi %mul3A_11, %add3A_26 : i32
    %dma_start3A_28 = arith.constant 0 : i32
    %dma_start3A_29 = arith.constant 0 : i32
    %dma_start3A_30 = arith.constant 0 : i32
    %dma_start3A_31 = tpu.memref_slice %arg7[%dma_start3A_28, %dma_start3A_29, %dma_start3A_30] : memref<2x8x128xi32, #tpu.memory_space<vmem>> -> memref<1x8x128xi32, #tpu.memory_space<vmem>>
    %dma_start3A_32 = tpu.memref_squeeze %dma_start3A_31 : memref<1x8x128xi32, #tpu.memory_space<vmem>> -> memref<8x128xi32, #tpu.memory_space<vmem>>
    %dma_start3A_33 = arith.constant 0 : i32
    %dma_start3A_34 = tpu.memref_slice %arg4[%add3A_27, %dma_start3A_33] : memref<2560x128xi32, #tpu.memory_space<hbm>> -> memref<8x128xi32, #tpu.memory_space<hbm>>
    %dma_start3A_35 = arith.constant 0 : i32
    %dma_start3A_36 = arith.constant 0 : i32
    %dma_start3A_37 = tpu.memref_slice %arg7[%dma_start3A_28, %dma_start3A_35, %dma_start3A_36] : memref<2x8x128xi32, #tpu.memory_space<vmem>> -> memref<1x8x128xi32, #tpu.memory_space<vmem>>
    %dma_start3A_38 = tpu.memref_squeeze %dma_start3A_37 : memref<1x8x128xi32, #tpu.memory_space<vmem>> -> memref<8x128xi32, #tpu.memory_space<vmem>>
    %dma_start3A_39 = arith.constant 0 : i32
    %dma_start3A_40 = tpu.memref_slice %arg4[%add3A_27, %dma_start3A_39] : memref<2560x128xi32, #tpu.memory_space<hbm>> -> memref<8x128xi32, #tpu.memory_space<hbm>>
    tpu.enqueue_dma source(%dma_start3A_40 : memref<8x128xi32, #tpu.memory_space<hbm>>) target(%dma_start3A_38 : memref<8x128xi32, #tpu.memory_space<vmem>>) target_semaphore(%arg15 : memref<!tpu.dma_semaphore, #tpu.memory_space<semaphore_mem>>)
    %barrier3A = arith.constant 0 : index
    tpu.barrier barrier_id(%barrier3A)
    %scan3A = arith.constant 0 : i32
    %scan3A_41 = arith.constant 0 : i32
    %scan3A_42 = arith.constant 10 : i32
    %scan3A_43 = arith.addi %scan3A_41, %scan3A_42 : i32
    %scan3A_44 = arith.constant 1 : i32
    scf.for %scan3A_70 = %scan3A_41 to %scan3A_43 step %scan3A_44  : i32 {
      %mul3A_71 = arith.constant 16 : i32
      %mul3A_72 = arith.muli %mul3A_71, %scan3A_70 : i32
      %gt3A = arith.constant 0 : i32
      %gt3A_73 = arith.cmpi sgt, %scan3A_70, %gt3A : i32
      %convert_element_type3A = arith.extui %gt3A_73 : i1 to i32
      %cond3A = arith.constant 0 : i32
      %cond3A_74 = arith.cmpi ne, %convert_element_type3A, %cond3A : i32
      scf.if %cond3A_74 {
        %dma_wait3A_916 = arith.constant 1 : i32
        %dma_wait3A_917 = arith.constant 6 : i32
        %dma_wait3A_918 = arith.constant 0 : i32
        %dma_wait3A_919 = arith.constant 0 : i32
        %dma_wait3A_920 = tpu.memref_slice %arg7[%dma_wait3A_916, %dma_wait3A_918, %dma_wait3A_919] : memref<2x8x128xi32, #tpu.memory_space<vmem>> -> memref<1x8x128xi32, #tpu.memory_space<vmem>>
        %dma_wait3A_921 = tpu.memref_squeeze %dma_wait3A_920 : memref<1x8x128xi32, #tpu.memory_space<vmem>> -> memref<8x128xi32, #tpu.memory_space<vmem>>
        %dma_wait3A_922 = arith.constant 0 : i32
        %dma_wait3A_923 = tpu.memref_slice %dma_wait3A_921[%dma_wait3A_917, %dma_wait3A_922] : memref<8x128xi32, #tpu.memory_space<vmem>> -> memref<1x128xi32, #tpu.memory_space<vmem>>
        %dma_wait3A_924 = tpu.memref_squeeze %dma_wait3A_923 : memref<1x128xi32, #tpu.memory_space<vmem>> -> memref<128xi32, #tpu.memory_space<vmem>>
        %dma_wait3A_925 = arith.constant 0 : i32
        %dma_wait3A_926 = arith.constant 0 : i32
        %dma_wait3A_927 = tpu.memref_slice %arg10[%dma_wait3A_925, %dma_wait3A_926] : memref<10240x128xf32, #tpu.memory_space<vmem_shared>> -> memref<10240x128xf32, #tpu.memory_space<vmem_shared>>
        tpu.wait_indirect_dma semaphore(%arg13 : memref<!tpu.dma_semaphore, #tpu.memory_space<semaphore_mem>>) src(%arg8 : memref<128x128xf32, #tpu.memory_space<vmem>>) dst(%dma_wait3A_927 : memref<10240x128xf32, #tpu.memory_space<vmem_shared>>)
      } else {
      }
      %add3A_75 = arith.addi %add3A_9, %mul3A_72 : i32
      %dma_wait3A_76 = arith.constant 0 : i32
      %dma_wait3A_77 = arith.constant 0 : i32
      %dma_wait3A_78 = arith.constant 0 : i32
      %dma_wait3A_79 = tpu.memref_slice %arg6[%dma_wait3A_76, %dma_wait3A_77, %dma_wait3A_78] : memref<2x8x128xi32, #tpu.memory_space<vmem>> -> memref<1x8x128xi32, #tpu.memory_space<vmem>>
      %dma_wait3A_80 = tpu.memref_squeeze %dma_wait3A_79 : memref<1x8x128xi32, #tpu.memory_space<vmem>> -> memref<8x128xi32, #tpu.memory_space<vmem>>
      %dma_wait3A_81 = arith.constant 0 : i32
      %dma_wait3A_82 = tpu.memref_slice %arg3[%add3A_75, %dma_wait3A_81] : memref<5120x128xi32, #tpu.memory_space<hbm>> -> memref<8x128xi32, #tpu.memory_space<hbm>>
      %dma_wait3A_83 = arith.constant 0 : i32
      %dma_wait3A_84 = arith.constant 0 : i32
      %dma_wait3A_85 = tpu.memref_slice %arg6[%dma_wait3A_76, %dma_wait3A_83, %dma_wait3A_84] : memref<2x8x128xi32, #tpu.memory_space<vmem>> -> memref<1x8x128xi32, #tpu.memory_space<vmem>>
      %dma_wait3A_86 = tpu.memref_squeeze %dma_wait3A_85 : memref<1x8x128xi32, #tpu.memory_space<vmem>> -> memref<8x128xi32, #tpu.memory_space<vmem>>
      %dma_wait3A_87 = arith.constant 0 : i32
      %dma_wait3A_88 = tpu.memref_slice %arg3[%add3A_75, %dma_wait3A_87] : memref<5120x128xi32, #tpu.memory_space<hbm>> -> memref<8x128xi32, #tpu.memory_space<hbm>>
      tpu.wait_dma2 semaphore(%arg15 : memref<!tpu.dma_semaphore, #tpu.memory_space<semaphore_mem>>) src(%dma_wait3A_88 : memref<8x128xi32, #tpu.memory_space<hbm>>) dst(%dma_wait3A_86 : memref<8x128xi32, #tpu.memory_space<vmem>>)
      %add3A_89 = arith.addi %mul3A_11, %mul3A_72 : i32
      %dma_wait3A_90 = arith.constant 0 : i32
      %dma_wait3A_91 = arith.constant 0 : i32
      %dma_wait3A_92 = arith.constant 0 : i32
      %dma_wait3A_93 = tpu.memref_slice %arg7[%dma_wait3A_90, %dma_wait3A_91, %dma_wait3A_92] : memref<2x8x128xi32, #tpu.memory_space<vmem>> -> memref<1x8x128xi32, #tpu.memory_space<vmem>>
      %dma_wait3A_94 = tpu.memref_squeeze %dma_wait3A_93 : memref<1x8x128xi32, #tpu.memory_space<vmem>> -> memref<8x128xi32, #tpu.memory_space<vmem>>
      %dma_wait3A_95 = arith.constant 0 : i32
      %dma_wait3A_96 = tpu.memref_slice %arg4[%add3A_89, %dma_wait3A_95] : memref<2560x128xi32, #tpu.memory_space<hbm>> -> memref<8x128xi32, #tpu.memory_space<hbm>>
      %dma_wait3A_97 = arith.constant 0 : i32
      %dma_wait3A_98 = arith.constant 0 : i32
      %dma_wait3A_99 = tpu.memref_slice %arg7[%dma_wait3A_90, %dma_wait3A_97, %dma_wait3A_98] : memref<2x8x128xi32, #tpu.memory_space<vmem>> -> memref<1x8x128xi32, #tpu.memory_space<vmem>>
      %dma_wait3A_100 = tpu.memref_squeeze %dma_wait3A_99 : memref<1x8x128xi32, #tpu.memory_space<vmem>> -> memref<8x128xi32, #tpu.memory_space<vmem>>
      %dma_wait3A_101 = arith.constant 0 : i32
      %dma_wait3A_102 = tpu.memref_slice %arg4[%add3A_89, %dma_wait3A_101] : memref<2560x128xi32, #tpu.memory_space<hbm>> -> memref<8x128xi32, #tpu.memory_space<hbm>>
      tpu.wait_dma2 semaphore(%arg15 : memref<!tpu.dma_semaphore, #tpu.memory_space<semaphore_mem>>) src(%dma_wait3A_102 : memref<8x128xi32, #tpu.memory_space<hbm>>) dst(%dma_wait3A_100 : memref<8x128xi32, #tpu.memory_space<vmem>>)
      %dma_start3A_103 = arith.constant 0 : i32
      %dma_start3A_104 = arith.constant 0 : i32
      %dma_start3A_105 = arith.constant 0 : i32
      %dma_start3A_106 = arith.constant 0 : i32
      %dma_start3A_107 = tpu.memref_slice %arg6[%dma_start3A_103, %dma_start3A_105, %dma_start3A_106] : memref<2x8x128xi32, #tpu.memory_space<vmem>> -> memref<1x8x128xi32, #tpu.memory_space<vmem>>
      %dma_start3A_108 = tpu.memref_squeeze %dma_start3A_107 : memref<1x8x128xi32, #tpu.memory_space<vmem>> -> memref<8x128xi32, #tpu.memory_space<vmem>>
      %dma_start3A_109 = arith.constant 0 : i32
      %dma_start3A_110 = tpu.memref_slice %dma_start3A_108[%dma_start3A_104, %dma_start3A_109] : memref<8x128xi32, #tpu.memory_space<vmem>> -> memref<1x128xi32, #tpu.memory_space<vmem>>
      %dma_start3A_111 = tpu.memref_squeeze %dma_start3A_110 : memref<1x128xi32, #tpu.memory_space<vmem>> -> memref<128xi32, #tpu.memory_space<vmem>>
      %dma_start3A_112 = arith.constant 0 : i32
      %dma_start3A_113 = arith.constant 0 : i32
      %dma_start3A_114 = tpu.memref_slice %arg2[%dma_start3A_112, %dma_start3A_113] : memref<20480x128xf32, #tpu.memory_space<hbm>> -> memref<20480x128xf32, #tpu.memory_space<hbm>>
      tpu.enqueue_indirect_dma source(%dma_start3A_114 : memref<20480x128xf32, #tpu.memory_space<hbm>>) target(%arg8 : memref<128x128xf32, #tpu.memory_space<vmem>>) offsets(%dma_start3A_111 : memref<128xi32, #tpu.memory_space<vmem>>) semaphore(%arg11 : memref<!tpu.dma_semaphore, #tpu.memory_space<semaphore_mem>>)
      %gt3A_115 = arith.constant 0 : i32
      %gt3A_116 = arith.cmpi sgt, %scan3A_70, %gt3A_115 : i32
      %convert_element_type3A_117 = arith.extui %gt3A_116 : i1 to i32
      %cond3A_118 = arith.constant 0 : i32
      %cond3A_119 = arith.cmpi ne, %convert_element_type3A_117, %cond3A_118 : i32
      scf.if %cond3A_119 {
        %dma_wait3A_916 = arith.constant 1 : i32
        %dma_wait3A_917 = arith.constant 7 : i32
        %dma_wait3A_918 = arith.constant 0 : i32
        %dma_wait3A_919 = arith.constant 0 : i32
        %dma_wait3A_920 = tpu.memref_slice %arg7[%dma_wait3A_916, %dma_wait3A_918, %dma_wait3A_919] : memref<2x8x128xi32, #tpu.memory_space<vmem>> -> memref<1x8x128xi32, #tpu.memory_space<vmem>>
        %dma_wait3A_921 = tpu.memref_squeeze %dma_wait3A_920 : memref<1x8x128xi32, #tpu.memory_space<vmem>> -> memref<8x128xi32, #tpu.memory_space<vmem>>
        %dma_wait3A_922 = arith.constant 0 : i32
        %dma_wait3A_923 = tpu.memref_slice %dma_wait3A_921[%dma_wait3A_917, %dma_wait3A_922] : memref<8x128xi32, #tpu.memory_space<vmem>> -> memref<1x128xi32, #tpu.memory_space<vmem>>
        %dma_wait3A_924 = tpu.memref_squeeze %dma_wait3A_923 : memref<1x128xi32, #tpu.memory_space<vmem>> -> memref<128xi32, #tpu.memory_space<vmem>>
        %dma_wait3A_925 = arith.constant 0 : i32
        %dma_wait3A_926 = arith.constant 0 : i32
        %dma_wait3A_927 = tpu.memref_slice %arg10[%dma_wait3A_925, %dma_wait3A_926] : memref<10240x128xf32, #tpu.memory_space<vmem_shared>> -> memref<10240x128xf32, #tpu.memory_space<vmem_shared>>
        tpu.wait_indirect_dma semaphore(%arg14 : memref<!tpu.dma_semaphore, #tpu.memory_space<semaphore_mem>>) src(%arg9 : memref<128x128xf32, #tpu.memory_space<vmem>>) dst(%dma_wait3A_927 : memref<10240x128xf32, #tpu.memory_space<vmem_shared>>)
      } else {
      }
      %dma_start3A_120 = arith.constant 0 : i32
      %dma_start3A_121 = arith.constant 1 : i32
      %dma_start3A_122 = arith.constant 0 : i32
      %dma_start3A_123 = arith.constant 0 : i32
      %dma_start3A_124 = tpu.memref_slice %arg6[%dma_start3A_120, %dma_start3A_122, %dma_start3A_123] : memref<2x8x128xi32, #tpu.memory_space<vmem>> -> memref<1x8x128xi32, #tpu.memory_space<vmem>>
      %dma_start3A_125 = tpu.memref_squeeze %dma_start3A_124 : memref<1x8x128xi32, #tpu.memory_space<vmem>> -> memref<8x128xi32, #tpu.memory_space<vmem>>
      %dma_start3A_126 = arith.constant 0 : i32
      %dma_start3A_127 = tpu.memref_slice %dma_start3A_125[%dma_start3A_121, %dma_start3A_126] : memref<8x128xi32, #tpu.memory_space<vmem>> -> memref<1x128xi32, #tpu.memory_space<vmem>>
      %dma_start3A_128 = tpu.memref_squeeze %dma_start3A_127 : memref<1x128xi32, #tpu.memory_space<vmem>> -> memref<128xi32, #tpu.memory_space<vmem>>
      %dma_start3A_129 = arith.constant 0 : i32
      %dma_start3A_130 = arith.constant 0 : i32
      %dma_start3A_131 = tpu.memref_slice %arg2[%dma_start3A_129, %dma_start3A_130] : memref<20480x128xf32, #tpu.memory_space<hbm>> -> memref<20480x128xf32, #tpu.memory_space<hbm>>
      tpu.enqueue_indirect_dma source(%dma_start3A_131 : memref<20480x128xf32, #tpu.memory_space<hbm>>) target(%arg9 : memref<128x128xf32, #tpu.memory_space<vmem>>) offsets(%dma_start3A_128 : memref<128xi32, #tpu.memory_space<vmem>>) semaphore(%arg12 : memref<!tpu.dma_semaphore, #tpu.memory_space<semaphore_mem>>)
      %dma_wait3A_132 = arith.constant 0 : i32
      %dma_wait3A_133 = arith.constant 0 : i32
      %dma_wait3A_134 = arith.constant 0 : i32
      %dma_wait3A_135 = arith.constant 0 : i32
      %dma_wait3A_136 = tpu.memref_slice %arg6[%dma_wait3A_132, %dma_wait3A_134, %dma_wait3A_135] : memref<2x8x128xi32, #tpu.memory_space<vmem>> -> memref<1x8x128xi32, #tpu.memory_space<vmem>>
      %dma_wait3A_137 = tpu.memref_squeeze %dma_wait3A_136 : memref<1x8x128xi32, #tpu.memory_space<vmem>> -> memref<8x128xi32, #tpu.memory_space<vmem>>
      %dma_wait3A_138 = arith.constant 0 : i32
      %dma_wait3A_139 = tpu.memref_slice %dma_wait3A_137[%dma_wait3A_133, %dma_wait3A_138] : memref<8x128xi32, #tpu.memory_space<vmem>> -> memref<1x128xi32, #tpu.memory_space<vmem>>
      %dma_wait3A_140 = tpu.memref_squeeze %dma_wait3A_139 : memref<1x128xi32, #tpu.memory_space<vmem>> -> memref<128xi32, #tpu.memory_space<vmem>>
      %dma_wait3A_141 = arith.constant 0 : i32
      %dma_wait3A_142 = arith.constant 0 : i32
      %dma_wait3A_143 = tpu.memref_slice %arg2[%dma_wait3A_141, %dma_wait3A_142] : memref<20480x128xf32, #tpu.memory_space<hbm>> -> memref<20480x128xf32, #tpu.memory_space<hbm>>
      tpu.wait_indirect_dma semaphore(%arg11 : memref<!tpu.dma_semaphore, #tpu.memory_space<semaphore_mem>>) src(%dma_wait3A_143 : memref<20480x128xf32, #tpu.memory_space<hbm>>) dst(%arg8 : memref<128x128xf32, #tpu.memory_space<vmem>>)
      %dma_start3A_144 = arith.constant 0 : i32
      %dma_start3A_145 = arith.constant 0 : i32
      %dma_start3A_146 = arith.constant 0 : i32
      %dma_start3A_147 = arith.constant 0 : i32
      %dma_start3A_148 = tpu.memref_slice %arg7[%dma_start3A_144, %dma_start3A_146, %dma_start3A_147] : memref<2x8x128xi32, #tpu.memory_space<vmem>> -> memref<1x8x128xi32, #tpu.memory_space<vmem>>
      %dma_start3A_149 = tpu.memref_squeeze %dma_start3A_148 : memref<1x8x128xi32, #tpu.memory_space<vmem>> -> memref<8x128xi32, #tpu.memory_space<vmem>>
      %dma_start3A_150 = arith.constant 0 : i32
      %dma_start3A_151 = tpu.memref_slice %dma_start3A_149[%dma_start3A_145, %dma_start3A_150] : memref<8x128xi32, #tpu.memory_space<vmem>> -> memref<1x128xi32, #tpu.memory_space<vmem>>
      %dma_start3A_152 = tpu.memref_squeeze %dma_start3A_151 : memref<1x128xi32, #tpu.memory_space<vmem>> -> memref<128xi32, #tpu.memory_space<vmem>>
      %dma_start3A_153 = arith.constant 0 : i32
      %dma_start3A_154 = arith.constant 0 : i32
      %dma_start3A_155 = tpu.memref_slice %arg10[%dma_start3A_153, %dma_start3A_154] : memref<10240x128xf32, #tpu.memory_space<vmem_shared>> -> memref<10240x128xf32, #tpu.memory_space<vmem_shared>>
      tpu.enqueue_indirect_dma source(%arg8 : memref<128x128xf32, #tpu.memory_space<vmem>>) target(%dma_start3A_155 : memref<10240x128xf32, #tpu.memory_space<vmem_shared>>) offsets(%dma_start3A_152 : memref<128xi32, #tpu.memory_space<vmem>>) semaphore(%arg13 : memref<!tpu.dma_semaphore, #tpu.memory_space<semaphore_mem>>) {add = true}
      %dma_wait3A_156 = arith.constant 0 : i32
      %dma_wait3A_157 = arith.constant 0 : i32
      %dma_wait3A_158 = arith.constant 0 : i32
      %dma_wait3A_159 = arith.constant 0 : i32
      %dma_wait3A_160 = tpu.memref_slice %arg7[%dma_wait3A_156, %dma_wait3A_158, %dma_wait3A_159] : memref<2x8x128xi32, #tpu.memory_space<vmem>> -> memref<1x8x128xi32, #tpu.memory_space<vmem>>
      %dma_wait3A_161 = tpu.memref_squeeze %dma_wait3A_160 : memref<1x8x128xi32, #tpu.memory_space<vmem>> -> memref<8x128xi32, #tpu.memory_space<vmem>>
      %dma_wait3A_162 = arith.constant 0 : i32
      %dma_wait3A_163 = tpu.memref_slice %dma_wait3A_161[%dma_wait3A_157, %dma_wait3A_162] : memref<8x128xi32, #tpu.memory_space<vmem>> -> memref<1x128xi32, #tpu.memory_space<vmem>>
      %dma_wait3A_164 = tpu.memref_squeeze %dma_wait3A_163 : memref<1x128xi32, #tpu.memory_space<vmem>> -> memref<128xi32, #tpu.memory_space<vmem>>
      %dma_wait3A_165 = arith.constant 0 : i32
      %dma_wait3A_166 = arith.constant 0 : i32
      %dma_wait3A_167 = tpu.memref_slice %arg10[%dma_wait3A_165, %dma_wait3A_166] : memref<10240x128xf32, #tpu.memory_space<vmem_shared>> -> memref<10240x128xf32, #tpu.memory_space<vmem_shared>>
      tpu.wait_indirect_dma semaphore(%arg13 : memref<!tpu.dma_semaphore, #tpu.memory_space<semaphore_mem>>) src(%arg8 : memref<128x128xf32, #tpu.memory_space<vmem>>) dst(%dma_wait3A_167 : memref<10240x128xf32, #tpu.memory_space<vmem_shared>>)
      %dma_start3A_168 = arith.constant 0 : i32
      %dma_start3A_169 = arith.constant 2 : i32
      %dma_start3A_170 = arith.constant 0 : i32
      %dma_start3A_171 = arith.constant 0 : i32
      %dma_start3A_172 = tpu.memref_slice %arg6[%dma_start3A_168, %dma_start3A_170, %dma_start3A_171] : memref<2x8x128xi32, #tpu.memory_space<vmem>> -> memref<1x8x128xi32, #tpu.memory_space<vmem>>
      %dma_start3A_173 = tpu.memref_squeeze %dma_start3A_172 : memref<1x8x128xi32, #tpu.memory_space<vmem>> -> memref<8x128xi32, #tpu.memory_space<vmem>>
      %dma_start3A_174 = arith.constant 0 : i32
      %dma_start3A_175 = tpu.memref_slice %dma_start3A_173[%dma_start3A_169, %dma_start3A_174] : memref<8x128xi32, #tpu.memory_space<vmem>> -> memref<1x128xi32, #tpu.memory_space<vmem>>
      %dma_start3A_176 = tpu.memref_squeeze %dma_start3A_175 : memref<1x128xi32, #tpu.memory_space<vmem>> -> memref<128xi32, #tpu.memory_space<vmem>>
      %dma_start3A_177 = arith.constant 0 : i32
      %dma_start3A_178 = arith.constant 0 : i32
      %dma_start3A_179 = tpu.memref_slice %arg2[%dma_start3A_177, %dma_start3A_178] : memref<20480x128xf32, #tpu.memory_space<hbm>> -> memref<20480x128xf32, #tpu.memory_space<hbm>>
      tpu.enqueue_indirect_dma source(%dma_start3A_179 : memref<20480x128xf32, #tpu.memory_space<hbm>>) target(%arg8 : memref<128x128xf32, #tpu.memory_space<vmem>>) offsets(%dma_start3A_176 : memref<128xi32, #tpu.memory_space<vmem>>) semaphore(%arg11 : memref<!tpu.dma_semaphore, #tpu.memory_space<semaphore_mem>>)
      %dma_wait3A_180 = arith.constant 0 : i32
      %dma_wait3A_181 = arith.constant 1 : i32
      %dma_wait3A_182 = arith.constant 0 : i32
      %dma_wait3A_183 = arith.constant 0 : i32
      %dma_wait3A_184 = tpu.memref_slice %arg6[%dma_wait3A_180, %dma_wait3A_182, %dma_wait3A_183] : memref<2x8x128xi32, #tpu.memory_space<vmem>> -> memref<1x8x128xi32, #tpu.memory_space<vmem>>
      %dma_wait3A_185 = tpu.memref_squeeze %dma_wait3A_184 : memref<1x8x128xi32, #tpu.memory_space<vmem>> -> memref<8x128xi32, #tpu.memory_space<vmem>>
      %dma_wait3A_186 = arith.constant 0 : i32
      %dma_wait3A_187 = tpu.memref_slice %dma_wait3A_185[%dma_wait3A_181, %dma_wait3A_186] : memref<8x128xi32, #tpu.memory_space<vmem>> -> memref<1x128xi32, #tpu.memory_space<vmem>>
      %dma_wait3A_188 = tpu.memref_squeeze %dma_wait3A_187 : memref<1x128xi32, #tpu.memory_space<vmem>> -> memref<128xi32, #tpu.memory_space<vmem>>
      %dma_wait3A_189 = arith.constant 0 : i32
      %dma_wait3A_190 = arith.constant 0 : i32
      %dma_wait3A_191 = tpu.memref_slice %arg2[%dma_wait3A_189, %dma_wait3A_190] : memref<20480x128xf32, #tpu.memory_space<hbm>> -> memref<20480x128xf32, #tpu.memory_space<hbm>>
      tpu.wait_indirect_dma semaphore(%arg12 : memref<!tpu.dma_semaphore, #tpu.memory_space<semaphore_mem>>) src(%dma_wait3A_191 : memref<20480x128xf32, #tpu.memory_space<hbm>>) dst(%arg9 : memref<128x128xf32, #tpu.memory_space<vmem>>)
      %dma_start3A_192 = arith.constant 0 : i32
      %dma_start3A_193 = arith.constant 1 : i32
      %dma_start3A_194 = arith.constant 0 : i32
      %dma_start3A_195 = arith.constant 0 : i32
      %dma_start3A_196 = tpu.memref_slice %arg7[%dma_start3A_192, %dma_start3A_194, %dma_start3A_195] : memref<2x8x128xi32, #tpu.memory_space<vmem>> -> memref<1x8x128xi32, #tpu.memory_space<vmem>>
      %dma_start3A_197 = tpu.memref_squeeze %dma_start3A_196 : memref<1x8x128xi32, #tpu.memory_space<vmem>> -> memref<8x128xi32, #tpu.memory_space<vmem>>
      %dma_start3A_198 = arith.constant 0 : i32
      %dma_start3A_199 = tpu.memref_slice %dma_start3A_197[%dma_start3A_193, %dma_start3A_198] : memref<8x128xi32, #tpu.memory_space<vmem>> -> memref<1x128xi32, #tpu.memory_space<vmem>>
      %dma_start3A_200 = tpu.memref_squeeze %dma_start3A_199 : memref<1x128xi32, #tpu.memory_space<vmem>> -> memref<128xi32, #tpu.memory_space<vmem>>
      %dma_start3A_201 = arith.constant 0 : i32
      %dma_start3A_202 = arith.constant 0 : i32
      %dma_start3A_203 = tpu.memref_slice %arg10[%dma_start3A_201, %dma_start3A_202] : memref<10240x128xf32, #tpu.memory_space<vmem_shared>> -> memref<10240x128xf32, #tpu.memory_space<vmem_shared>>
      tpu.enqueue_indirect_dma source(%arg9 : memref<128x128xf32, #tpu.memory_space<vmem>>) target(%dma_start3A_203 : memref<10240x128xf32, #tpu.memory_space<vmem_shared>>) offsets(%dma_start3A_200 : memref<128xi32, #tpu.memory_space<vmem>>) semaphore(%arg14 : memref<!tpu.dma_semaphore, #tpu.memory_space<semaphore_mem>>) {add = true}
      %add3A_204 = arith.constant 8 : i32
      %add3A_205 = arith.addi %mul3A_72, %add3A_204 : i32
      %add3A_206 = arith.addi %add3A_9, %add3A_205 : i32
      %dma_start3A_207 = arith.constant 1 : i32
      %dma_start3A_208 = arith.constant 0 : i32
      %dma_start3A_209 = arith.constant 0 : i32
      %dma_start3A_210 = tpu.memref_slice %arg6[%dma_start3A_207, %dma_start3A_208, %dma_start3A_209] : memref<2x8x128xi32, #tpu.memory_space<vmem>> -> memref<1x8x128xi32, #tpu.memory_space<vmem>>
      %dma_start3A_211 = tpu.memref_squeeze %dma_start3A_210 : memref<1x8x128xi32, #tpu.memory_space<vmem>> -> memref<8x128xi32, #tpu.memory_space<vmem>>
      %dma_start3A_212 = arith.constant 0 : i32
      %dma_start3A_213 = tpu.memref_slice %arg3[%add3A_206, %dma_start3A_212] : memref<5120x128xi32, #tpu.memory_space<hbm>> -> memref<8x128xi32, #tpu.memory_space<hbm>>
      %dma_start3A_214 = arith.constant 0 : i32
      %dma_start3A_215 = arith.constant 0 : i32
      %dma_start3A_216 = tpu.memref_slice %arg6[%dma_start3A_207, %dma_start3A_214, %dma_start3A_215] : memref<2x8x128xi32, #tpu.memory_space<vmem>> -> memref<1x8x128xi32, #tpu.memory_space<vmem>>
      %dma_start3A_217 = tpu.memref_squeeze %dma_start3A_216 : memref<1x8x128xi32, #tpu.memory_space<vmem>> -> memref<8x128xi32, #tpu.memory_space<vmem>>
      %dma_start3A_218 = arith.constant 0 : i32
      %dma_start3A_219 = tpu.memref_slice %arg3[%add3A_206, %dma_start3A_218] : memref<5120x128xi32, #tpu.memory_space<hbm>> -> memref<8x128xi32, #tpu.memory_space<hbm>>
      tpu.enqueue_dma source(%dma_start3A_219 : memref<8x128xi32, #tpu.memory_space<hbm>>) target(%dma_start3A_217 : memref<8x128xi32, #tpu.memory_space<vmem>>) target_semaphore(%arg16 : memref<!tpu.dma_semaphore, #tpu.memory_space<semaphore_mem>>)
      %add3A_220 = arith.addi %mul3A_11, %add3A_205 : i32
      %dma_start3A_221 = arith.constant 1 : i32
      %dma_start3A_222 = arith.constant 0 : i32
      %dma_start3A_223 = arith.constant 0 : i32
      %dma_start3A_224 = tpu.memref_slice %arg7[%dma_start3A_221, %dma_start3A_222, %dma_start3A_223] : memref<2x8x128xi32, #tpu.memory_space<vmem>> -> memref<1x8x128xi32, #tpu.memory_space<vmem>>
      %dma_start3A_225 = tpu.memref_squeeze %dma_start3A_224 : memref<1x8x128xi32, #tpu.memory_space<vmem>> -> memref<8x128xi32, #tpu.memory_space<vmem>>
      %dma_start3A_226 = arith.constant 0 : i32
      %dma_start3A_227 = tpu.memref_slice %arg4[%add3A_220, %dma_start3A_226] : memref<2560x128xi32, #tpu.memory_space<hbm>> -> memref<8x128xi32, #tpu.memory_space<hbm>>
      %dma_start3A_228 = arith.constant 0 : i32
      %dma_start3A_229 = arith.constant 0 : i32
      %dma_start3A_230 = tpu.memref_slice %arg7[%dma_start3A_221, %dma_start3A_228, %dma_start3A_229] : memref<2x8x128xi32, #tpu.memory_space<vmem>> -> memref<1x8x128xi32, #tpu.memory_space<vmem>>
      %dma_start3A_231 = tpu.memref_squeeze %dma_start3A_230 : memref<1x8x128xi32, #tpu.memory_space<vmem>> -> memref<8x128xi32, #tpu.memory_space<vmem>>
      %dma_start3A_232 = arith.constant 0 : i32
      %dma_start3A_233 = tpu.memref_slice %arg4[%add3A_220, %dma_start3A_232] : memref<2560x128xi32, #tpu.memory_space<hbm>> -> memref<8x128xi32, #tpu.memory_space<hbm>>
      tpu.enqueue_dma source(%dma_start3A_233 : memref<8x128xi32, #tpu.memory_space<hbm>>) target(%dma_start3A_231 : memref<8x128xi32, #tpu.memory_space<vmem>>) target_semaphore(%arg16 : memref<!tpu.dma_semaphore, #tpu.memory_space<semaphore_mem>>)
      %dma_wait3A_234 = arith.constant 0 : i32
      %dma_wait3A_235 = arith.constant 1 : i32
      %dma_wait3A_236 = arith.constant 0 : i32
      %dma_wait3A_237 = arith.constant 0 : i32
      %dma_wait3A_238 = tpu.memref_slice %arg7[%dma_wait3A_234, %dma_wait3A_236, %dma_wait3A_237] : memref<2x8x128xi32, #tpu.memory_space<vmem>> -> memref<1x8x128xi32, #tpu.memory_space<vmem>>
      %dma_wait3A_239 = tpu.memref_squeeze %dma_wait3A_238 : memref<1x8x128xi32, #tpu.memory_space<vmem>> -> memref<8x128xi32, #tpu.memory_space<vmem>>
      %dma_wait3A_240 = arith.constant 0 : i32
      %dma_wait3A_241 = tpu.memref_slice %dma_wait3A_239[%dma_wait3A_235, %dma_wait3A_240] : memref<8x128xi32, #tpu.memory_space<vmem>> -> memref<1x128xi32, #tpu.memory_space<vmem>>
      %dma_wait3A_242 = tpu.memref_squeeze %dma_wait3A_241 : memref<1x128xi32, #tpu.memory_space<vmem>> -> memref<128xi32, #tpu.memory_space<vmem>>
      %dma_wait3A_243 = arith.constant 0 : i32
      %dma_wait3A_244 = arith.constant 0 : i32
      %dma_wait3A_245 = tpu.memref_slice %arg10[%dma_wait3A_243, %dma_wait3A_244] : memref<10240x128xf32, #tpu.memory_space<vmem_shared>> -> memref<10240x128xf32, #tpu.memory_space<vmem_shared>>
      tpu.wait_indirect_dma semaphore(%arg14 : memref<!tpu.dma_semaphore, #tpu.memory_space<semaphore_mem>>) src(%arg9 : memref<128x128xf32, #tpu.memory_space<vmem>>) dst(%dma_wait3A_245 : memref<10240x128xf32, #tpu.memory_space<vmem_shared>>)
      %dma_start3A_246 = arith.constant 0 : i32
      %dma_start3A_247 = arith.constant 3 : i32
      %dma_start3A_248 = arith.constant 0 : i32
      %dma_start3A_249 = arith.constant 0 : i32
      %dma_start3A_250 = tpu.memref_slice %arg6[%dma_start3A_246, %dma_start3A_248, %dma_start3A_249] : memref<2x8x128xi32, #tpu.memory_space<vmem>> -> memref<1x8x128xi32, #tpu.memory_space<vmem>>
      %dma_start3A_251 = tpu.memref_squeeze %dma_start3A_250 : memref<1x8x128xi32, #tpu.memory_space<vmem>> -> memref<8x128xi32, #tpu.memory_space<vmem>>
      %dma_start3A_252 = arith.constant 0 : i32
      %dma_start3A_253 = tpu.memref_slice %dma_start3A_251[%dma_start3A_247, %dma_start3A_252] : memref<8x128xi32, #tpu.memory_space<vmem>> -> memref<1x128xi32, #tpu.memory_space<vmem>>
      %dma_start3A_254 = tpu.memref_squeeze %dma_start3A_253 : memref<1x128xi32, #tpu.memory_space<vmem>> -> memref<128xi32, #tpu.memory_space<vmem>>
      %dma_start3A_255 = arith.constant 0 : i32
      %dma_start3A_256 = arith.constant 0 : i32
      %dma_start3A_257 = tpu.memref_slice %arg2[%dma_start3A_255, %dma_start3A_256] : memref<20480x128xf32, #tpu.memory_space<hbm>> -> memref<20480x128xf32, #tpu.memory_space<hbm>>
      tpu.enqueue_indirect_dma source(%dma_start3A_257 : memref<20480x128xf32, #tpu.memory_space<hbm>>) target(%arg9 : memref<128x128xf32, #tpu.memory_space<vmem>>) offsets(%dma_start3A_254 : memref<128xi32, #tpu.memory_space<vmem>>) semaphore(%arg12 : memref<!tpu.dma_semaphore, #tpu.memory_space<semaphore_mem>>)
      %dma_wait3A_258 = arith.constant 0 : i32
      %dma_wait3A_259 = arith.constant 2 : i32
      %dma_wait3A_260 = arith.constant 0 : i32
      %dma_wait3A_261 = arith.constant 0 : i32
      %dma_wait3A_262 = tpu.memref_slice %arg6[%dma_wait3A_258, %dma_wait3A_260, %dma_wait3A_261] : memref<2x8x128xi32, #tpu.memory_space<vmem>> -> memref<1x8x128xi32, #tpu.memory_space<vmem>>
      %dma_wait3A_263 = tpu.memref_squeeze %dma_wait3A_262 : memref<1x8x128xi32, #tpu.memory_space<vmem>> -> memref<8x128xi32, #tpu.memory_space<vmem>>
      %dma_wait3A_264 = arith.constant 0 : i32
      %dma_wait3A_265 = tpu.memref_slice %dma_wait3A_263[%dma_wait3A_259, %dma_wait3A_264] : memref<8x128xi32, #tpu.memory_space<vmem>> -> memref<1x128xi32, #tpu.memory_space<vmem>>
      %dma_wait3A_266 = tpu.memref_squeeze %dma_wait3A_265 : memref<1x128xi32, #tpu.memory_space<vmem>> -> memref<128xi32, #tpu.memory_space<vmem>>
      %dma_wait3A_267 = arith.constant 0 : i32
      %dma_wait3A_268 = arith.constant 0 : i32
      %dma_wait3A_269 = tpu.memref_slice %arg2[%dma_wait3A_267, %dma_wait3A_268] : memref<20480x128xf32, #tpu.memory_space<hbm>> -> memref<20480x128xf32, #tpu.memory_space<hbm>>
      tpu.wait_indirect_dma semaphore(%arg11 : memref<!tpu.dma_semaphore, #tpu.memory_space<semaphore_mem>>) src(%dma_wait3A_269 : memref<20480x128xf32, #tpu.memory_space<hbm>>) dst(%arg8 : memref<128x128xf32, #tpu.memory_space<vmem>>)
      %dma_start3A_270 = arith.constant 0 : i32
      %dma_start3A_271 = arith.constant 2 : i32
      %dma_start3A_272 = arith.constant 0 : i32
      %dma_start3A_273 = arith.constant 0 : i32
      %dma_start3A_274 = tpu.memref_slice %arg7[%dma_start3A_270, %dma_start3A_272, %dma_start3A_273] : memref<2x8x128xi32, #tpu.memory_space<vmem>> -> memref<1x8x128xi32, #tpu.memory_space<vmem>>
      %dma_start3A_275 = tpu.memref_squeeze %dma_start3A_274 : memref<1x8x128xi32, #tpu.memory_space<vmem>> -> memref<8x128xi32, #tpu.memory_space<vmem>>
      %dma_start3A_276 = arith.constant 0 : i32
      %dma_start3A_277 = tpu.memref_slice %dma_start3A_275[%dma_start3A_271, %dma_start3A_276] : memref<8x128xi32, #tpu.memory_space<vmem>> -> memref<1x128xi32, #tpu.memory_space<vmem>>
      %dma_start3A_278 = tpu.memref_squeeze %dma_start3A_277 : memref<1x128xi32, #tpu.memory_space<vmem>> -> memref<128xi32, #tpu.memory_space<vmem>>
      %dma_start3A_279 = arith.constant 0 : i32
      %dma_start3A_280 = arith.constant 0 : i32
      %dma_start3A_281 = tpu.memref_slice %arg10[%dma_start3A_279, %dma_start3A_280] : memref<10240x128xf32, #tpu.memory_space<vmem_shared>> -> memref<10240x128xf32, #tpu.memory_space<vmem_shared>>
      tpu.enqueue_indirect_dma source(%arg8 : memref<128x128xf32, #tpu.memory_space<vmem>>) target(%dma_start3A_281 : memref<10240x128xf32, #tpu.memory_space<vmem_shared>>) offsets(%dma_start3A_278 : memref<128xi32, #tpu.memory_space<vmem>>) semaphore(%arg13 : memref<!tpu.dma_semaphore, #tpu.memory_space<semaphore_mem>>) {add = true}
      %dma_wait3A_282 = arith.constant 0 : i32
      %dma_wait3A_283 = arith.constant 2 : i32
      %dma_wait3A_284 = arith.constant 0 : i32
      %dma_wait3A_285 = arith.constant 0 : i32
      %dma_wait3A_286 = tpu.memref_slice %arg7[%dma_wait3A_282, %dma_wait3A_284, %dma_wait3A_285] : memref<2x8x128xi32, #tpu.memory_space<vmem>> -> memref<1x8x128xi32, #tpu.memory_space<vmem>>
      %dma_wait3A_287 = tpu.memref_squeeze %dma_wait3A_286 : memref<1x8x128xi32, #tpu.memory_space<vmem>> -> memref<8x128xi32, #tpu.memory_space<vmem>>
      %dma_wait3A_288 = arith.constant 0 : i32
      %dma_wait3A_289 = tpu.memref_slice %dma_wait3A_287[%dma_wait3A_283, %dma_wait3A_288] : memref<8x128xi32, #tpu.memory_space<vmem>> -> memref<1x128xi32, #tpu.memory_space<vmem>>
      %dma_wait3A_290 = tpu.memref_squeeze %dma_wait3A_289 : memref<1x128xi32, #tpu.memory_space<vmem>> -> memref<128xi32, #tpu.memory_space<vmem>>
      %dma_wait3A_291 = arith.constant 0 : i32
      %dma_wait3A_292 = arith.constant 0 : i32
      %dma_wait3A_293 = tpu.memref_slice %arg10[%dma_wait3A_291, %dma_wait3A_292] : memref<10240x128xf32, #tpu.memory_space<vmem_shared>> -> memref<10240x128xf32, #tpu.memory_space<vmem_shared>>
      tpu.wait_indirect_dma semaphore(%arg13 : memref<!tpu.dma_semaphore, #tpu.memory_space<semaphore_mem>>) src(%arg8 : memref<128x128xf32, #tpu.memory_space<vmem>>) dst(%dma_wait3A_293 : memref<10240x128xf32, #tpu.memory_space<vmem_shared>>)
      %dma_start3A_294 = arith.constant 0 : i32
      %dma_start3A_295 = arith.constant 4 : i32
      %dma_start3A_296 = arith.constant 0 : i32
      %dma_start3A_297 = arith.constant 0 : i32
      %dma_start3A_298 = tpu.memref_slice %arg6[%dma_start3A_294, %dma_start3A_296, %dma_start3A_297] : memref<2x8x128xi32, #tpu.memory_space<vmem>> -> memref<1x8x128xi32, #tpu.memory_space<vmem>>
      %dma_start3A_299 = tpu.memref_squeeze %dma_start3A_298 : memref<1x8x128xi32, #tpu.memory_space<vmem>> -> memref<8x128xi32, #tpu.memory_space<vmem>>
      %dma_start3A_300 = arith.constant 0 : i32
      %dma_start3A_301 = tpu.memref_slice %dma_start3A_299[%dma_start3A_295, %dma_start3A_300] : memref<8x128xi32, #tpu.memory_space<vmem>> -> memref<1x128xi32, #tpu.memory_space<vmem>>
      %dma_start3A_302 = tpu.memref_squeeze %dma_start3A_301 : memref<1x128xi32, #tpu.memory_space<vmem>> -> memref<128xi32, #tpu.memory_space<vmem>>
      %dma_start3A_303 = arith.constant 0 : i32
      %dma_start3A_304 = arith.constant 0 : i32
      %dma_start3A_305 = tpu.memref_slice %arg2[%dma_start3A_303, %dma_start3A_304] : memref<20480x128xf32, #tpu.memory_space<hbm>> -> memref<20480x128xf32, #tpu.memory_space<hbm>>
      tpu.enqueue_indirect_dma source(%dma_start3A_305 : memref<20480x128xf32, #tpu.memory_space<hbm>>) target(%arg8 : memref<128x128xf32, #tpu.memory_space<vmem>>) offsets(%dma_start3A_302 : memref<128xi32, #tpu.memory_space<vmem>>) semaphore(%arg11 : memref<!tpu.dma_semaphore, #tpu.memory_space<semaphore_mem>>)
      %dma_wait3A_306 = arith.constant 0 : i32
      %dma_wait3A_307 = arith.constant 3 : i32
      %dma_wait3A_308 = arith.constant 0 : i32
      %dma_wait3A_309 = arith.constant 0 : i32
      %dma_wait3A_310 = tpu.memref_slice %arg6[%dma_wait3A_306, %dma_wait3A_308, %dma_wait3A_309] : memref<2x8x128xi32, #tpu.memory_space<vmem>> -> memref<1x8x128xi32, #tpu.memory_space<vmem>>
      %dma_wait3A_311 = tpu.memref_squeeze %dma_wait3A_310 : memref<1x8x128xi32, #tpu.memory_space<vmem>> -> memref<8x128xi32, #tpu.memory_space<vmem>>
      %dma_wait3A_312 = arith.constant 0 : i32
      %dma_wait3A_313 = tpu.memref_slice %dma_wait3A_311[%dma_wait3A_307, %dma_wait3A_312] : memref<8x128xi32, #tpu.memory_space<vmem>> -> memref<1x128xi32, #tpu.memory_space<vmem>>
      %dma_wait3A_314 = tpu.memref_squeeze %dma_wait3A_313 : memref<1x128xi32, #tpu.memory_space<vmem>> -> memref<128xi32, #tpu.memory_space<vmem>>
      %dma_wait3A_315 = arith.constant 0 : i32
      %dma_wait3A_316 = arith.constant 0 : i32
      %dma_wait3A_317 = tpu.memref_slice %arg2[%dma_wait3A_315, %dma_wait3A_316] : memref<20480x128xf32, #tpu.memory_space<hbm>> -> memref<20480x128xf32, #tpu.memory_space<hbm>>
      tpu.wait_indirect_dma semaphore(%arg12 : memref<!tpu.dma_semaphore, #tpu.memory_space<semaphore_mem>>) src(%dma_wait3A_317 : memref<20480x128xf32, #tpu.memory_space<hbm>>) dst(%arg9 : memref<128x128xf32, #tpu.memory_space<vmem>>)
      %dma_start3A_318 = arith.constant 0 : i32
      %dma_start3A_319 = arith.constant 3 : i32
      %dma_start3A_320 = arith.constant 0 : i32
      %dma_start3A_321 = arith.constant 0 : i32
      %dma_start3A_322 = tpu.memref_slice %arg7[%dma_start3A_318, %dma_start3A_320, %dma_start3A_321] : memref<2x8x128xi32, #tpu.memory_space<vmem>> -> memref<1x8x128xi32, #tpu.memory_space<vmem>>
      %dma_start3A_323 = tpu.memref_squeeze %dma_start3A_322 : memref<1x8x128xi32, #tpu.memory_space<vmem>> -> memref<8x128xi32, #tpu.memory_space<vmem>>
      %dma_start3A_324 = arith.constant 0 : i32
      %dma_start3A_325 = tpu.memref_slice %dma_start3A_323[%dma_start3A_319, %dma_start3A_324] : memref<8x128xi32, #tpu.memory_space<vmem>> -> memref<1x128xi32, #tpu.memory_space<vmem>>
      %dma_start3A_326 = tpu.memref_squeeze %dma_start3A_325 : memref<1x128xi32, #tpu.memory_space<vmem>> -> memref<128xi32, #tpu.memory_space<vmem>>
      %dma_start3A_327 = arith.constant 0 : i32
      %dma_start3A_328 = arith.constant 0 : i32
      %dma_start3A_329 = tpu.memref_slice %arg10[%dma_start3A_327, %dma_start3A_328] : memref<10240x128xf32, #tpu.memory_space<vmem_shared>> -> memref<10240x128xf32, #tpu.memory_space<vmem_shared>>
      tpu.enqueue_indirect_dma source(%arg9 : memref<128x128xf32, #tpu.memory_space<vmem>>) target(%dma_start3A_329 : memref<10240x128xf32, #tpu.memory_space<vmem_shared>>) offsets(%dma_start3A_326 : memref<128xi32, #tpu.memory_space<vmem>>) semaphore(%arg14 : memref<!tpu.dma_semaphore, #tpu.memory_space<semaphore_mem>>) {add = true}
      %dma_wait3A_330 = arith.constant 0 : i32
      %dma_wait3A_331 = arith.constant 3 : i32
      %dma_wait3A_332 = arith.constant 0 : i32
      %dma_wait3A_333 = arith.constant 0 : i32
      %dma_wait3A_334 = tpu.memref_slice %arg7[%dma_wait3A_330, %dma_wait3A_332, %dma_wait3A_333] : memref<2x8x128xi32, #tpu.memory_space<vmem>> -> memref<1x8x128xi32, #tpu.memory_space<vmem>>
      %dma_wait3A_335 = tpu.memref_squeeze %dma_wait3A_334 : memref<1x8x128xi32, #tpu.memory_space<vmem>> -> memref<8x128xi32, #tpu.memory_space<vmem>>
      %dma_wait3A_336 = arith.constant 0 : i32
      %dma_wait3A_337 = tpu.memref_slice %dma_wait3A_335[%dma_wait3A_331, %dma_wait3A_336] : memref<8x128xi32, #tpu.memory_space<vmem>> -> memref<1x128xi32, #tpu.memory_space<vmem>>
      %dma_wait3A_338 = tpu.memref_squeeze %dma_wait3A_337 : memref<1x128xi32, #tpu.memory_space<vmem>> -> memref<128xi32, #tpu.memory_space<vmem>>
      %dma_wait3A_339 = arith.constant 0 : i32
      %dma_wait3A_340 = arith.constant 0 : i32
      %dma_wait3A_341 = tpu.memref_slice %arg10[%dma_wait3A_339, %dma_wait3A_340] : memref<10240x128xf32, #tpu.memory_space<vmem_shared>> -> memref<10240x128xf32, #tpu.memory_space<vmem_shared>>
      tpu.wait_indirect_dma semaphore(%arg14 : memref<!tpu.dma_semaphore, #tpu.memory_space<semaphore_mem>>) src(%arg9 : memref<128x128xf32, #tpu.memory_space<vmem>>) dst(%dma_wait3A_341 : memref<10240x128xf32, #tpu.memory_space<vmem_shared>>)
      %dma_start3A_342 = arith.constant 0 : i32
      %dma_start3A_343 = arith.constant 5 : i32
      %dma_start3A_344 = arith.constant 0 : i32
      %dma_start3A_345 = arith.constant 0 : i32
      %dma_start3A_346 = tpu.memref_slice %arg6[%dma_start3A_342, %dma_start3A_344, %dma_start3A_345] : memref<2x8x128xi32, #tpu.memory_space<vmem>> -> memref<1x8x128xi32, #tpu.memory_space<vmem>>
      %dma_start3A_347 = tpu.memref_squeeze %dma_start3A_346 : memref<1x8x128xi32, #tpu.memory_space<vmem>> -> memref<8x128xi32, #tpu.memory_space<vmem>>
      %dma_start3A_348 = arith.constant 0 : i32
      %dma_start3A_349 = tpu.memref_slice %dma_start3A_347[%dma_start3A_343, %dma_start3A_348] : memref<8x128xi32, #tpu.memory_space<vmem>> -> memref<1x128xi32, #tpu.memory_space<vmem>>
      %dma_start3A_350 = tpu.memref_squeeze %dma_start3A_349 : memref<1x128xi32, #tpu.memory_space<vmem>> -> memref<128xi32, #tpu.memory_space<vmem>>
      %dma_start3A_351 = arith.constant 0 : i32
      %dma_start3A_352 = arith.constant 0 : i32
      %dma_start3A_353 = tpu.memref_slice %arg2[%dma_start3A_351, %dma_start3A_352] : memref<20480x128xf32, #tpu.memory_space<hbm>> -> memref<20480x128xf32, #tpu.memory_space<hbm>>
      tpu.enqueue_indirect_dma source(%dma_start3A_353 : memref<20480x128xf32, #tpu.memory_space<hbm>>) target(%arg9 : memref<128x128xf32, #tpu.memory_space<vmem>>) offsets(%dma_start3A_350 : memref<128xi32, #tpu.memory_space<vmem>>) semaphore(%arg12 : memref<!tpu.dma_semaphore, #tpu.memory_space<semaphore_mem>>)
      %dma_wait3A_354 = arith.constant 0 : i32
      %dma_wait3A_355 = arith.constant 4 : i32
      %dma_wait3A_356 = arith.constant 0 : i32
      %dma_wait3A_357 = arith.constant 0 : i32
      %dma_wait3A_358 = tpu.memref_slice %arg6[%dma_wait3A_354, %dma_wait3A_356, %dma_wait3A_357] : memref<2x8x128xi32, #tpu.memory_space<vmem>> -> memref<1x8x128xi32, #tpu.memory_space<vmem>>
      %dma_wait3A_359 = tpu.memref_squeeze %dma_wait3A_358 : memref<1x8x128xi32, #tpu.memory_space<vmem>> -> memref<8x128xi32, #tpu.memory_space<vmem>>
      %dma_wait3A_360 = arith.constant 0 : i32
      %dma_wait3A_361 = tpu.memref_slice %dma_wait3A_359[%dma_wait3A_355, %dma_wait3A_360] : memref<8x128xi32, #tpu.memory_space<vmem>> -> memref<1x128xi32, #tpu.memory_space<vmem>>
      %dma_wait3A_362 = tpu.memref_squeeze %dma_wait3A_361 : memref<1x128xi32, #tpu.memory_space<vmem>> -> memref<128xi32, #tpu.memory_space<vmem>>
      %dma_wait3A_363 = arith.constant 0 : i32
      %dma_wait3A_364 = arith.constant 0 : i32
      %dma_wait3A_365 = tpu.memref_slice %arg2[%dma_wait3A_363, %dma_wait3A_364] : memref<20480x128xf32, #tpu.memory_space<hbm>> -> memref<20480x128xf32, #tpu.memory_space<hbm>>
      tpu.wait_indirect_dma semaphore(%arg11 : memref<!tpu.dma_semaphore, #tpu.memory_space<semaphore_mem>>) src(%dma_wait3A_365 : memref<20480x128xf32, #tpu.memory_space<hbm>>) dst(%arg8 : memref<128x128xf32, #tpu.memory_space<vmem>>)
      %dma_start3A_366 = arith.constant 0 : i32
      %dma_start3A_367 = arith.constant 4 : i32
      %dma_start3A_368 = arith.constant 0 : i32
      %dma_start3A_369 = arith.constant 0 : i32
      %dma_start3A_370 = tpu.memref_slice %arg7[%dma_start3A_366, %dma_start3A_368, %dma_start3A_369] : memref<2x8x128xi32, #tpu.memory_space<vmem>> -> memref<1x8x128xi32, #tpu.memory_space<vmem>>
      %dma_start3A_371 = tpu.memref_squeeze %dma_start3A_370 : memref<1x8x128xi32, #tpu.memory_space<vmem>> -> memref<8x128xi32, #tpu.memory_space<vmem>>
      %dma_start3A_372 = arith.constant 0 : i32
      %dma_start3A_373 = tpu.memref_slice %dma_start3A_371[%dma_start3A_367, %dma_start3A_372] : memref<8x128xi32, #tpu.memory_space<vmem>> -> memref<1x128xi32, #tpu.memory_space<vmem>>
      %dma_start3A_374 = tpu.memref_squeeze %dma_start3A_373 : memref<1x128xi32, #tpu.memory_space<vmem>> -> memref<128xi32, #tpu.memory_space<vmem>>
      %dma_start3A_375 = arith.constant 0 : i32
      %dma_start3A_376 = arith.constant 0 : i32
      %dma_start3A_377 = tpu.memref_slice %arg10[%dma_start3A_375, %dma_start3A_376] : memref<10240x128xf32, #tpu.memory_space<vmem_shared>> -> memref<10240x128xf32, #tpu.memory_space<vmem_shared>>
      tpu.enqueue_indirect_dma source(%arg8 : memref<128x128xf32, #tpu.memory_space<vmem>>) target(%dma_start3A_377 : memref<10240x128xf32, #tpu.memory_space<vmem_shared>>) offsets(%dma_start3A_374 : memref<128xi32, #tpu.memory_space<vmem>>) semaphore(%arg13 : memref<!tpu.dma_semaphore, #tpu.memory_space<semaphore_mem>>) {add = true}
      %dma_wait3A_378 = arith.constant 0 : i32
      %dma_wait3A_379 = arith.constant 4 : i32
      %dma_wait3A_380 = arith.constant 0 : i32
      %dma_wait3A_381 = arith.constant 0 : i32
      %dma_wait3A_382 = tpu.memref_slice %arg7[%dma_wait3A_378, %dma_wait3A_380, %dma_wait3A_381] : memref<2x8x128xi32, #tpu.memory_space<vmem>> -> memref<1x8x128xi32, #tpu.memory_space<vmem>>
      %dma_wait3A_383 = tpu.memref_squeeze %dma_wait3A_382 : memref<1x8x128xi32, #tpu.memory_space<vmem>> -> memref<8x128xi32, #tpu.memory_space<vmem>>
      %dma_wait3A_384 = arith.constant 0 : i32
      %dma_wait3A_385 = tpu.memref_slice %dma_wait3A_383[%dma_wait3A_379, %dma_wait3A_384] : memref<8x128xi32, #tpu.memory_space<vmem>> -> memref<1x128xi32, #tpu.memory_space<vmem>>
      %dma_wait3A_386 = tpu.memref_squeeze %dma_wait3A_385 : memref<1x128xi32, #tpu.memory_space<vmem>> -> memref<128xi32, #tpu.memory_space<vmem>>
      %dma_wait3A_387 = arith.constant 0 : i32
      %dma_wait3A_388 = arith.constant 0 : i32
      %dma_wait3A_389 = tpu.memref_slice %arg10[%dma_wait3A_387, %dma_wait3A_388] : memref<10240x128xf32, #tpu.memory_space<vmem_shared>> -> memref<10240x128xf32, #tpu.memory_space<vmem_shared>>
      tpu.wait_indirect_dma semaphore(%arg13 : memref<!tpu.dma_semaphore, #tpu.memory_space<semaphore_mem>>) src(%arg8 : memref<128x128xf32, #tpu.memory_space<vmem>>) dst(%dma_wait3A_389 : memref<10240x128xf32, #tpu.memory_space<vmem_shared>>)
      %dma_start3A_390 = arith.constant 0 : i32
      %dma_start3A_391 = arith.constant 6 : i32
      %dma_start3A_392 = arith.constant 0 : i32
      %dma_start3A_393 = arith.constant 0 : i32
      %dma_start3A_394 = tpu.memref_slice %arg6[%dma_start3A_390, %dma_start3A_392, %dma_start3A_393] : memref<2x8x128xi32, #tpu.memory_space<vmem>> -> memref<1x8x128xi32, #tpu.memory_space<vmem>>
      %dma_start3A_395 = tpu.memref_squeeze %dma_start3A_394 : memref<1x8x128xi32, #tpu.memory_space<vmem>> -> memref<8x128xi32, #tpu.memory_space<vmem>>
      %dma_start3A_396 = arith.constant 0 : i32
      %dma_start3A_397 = tpu.memref_slice %dma_start3A_395[%dma_start3A_391, %dma_start3A_396] : memref<8x128xi32, #tpu.memory_space<vmem>> -> memref<1x128xi32, #tpu.memory_space<vmem>>
      %dma_start3A_398 = tpu.memref_squeeze %dma_start3A_397 : memref<1x128xi32, #tpu.memory_space<vmem>> -> memref<128xi32, #tpu.memory_space<vmem>>
      %dma_start3A_399 = arith.constant 0 : i32
      %dma_start3A_400 = arith.constant 0 : i32
      %dma_start3A_401 = tpu.memref_slice %arg2[%dma_start3A_399, %dma_start3A_400] : memref<20480x128xf32, #tpu.memory_space<hbm>> -> memref<20480x128xf32, #tpu.memory_space<hbm>>
      tpu.enqueue_indirect_dma source(%dma_start3A_401 : memref<20480x128xf32, #tpu.memory_space<hbm>>) target(%arg8 : memref<128x128xf32, #tpu.memory_space<vmem>>) offsets(%dma_start3A_398 : memref<128xi32, #tpu.memory_space<vmem>>) semaphore(%arg11 : memref<!tpu.dma_semaphore, #tpu.memory_space<semaphore_mem>>)
      %dma_wait3A_402 = arith.constant 0 : i32
      %dma_wait3A_403 = arith.constant 5 : i32
      %dma_wait3A_404 = arith.constant 0 : i32
      %dma_wait3A_405 = arith.constant 0 : i32
      %dma_wait3A_406 = tpu.memref_slice %arg6[%dma_wait3A_402, %dma_wait3A_404, %dma_wait3A_405] : memref<2x8x128xi32, #tpu.memory_space<vmem>> -> memref<1x8x128xi32, #tpu.memory_space<vmem>>
      %dma_wait3A_407 = tpu.memref_squeeze %dma_wait3A_406 : memref<1x8x128xi32, #tpu.memory_space<vmem>> -> memref<8x128xi32, #tpu.memory_space<vmem>>
      %dma_wait3A_408 = arith.constant 0 : i32
      %dma_wait3A_409 = tpu.memref_slice %dma_wait3A_407[%dma_wait3A_403, %dma_wait3A_408] : memref<8x128xi32, #tpu.memory_space<vmem>> -> memref<1x128xi32, #tpu.memory_space<vmem>>
      %dma_wait3A_410 = tpu.memref_squeeze %dma_wait3A_409 : memref<1x128xi32, #tpu.memory_space<vmem>> -> memref<128xi32, #tpu.memory_space<vmem>>
      %dma_wait3A_411 = arith.constant 0 : i32
      %dma_wait3A_412 = arith.constant 0 : i32
      %dma_wait3A_413 = tpu.memref_slice %arg2[%dma_wait3A_411, %dma_wait3A_412] : memref<20480x128xf32, #tpu.memory_space<hbm>> -> memref<20480x128xf32, #tpu.memory_space<hbm>>
      tpu.wait_indirect_dma semaphore(%arg12 : memref<!tpu.dma_semaphore, #tpu.memory_space<semaphore_mem>>) src(%dma_wait3A_413 : memref<20480x128xf32, #tpu.memory_space<hbm>>) dst(%arg9 : memref<128x128xf32, #tpu.memory_space<vmem>>)
      %dma_start3A_414 = arith.constant 0 : i32
      %dma_start3A_415 = arith.constant 5 : i32
      %dma_start3A_416 = arith.constant 0 : i32
      %dma_start3A_417 = arith.constant 0 : i32
      %dma_start3A_418 = tpu.memref_slice %arg7[%dma_start3A_414, %dma_start3A_416, %dma_start3A_417] : memref<2x8x128xi32, #tpu.memory_space<vmem>> -> memref<1x8x128xi32, #tpu.memory_space<vmem>>
      %dma_start3A_419 = tpu.memref_squeeze %dma_start3A_418 : memref<1x8x128xi32, #tpu.memory_space<vmem>> -> memref<8x128xi32, #tpu.memory_space<vmem>>
      %dma_start3A_420 = arith.constant 0 : i32
      %dma_start3A_421 = tpu.memref_slice %dma_start3A_419[%dma_start3A_415, %dma_start3A_420] : memref<8x128xi32, #tpu.memory_space<vmem>> -> memref<1x128xi32, #tpu.memory_space<vmem>>
      %dma_start3A_422 = tpu.memref_squeeze %dma_start3A_421 : memref<1x128xi32, #tpu.memory_space<vmem>> -> memref<128xi32, #tpu.memory_space<vmem>>
      %dma_start3A_423 = arith.constant 0 : i32
      %dma_start3A_424 = arith.constant 0 : i32
      %dma_start3A_425 = tpu.memref_slice %arg10[%dma_start3A_423, %dma_start3A_424] : memref<10240x128xf32, #tpu.memory_space<vmem_shared>> -> memref<10240x128xf32, #tpu.memory_space<vmem_shared>>
      tpu.enqueue_indirect_dma source(%arg9 : memref<128x128xf32, #tpu.memory_space<vmem>>) target(%dma_start3A_425 : memref<10240x128xf32, #tpu.memory_space<vmem_shared>>) offsets(%dma_start3A_422 : memref<128xi32, #tpu.memory_space<vmem>>) semaphore(%arg14 : memref<!tpu.dma_semaphore, #tpu.memory_space<semaphore_mem>>) {add = true}
      %dma_wait3A_426 = arith.constant 0 : i32
      %dma_wait3A_427 = arith.constant 5 : i32
      %dma_wait3A_428 = arith.constant 0 : i32
      %dma_wait3A_429 = arith.constant 0 : i32
      %dma_wait3A_430 = tpu.memref_slice %arg7[%dma_wait3A_426, %dma_wait3A_428, %dma_wait3A_429] : memref<2x8x128xi32, #tpu.memory_space<vmem>> -> memref<1x8x128xi32, #tpu.memory_space<vmem>>
      %dma_wait3A_431 = tpu.memref_squeeze %dma_wait3A_430 : memref<1x8x128xi32, #tpu.memory_space<vmem>> -> memref<8x128xi32, #tpu.memory_space<vmem>>
      %dma_wait3A_432 = arith.constant 0 : i32
      %dma_wait3A_433 = tpu.memref_slice %dma_wait3A_431[%dma_wait3A_427, %dma_wait3A_432] : memref<8x128xi32, #tpu.memory_space<vmem>> -> memref<1x128xi32, #tpu.memory_space<vmem>>
      %dma_wait3A_434 = tpu.memref_squeeze %dma_wait3A_433 : memref<1x128xi32, #tpu.memory_space<vmem>> -> memref<128xi32, #tpu.memory_space<vmem>>
      %dma_wait3A_435 = arith.constant 0 : i32
      %dma_wait3A_436 = arith.constant 0 : i32
      %dma_wait3A_437 = tpu.memref_slice %arg10[%dma_wait3A_435, %dma_wait3A_436] : memref<10240x128xf32, #tpu.memory_space<vmem_shared>> -> memref<10240x128xf32, #tpu.memory_space<vmem_shared>>
      tpu.wait_indirect_dma semaphore(%arg14 : memref<!tpu.dma_semaphore, #tpu.memory_space<semaphore_mem>>) src(%arg9 : memref<128x128xf32, #tpu.memory_space<vmem>>) dst(%dma_wait3A_437 : memref<10240x128xf32, #tpu.memory_space<vmem_shared>>)
      %dma_start3A_438 = arith.constant 0 : i32
      %dma_start3A_439 = arith.constant 7 : i32
      %dma_start3A_440 = arith.constant 0 : i32
      %dma_start3A_441 = arith.constant 0 : i32
      %dma_start3A_442 = tpu.memref_slice %arg6[%dma_start3A_438, %dma_start3A_440, %dma_start3A_441] : memref<2x8x128xi32, #tpu.memory_space<vmem>> -> memref<1x8x128xi32, #tpu.memory_space<vmem>>
      %dma_start3A_443 = tpu.memref_squeeze %dma_start3A_442 : memref<1x8x128xi32, #tpu.memory_space<vmem>> -> memref<8x128xi32, #tpu.memory_space<vmem>>
      %dma_start3A_444 = arith.constant 0 : i32
      %dma_start3A_445 = tpu.memref_slice %dma_start3A_443[%dma_start3A_439, %dma_start3A_444] : memref<8x128xi32, #tpu.memory_space<vmem>> -> memref<1x128xi32, #tpu.memory_space<vmem>>
      %dma_start3A_446 = tpu.memref_squeeze %dma_start3A_445 : memref<1x128xi32, #tpu.memory_space<vmem>> -> memref<128xi32, #tpu.memory_space<vmem>>
      %dma_start3A_447 = arith.constant 0 : i32
      %dma_start3A_448 = arith.constant 0 : i32
      %dma_start3A_449 = tpu.memref_slice %arg2[%dma_start3A_447, %dma_start3A_448] : memref<20480x128xf32, #tpu.memory_space<hbm>> -> memref<20480x128xf32, #tpu.memory_space<hbm>>
      tpu.enqueue_indirect_dma source(%dma_start3A_449 : memref<20480x128xf32, #tpu.memory_space<hbm>>) target(%arg9 : memref<128x128xf32, #tpu.memory_space<vmem>>) offsets(%dma_start3A_446 : memref<128xi32, #tpu.memory_space<vmem>>) semaphore(%arg12 : memref<!tpu.dma_semaphore, #tpu.memory_space<semaphore_mem>>)
      %dma_wait3A_450 = arith.constant 0 : i32
      %dma_wait3A_451 = arith.constant 6 : i32
      %dma_wait3A_452 = arith.constant 0 : i32
      %dma_wait3A_453 = arith.constant 0 : i32
      %dma_wait3A_454 = tpu.memref_slice %arg6[%dma_wait3A_450, %dma_wait3A_452, %dma_wait3A_453] : memref<2x8x128xi32, #tpu.memory_space<vmem>> -> memref<1x8x128xi32, #tpu.memory_space<vmem>>
      %dma_wait3A_455 = tpu.memref_squeeze %dma_wait3A_454 : memref<1x8x128xi32, #tpu.memory_space<vmem>> -> memref<8x128xi32, #tpu.memory_space<vmem>>
      %dma_wait3A_456 = arith.constant 0 : i32
      %dma_wait3A_457 = tpu.memref_slice %dma_wait3A_455[%dma_wait3A_451, %dma_wait3A_456] : memref<8x128xi32, #tpu.memory_space<vmem>> -> memref<1x128xi32, #tpu.memory_space<vmem>>
      %dma_wait3A_458 = tpu.memref_squeeze %dma_wait3A_457 : memref<1x128xi32, #tpu.memory_space<vmem>> -> memref<128xi32, #tpu.memory_space<vmem>>
      %dma_wait3A_459 = arith.constant 0 : i32
      %dma_wait3A_460 = arith.constant 0 : i32
      %dma_wait3A_461 = tpu.memref_slice %arg2[%dma_wait3A_459, %dma_wait3A_460] : memref<20480x128xf32, #tpu.memory_space<hbm>> -> memref<20480x128xf32, #tpu.memory_space<hbm>>
      tpu.wait_indirect_dma semaphore(%arg11 : memref<!tpu.dma_semaphore, #tpu.memory_space<semaphore_mem>>) src(%dma_wait3A_461 : memref<20480x128xf32, #tpu.memory_space<hbm>>) dst(%arg8 : memref<128x128xf32, #tpu.memory_space<vmem>>)
      %dma_start3A_462 = arith.constant 0 : i32
      %dma_start3A_463 = arith.constant 6 : i32
      %dma_start3A_464 = arith.constant 0 : i32
      %dma_start3A_465 = arith.constant 0 : i32
      %dma_start3A_466 = tpu.memref_slice %arg7[%dma_start3A_462, %dma_start3A_464, %dma_start3A_465] : memref<2x8x128xi32, #tpu.memory_space<vmem>> -> memref<1x8x128xi32, #tpu.memory_space<vmem>>
      %dma_start3A_467 = tpu.memref_squeeze %dma_start3A_466 : memref<1x8x128xi32, #tpu.memory_space<vmem>> -> memref<8x128xi32, #tpu.memory_space<vmem>>
      %dma_start3A_468 = arith.constant 0 : i32
      %dma_start3A_469 = tpu.memref_slice %dma_start3A_467[%dma_start3A_463, %dma_start3A_468] : memref<8x128xi32, #tpu.memory_space<vmem>> -> memref<1x128xi32, #tpu.memory_space<vmem>>
      %dma_start3A_470 = tpu.memref_squeeze %dma_start3A_469 : memref<1x128xi32, #tpu.memory_space<vmem>> -> memref<128xi32, #tpu.memory_space<vmem>>
      %dma_start3A_471 = arith.constant 0 : i32
      %dma_start3A_472 = arith.constant 0 : i32
      %dma_start3A_473 = tpu.memref_slice %arg10[%dma_start3A_471, %dma_start3A_472] : memref<10240x128xf32, #tpu.memory_space<vmem_shared>> -> memref<10240x128xf32, #tpu.memory_space<vmem_shared>>
      tpu.enqueue_indirect_dma source(%arg8 : memref<128x128xf32, #tpu.memory_space<vmem>>) target(%dma_start3A_473 : memref<10240x128xf32, #tpu.memory_space<vmem_shared>>) offsets(%dma_start3A_470 : memref<128xi32, #tpu.memory_space<vmem>>) semaphore(%arg13 : memref<!tpu.dma_semaphore, #tpu.memory_space<semaphore_mem>>) {add = true}
      %dma_wait3A_474 = arith.constant 0 : i32
      %dma_wait3A_475 = arith.constant 6 : i32
      %dma_wait3A_476 = arith.constant 0 : i32
      %dma_wait3A_477 = arith.constant 0 : i32
      %dma_wait3A_478 = tpu.memref_slice %arg7[%dma_wait3A_474, %dma_wait3A_476, %dma_wait3A_477] : memref<2x8x128xi32, #tpu.memory_space<vmem>> -> memref<1x8x128xi32, #tpu.memory_space<vmem>>
      %dma_wait3A_479 = tpu.memref_squeeze %dma_wait3A_478 : memref<1x8x128xi32, #tpu.memory_space<vmem>> -> memref<8x128xi32, #tpu.memory_space<vmem>>
      %dma_wait3A_480 = arith.constant 0 : i32
      %dma_wait3A_481 = tpu.memref_slice %dma_wait3A_479[%dma_wait3A_475, %dma_wait3A_480] : memref<8x128xi32, #tpu.memory_space<vmem>> -> memref<1x128xi32, #tpu.memory_space<vmem>>
      %dma_wait3A_482 = tpu.memref_squeeze %dma_wait3A_481 : memref<1x128xi32, #tpu.memory_space<vmem>> -> memref<128xi32, #tpu.memory_space<vmem>>
      %dma_wait3A_483 = arith.constant 0 : i32
      %dma_wait3A_484 = arith.constant 0 : i32
      %dma_wait3A_485 = tpu.memref_slice %arg10[%dma_wait3A_483, %dma_wait3A_484] : memref<10240x128xf32, #tpu.memory_space<vmem_shared>> -> memref<10240x128xf32, #tpu.memory_space<vmem_shared>>
      tpu.wait_indirect_dma semaphore(%arg13 : memref<!tpu.dma_semaphore, #tpu.memory_space<semaphore_mem>>) src(%arg8 : memref<128x128xf32, #tpu.memory_space<vmem>>) dst(%dma_wait3A_485 : memref<10240x128xf32, #tpu.memory_space<vmem_shared>>)
      %add3A_486 = arith.constant 8 : i32
      %add3A_487 = arith.addi %mul3A_72, %add3A_486 : i32
      %add3A_488 = arith.addi %add3A_9, %add3A_487 : i32
      %dma_wait3A_489 = arith.constant 1 : i32
      %dma_wait3A_490 = arith.constant 0 : i32
      %dma_wait3A_491 = arith.constant 0 : i32
      %dma_wait3A_492 = tpu.memref_slice %arg6[%dma_wait3A_489, %dma_wait3A_490, %dma_wait3A_491] : memref<2x8x128xi32, #tpu.memory_space<vmem>> -> memref<1x8x128xi32, #tpu.memory_space<vmem>>
      %dma_wait3A_493 = tpu.memref_squeeze %dma_wait3A_492 : memref<1x8x128xi32, #tpu.memory_space<vmem>> -> memref<8x128xi32, #tpu.memory_space<vmem>>
      %dma_wait3A_494 = arith.constant 0 : i32
      %dma_wait3A_495 = tpu.memref_slice %arg3[%add3A_488, %dma_wait3A_494] : memref<5120x128xi32, #tpu.memory_space<hbm>> -> memref<8x128xi32, #tpu.memory_space<hbm>>
      %dma_wait3A_496 = arith.constant 0 : i32
      %dma_wait3A_497 = arith.constant 0 : i32
      %dma_wait3A_498 = tpu.memref_slice %arg6[%dma_wait3A_489, %dma_wait3A_496, %dma_wait3A_497] : memref<2x8x128xi32, #tpu.memory_space<vmem>> -> memref<1x8x128xi32, #tpu.memory_space<vmem>>
      %dma_wait3A_499 = tpu.memref_squeeze %dma_wait3A_498 : memref<1x8x128xi32, #tpu.memory_space<vmem>> -> memref<8x128xi32, #tpu.memory_space<vmem>>
      %dma_wait3A_500 = arith.constant 0 : i32
      %dma_wait3A_501 = tpu.memref_slice %arg3[%add3A_488, %dma_wait3A_500] : memref<5120x128xi32, #tpu.memory_space<hbm>> -> memref<8x128xi32, #tpu.memory_space<hbm>>
      tpu.wait_dma2 semaphore(%arg16 : memref<!tpu.dma_semaphore, #tpu.memory_space<semaphore_mem>>) src(%dma_wait3A_501 : memref<8x128xi32, #tpu.memory_space<hbm>>) dst(%dma_wait3A_499 : memref<8x128xi32, #tpu.memory_space<vmem>>)
      %add3A_502 = arith.addi %mul3A_11, %add3A_487 : i32
      %dma_wait3A_503 = arith.constant 1 : i32
      %dma_wait3A_504 = arith.constant 0 : i32
      %dma_wait3A_505 = arith.constant 0 : i32
      %dma_wait3A_506 = tpu.memref_slice %arg7[%dma_wait3A_503, %dma_wait3A_504, %dma_wait3A_505] : memref<2x8x128xi32, #tpu.memory_space<vmem>> -> memref<1x8x128xi32, #tpu.memory_space<vmem>>
      %dma_wait3A_507 = tpu.memref_squeeze %dma_wait3A_506 : memref<1x8x128xi32, #tpu.memory_space<vmem>> -> memref<8x128xi32, #tpu.memory_space<vmem>>
      %dma_wait3A_508 = arith.constant 0 : i32
      %dma_wait3A_509 = tpu.memref_slice %arg4[%add3A_502, %dma_wait3A_508] : memref<2560x128xi32, #tpu.memory_space<hbm>> -> memref<8x128xi32, #tpu.memory_space<hbm>>
      %dma_wait3A_510 = arith.constant 0 : i32
      %dma_wait3A_511 = arith.constant 0 : i32
      %dma_wait3A_512 = tpu.memref_slice %arg7[%dma_wait3A_503, %dma_wait3A_510, %dma_wait3A_511] : memref<2x8x128xi32, #tpu.memory_space<vmem>> -> memref<1x8x128xi32, #tpu.memory_space<vmem>>
      %dma_wait3A_513 = tpu.memref_squeeze %dma_wait3A_512 : memref<1x8x128xi32, #tpu.memory_space<vmem>> -> memref<8x128xi32, #tpu.memory_space<vmem>>
      %dma_wait3A_514 = arith.constant 0 : i32
      %dma_wait3A_515 = tpu.memref_slice %arg4[%add3A_502, %dma_wait3A_514] : memref<2560x128xi32, #tpu.memory_space<hbm>> -> memref<8x128xi32, #tpu.memory_space<hbm>>
      tpu.wait_dma2 semaphore(%arg16 : memref<!tpu.dma_semaphore, #tpu.memory_space<semaphore_mem>>) src(%dma_wait3A_515 : memref<8x128xi32, #tpu.memory_space<hbm>>) dst(%dma_wait3A_513 : memref<8x128xi32, #tpu.memory_space<vmem>>)
      %dma_start3A_516 = arith.constant 1 : i32
      %dma_start3A_517 = arith.constant 0 : i32
      %dma_start3A_518 = arith.constant 0 : i32
      %dma_start3A_519 = arith.constant 0 : i32
      %dma_start3A_520 = tpu.memref_slice %arg6[%dma_start3A_516, %dma_start3A_518, %dma_start3A_519] : memref<2x8x128xi32, #tpu.memory_space<vmem>> -> memref<1x8x128xi32, #tpu.memory_space<vmem>>
      %dma_start3A_521 = tpu.memref_squeeze %dma_start3A_520 : memref<1x8x128xi32, #tpu.memory_space<vmem>> -> memref<8x128xi32, #tpu.memory_space<vmem>>
      %dma_start3A_522 = arith.constant 0 : i32
      %dma_start3A_523 = tpu.memref_slice %dma_start3A_521[%dma_start3A_517, %dma_start3A_522] : memref<8x128xi32, #tpu.memory_space<vmem>> -> memref<1x128xi32, #tpu.memory_space<vmem>>
      %dma_start3A_524 = tpu.memref_squeeze %dma_start3A_523 : memref<1x128xi32, #tpu.memory_space<vmem>> -> memref<128xi32, #tpu.memory_space<vmem>>
      %dma_start3A_525 = arith.constant 0 : i32
      %dma_start3A_526 = arith.constant 0 : i32
      %dma_start3A_527 = tpu.memref_slice %arg2[%dma_start3A_525, %dma_start3A_526] : memref<20480x128xf32, #tpu.memory_space<hbm>> -> memref<20480x128xf32, #tpu.memory_space<hbm>>
      tpu.enqueue_indirect_dma source(%dma_start3A_527 : memref<20480x128xf32, #tpu.memory_space<hbm>>) target(%arg8 : memref<128x128xf32, #tpu.memory_space<vmem>>) offsets(%dma_start3A_524 : memref<128xi32, #tpu.memory_space<vmem>>) semaphore(%arg11 : memref<!tpu.dma_semaphore, #tpu.memory_space<semaphore_mem>>)
      %dma_wait3A_528 = arith.constant 0 : i32
      %dma_wait3A_529 = arith.constant 7 : i32
      %dma_wait3A_530 = arith.constant 0 : i32
      %dma_wait3A_531 = arith.constant 0 : i32
      %dma_wait3A_532 = tpu.memref_slice %arg6[%dma_wait3A_528, %dma_wait3A_530, %dma_wait3A_531] : memref<2x8x128xi32, #tpu.memory_space<vmem>> -> memref<1x8x128xi32, #tpu.memory_space<vmem>>
      %dma_wait3A_533 = tpu.memref_squeeze %dma_wait3A_532 : memref<1x8x128xi32, #tpu.memory_space<vmem>> -> memref<8x128xi32, #tpu.memory_space<vmem>>
      %dma_wait3A_534 = arith.constant 0 : i32
      %dma_wait3A_535 = tpu.memref_slice %dma_wait3A_533[%dma_wait3A_529, %dma_wait3A_534] : memref<8x128xi32, #tpu.memory_space<vmem>> -> memref<1x128xi32, #tpu.memory_space<vmem>>
      %dma_wait3A_536 = tpu.memref_squeeze %dma_wait3A_535 : memref<1x128xi32, #tpu.memory_space<vmem>> -> memref<128xi32, #tpu.memory_space<vmem>>
      %dma_wait3A_537 = arith.constant 0 : i32
      %dma_wait3A_538 = arith.constant 0 : i32
      %dma_wait3A_539 = tpu.memref_slice %arg2[%dma_wait3A_537, %dma_wait3A_538] : memref<20480x128xf32, #tpu.memory_space<hbm>> -> memref<20480x128xf32, #tpu.memory_space<hbm>>
      tpu.wait_indirect_dma semaphore(%arg12 : memref<!tpu.dma_semaphore, #tpu.memory_space<semaphore_mem>>) src(%dma_wait3A_539 : memref<20480x128xf32, #tpu.memory_space<hbm>>) dst(%arg9 : memref<128x128xf32, #tpu.memory_space<vmem>>)
      %dma_start3A_540 = arith.constant 0 : i32
      %dma_start3A_541 = arith.constant 7 : i32
      %dma_start3A_542 = arith.constant 0 : i32
      %dma_start3A_543 = arith.constant 0 : i32
      %dma_start3A_544 = tpu.memref_slice %arg7[%dma_start3A_540, %dma_start3A_542, %dma_start3A_543] : memref<2x8x128xi32, #tpu.memory_space<vmem>> -> memref<1x8x128xi32, #tpu.memory_space<vmem>>
      %dma_start3A_545 = tpu.memref_squeeze %dma_start3A_544 : memref<1x8x128xi32, #tpu.memory_space<vmem>> -> memref<8x128xi32, #tpu.memory_space<vmem>>
      %dma_start3A_546 = arith.constant 0 : i32
      %dma_start3A_547 = tpu.memref_slice %dma_start3A_545[%dma_start3A_541, %dma_start3A_546] : memref<8x128xi32, #tpu.memory_space<vmem>> -> memref<1x128xi32, #tpu.memory_space<vmem>>
      %dma_start3A_548 = tpu.memref_squeeze %dma_start3A_547 : memref<1x128xi32, #tpu.memory_space<vmem>> -> memref<128xi32, #tpu.memory_space<vmem>>
      %dma_start3A_549 = arith.constant 0 : i32
      %dma_start3A_550 = arith.constant 0 : i32
      %dma_start3A_551 = tpu.memref_slice %arg10[%dma_start3A_549, %dma_start3A_550] : memref<10240x128xf32, #tpu.memory_space<vmem_shared>> -> memref<10240x128xf32, #tpu.memory_space<vmem_shared>>
      tpu.enqueue_indirect_dma source(%arg9 : memref<128x128xf32, #tpu.memory_space<vmem>>) target(%dma_start3A_551 : memref<10240x128xf32, #tpu.memory_space<vmem_shared>>) offsets(%dma_start3A_548 : memref<128xi32, #tpu.memory_space<vmem>>) semaphore(%arg14 : memref<!tpu.dma_semaphore, #tpu.memory_space<semaphore_mem>>) {add = true}
      %dma_wait3A_552 = arith.constant 0 : i32
      %dma_wait3A_553 = arith.constant 7 : i32
      %dma_wait3A_554 = arith.constant 0 : i32
      %dma_wait3A_555 = arith.constant 0 : i32
      %dma_wait3A_556 = tpu.memref_slice %arg7[%dma_wait3A_552, %dma_wait3A_554, %dma_wait3A_555] : memref<2x8x128xi32, #tpu.memory_space<vmem>> -> memref<1x8x128xi32, #tpu.memory_space<vmem>>
      %dma_wait3A_557 = tpu.memref_squeeze %dma_wait3A_556 : memref<1x8x128xi32, #tpu.memory_space<vmem>> -> memref<8x128xi32, #tpu.memory_space<vmem>>
      %dma_wait3A_558 = arith.constant 0 : i32
      %dma_wait3A_559 = tpu.memref_slice %dma_wait3A_557[%dma_wait3A_553, %dma_wait3A_558] : memref<8x128xi32, #tpu.memory_space<vmem>> -> memref<1x128xi32, #tpu.memory_space<vmem>>
      %dma_wait3A_560 = tpu.memref_squeeze %dma_wait3A_559 : memref<1x128xi32, #tpu.memory_space<vmem>> -> memref<128xi32, #tpu.memory_space<vmem>>
      %dma_wait3A_561 = arith.constant 0 : i32
      %dma_wait3A_562 = arith.constant 0 : i32
      %dma_wait3A_563 = tpu.memref_slice %arg10[%dma_wait3A_561, %dma_wait3A_562] : memref<10240x128xf32, #tpu.memory_space<vmem_shared>> -> memref<10240x128xf32, #tpu.memory_space<vmem_shared>>
      tpu.wait_indirect_dma semaphore(%arg14 : memref<!tpu.dma_semaphore, #tpu.memory_space<semaphore_mem>>) src(%arg9 : memref<128x128xf32, #tpu.memory_space<vmem>>) dst(%dma_wait3A_563 : memref<10240x128xf32, #tpu.memory_space<vmem_shared>>)
      %dma_start3A_564 = arith.constant 1 : i32
      %dma_start3A_565 = arith.constant 1 : i32
      %dma_start3A_566 = arith.constant 0 : i32
      %dma_start3A_567 = arith.constant 0 : i32
      %dma_start3A_568 = tpu.memref_slice %arg6[%dma_start3A_564, %dma_start3A_566, %dma_start3A_567] : memref<2x8x128xi32, #tpu.memory_space<vmem>> -> memref<1x8x128xi32, #tpu.memory_space<vmem>>
      %dma_start3A_569 = tpu.memref_squeeze %dma_start3A_568 : memref<1x8x128xi32, #tpu.memory_space<vmem>> -> memref<8x128xi32, #tpu.memory_space<vmem>>
      %dma_start3A_570 = arith.constant 0 : i32
      %dma_start3A_571 = tpu.memref_slice %dma_start3A_569[%dma_start3A_565, %dma_start3A_570] : memref<8x128xi32, #tpu.memory_space<vmem>> -> memref<1x128xi32, #tpu.memory_space<vmem>>
      %dma_start3A_572 = tpu.memref_squeeze %dma_start3A_571 : memref<1x128xi32, #tpu.memory_space<vmem>> -> memref<128xi32, #tpu.memory_space<vmem>>
      %dma_start3A_573 = arith.constant 0 : i32
      %dma_start3A_574 = arith.constant 0 : i32
      %dma_start3A_575 = tpu.memref_slice %arg2[%dma_start3A_573, %dma_start3A_574] : memref<20480x128xf32, #tpu.memory_space<hbm>> -> memref<20480x128xf32, #tpu.memory_space<hbm>>
      tpu.enqueue_indirect_dma source(%dma_start3A_575 : memref<20480x128xf32, #tpu.memory_space<hbm>>) target(%arg9 : memref<128x128xf32, #tpu.memory_space<vmem>>) offsets(%dma_start3A_572 : memref<128xi32, #tpu.memory_space<vmem>>) semaphore(%arg12 : memref<!tpu.dma_semaphore, #tpu.memory_space<semaphore_mem>>)
      %dma_wait3A_576 = arith.constant 1 : i32
      %dma_wait3A_577 = arith.constant 0 : i32
      %dma_wait3A_578 = arith.constant 0 : i32
      %dma_wait3A_579 = arith.constant 0 : i32
      %dma_wait3A_580 = tpu.memref_slice %arg6[%dma_wait3A_576, %dma_wait3A_578, %dma_wait3A_579] : memref<2x8x128xi32, #tpu.memory_space<vmem>> -> memref<1x8x128xi32, #tpu.memory_space<vmem>>
      %dma_wait3A_581 = tpu.memref_squeeze %dma_wait3A_580 : memref<1x8x128xi32, #tpu.memory_space<vmem>> -> memref<8x128xi32, #tpu.memory_space<vmem>>
      %dma_wait3A_582 = arith.constant 0 : i32
      %dma_wait3A_583 = tpu.memref_slice %dma_wait3A_581[%dma_wait3A_577, %dma_wait3A_582] : memref<8x128xi32, #tpu.memory_space<vmem>> -> memref<1x128xi32, #tpu.memory_space<vmem>>
      %dma_wait3A_584 = tpu.memref_squeeze %dma_wait3A_583 : memref<1x128xi32, #tpu.memory_space<vmem>> -> memref<128xi32, #tpu.memory_space<vmem>>
      %dma_wait3A_585 = arith.constant 0 : i32
      %dma_wait3A_586 = arith.constant 0 : i32
      %dma_wait3A_587 = tpu.memref_slice %arg2[%dma_wait3A_585, %dma_wait3A_586] : memref<20480x128xf32, #tpu.memory_space<hbm>> -> memref<20480x128xf32, #tpu.memory_space<hbm>>
      tpu.wait_indirect_dma semaphore(%arg11 : memref<!tpu.dma_semaphore, #tpu.memory_space<semaphore_mem>>) src(%dma_wait3A_587 : memref<20480x128xf32, #tpu.memory_space<hbm>>) dst(%arg8 : memref<128x128xf32, #tpu.memory_space<vmem>>)
      %dma_start3A_588 = arith.constant 1 : i32
      %dma_start3A_589 = arith.constant 0 : i32
      %dma_start3A_590 = arith.constant 0 : i32
      %dma_start3A_591 = arith.constant 0 : i32
      %dma_start3A_592 = tpu.memref_slice %arg7[%dma_start3A_588, %dma_start3A_590, %dma_start3A_591] : memref<2x8x128xi32, #tpu.memory_space<vmem>> -> memref<1x8x128xi32, #tpu.memory_space<vmem>>
      %dma_start3A_593 = tpu.memref_squeeze %dma_start3A_592 : memref<1x8x128xi32, #tpu.memory_space<vmem>> -> memref<8x128xi32, #tpu.memory_space<vmem>>
      %dma_start3A_594 = arith.constant 0 : i32
      %dma_start3A_595 = tpu.memref_slice %dma_start3A_593[%dma_start3A_589, %dma_start3A_594] : memref<8x128xi32, #tpu.memory_space<vmem>> -> memref<1x128xi32, #tpu.memory_space<vmem>>
      %dma_start3A_596 = tpu.memref_squeeze %dma_start3A_595 : memref<1x128xi32, #tpu.memory_space<vmem>> -> memref<128xi32, #tpu.memory_space<vmem>>
      %dma_start3A_597 = arith.constant 0 : i32
      %dma_start3A_598 = arith.constant 0 : i32
      %dma_start3A_599 = tpu.memref_slice %arg10[%dma_start3A_597, %dma_start3A_598] : memref<10240x128xf32, #tpu.memory_space<vmem_shared>> -> memref<10240x128xf32, #tpu.memory_space<vmem_shared>>
      tpu.enqueue_indirect_dma source(%arg8 : memref<128x128xf32, #tpu.memory_space<vmem>>) target(%dma_start3A_599 : memref<10240x128xf32, #tpu.memory_space<vmem_shared>>) offsets(%dma_start3A_596 : memref<128xi32, #tpu.memory_space<vmem>>) semaphore(%arg13 : memref<!tpu.dma_semaphore, #tpu.memory_space<semaphore_mem>>) {add = true}
      %lt3A = arith.constant 9 : i32
      %lt3A_600 = arith.cmpi slt, %scan3A_70, %lt3A : i32
      %convert_element_type3A_601 = arith.extui %lt3A_600 : i1 to i32
      %cond3A_602 = arith.constant 0 : i32
      %cond3A_603 = arith.cmpi ne, %convert_element_type3A_601, %cond3A_602 : i32
      scf.if %cond3A_603 {
        %add3A_916 = arith.constant 16 : i32
        %add3A_917 = arith.addi %mul3A_72, %add3A_916 : i32
        %add3A_918 = arith.addi %add3A_9, %add3A_917 : i32
        %dma_start3A_919 = arith.constant 0 : i32
        %dma_start3A_920 = arith.constant 0 : i32
        %dma_start3A_921 = arith.constant 0 : i32
        %dma_start3A_922 = tpu.memref_slice %arg6[%dma_start3A_919, %dma_start3A_920, %dma_start3A_921] : memref<2x8x128xi32, #tpu.memory_space<vmem>> -> memref<1x8x128xi32, #tpu.memory_space<vmem>>
        %dma_start3A_923 = tpu.memref_squeeze %dma_start3A_922 : memref<1x8x128xi32, #tpu.memory_space<vmem>> -> memref<8x128xi32, #tpu.memory_space<vmem>>
        %dma_start3A_924 = arith.constant 0 : i32
        %dma_start3A_925 = tpu.memref_slice %arg3[%add3A_918, %dma_start3A_924] : memref<5120x128xi32, #tpu.memory_space<hbm>> -> memref<8x128xi32, #tpu.memory_space<hbm>>
        %dma_start3A_926 = arith.constant 0 : i32
        %dma_start3A_927 = arith.constant 0 : i32
        %dma_start3A_928 = tpu.memref_slice %arg6[%dma_start3A_919, %dma_start3A_926, %dma_start3A_927] : memref<2x8x128xi32, #tpu.memory_space<vmem>> -> memref<1x8x128xi32, #tpu.memory_space<vmem>>
        %dma_start3A_929 = tpu.memref_squeeze %dma_start3A_928 : memref<1x8x128xi32, #tpu.memory_space<vmem>> -> memref<8x128xi32, #tpu.memory_space<vmem>>
        %dma_start3A_930 = arith.constant 0 : i32
        %dma_start3A_931 = tpu.memref_slice %arg3[%add3A_918, %dma_start3A_930] : memref<5120x128xi32, #tpu.memory_space<hbm>> -> memref<8x128xi32, #tpu.memory_space<hbm>>
        tpu.enqueue_dma source(%dma_start3A_931 : memref<8x128xi32, #tpu.memory_space<hbm>>) target(%dma_start3A_929 : memref<8x128xi32, #tpu.memory_space<vmem>>) target_semaphore(%arg15 : memref<!tpu.dma_semaphore, #tpu.memory_space<semaphore_mem>>)
        %add3A_932 = arith.addi %mul3A_11, %add3A_917 : i32
        %dma_start3A_933 = arith.constant 0 : i32
        %dma_start3A_934 = arith.constant 0 : i32
        %dma_start3A_935 = arith.constant 0 : i32
        %dma_start3A_936 = tpu.memref_slice %arg7[%dma_start3A_933, %dma_start3A_934, %dma_start3A_935] : memref<2x8x128xi32, #tpu.memory_space<vmem>> -> memref<1x8x128xi32, #tpu.memory_space<vmem>>
        %dma_start3A_937 = tpu.memref_squeeze %dma_start3A_936 : memref<1x8x128xi32, #tpu.memory_space<vmem>> -> memref<8x128xi32, #tpu.memory_space<vmem>>
        %dma_start3A_938 = arith.constant 0 : i32
        %dma_start3A_939 = tpu.memref_slice %arg4[%add3A_932, %dma_start3A_938] : memref<2560x128xi32, #tpu.memory_space<hbm>> -> memref<8x128xi32, #tpu.memory_space<hbm>>
        %dma_start3A_940 = arith.constant 0 : i32
        %dma_start3A_941 = arith.constant 0 : i32
        %dma_start3A_942 = tpu.memref_slice %arg7[%dma_start3A_933, %dma_start3A_940, %dma_start3A_941] : memref<2x8x128xi32, #tpu.memory_space<vmem>> -> memref<1x8x128xi32, #tpu.memory_space<vmem>>
        %dma_start3A_943 = tpu.memref_squeeze %dma_start3A_942 : memref<1x8x128xi32, #tpu.memory_space<vmem>> -> memref<8x128xi32, #tpu.memory_space<vmem>>
        %dma_start3A_944 = arith.constant 0 : i32
        %dma_start3A_945 = tpu.memref_slice %arg4[%add3A_932, %dma_start3A_944] : memref<2560x128xi32, #tpu.memory_space<hbm>> -> memref<8x128xi32, #tpu.memory_space<hbm>>
        tpu.enqueue_dma source(%dma_start3A_945 : memref<8x128xi32, #tpu.memory_space<hbm>>) target(%dma_start3A_943 : memref<8x128xi32, #tpu.memory_space<vmem>>) target_semaphore(%arg15 : memref<!tpu.dma_semaphore, #tpu.memory_space<semaphore_mem>>)
      } else {
      }
      %dma_wait3A_604 = arith.constant 1 : i32
      %dma_wait3A_605 = arith.constant 0 : i32
      %dma_wait3A_606 = arith.constant 0 : i32
      %dma_wait3A_607 = arith.constant 0 : i32
      %dma_wait3A_608 = tpu.memref_slice %arg7[%dma_wait3A_604, %dma_wait3A_606, %dma_wait3A_607] : memref<2x8x128xi32, #tpu.memory_space<vmem>> -> memref<1x8x128xi32, #tpu.memory_space<vmem>>
      %dma_wait3A_609 = tpu.memref_squeeze %dma_wait3A_608 : memref<1x8x128xi32, #tpu.memory_space<vmem>> -> memref<8x128xi32, #tpu.memory_space<vmem>>
      %dma_wait3A_610 = arith.constant 0 : i32
      %dma_wait3A_611 = tpu.memref_slice %dma_wait3A_609[%dma_wait3A_605, %dma_wait3A_610] : memref<8x128xi32, #tpu.memory_space<vmem>> -> memref<1x128xi32, #tpu.memory_space<vmem>>
      %dma_wait3A_612 = tpu.memref_squeeze %dma_wait3A_611 : memref<1x128xi32, #tpu.memory_space<vmem>> -> memref<128xi32, #tpu.memory_space<vmem>>
      %dma_wait3A_613 = arith.constant 0 : i32
      %dma_wait3A_614 = arith.constant 0 : i32
      %dma_wait3A_615 = tpu.memref_slice %arg10[%dma_wait3A_613, %dma_wait3A_614] : memref<10240x128xf32, #tpu.memory_space<vmem_shared>> -> memref<10240x128xf32, #tpu.memory_space<vmem_shared>>
      tpu.wait_indirect_dma semaphore(%arg13 : memref<!tpu.dma_semaphore, #tpu.memory_space<semaphore_mem>>) src(%arg8 : memref<128x128xf32, #tpu.memory_space<vmem>>) dst(%dma_wait3A_615 : memref<10240x128xf32, #tpu.memory_space<vmem_shared>>)
      %dma_start3A_616 = arith.constant 1 : i32
      %dma_start3A_617 = arith.constant 2 : i32
      %dma_start3A_618 = arith.constant 0 : i32
      %dma_start3A_619 = arith.constant 0 : i32
      %dma_start3A_620 = tpu.memref_slice %arg6[%dma_start3A_616, %dma_start3A_618, %dma_start3A_619] : memref<2x8x128xi32, #tpu.memory_space<vmem>> -> memref<1x8x128xi32, #tpu.memory_space<vmem>>
      %dma_start3A_621 = tpu.memref_squeeze %dma_start3A_620 : memref<1x8x128xi32, #tpu.memory_space<vmem>> -> memref<8x128xi32, #tpu.memory_space<vmem>>
      %dma_start3A_622 = arith.constant 0 : i32
      %dma_start3A_623 = tpu.memref_slice %dma_start3A_621[%dma_start3A_617, %dma_start3A_622] : memref<8x128xi32, #tpu.memory_space<vmem>> -> memref<1x128xi32, #tpu.memory_space<vmem>>
      %dma_start3A_624 = tpu.memref_squeeze %dma_start3A_623 : memref<1x128xi32, #tpu.memory_space<vmem>> -> memref<128xi32, #tpu.memory_space<vmem>>
      %dma_start3A_625 = arith.constant 0 : i32
      %dma_start3A_626 = arith.constant 0 : i32
      %dma_start3A_627 = tpu.memref_slice %arg2[%dma_start3A_625, %dma_start3A_626] : memref<20480x128xf32, #tpu.memory_space<hbm>> -> memref<20480x128xf32, #tpu.memory_space<hbm>>
      tpu.enqueue_indirect_dma source(%dma_start3A_627 : memref<20480x128xf32, #tpu.memory_space<hbm>>) target(%arg8 : memref<128x128xf32, #tpu.memory_space<vmem>>) offsets(%dma_start3A_624 : memref<128xi32, #tpu.memory_space<vmem>>) semaphore(%arg11 : memref<!tpu.dma_semaphore, #tpu.memory_space<semaphore_mem>>)
      %dma_wait3A_628 = arith.constant 1 : i32
      %dma_wait3A_629 = arith.constant 1 : i32
      %dma_wait3A_630 = arith.constant 0 : i32
      %dma_wait3A_631 = arith.constant 0 : i32
      %dma_wait3A_632 = tpu.memref_slice %arg6[%dma_wait3A_628, %dma_wait3A_630, %dma_wait3A_631] : memref<2x8x128xi32, #tpu.memory_space<vmem>> -> memref<1x8x128xi32, #tpu.memory_space<vmem>>
      %dma_wait3A_633 = tpu.memref_squeeze %dma_wait3A_632 : memref<1x8x128xi32, #tpu.memory_space<vmem>> -> memref<8x128xi32, #tpu.memory_space<vmem>>
      %dma_wait3A_634 = arith.constant 0 : i32
      %dma_wait3A_635 = tpu.memref_slice %dma_wait3A_633[%dma_wait3A_629, %dma_wait3A_634] : memref<8x128xi32, #tpu.memory_space<vmem>> -> memref<1x128xi32, #tpu.memory_space<vmem>>
      %dma_wait3A_636 = tpu.memref_squeeze %dma_wait3A_635 : memref<1x128xi32, #tpu.memory_space<vmem>> -> memref<128xi32, #tpu.memory_space<vmem>>
      %dma_wait3A_637 = arith.constant 0 : i32
      %dma_wait3A_638 = arith.constant 0 : i32
      %dma_wait3A_639 = tpu.memref_slice %arg2[%dma_wait3A_637, %dma_wait3A_638] : memref<20480x128xf32, #tpu.memory_space<hbm>> -> memref<20480x128xf32, #tpu.memory_space<hbm>>
      tpu.wait_indirect_dma semaphore(%arg12 : memref<!tpu.dma_semaphore, #tpu.memory_space<semaphore_mem>>) src(%dma_wait3A_639 : memref<20480x128xf32, #tpu.memory_space<hbm>>) dst(%arg9 : memref<128x128xf32, #tpu.memory_space<vmem>>)
      %dma_start3A_640 = arith.constant 1 : i32
      %dma_start3A_641 = arith.constant 1 : i32
      %dma_start3A_642 = arith.constant 0 : i32
      %dma_start3A_643 = arith.constant 0 : i32
      %dma_start3A_644 = tpu.memref_slice %arg7[%dma_start3A_640, %dma_start3A_642, %dma_start3A_643] : memref<2x8x128xi32, #tpu.memory_space<vmem>> -> memref<1x8x128xi32, #tpu.memory_space<vmem>>
      %dma_start3A_645 = tpu.memref_squeeze %dma_start3A_644 : memref<1x8x128xi32, #tpu.memory_space<vmem>> -> memref<8x128xi32, #tpu.memory_space<vmem>>
      %dma_start3A_646 = arith.constant 0 : i32
      %dma_start3A_647 = tpu.memref_slice %dma_start3A_645[%dma_start3A_641, %dma_start3A_646] : memref<8x128xi32, #tpu.memory_space<vmem>> -> memref<1x128xi32, #tpu.memory_space<vmem>>
      %dma_start3A_648 = tpu.memref_squeeze %dma_start3A_647 : memref<1x128xi32, #tpu.memory_space<vmem>> -> memref<128xi32, #tpu.memory_space<vmem>>
      %dma_start3A_649 = arith.constant 0 : i32
      %dma_start3A_650 = arith.constant 0 : i32
      %dma_start3A_651 = tpu.memref_slice %arg10[%dma_start3A_649, %dma_start3A_650] : memref<10240x128xf32, #tpu.memory_space<vmem_shared>> -> memref<10240x128xf32, #tpu.memory_space<vmem_shared>>
      tpu.enqueue_indirect_dma source(%arg9 : memref<128x128xf32, #tpu.memory_space<vmem>>) target(%dma_start3A_651 : memref<10240x128xf32, #tpu.memory_space<vmem_shared>>) offsets(%dma_start3A_648 : memref<128xi32, #tpu.memory_space<vmem>>) semaphore(%arg14 : memref<!tpu.dma_semaphore, #tpu.memory_space<semaphore_mem>>) {add = true}
      %dma_wait3A_652 = arith.constant 1 : i32
      %dma_wait3A_653 = arith.constant 1 : i32
      %dma_wait3A_654 = arith.constant 0 : i32
      %dma_wait3A_655 = arith.constant 0 : i32
      %dma_wait3A_656 = tpu.memref_slice %arg7[%dma_wait3A_652, %dma_wait3A_654, %dma_wait3A_655] : memref<2x8x128xi32, #tpu.memory_space<vmem>> -> memref<1x8x128xi32, #tpu.memory_space<vmem>>
      %dma_wait3A_657 = tpu.memref_squeeze %dma_wait3A_656 : memref<1x8x128xi32, #tpu.memory_space<vmem>> -> memref<8x128xi32, #tpu.memory_space<vmem>>
      %dma_wait3A_658 = arith.constant 0 : i32
      %dma_wait3A_659 = tpu.memref_slice %dma_wait3A_657[%dma_wait3A_653, %dma_wait3A_658] : memref<8x128xi32, #tpu.memory_space<vmem>> -> memref<1x128xi32, #tpu.memory_space<vmem>>
      %dma_wait3A_660 = tpu.memref_squeeze %dma_wait3A_659 : memref<1x128xi32, #tpu.memory_space<vmem>> -> memref<128xi32, #tpu.memory_space<vmem>>
      %dma_wait3A_661 = arith.constant 0 : i32
      %dma_wait3A_662 = arith.constant 0 : i32
      %dma_wait3A_663 = tpu.memref_slice %arg10[%dma_wait3A_661, %dma_wait3A_662] : memref<10240x128xf32, #tpu.memory_space<vmem_shared>> -> memref<10240x128xf32, #tpu.memory_space<vmem_shared>>
      tpu.wait_indirect_dma semaphore(%arg14 : memref<!tpu.dma_semaphore, #tpu.memory_space<semaphore_mem>>) src(%arg9 : memref<128x128xf32, #tpu.memory_space<vmem>>) dst(%dma_wait3A_663 : memref<10240x128xf32, #tpu.memory_space<vmem_shared>>)
      %dma_start3A_664 = arith.constant 1 : i32
      %dma_start3A_665 = arith.constant 3 : i32
      %dma_start3A_666 = arith.constant 0 : i32
      %dma_start3A_667 = arith.constant 0 : i32
      %dma_start3A_668 = tpu.memref_slice %arg6[%dma_start3A_664, %dma_start3A_666, %dma_start3A_667] : memref<2x8x128xi32, #tpu.memory_space<vmem>> -> memref<1x8x128xi32, #tpu.memory_space<vmem>>
      %dma_start3A_669 = tpu.memref_squeeze %dma_start3A_668 : memref<1x8x128xi32, #tpu.memory_space<vmem>> -> memref<8x128xi32, #tpu.memory_space<vmem>>
      %dma_start3A_670 = arith.constant 0 : i32
      %dma_start3A_671 = tpu.memref_slice %dma_start3A_669[%dma_start3A_665, %dma_start3A_670] : memref<8x128xi32, #tpu.memory_space<vmem>> -> memref<1x128xi32, #tpu.memory_space<vmem>>
      %dma_start3A_672 = tpu.memref_squeeze %dma_start3A_671 : memref<1x128xi32, #tpu.memory_space<vmem>> -> memref<128xi32, #tpu.memory_space<vmem>>
      %dma_start3A_673 = arith.constant 0 : i32
      %dma_start3A_674 = arith.constant 0 : i32
      %dma_start3A_675 = tpu.memref_slice %arg2[%dma_start3A_673, %dma_start3A_674] : memref<20480x128xf32, #tpu.memory_space<hbm>> -> memref<20480x128xf32, #tpu.memory_space<hbm>>
      tpu.enqueue_indirect_dma source(%dma_start3A_675 : memref<20480x128xf32, #tpu.memory_space<hbm>>) target(%arg9 : memref<128x128xf32, #tpu.memory_space<vmem>>) offsets(%dma_start3A_672 : memref<128xi32, #tpu.memory_space<vmem>>) semaphore(%arg12 : memref<!tpu.dma_semaphore, #tpu.memory_space<semaphore_mem>>)
      %dma_wait3A_676 = arith.constant 1 : i32
      %dma_wait3A_677 = arith.constant 2 : i32
      %dma_wait3A_678 = arith.constant 0 : i32
      %dma_wait3A_679 = arith.constant 0 : i32
      %dma_wait3A_680 = tpu.memref_slice %arg6[%dma_wait3A_676, %dma_wait3A_678, %dma_wait3A_679] : memref<2x8x128xi32, #tpu.memory_space<vmem>> -> memref<1x8x128xi32, #tpu.memory_space<vmem>>
      %dma_wait3A_681 = tpu.memref_squeeze %dma_wait3A_680 : memref<1x8x128xi32, #tpu.memory_space<vmem>> -> memref<8x128xi32, #tpu.memory_space<vmem>>
      %dma_wait3A_682 = arith.constant 0 : i32
      %dma_wait3A_683 = tpu.memref_slice %dma_wait3A_681[%dma_wait3A_677, %dma_wait3A_682] : memref<8x128xi32, #tpu.memory_space<vmem>> -> memref<1x128xi32, #tpu.memory_space<vmem>>
      %dma_wait3A_684 = tpu.memref_squeeze %dma_wait3A_683 : memref<1x128xi32, #tpu.memory_space<vmem>> -> memref<128xi32, #tpu.memory_space<vmem>>
      %dma_wait3A_685 = arith.constant 0 : i32
      %dma_wait3A_686 = arith.constant 0 : i32
      %dma_wait3A_687 = tpu.memref_slice %arg2[%dma_wait3A_685, %dma_wait3A_686] : memref<20480x128xf32, #tpu.memory_space<hbm>> -> memref<20480x128xf32, #tpu.memory_space<hbm>>
      tpu.wait_indirect_dma semaphore(%arg11 : memref<!tpu.dma_semaphore, #tpu.memory_space<semaphore_mem>>) src(%dma_wait3A_687 : memref<20480x128xf32, #tpu.memory_space<hbm>>) dst(%arg8 : memref<128x128xf32, #tpu.memory_space<vmem>>)
      %dma_start3A_688 = arith.constant 1 : i32
      %dma_start3A_689 = arith.constant 2 : i32
      %dma_start3A_690 = arith.constant 0 : i32
      %dma_start3A_691 = arith.constant 0 : i32
      %dma_start3A_692 = tpu.memref_slice %arg7[%dma_start3A_688, %dma_start3A_690, %dma_start3A_691] : memref<2x8x128xi32, #tpu.memory_space<vmem>> -> memref<1x8x128xi32, #tpu.memory_space<vmem>>
      %dma_start3A_693 = tpu.memref_squeeze %dma_start3A_692 : memref<1x8x128xi32, #tpu.memory_space<vmem>> -> memref<8x128xi32, #tpu.memory_space<vmem>>
      %dma_start3A_694 = arith.constant 0 : i32
      %dma_start3A_695 = tpu.memref_slice %dma_start3A_693[%dma_start3A_689, %dma_start3A_694] : memref<8x128xi32, #tpu.memory_space<vmem>> -> memref<1x128xi32, #tpu.memory_space<vmem>>
      %dma_start3A_696 = tpu.memref_squeeze %dma_start3A_695 : memref<1x128xi32, #tpu.memory_space<vmem>> -> memref<128xi32, #tpu.memory_space<vmem>>
      %dma_start3A_697 = arith.constant 0 : i32
      %dma_start3A_698 = arith.constant 0 : i32
      %dma_start3A_699 = tpu.memref_slice %arg10[%dma_start3A_697, %dma_start3A_698] : memref<10240x128xf32, #tpu.memory_space<vmem_shared>> -> memref<10240x128xf32, #tpu.memory_space<vmem_shared>>
      tpu.enqueue_indirect_dma source(%arg8 : memref<128x128xf32, #tpu.memory_space<vmem>>) target(%dma_start3A_699 : memref<10240x128xf32, #tpu.memory_space<vmem_shared>>) offsets(%dma_start3A_696 : memref<128xi32, #tpu.memory_space<vmem>>) semaphore(%arg13 : memref<!tpu.dma_semaphore, #tpu.memory_space<semaphore_mem>>) {add = true}
      %dma_wait3A_700 = arith.constant 1 : i32
      %dma_wait3A_701 = arith.constant 2 : i32
      %dma_wait3A_702 = arith.constant 0 : i32
      %dma_wait3A_703 = arith.constant 0 : i32
      %dma_wait3A_704 = tpu.memref_slice %arg7[%dma_wait3A_700, %dma_wait3A_702, %dma_wait3A_703] : memref<2x8x128xi32, #tpu.memory_space<vmem>> -> memref<1x8x128xi32, #tpu.memory_space<vmem>>
      %dma_wait3A_705 = tpu.memref_squeeze %dma_wait3A_704 : memref<1x8x128xi32, #tpu.memory_space<vmem>> -> memref<8x128xi32, #tpu.memory_space<vmem>>
      %dma_wait3A_706 = arith.constant 0 : i32
      %dma_wait3A_707 = tpu.memref_slice %dma_wait3A_705[%dma_wait3A_701, %dma_wait3A_706] : memref<8x128xi32, #tpu.memory_space<vmem>> -> memref<1x128xi32, #tpu.memory_space<vmem>>
      %dma_wait3A_708 = tpu.memref_squeeze %dma_wait3A_707 : memref<1x128xi32, #tpu.memory_space<vmem>> -> memref<128xi32, #tpu.memory_space<vmem>>
      %dma_wait3A_709 = arith.constant 0 : i32
      %dma_wait3A_710 = arith.constant 0 : i32
      %dma_wait3A_711 = tpu.memref_slice %arg10[%dma_wait3A_709, %dma_wait3A_710] : memref<10240x128xf32, #tpu.memory_space<vmem_shared>> -> memref<10240x128xf32, #tpu.memory_space<vmem_shared>>
      tpu.wait_indirect_dma semaphore(%arg13 : memref<!tpu.dma_semaphore, #tpu.memory_space<semaphore_mem>>) src(%arg8 : memref<128x128xf32, #tpu.memory_space<vmem>>) dst(%dma_wait3A_711 : memref<10240x128xf32, #tpu.memory_space<vmem_shared>>)
      %dma_start3A_712 = arith.constant 1 : i32
      %dma_start3A_713 = arith.constant 4 : i32
      %dma_start3A_714 = arith.constant 0 : i32
      %dma_start3A_715 = arith.constant 0 : i32
      %dma_start3A_716 = tpu.memref_slice %arg6[%dma_start3A_712, %dma_start3A_714, %dma_start3A_715] : memref<2x8x128xi32, #tpu.memory_space<vmem>> -> memref<1x8x128xi32, #tpu.memory_space<vmem>>
      %dma_start3A_717 = tpu.memref_squeeze %dma_start3A_716 : memref<1x8x128xi32, #tpu.memory_space<vmem>> -> memref<8x128xi32, #tpu.memory_space<vmem>>
      %dma_start3A_718 = arith.constant 0 : i32
      %dma_start3A_719 = tpu.memref_slice %dma_start3A_717[%dma_start3A_713, %dma_start3A_718] : memref<8x128xi32, #tpu.memory_space<vmem>> -> memref<1x128xi32, #tpu.memory_space<vmem>>
      %dma_start3A_720 = tpu.memref_squeeze %dma_start3A_719 : memref<1x128xi32, #tpu.memory_space<vmem>> -> memref<128xi32, #tpu.memory_space<vmem>>
      %dma_start3A_721 = arith.constant 0 : i32
      %dma_start3A_722 = arith.constant 0 : i32
      %dma_start3A_723 = tpu.memref_slice %arg2[%dma_start3A_721, %dma_start3A_722] : memref<20480x128xf32, #tpu.memory_space<hbm>> -> memref<20480x128xf32, #tpu.memory_space<hbm>>
      tpu.enqueue_indirect_dma source(%dma_start3A_723 : memref<20480x128xf32, #tpu.memory_space<hbm>>) target(%arg8 : memref<128x128xf32, #tpu.memory_space<vmem>>) offsets(%dma_start3A_720 : memref<128xi32, #tpu.memory_space<vmem>>) semaphore(%arg11 : memref<!tpu.dma_semaphore, #tpu.memory_space<semaphore_mem>>)
      %dma_wait3A_724 = arith.constant 1 : i32
      %dma_wait3A_725 = arith.constant 3 : i32
      %dma_wait3A_726 = arith.constant 0 : i32
      %dma_wait3A_727 = arith.constant 0 : i32
      %dma_wait3A_728 = tpu.memref_slice %arg6[%dma_wait3A_724, %dma_wait3A_726, %dma_wait3A_727] : memref<2x8x128xi32, #tpu.memory_space<vmem>> -> memref<1x8x128xi32, #tpu.memory_space<vmem>>
      %dma_wait3A_729 = tpu.memref_squeeze %dma_wait3A_728 : memref<1x8x128xi32, #tpu.memory_space<vmem>> -> memref<8x128xi32, #tpu.memory_space<vmem>>
      %dma_wait3A_730 = arith.constant 0 : i32
      %dma_wait3A_731 = tpu.memref_slice %dma_wait3A_729[%dma_wait3A_725, %dma_wait3A_730] : memref<8x128xi32, #tpu.memory_space<vmem>> -> memref<1x128xi32, #tpu.memory_space<vmem>>
      %dma_wait3A_732 = tpu.memref_squeeze %dma_wait3A_731 : memref<1x128xi32, #tpu.memory_space<vmem>> -> memref<128xi32, #tpu.memory_space<vmem>>
      %dma_wait3A_733 = arith.constant 0 : i32
      %dma_wait3A_734 = arith.constant 0 : i32
      %dma_wait3A_735 = tpu.memref_slice %arg2[%dma_wait3A_733, %dma_wait3A_734] : memref<20480x128xf32, #tpu.memory_space<hbm>> -> memref<20480x128xf32, #tpu.memory_space<hbm>>
      tpu.wait_indirect_dma semaphore(%arg12 : memref<!tpu.dma_semaphore, #tpu.memory_space<semaphore_mem>>) src(%dma_wait3A_735 : memref<20480x128xf32, #tpu.memory_space<hbm>>) dst(%arg9 : memref<128x128xf32, #tpu.memory_space<vmem>>)
      %dma_start3A_736 = arith.constant 1 : i32
      %dma_start3A_737 = arith.constant 3 : i32
      %dma_start3A_738 = arith.constant 0 : i32
      %dma_start3A_739 = arith.constant 0 : i32
      %dma_start3A_740 = tpu.memref_slice %arg7[%dma_start3A_736, %dma_start3A_738, %dma_start3A_739] : memref<2x8x128xi32, #tpu.memory_space<vmem>> -> memref<1x8x128xi32, #tpu.memory_space<vmem>>
      %dma_start3A_741 = tpu.memref_squeeze %dma_start3A_740 : memref<1x8x128xi32, #tpu.memory_space<vmem>> -> memref<8x128xi32, #tpu.memory_space<vmem>>
      %dma_start3A_742 = arith.constant 0 : i32
      %dma_start3A_743 = tpu.memref_slice %dma_start3A_741[%dma_start3A_737, %dma_start3A_742] : memref<8x128xi32, #tpu.memory_space<vmem>> -> memref<1x128xi32, #tpu.memory_space<vmem>>
      %dma_start3A_744 = tpu.memref_squeeze %dma_start3A_743 : memref<1x128xi32, #tpu.memory_space<vmem>> -> memref<128xi32, #tpu.memory_space<vmem>>
      %dma_start3A_745 = arith.constant 0 : i32
      %dma_start3A_746 = arith.constant 0 : i32
      %dma_start3A_747 = tpu.memref_slice %arg10[%dma_start3A_745, %dma_start3A_746] : memref<10240x128xf32, #tpu.memory_space<vmem_shared>> -> memref<10240x128xf32, #tpu.memory_space<vmem_shared>>
      tpu.enqueue_indirect_dma source(%arg9 : memref<128x128xf32, #tpu.memory_space<vmem>>) target(%dma_start3A_747 : memref<10240x128xf32, #tpu.memory_space<vmem_shared>>) offsets(%dma_start3A_744 : memref<128xi32, #tpu.memory_space<vmem>>) semaphore(%arg14 : memref<!tpu.dma_semaphore, #tpu.memory_space<semaphore_mem>>) {add = true}
      %dma_wait3A_748 = arith.constant 1 : i32
      %dma_wait3A_749 = arith.constant 3 : i32
      %dma_wait3A_750 = arith.constant 0 : i32
      %dma_wait3A_751 = arith.constant 0 : i32
      %dma_wait3A_752 = tpu.memref_slice %arg7[%dma_wait3A_748, %dma_wait3A_750, %dma_wait3A_751] : memref<2x8x128xi32, #tpu.memory_space<vmem>> -> memref<1x8x128xi32, #tpu.memory_space<vmem>>
      %dma_wait3A_753 = tpu.memref_squeeze %dma_wait3A_752 : memref<1x8x128xi32, #tpu.memory_space<vmem>> -> memref<8x128xi32, #tpu.memory_space<vmem>>
      %dma_wait3A_754 = arith.constant 0 : i32
      %dma_wait3A_755 = tpu.memref_slice %dma_wait3A_753[%dma_wait3A_749, %dma_wait3A_754] : memref<8x128xi32, #tpu.memory_space<vmem>> -> memref<1x128xi32, #tpu.memory_space<vmem>>
      %dma_wait3A_756 = tpu.memref_squeeze %dma_wait3A_755 : memref<1x128xi32, #tpu.memory_space<vmem>> -> memref<128xi32, #tpu.memory_space<vmem>>
      %dma_wait3A_757 = arith.constant 0 : i32
      %dma_wait3A_758 = arith.constant 0 : i32
      %dma_wait3A_759 = tpu.memref_slice %arg10[%dma_wait3A_757, %dma_wait3A_758] : memref<10240x128xf32, #tpu.memory_space<vmem_shared>> -> memref<10240x128xf32, #tpu.memory_space<vmem_shared>>
      tpu.wait_indirect_dma semaphore(%arg14 : memref<!tpu.dma_semaphore, #tpu.memory_space<semaphore_mem>>) src(%arg9 : memref<128x128xf32, #tpu.memory_space<vmem>>) dst(%dma_wait3A_759 : memref<10240x128xf32, #tpu.memory_space<vmem_shared>>)
      %dma_start3A_760 = arith.constant 1 : i32
      %dma_start3A_761 = arith.constant 5 : i32
      %dma_start3A_762 = arith.constant 0 : i32
      %dma_start3A_763 = arith.constant 0 : i32
      %dma_start3A_764 = tpu.memref_slice %arg6[%dma_start3A_760, %dma_start3A_762, %dma_start3A_763] : memref<2x8x128xi32, #tpu.memory_space<vmem>> -> memref<1x8x128xi32, #tpu.memory_space<vmem>>
      %dma_start3A_765 = tpu.memref_squeeze %dma_start3A_764 : memref<1x8x128xi32, #tpu.memory_space<vmem>> -> memref<8x128xi32, #tpu.memory_space<vmem>>
      %dma_start3A_766 = arith.constant 0 : i32
      %dma_start3A_767 = tpu.memref_slice %dma_start3A_765[%dma_start3A_761, %dma_start3A_766] : memref<8x128xi32, #tpu.memory_space<vmem>> -> memref<1x128xi32, #tpu.memory_space<vmem>>
      %dma_start3A_768 = tpu.memref_squeeze %dma_start3A_767 : memref<1x128xi32, #tpu.memory_space<vmem>> -> memref<128xi32, #tpu.memory_space<vmem>>
      %dma_start3A_769 = arith.constant 0 : i32
      %dma_start3A_770 = arith.constant 0 : i32
      %dma_start3A_771 = tpu.memref_slice %arg2[%dma_start3A_769, %dma_start3A_770] : memref<20480x128xf32, #tpu.memory_space<hbm>> -> memref<20480x128xf32, #tpu.memory_space<hbm>>
      tpu.enqueue_indirect_dma source(%dma_start3A_771 : memref<20480x128xf32, #tpu.memory_space<hbm>>) target(%arg9 : memref<128x128xf32, #tpu.memory_space<vmem>>) offsets(%dma_start3A_768 : memref<128xi32, #tpu.memory_space<vmem>>) semaphore(%arg12 : memref<!tpu.dma_semaphore, #tpu.memory_space<semaphore_mem>>)
      %dma_wait3A_772 = arith.constant 1 : i32
      %dma_wait3A_773 = arith.constant 4 : i32
      %dma_wait3A_774 = arith.constant 0 : i32
      %dma_wait3A_775 = arith.constant 0 : i32
      %dma_wait3A_776 = tpu.memref_slice %arg6[%dma_wait3A_772, %dma_wait3A_774, %dma_wait3A_775] : memref<2x8x128xi32, #tpu.memory_space<vmem>> -> memref<1x8x128xi32, #tpu.memory_space<vmem>>
      %dma_wait3A_777 = tpu.memref_squeeze %dma_wait3A_776 : memref<1x8x128xi32, #tpu.memory_space<vmem>> -> memref<8x128xi32, #tpu.memory_space<vmem>>
      %dma_wait3A_778 = arith.constant 0 : i32
      %dma_wait3A_779 = tpu.memref_slice %dma_wait3A_777[%dma_wait3A_773, %dma_wait3A_778] : memref<8x128xi32, #tpu.memory_space<vmem>> -> memref<1x128xi32, #tpu.memory_space<vmem>>
      %dma_wait3A_780 = tpu.memref_squeeze %dma_wait3A_779 : memref<1x128xi32, #tpu.memory_space<vmem>> -> memref<128xi32, #tpu.memory_space<vmem>>
      %dma_wait3A_781 = arith.constant 0 : i32
      %dma_wait3A_782 = arith.constant 0 : i32
      %dma_wait3A_783 = tpu.memref_slice %arg2[%dma_wait3A_781, %dma_wait3A_782] : memref<20480x128xf32, #tpu.memory_space<hbm>> -> memref<20480x128xf32, #tpu.memory_space<hbm>>
      tpu.wait_indirect_dma semaphore(%arg11 : memref<!tpu.dma_semaphore, #tpu.memory_space<semaphore_mem>>) src(%dma_wait3A_783 : memref<20480x128xf32, #tpu.memory_space<hbm>>) dst(%arg8 : memref<128x128xf32, #tpu.memory_space<vmem>>)
      %dma_start3A_784 = arith.constant 1 : i32
      %dma_start3A_785 = arith.constant 4 : i32
      %dma_start3A_786 = arith.constant 0 : i32
      %dma_start3A_787 = arith.constant 0 : i32
      %dma_start3A_788 = tpu.memref_slice %arg7[%dma_start3A_784, %dma_start3A_786, %dma_start3A_787] : memref<2x8x128xi32, #tpu.memory_space<vmem>> -> memref<1x8x128xi32, #tpu.memory_space<vmem>>
      %dma_start3A_789 = tpu.memref_squeeze %dma_start3A_788 : memref<1x8x128xi32, #tpu.memory_space<vmem>> -> memref<8x128xi32, #tpu.memory_space<vmem>>
      %dma_start3A_790 = arith.constant 0 : i32
      %dma_start3A_791 = tpu.memref_slice %dma_start3A_789[%dma_start3A_785, %dma_start3A_790] : memref<8x128xi32, #tpu.memory_space<vmem>> -> memref<1x128xi32, #tpu.memory_space<vmem>>
      %dma_start3A_792 = tpu.memref_squeeze %dma_start3A_791 : memref<1x128xi32, #tpu.memory_space<vmem>> -> memref<128xi32, #tpu.memory_space<vmem>>
      %dma_start3A_793 = arith.constant 0 : i32
      %dma_start3A_794 = arith.constant 0 : i32
      %dma_start3A_795 = tpu.memref_slice %arg10[%dma_start3A_793, %dma_start3A_794] : memref<10240x128xf32, #tpu.memory_space<vmem_shared>> -> memref<10240x128xf32, #tpu.memory_space<vmem_shared>>
      tpu.enqueue_indirect_dma source(%arg8 : memref<128x128xf32, #tpu.memory_space<vmem>>) target(%dma_start3A_795 : memref<10240x128xf32, #tpu.memory_space<vmem_shared>>) offsets(%dma_start3A_792 : memref<128xi32, #tpu.memory_space<vmem>>) semaphore(%arg13 : memref<!tpu.dma_semaphore, #tpu.memory_space<semaphore_mem>>) {add = true}
      %dma_wait3A_796 = arith.constant 1 : i32
      %dma_wait3A_797 = arith.constant 4 : i32
      %dma_wait3A_798 = arith.constant 0 : i32
      %dma_wait3A_799 = arith.constant 0 : i32
      %dma_wait3A_800 = tpu.memref_slice %arg7[%dma_wait3A_796, %dma_wait3A_798, %dma_wait3A_799] : memref<2x8x128xi32, #tpu.memory_space<vmem>> -> memref<1x8x128xi32, #tpu.memory_space<vmem>>
      %dma_wait3A_801 = tpu.memref_squeeze %dma_wait3A_800 : memref<1x8x128xi32, #tpu.memory_space<vmem>> -> memref<8x128xi32, #tpu.memory_space<vmem>>
      %dma_wait3A_802 = arith.constant 0 : i32
      %dma_wait3A_803 = tpu.memref_slice %dma_wait3A_801[%dma_wait3A_797, %dma_wait3A_802] : memref<8x128xi32, #tpu.memory_space<vmem>> -> memref<1x128xi32, #tpu.memory_space<vmem>>
      %dma_wait3A_804 = tpu.memref_squeeze %dma_wait3A_803 : memref<1x128xi32, #tpu.memory_space<vmem>> -> memref<128xi32, #tpu.memory_space<vmem>>
      %dma_wait3A_805 = arith.constant 0 : i32
      %dma_wait3A_806 = arith.constant 0 : i32
      %dma_wait3A_807 = tpu.memref_slice %arg10[%dma_wait3A_805, %dma_wait3A_806] : memref<10240x128xf32, #tpu.memory_space<vmem_shared>> -> memref<10240x128xf32, #tpu.memory_space<vmem_shared>>
      tpu.wait_indirect_dma semaphore(%arg13 : memref<!tpu.dma_semaphore, #tpu.memory_space<semaphore_mem>>) src(%arg8 : memref<128x128xf32, #tpu.memory_space<vmem>>) dst(%dma_wait3A_807 : memref<10240x128xf32, #tpu.memory_space<vmem_shared>>)
      %dma_start3A_808 = arith.constant 1 : i32
      %dma_start3A_809 = arith.constant 6 : i32
      %dma_start3A_810 = arith.constant 0 : i32
      %dma_start3A_811 = arith.constant 0 : i32
      %dma_start3A_812 = tpu.memref_slice %arg6[%dma_start3A_808, %dma_start3A_810, %dma_start3A_811] : memref<2x8x128xi32, #tpu.memory_space<vmem>> -> memref<1x8x128xi32, #tpu.memory_space<vmem>>
      %dma_start3A_813 = tpu.memref_squeeze %dma_start3A_812 : memref<1x8x128xi32, #tpu.memory_space<vmem>> -> memref<8x128xi32, #tpu.memory_space<vmem>>
      %dma_start3A_814 = arith.constant 0 : i32
      %dma_start3A_815 = tpu.memref_slice %dma_start3A_813[%dma_start3A_809, %dma_start3A_814] : memref<8x128xi32, #tpu.memory_space<vmem>> -> memref<1x128xi32, #tpu.memory_space<vmem>>
      %dma_start3A_816 = tpu.memref_squeeze %dma_start3A_815 : memref<1x128xi32, #tpu.memory_space<vmem>> -> memref<128xi32, #tpu.memory_space<vmem>>
      %dma_start3A_817 = arith.constant 0 : i32
      %dma_start3A_818 = arith.constant 0 : i32
      %dma_start3A_819 = tpu.memref_slice %arg2[%dma_start3A_817, %dma_start3A_818] : memref<20480x128xf32, #tpu.memory_space<hbm>> -> memref<20480x128xf32, #tpu.memory_space<hbm>>
      tpu.enqueue_indirect_dma source(%dma_start3A_819 : memref<20480x128xf32, #tpu.memory_space<hbm>>) target(%arg8 : memref<128x128xf32, #tpu.memory_space<vmem>>) offsets(%dma_start3A_816 : memref<128xi32, #tpu.memory_space<vmem>>) semaphore(%arg11 : memref<!tpu.dma_semaphore, #tpu.memory_space<semaphore_mem>>)
      %dma_wait3A_820 = arith.constant 1 : i32
      %dma_wait3A_821 = arith.constant 5 : i32
      %dma_wait3A_822 = arith.constant 0 : i32
      %dma_wait3A_823 = arith.constant 0 : i32
      %dma_wait3A_824 = tpu.memref_slice %arg6[%dma_wait3A_820, %dma_wait3A_822, %dma_wait3A_823] : memref<2x8x128xi32, #tpu.memory_space<vmem>> -> memref<1x8x128xi32, #tpu.memory_space<vmem>>
      %dma_wait3A_825 = tpu.memref_squeeze %dma_wait3A_824 : memref<1x8x128xi32, #tpu.memory_space<vmem>> -> memref<8x128xi32, #tpu.memory_space<vmem>>
      %dma_wait3A_826 = arith.constant 0 : i32
      %dma_wait3A_827 = tpu.memref_slice %dma_wait3A_825[%dma_wait3A_821, %dma_wait3A_826] : memref<8x128xi32, #tpu.memory_space<vmem>> -> memref<1x128xi32, #tpu.memory_space<vmem>>
      %dma_wait3A_828 = tpu.memref_squeeze %dma_wait3A_827 : memref<1x128xi32, #tpu.memory_space<vmem>> -> memref<128xi32, #tpu.memory_space<vmem>>
      %dma_wait3A_829 = arith.constant 0 : i32
      %dma_wait3A_830 = arith.constant 0 : i32
      %dma_wait3A_831 = tpu.memref_slice %arg2[%dma_wait3A_829, %dma_wait3A_830] : memref<20480x128xf32, #tpu.memory_space<hbm>> -> memref<20480x128xf32, #tpu.memory_space<hbm>>
      tpu.wait_indirect_dma semaphore(%arg12 : memref<!tpu.dma_semaphore, #tpu.memory_space<semaphore_mem>>) src(%dma_wait3A_831 : memref<20480x128xf32, #tpu.memory_space<hbm>>) dst(%arg9 : memref<128x128xf32, #tpu.memory_space<vmem>>)
      %dma_start3A_832 = arith.constant 1 : i32
      %dma_start3A_833 = arith.constant 5 : i32
      %dma_start3A_834 = arith.constant 0 : i32
      %dma_start3A_835 = arith.constant 0 : i32
      %dma_start3A_836 = tpu.memref_slice %arg7[%dma_start3A_832, %dma_start3A_834, %dma_start3A_835] : memref<2x8x128xi32, #tpu.memory_space<vmem>> -> memref<1x8x128xi32, #tpu.memory_space<vmem>>
      %dma_start3A_837 = tpu.memref_squeeze %dma_start3A_836 : memref<1x8x128xi32, #tpu.memory_space<vmem>> -> memref<8x128xi32, #tpu.memory_space<vmem>>
      %dma_start3A_838 = arith.constant 0 : i32
      %dma_start3A_839 = tpu.memref_slice %dma_start3A_837[%dma_start3A_833, %dma_start3A_838] : memref<8x128xi32, #tpu.memory_space<vmem>> -> memref<1x128xi32, #tpu.memory_space<vmem>>
      %dma_start3A_840 = tpu.memref_squeeze %dma_start3A_839 : memref<1x128xi32, #tpu.memory_space<vmem>> -> memref<128xi32, #tpu.memory_space<vmem>>
      %dma_start3A_841 = arith.constant 0 : i32
      %dma_start3A_842 = arith.constant 0 : i32
      %dma_start3A_843 = tpu.memref_slice %arg10[%dma_start3A_841, %dma_start3A_842] : memref<10240x128xf32, #tpu.memory_space<vmem_shared>> -> memref<10240x128xf32, #tpu.memory_space<vmem_shared>>
      tpu.enqueue_indirect_dma source(%arg9 : memref<128x128xf32, #tpu.memory_space<vmem>>) target(%dma_start3A_843 : memref<10240x128xf32, #tpu.memory_space<vmem_shared>>) offsets(%dma_start3A_840 : memref<128xi32, #tpu.memory_space<vmem>>) semaphore(%arg14 : memref<!tpu.dma_semaphore, #tpu.memory_space<semaphore_mem>>) {add = true}
      %dma_wait3A_844 = arith.constant 1 : i32
      %dma_wait3A_845 = arith.constant 5 : i32
      %dma_wait3A_846 = arith.constant 0 : i32
      %dma_wait3A_847 = arith.constant 0 : i32
      %dma_wait3A_848 = tpu.memref_slice %arg7[%dma_wait3A_844, %dma_wait3A_846, %dma_wait3A_847] : memref<2x8x128xi32, #tpu.memory_space<vmem>> -> memref<1x8x128xi32, #tpu.memory_space<vmem>>
      %dma_wait3A_849 = tpu.memref_squeeze %dma_wait3A_848 : memref<1x8x128xi32, #tpu.memory_space<vmem>> -> memref<8x128xi32, #tpu.memory_space<vmem>>
      %dma_wait3A_850 = arith.constant 0 : i32
      %dma_wait3A_851 = tpu.memref_slice %dma_wait3A_849[%dma_wait3A_845, %dma_wait3A_850] : memref<8x128xi32, #tpu.memory_space<vmem>> -> memref<1x128xi32, #tpu.memory_space<vmem>>
      %dma_wait3A_852 = tpu.memref_squeeze %dma_wait3A_851 : memref<1x128xi32, #tpu.memory_space<vmem>> -> memref<128xi32, #tpu.memory_space<vmem>>
      %dma_wait3A_853 = arith.constant 0 : i32
      %dma_wait3A_854 = arith.constant 0 : i32
      %dma_wait3A_855 = tpu.memref_slice %arg10[%dma_wait3A_853, %dma_wait3A_854] : memref<10240x128xf32, #tpu.memory_space<vmem_shared>> -> memref<10240x128xf32, #tpu.memory_space<vmem_shared>>
      tpu.wait_indirect_dma semaphore(%arg14 : memref<!tpu.dma_semaphore, #tpu.memory_space<semaphore_mem>>) src(%arg9 : memref<128x128xf32, #tpu.memory_space<vmem>>) dst(%dma_wait3A_855 : memref<10240x128xf32, #tpu.memory_space<vmem_shared>>)
      %dma_start3A_856 = arith.constant 1 : i32
      %dma_start3A_857 = arith.constant 7 : i32
      %dma_start3A_858 = arith.constant 0 : i32
      %dma_start3A_859 = arith.constant 0 : i32
      %dma_start3A_860 = tpu.memref_slice %arg6[%dma_start3A_856, %dma_start3A_858, %dma_start3A_859] : memref<2x8x128xi32, #tpu.memory_space<vmem>> -> memref<1x8x128xi32, #tpu.memory_space<vmem>>
      %dma_start3A_861 = tpu.memref_squeeze %dma_start3A_860 : memref<1x8x128xi32, #tpu.memory_space<vmem>> -> memref<8x128xi32, #tpu.memory_space<vmem>>
      %dma_start3A_862 = arith.constant 0 : i32
      %dma_start3A_863 = tpu.memref_slice %dma_start3A_861[%dma_start3A_857, %dma_start3A_862] : memref<8x128xi32, #tpu.memory_space<vmem>> -> memref<1x128xi32, #tpu.memory_space<vmem>>
      %dma_start3A_864 = tpu.memref_squeeze %dma_start3A_863 : memref<1x128xi32, #tpu.memory_space<vmem>> -> memref<128xi32, #tpu.memory_space<vmem>>
      %dma_start3A_865 = arith.constant 0 : i32
      %dma_start3A_866 = arith.constant 0 : i32
      %dma_start3A_867 = tpu.memref_slice %arg2[%dma_start3A_865, %dma_start3A_866] : memref<20480x128xf32, #tpu.memory_space<hbm>> -> memref<20480x128xf32, #tpu.memory_space<hbm>>
      tpu.enqueue_indirect_dma source(%dma_start3A_867 : memref<20480x128xf32, #tpu.memory_space<hbm>>) target(%arg9 : memref<128x128xf32, #tpu.memory_space<vmem>>) offsets(%dma_start3A_864 : memref<128xi32, #tpu.memory_space<vmem>>) semaphore(%arg12 : memref<!tpu.dma_semaphore, #tpu.memory_space<semaphore_mem>>)
      %dma_wait3A_868 = arith.constant 1 : i32
      %dma_wait3A_869 = arith.constant 6 : i32
      %dma_wait3A_870 = arith.constant 0 : i32
      %dma_wait3A_871 = arith.constant 0 : i32
      %dma_wait3A_872 = tpu.memref_slice %arg6[%dma_wait3A_868, %dma_wait3A_870, %dma_wait3A_871] : memref<2x8x128xi32, #tpu.memory_space<vmem>> -> memref<1x8x128xi32, #tpu.memory_space<vmem>>
      %dma_wait3A_873 = tpu.memref_squeeze %dma_wait3A_872 : memref<1x8x128xi32, #tpu.memory_space<vmem>> -> memref<8x128xi32, #tpu.memory_space<vmem>>
      %dma_wait3A_874 = arith.constant 0 : i32
      %dma_wait3A_875 = tpu.memref_slice %dma_wait3A_873[%dma_wait3A_869, %dma_wait3A_874] : memref<8x128xi32, #tpu.memory_space<vmem>> -> memref<1x128xi32, #tpu.memory_space<vmem>>
      %dma_wait3A_876 = tpu.memref_squeeze %dma_wait3A_875 : memref<1x128xi32, #tpu.memory_space<vmem>> -> memref<128xi32, #tpu.memory_space<vmem>>
      %dma_wait3A_877 = arith.constant 0 : i32
      %dma_wait3A_878 = arith.constant 0 : i32
      %dma_wait3A_879 = tpu.memref_slice %arg2[%dma_wait3A_877, %dma_wait3A_878] : memref<20480x128xf32, #tpu.memory_space<hbm>> -> memref<20480x128xf32, #tpu.memory_space<hbm>>
      tpu.wait_indirect_dma semaphore(%arg11 : memref<!tpu.dma_semaphore, #tpu.memory_space<semaphore_mem>>) src(%dma_wait3A_879 : memref<20480x128xf32, #tpu.memory_space<hbm>>) dst(%arg8 : memref<128x128xf32, #tpu.memory_space<vmem>>)
      %dma_start3A_880 = arith.constant 1 : i32
      %dma_start3A_881 = arith.constant 6 : i32
      %dma_start3A_882 = arith.constant 0 : i32
      %dma_start3A_883 = arith.constant 0 : i32
      %dma_start3A_884 = tpu.memref_slice %arg7[%dma_start3A_880, %dma_start3A_882, %dma_start3A_883] : memref<2x8x128xi32, #tpu.memory_space<vmem>> -> memref<1x8x128xi32, #tpu.memory_space<vmem>>
      %dma_start3A_885 = tpu.memref_squeeze %dma_start3A_884 : memref<1x8x128xi32, #tpu.memory_space<vmem>> -> memref<8x128xi32, #tpu.memory_space<vmem>>
      %dma_start3A_886 = arith.constant 0 : i32
      %dma_start3A_887 = tpu.memref_slice %dma_start3A_885[%dma_start3A_881, %dma_start3A_886] : memref<8x128xi32, #tpu.memory_space<vmem>> -> memref<1x128xi32, #tpu.memory_space<vmem>>
      %dma_start3A_888 = tpu.memref_squeeze %dma_start3A_887 : memref<1x128xi32, #tpu.memory_space<vmem>> -> memref<128xi32, #tpu.memory_space<vmem>>
      %dma_start3A_889 = arith.constant 0 : i32
      %dma_start3A_890 = arith.constant 0 : i32
      %dma_start3A_891 = tpu.memref_slice %arg10[%dma_start3A_889, %dma_start3A_890] : memref<10240x128xf32, #tpu.memory_space<vmem_shared>> -> memref<10240x128xf32, #tpu.memory_space<vmem_shared>>
      tpu.enqueue_indirect_dma source(%arg8 : memref<128x128xf32, #tpu.memory_space<vmem>>) target(%dma_start3A_891 : memref<10240x128xf32, #tpu.memory_space<vmem_shared>>) offsets(%dma_start3A_888 : memref<128xi32, #tpu.memory_space<vmem>>) semaphore(%arg13 : memref<!tpu.dma_semaphore, #tpu.memory_space<semaphore_mem>>) {add = true}
      %dma_wait3A_892 = arith.constant 1 : i32
      %dma_wait3A_893 = arith.constant 7 : i32
      %dma_wait3A_894 = arith.constant 0 : i32
      %dma_wait3A_895 = arith.constant 0 : i32
      %dma_wait3A_896 = tpu.memref_slice %arg6[%dma_wait3A_892, %dma_wait3A_894, %dma_wait3A_895] : memref<2x8x128xi32, #tpu.memory_space<vmem>> -> memref<1x8x128xi32, #tpu.memory_space<vmem>>
      %dma_wait3A_897 = tpu.memref_squeeze %dma_wait3A_896 : memref<1x8x128xi32, #tpu.memory_space<vmem>> -> memref<8x128xi32, #tpu.memory_space<vmem>>
      %dma_wait3A_898 = arith.constant 0 : i32
      %dma_wait3A_899 = tpu.memref_slice %dma_wait3A_897[%dma_wait3A_893, %dma_wait3A_898] : memref<8x128xi32, #tpu.memory_space<vmem>> -> memref<1x128xi32, #tpu.memory_space<vmem>>
      %dma_wait3A_900 = tpu.memref_squeeze %dma_wait3A_899 : memref<1x128xi32, #tpu.memory_space<vmem>> -> memref<128xi32, #tpu.memory_space<vmem>>
      %dma_wait3A_901 = arith.constant 0 : i32
      %dma_wait3A_902 = arith.constant 0 : i32
      %dma_wait3A_903 = tpu.memref_slice %arg2[%dma_wait3A_901, %dma_wait3A_902] : memref<20480x128xf32, #tpu.memory_space<hbm>> -> memref<20480x128xf32, #tpu.memory_space<hbm>>
      tpu.wait_indirect_dma semaphore(%arg12 : memref<!tpu.dma_semaphore, #tpu.memory_space<semaphore_mem>>) src(%dma_wait3A_903 : memref<20480x128xf32, #tpu.memory_space<hbm>>) dst(%arg9 : memref<128x128xf32, #tpu.memory_space<vmem>>)
      %dma_start3A_904 = arith.constant 1 : i32
      %dma_start3A_905 = arith.constant 7 : i32
      %dma_start3A_906 = arith.constant 0 : i32
      %dma_start3A_907 = arith.constant 0 : i32
      %dma_start3A_908 = tpu.memref_slice %arg7[%dma_start3A_904, %dma_start3A_906, %dma_start3A_907] : memref<2x8x128xi32, #tpu.memory_space<vmem>> -> memref<1x8x128xi32, #tpu.memory_space<vmem>>
      %dma_start3A_909 = tpu.memref_squeeze %dma_start3A_908 : memref<1x8x128xi32, #tpu.memory_space<vmem>> -> memref<8x128xi32, #tpu.memory_space<vmem>>
      %dma_start3A_910 = arith.constant 0 : i32
      %dma_start3A_911 = tpu.memref_slice %dma_start3A_909[%dma_start3A_905, %dma_start3A_910] : memref<8x128xi32, #tpu.memory_space<vmem>> -> memref<1x128xi32, #tpu.memory_space<vmem>>
      %dma_start3A_912 = tpu.memref_squeeze %dma_start3A_911 : memref<1x128xi32, #tpu.memory_space<vmem>> -> memref<128xi32, #tpu.memory_space<vmem>>
      %dma_start3A_913 = arith.constant 0 : i32
      %dma_start3A_914 = arith.constant 0 : i32
      %dma_start3A_915 = tpu.memref_slice %arg10[%dma_start3A_913, %dma_start3A_914] : memref<10240x128xf32, #tpu.memory_space<vmem_shared>> -> memref<10240x128xf32, #tpu.memory_space<vmem_shared>>
      tpu.enqueue_indirect_dma source(%arg9 : memref<128x128xf32, #tpu.memory_space<vmem>>) target(%dma_start3A_915 : memref<10240x128xf32, #tpu.memory_space<vmem_shared>>) offsets(%dma_start3A_912 : memref<128xi32, #tpu.memory_space<vmem>>) semaphore(%arg14 : memref<!tpu.dma_semaphore, #tpu.memory_space<semaphore_mem>>) {add = true}
    }
    %scan3A_45 = arith.constant 10 : i32
    %dma_wait3A = arith.constant 1 : i32
    %dma_wait3A_46 = arith.constant 6 : i32
    %dma_wait3A_47 = arith.constant 0 : i32
    %dma_wait3A_48 = arith.constant 0 : i32
    %dma_wait3A_49 = tpu.memref_slice %arg7[%dma_wait3A, %dma_wait3A_47, %dma_wait3A_48] : memref<2x8x128xi32, #tpu.memory_space<vmem>> -> memref<1x8x128xi32, #tpu.memory_space<vmem>>
    %dma_wait3A_50 = tpu.memref_squeeze %dma_wait3A_49 : memref<1x8x128xi32, #tpu.memory_space<vmem>> -> memref<8x128xi32, #tpu.memory_space<vmem>>
    %dma_wait3A_51 = arith.constant 0 : i32
    %dma_wait3A_52 = tpu.memref_slice %dma_wait3A_50[%dma_wait3A_46, %dma_wait3A_51] : memref<8x128xi32, #tpu.memory_space<vmem>> -> memref<1x128xi32, #tpu.memory_space<vmem>>
    %dma_wait3A_53 = tpu.memref_squeeze %dma_wait3A_52 : memref<1x128xi32, #tpu.memory_space<vmem>> -> memref<128xi32, #tpu.memory_space<vmem>>
    %dma_wait3A_54 = arith.constant 0 : i32
    %dma_wait3A_55 = arith.constant 0 : i32
    %dma_wait3A_56 = tpu.memref_slice %arg10[%dma_wait3A_54, %dma_wait3A_55] : memref<10240x128xf32, #tpu.memory_space<vmem_shared>> -> memref<10240x128xf32, #tpu.memory_space<vmem_shared>>
    tpu.wait_indirect_dma semaphore(%arg13 : memref<!tpu.dma_semaphore, #tpu.memory_space<semaphore_mem>>) src(%arg8 : memref<128x128xf32, #tpu.memory_space<vmem>>) dst(%dma_wait3A_56 : memref<10240x128xf32, #tpu.memory_space<vmem_shared>>)
    %dma_wait3A_57 = arith.constant 1 : i32
    %dma_wait3A_58 = arith.constant 7 : i32
    %dma_wait3A_59 = arith.constant 0 : i32
    %dma_wait3A_60 = arith.constant 0 : i32
    %dma_wait3A_61 = tpu.memref_slice %arg7[%dma_wait3A_57, %dma_wait3A_59, %dma_wait3A_60] : memref<2x8x128xi32, #tpu.memory_space<vmem>> -> memref<1x8x128xi32, #tpu.memory_space<vmem>>
    %dma_wait3A_62 = tpu.memref_squeeze %dma_wait3A_61 : memref<1x8x128xi32, #tpu.memory_space<vmem>> -> memref<8x128xi32, #tpu.memory_space<vmem>>
    %dma_wait3A_63 = arith.constant 0 : i32
    %dma_wait3A_64 = tpu.memref_slice %dma_wait3A_62[%dma_wait3A_58, %dma_wait3A_63] : memref<8x128xi32, #tpu.memory_space<vmem>> -> memref<1x128xi32, #tpu.memory_space<vmem>>
    %dma_wait3A_65 = tpu.memref_squeeze %dma_wait3A_64 : memref<1x128xi32, #tpu.memory_space<vmem>> -> memref<128xi32, #tpu.memory_space<vmem>>
    %dma_wait3A_66 = arith.constant 0 : i32
    %dma_wait3A_67 = arith.constant 0 : i32
    %dma_wait3A_68 = tpu.memref_slice %arg10[%dma_wait3A_66, %dma_wait3A_67] : memref<10240x128xf32, #tpu.memory_space<vmem_shared>> -> memref<10240x128xf32, #tpu.memory_space<vmem_shared>>
    tpu.wait_indirect_dma semaphore(%arg14 : memref<!tpu.dma_semaphore, #tpu.memory_space<semaphore_mem>>) src(%arg9 : memref<128x128xf32, #tpu.memory_space<vmem>>) dst(%dma_wait3A_68 : memref<10240x128xf32, #tpu.memory_space<vmem_shared>>)
    %barrier3A_69 = arith.constant 0 : index
    tpu.barrier barrier_id(%barrier3A_69)
    "tpu.region"() ({
      %run_scoped3A = tpu.sem_alloc : memref<!tpu.dma_semaphore, #tpu.memory_space<semaphore_mem>>
      %dma_start3A_70 = arith.constant 0 : i32
      %dma_start3A_71 = tpu.memref_slice %arg5[%add3A, %dma_start3A_70] : memref<20480x128xf32, #tpu.memory_space<hbm>> -> memref<640x128xf32, #tpu.memory_space<hbm>>
      %dma_start3A_72 = arith.constant 0 : i32
      %dma_start3A_73 = tpu.memref_slice %arg10[%mul3A_4, %dma_start3A_72] : memref<10240x128xf32, #tpu.memory_space<vmem_shared>> -> memref<640x128xf32, #tpu.memory_space<vmem_shared>>
      tpu.enqueue_dma source(%dma_start3A_73 : memref<640x128xf32, #tpu.memory_space<vmem_shared>>) target(%dma_start3A_71 : memref<640x128xf32, #tpu.memory_space<hbm>>) target_semaphore(%run_scoped3A : memref<!tpu.dma_semaphore, #tpu.memory_space<semaphore_mem>>)
      %dma_wait3A_74 = arith.constant 0 : i32
      %dma_wait3A_75 = tpu.memref_slice %arg5[%add3A, %dma_wait3A_74] : memref<20480x128xf32, #tpu.memory_space<hbm>> -> memref<640x128xf32, #tpu.memory_space<hbm>>
      %dma_wait3A_76 = arith.constant 0 : i32
      %dma_wait3A_77 = tpu.memref_slice %arg10[%mul3A_4, %dma_wait3A_76] : memref<10240x128xf32, #tpu.memory_space<vmem_shared>> -> memref<640x128xf32, #tpu.memory_space<vmem_shared>>
      tpu.wait_dma2 semaphore(%run_scoped3A : memref<!tpu.dma_semaphore, #tpu.memory_space<semaphore_mem>>) src(%dma_wait3A_77 : memref<640x128xf32, #tpu.memory_space<vmem_shared>>) dst(%dma_wait3A_75 : memref<640x128xf32, #tpu.memory_space<hbm>>)
      tpu.yield
    }) : () -> ()
    return
  }
}

#map = affine_map<(d0, d1) -> (0, 0)>
module attributes {stable_mosaic.version = 14 : i64} {
  func.func @_hist_body(%arg0: i32, %arg1: i32, %arg2: memref<32x10240xi32, #tpu.memory_space<hbm>>, %arg3: memref<32x10240xf32, #tpu.memory_space<hbm>>, %arg4: memref<10240xi32, #tpu.memory_space<vmem>>, %arg5: memref<10240xf32, #tpu.memory_space<vmem>>) attributes {dimension_semantics = [#tpu.dimension_semantics<core_parallel>, #tpu.dimension_semantics<subcore_parallel>], iteration_bounds = array<i64: 2, 16>, scalar_prefetch = 0 : i64, scratch_operands = 2 : i64, tpu.core_type = #tpu.core_type<sc_vector_subcore>, window_params = [{transform_indices = #map}, {transform_indices = #map}]} {
    %mul3A = arith.constant 2 : i32
    %mul3A_0 = arith.muli %arg1, %mul3A : i32
    %add3A = arith.addi %mul3A_0, %arg0 : i32
    "tpu.region"() ({
      %run_scoped3A = tpu.sem_alloc : memref<!tpu.dma_semaphore, #tpu.memory_space<semaphore_mem>>
      %dma_start3A = arith.constant 0 : i32
      %dma_start3A_15 = tpu.memref_slice %arg2[%add3A, %dma_start3A] : memref<32x10240xi32, #tpu.memory_space<hbm>> -> memref<1x10240xi32, #tpu.memory_space<hbm>>
      %dma_start3A_16 = tpu.memref_squeeze %dma_start3A_15 : memref<1x10240xi32, #tpu.memory_space<hbm>> -> memref<10240xi32, #tpu.memory_space<hbm>>
      %dma_start3A_17 = arith.constant 0 : i32
      %dma_start3A_18 = tpu.memref_slice %arg2[%add3A, %dma_start3A_17] : memref<32x10240xi32, #tpu.memory_space<hbm>> -> memref<1x10240xi32, #tpu.memory_space<hbm>>
      %dma_start3A_19 = tpu.memref_squeeze %dma_start3A_18 : memref<1x10240xi32, #tpu.memory_space<hbm>> -> memref<10240xi32, #tpu.memory_space<hbm>>
      tpu.enqueue_dma source(%dma_start3A_19 : memref<10240xi32, #tpu.memory_space<hbm>>) target(%arg4 : memref<10240xi32, #tpu.memory_space<vmem>>) target_semaphore(%run_scoped3A : memref<!tpu.dma_semaphore, #tpu.memory_space<semaphore_mem>>)
      %dma_wait3A = arith.constant 0 : i32
      %dma_wait3A_20 = tpu.memref_slice %arg2[%add3A, %dma_wait3A] : memref<32x10240xi32, #tpu.memory_space<hbm>> -> memref<1x10240xi32, #tpu.memory_space<hbm>>
      %dma_wait3A_21 = tpu.memref_squeeze %dma_wait3A_20 : memref<1x10240xi32, #tpu.memory_space<hbm>> -> memref<10240xi32, #tpu.memory_space<hbm>>
      %dma_wait3A_22 = arith.constant 0 : i32
      %dma_wait3A_23 = tpu.memref_slice %arg2[%add3A, %dma_wait3A_22] : memref<32x10240xi32, #tpu.memory_space<hbm>> -> memref<1x10240xi32, #tpu.memory_space<hbm>>
      %dma_wait3A_24 = tpu.memref_squeeze %dma_wait3A_23 : memref<1x10240xi32, #tpu.memory_space<hbm>> -> memref<10240xi32, #tpu.memory_space<hbm>>
      tpu.wait_dma2 semaphore(%run_scoped3A : memref<!tpu.dma_semaphore, #tpu.memory_space<semaphore_mem>>) src(%dma_wait3A_24 : memref<10240xi32, #tpu.memory_space<hbm>>) dst(%arg4 : memref<10240xi32, #tpu.memory_space<vmem>>)
      tpu.yield
    }) : () -> ()
    %broadcast_in_dim3A = arith.constant 0.000000e+00 : f32
    %broadcast_in_dim3A_1 = vector.broadcast %broadcast_in_dim3A : f32 to vector<16xf32>
    %scan3A = arith.constant 0 : i32
    %scan3A_2 = arith.constant 0 : i32
    %scan3A_3 = arith.constant 640 : i32
    %scan3A_4 = arith.addi %scan3A_2, %scan3A_3 : i32
    %scan3A_5 = arith.constant 1 : i32
    scf.for %scan3A_15 = %scan3A_2 to %scan3A_4 step %scan3A_5  : i32 {
      %mul3A_16 = arith.constant 16 : i32
      %mul3A_17 = arith.muli %scan3A_15, %mul3A_16 : i32
      %swap3A = arith.index_cast %mul3A_17 : i32 to index
      %swap3A_18 = tpu.vector_load %arg5[%swap3A] {strides = array<i32>} : memref<10240xf32, #tpu.memory_space<vmem>>, vector<16xf32>,
      tpu.vector_store %arg5[%swap3A], %broadcast_in_dim3A_1 {strides = array<i32>} : memref<10240xf32, #tpu.memory_space<vmem>>, vector<16xf32>,
    }
    %scan3A_6 = arith.constant 640 : i32
    %broadcast_in_dim3A_7 = arith.constant 1.000000e+00 : f32
    %broadcast_in_dim3A_8 = vector.broadcast %broadcast_in_dim3A_7 : f32 to vector<16xf32>
    %scan3A_9 = arith.constant 0 : i32
    %scan3A_10 = arith.constant 0 : i32
    %scan3A_11 = arith.constant 640 : i32
    %scan3A_12 = arith.addi %scan3A_10, %scan3A_11 : i32
    %scan3A_13 = arith.constant 1 : i32
    scf.for %scan3A_15 = %scan3A_10 to %scan3A_12 step %scan3A_13  : i32 {
      %mul3A_16 = arith.constant 16 : i32
      %mul3A_17 = arith.muli %scan3A_15, %mul3A_16 : i32
      %get3A = arith.index_cast %mul3A_17 : i32 to index
      %get3A_18 = tpu.vector_load %arg4[%get3A] {strides = array<i32>} : memref<10240xi32, #tpu.memory_space<vmem>>, vector<16xi32>,
      tpu.vector_store_idx %arg5[%get3A_18], %broadcast_in_dim3A_8 {add = true} : memref<10240xf32, #tpu.memory_space<vmem>>[vector<16xi32>], vector<16xf32>,
    }
    %scan3A_14 = arith.constant 640 : i32
    "tpu.region"() ({
      %run_scoped3A = tpu.sem_alloc : memref<!tpu.dma_semaphore, #tpu.memory_space<semaphore_mem>>
      %dma_start3A = arith.constant 0 : i32
      %dma_start3A_15 = tpu.memref_slice %arg3[%add3A, %dma_start3A] : memref<32x10240xf32, #tpu.memory_space<hbm>> -> memref<1x10240xf32, #tpu.memory_space<hbm>>
      %dma_start3A_16 = tpu.memref_squeeze %dma_start3A_15 : memref<1x10240xf32, #tpu.memory_space<hbm>> -> memref<10240xf32, #tpu.memory_space<hbm>>
      %dma_start3A_17 = arith.constant 0 : i32
      %dma_start3A_18 = tpu.memref_slice %arg3[%add3A, %dma_start3A_17] : memref<32x10240xf32, #tpu.memory_space<hbm>> -> memref<1x10240xf32, #tpu.memory_space<hbm>>
      %dma_start3A_19 = tpu.memref_squeeze %dma_start3A_18 : memref<1x10240xf32, #tpu.memory_space<hbm>> -> memref<10240xf32, #tpu.memory_space<hbm>>
      tpu.enqueue_dma source(%arg5 : memref<10240xf32, #tpu.memory_space<vmem>>) target(%dma_start3A_19 : memref<10240xf32, #tpu.memory_space<hbm>>) target_semaphore(%run_scoped3A : memref<!tpu.dma_semaphore, #tpu.memory_space<semaphore_mem>>)
      %dma_wait3A = arith.constant 0 : i32
      %dma_wait3A_20 = tpu.memref_slice %arg3[%add3A, %dma_wait3A] : memref<32x10240xf32, #tpu.memory_space<hbm>> -> memref<1x10240xf32, #tpu.memory_space<hbm>>
      %dma_wait3A_21 = tpu.memref_squeeze %dma_wait3A_20 : memref<1x10240xf32, #tpu.memory_space<hbm>> -> memref<10240xf32, #tpu.memory_space<hbm>>
      %dma_wait3A_22 = arith.constant 0 : i32
      %dma_wait3A_23 = tpu.memref_slice %arg3[%add3A, %dma_wait3A_22] : memref<32x10240xf32, #tpu.memory_space<hbm>> -> memref<1x10240xf32, #tpu.memory_space<hbm>>
      %dma_wait3A_24 = tpu.memref_squeeze %dma_wait3A_23 : memref<1x10240xf32, #tpu.memory_space<hbm>> -> memref<10240xf32, #tpu.memory_space<hbm>>
      tpu.wait_dma2 semaphore(%run_scoped3A : memref<!tpu.dma_semaphore, #tpu.memory_space<semaphore_mem>>) src(%arg5 : memref<10240xf32, #tpu.memory_space<vmem>>) dst(%dma_wait3A_24 : memref<10240xf32, #tpu.memory_space<hbm>>)
      tpu.yield
    }) : () -> ()
    return
  }
}

#map = affine_map<(d0, d1) -> (0, 0)>
#map1 = affine_map<(d0, d1) -> (0, 0, 0)>
module attributes {stable_mosaic.version = 14 : i64} {
  func.func @_cand_body(%arg0: i32, %arg1: i32, %arg2: memref<10240x128xi32, #tpu.memory_space<hbm>>, %arg3: memref<10240x128xi32, #tpu.memory_space<hbm>>, %arg4: memref<2752x120xi32, #tpu.memory_space<hbm>>, %arg5: memref<2752x120xi32, #tpu.memory_space<hbm>>, %arg6: memref<2752x120x128xi32, #tpu.memory_space<hbm>>, %arg7: memref<2752x120x128xi32, #tpu.memory_space<hbm>>, %arg8: memref<2x120xi32, #tpu.memory_space<vmem>>, %arg9: memref<2x120xi32, #tpu.memory_space<vmem>>, %arg10: memref<120x128xi32, #tpu.memory_space<vmem>>, %arg11: memref<120x128xi32, #tpu.memory_space<vmem>>, %arg12: memref<120x128xi32, #tpu.memory_space<vmem>>, %arg13: memref<120x128xi32, #tpu.memory_space<vmem>>, %arg14: memref<!tpu.dma_semaphore, #tpu.memory_space<semaphore_mem>>, %arg15: memref<!tpu.dma_semaphore, #tpu.memory_space<semaphore_mem>>, %arg16: memref<!tpu.dma_semaphore, #tpu.memory_space<semaphore_mem>>, %arg17: memref<!tpu.dma_semaphore, #tpu.memory_space<semaphore_mem>>, %arg18: memref<!tpu.dma_semaphore, #tpu.memory_space<semaphore_mem>>, %arg19: memref<!tpu.dma_semaphore, #tpu.memory_space<semaphore_mem>>, %arg20: memref<!tpu.dma_semaphore, #tpu.memory_space<semaphore_mem>>, %arg21: memref<!tpu.dma_semaphore, #tpu.memory_space<semaphore_mem>>, %arg22: memref<!tpu.dma_semaphore, #tpu.memory_space<semaphore_mem>>, %arg23: memref<!tpu.dma_semaphore, #tpu.memory_space<semaphore_mem>>) attributes {dimension_semantics = [#tpu.dimension_semantics<core_parallel>, #tpu.dimension_semantics<subcore_parallel>], iteration_bounds = array<i64: 2, 16>, scalar_prefetch = 0 : i64, scratch_operands = 16 : i64, tpu.core_type = #tpu.core_type<sc_vector_subcore>, window_params = [{transform_indices = #map}, {transform_indices = #map}, {transform_indices = #map}, {transform_indices = #map}, {transform_indices = #map1}, {transform_indices = #map1}]} {
    %mul3A = arith.constant 2 : i32
    %mul3A_0 = arith.muli %arg1, %mul3A : i32
    %add3A = arith.addi %mul3A_0, %arg0 : i32
    %mul3A_1 = arith.constant 86 : i32
    %mul3A_2 = arith.muli %add3A, %mul3A_1 : i32
    %add3A_3 = arith.constant 0 : i32
    %add3A_4 = arith.addi %mul3A_2, %add3A_3 : i32
    %dma_start3A = arith.constant 0 : i32
    %dma_start3A_5 = arith.constant 0 : i32
    %dma_start3A_6 = tpu.memref_slice %arg8[%dma_start3A, %dma_start3A_5] : memref<2x120xi32, #tpu.memory_space<vmem>> -> memref<1x120xi32, #tpu.memory_space<vmem>>
    %dma_start3A_7 = tpu.memref_squeeze %dma_start3A_6 : memref<1x120xi32, #tpu.memory_space<vmem>> -> memref<120xi32, #tpu.memory_space<vmem>>
    %dma_start3A_8 = arith.constant 0 : i32
    %dma_start3A_9 = tpu.memref_slice %arg4[%add3A_4, %dma_start3A_8] : memref<2752x120xi32, #tpu.memory_space<hbm>> -> memref<1x120xi32, #tpu.memory_space<hbm>>
    %dma_start3A_10 = tpu.memref_squeeze %dma_start3A_9 : memref<1x120xi32, #tpu.memory_space<hbm>> -> memref<120xi32, #tpu.memory_space<hbm>>
    %dma_start3A_11 = arith.constant 0 : i32
    %dma_start3A_12 = tpu.memref_slice %arg8[%dma_start3A, %dma_start3A_11] : memref<2x120xi32, #tpu.memory_space<vmem>> -> memref<1x120xi32, #tpu.memory_space<vmem>>
    %dma_start3A_13 = tpu.memref_squeeze %dma_start3A_12 : memref<1x120xi32, #tpu.memory_space<vmem>> -> memref<120xi32, #tpu.memory_space<vmem>>
    %dma_start3A_14 = arith.constant 0 : i32
    %dma_start3A_15 = tpu.memref_slice %arg4[%add3A_4, %dma_start3A_14] : memref<2752x120xi32, #tpu.memory_space<hbm>> -> memref<1x120xi32, #tpu.memory_space<hbm>>
    %dma_start3A_16 = tpu.memref_squeeze %dma_start3A_15 : memref<1x120xi32, #tpu.memory_space<hbm>> -> memref<120xi32, #tpu.memory_space<hbm>>
    tpu.enqueue_dma source(%dma_start3A_16 : memref<120xi32, #tpu.memory_space<hbm>>) target(%dma_start3A_13 : memref<120xi32, #tpu.memory_space<vmem>>) target_semaphore(%arg22 : memref<!tpu.dma_semaphore, #tpu.memory_space<semaphore_mem>>)
    %add3A_17 = arith.constant 0 : i32
    %add3A_18 = arith.addi %mul3A_2, %add3A_17 : i32
    %dma_start3A_19 = arith.constant 0 : i32
    %dma_start3A_20 = arith.constant 0 : i32
    %dma_start3A_21 = tpu.memref_slice %arg9[%dma_start3A_19, %dma_start3A_20] : memref<2x120xi32, #tpu.memory_space<vmem>> -> memref<1x120xi32, #tpu.memory_space<vmem>>
    %dma_start3A_22 = tpu.memref_squeeze %dma_start3A_21 : memref<1x120xi32, #tpu.memory_space<vmem>> -> memref<120xi32, #tpu.memory_space<vmem>>
    %dma_start3A_23 = arith.constant 0 : i32
    %dma_start3A_24 = tpu.memref_slice %arg5[%add3A_18, %dma_start3A_23] : memref<2752x120xi32, #tpu.memory_space<hbm>> -> memref<1x120xi32, #tpu.memory_space<hbm>>
    %dma_start3A_25 = tpu.memref_squeeze %dma_start3A_24 : memref<1x120xi32, #tpu.memory_space<hbm>> -> memref<120xi32, #tpu.memory_space<hbm>>
    %dma_start3A_26 = arith.constant 0 : i32
    %dma_start3A_27 = tpu.memref_slice %arg9[%dma_start3A_19, %dma_start3A_26] : memref<2x120xi32, #tpu.memory_space<vmem>> -> memref<1x120xi32, #tpu.memory_space<vmem>>
    %dma_start3A_28 = tpu.memref_squeeze %dma_start3A_27 : memref<1x120xi32, #tpu.memory_space<vmem>> -> memref<120xi32, #tpu.memory_space<vmem>>
    %dma_start3A_29 = arith.constant 0 : i32
    %dma_start3A_30 = tpu.memref_slice %arg5[%add3A_18, %dma_start3A_29] : memref<2752x120xi32, #tpu.memory_space<hbm>> -> memref<1x120xi32, #tpu.memory_space<hbm>>
    %dma_start3A_31 = tpu.memref_squeeze %dma_start3A_30 : memref<1x120xi32, #tpu.memory_space<hbm>> -> memref<120xi32, #tpu.memory_space<hbm>>
    tpu.enqueue_dma source(%dma_start3A_31 : memref<120xi32, #tpu.memory_space<hbm>>) target(%dma_start3A_28 : memref<120xi32, #tpu.memory_space<vmem>>) target_semaphore(%arg22 : memref<!tpu.dma_semaphore, #tpu.memory_space<semaphore_mem>>)
    %add3A_32 = arith.constant 0 : i32
    %add3A_33 = arith.addi %mul3A_2, %add3A_32 : i32
    %dma_wait3A = arith.constant 0 : i32
    %dma_wait3A_34 = arith.constant 0 : i32
    %dma_wait3A_35 = tpu.memref_slice %arg8[%dma_wait3A, %dma_wait3A_34] : memref<2x120xi32, #tpu.memory_space<vmem>> -> memref<1x120xi32, #tpu.memory_space<vmem>>
    %dma_wait3A_36 = tpu.memref_squeeze %dma_wait3A_35 : memref<1x120xi32, #tpu.memory_space<vmem>> -> memref<120xi32, #tpu.memory_space<vmem>>
    %dma_wait3A_37 = arith.constant 0 : i32
    %dma_wait3A_38 = tpu.memref_slice %arg4[%add3A_33, %dma_wait3A_37] : memref<2752x120xi32, #tpu.memory_space<hbm>> -> memref<1x120xi32, #tpu.memory_space<hbm>>
    %dma_wait3A_39 = tpu.memref_squeeze %dma_wait3A_38 : memref<1x120xi32, #tpu.memory_space<hbm>> -> memref<120xi32, #tpu.memory_space<hbm>>
    %dma_wait3A_40 = arith.constant 0 : i32
    %dma_wait3A_41 = tpu.memref_slice %arg8[%dma_wait3A, %dma_wait3A_40] : memref<2x120xi32, #tpu.memory_space<vmem>> -> memref<1x120xi32, #tpu.memory_space<vmem>>
    %dma_wait3A_42 = tpu.memref_squeeze %dma_wait3A_41 : memref<1x120xi32, #tpu.memory_space<vmem>> -> memref<120xi32, #tpu.memory_space<vmem>>
    %dma_wait3A_43 = arith.constant 0 : i32
    %dma_wait3A_44 = tpu.memref_slice %arg4[%add3A_33, %dma_wait3A_43] : memref<2752x120xi32, #tpu.memory_space<hbm>> -> memref<1x120xi32, #tpu.memory_space<hbm>>
    %dma_wait3A_45 = tpu.memref_squeeze %dma_wait3A_44 : memref<1x120xi32, #tpu.memory_space<hbm>> -> memref<120xi32, #tpu.memory_space<hbm>>
    tpu.wait_dma2 semaphore(%arg22 : memref<!tpu.dma_semaphore, #tpu.memory_space<semaphore_mem>>) src(%dma_wait3A_45 : memref<120xi32, #tpu.memory_space<hbm>>) dst(%dma_wait3A_42 : memref<120xi32, #tpu.memory_space<vmem>>)
    %add3A_46 = arith.constant 0 : i32
    %add3A_47 = arith.addi %mul3A_2, %add3A_46 : i32
    %dma_wait3A_48 = arith.constant 0 : i32
    %dma_wait3A_49 = arith.constant 0 : i32
    %dma_wait3A_50 = tpu.memref_slice %arg9[%dma_wait3A_48, %dma_wait3A_49] : memref<2x120xi32, #tpu.memory_space<vmem>> -> memref<1x120xi32, #tpu.memory_space<vmem>>
    %dma_wait3A_51 = tpu.memref_squeeze %dma_wait3A_50 : memref<1x120xi32, #tpu.memory_space<vmem>> -> memref<120xi32, #tpu.memory_space<vmem>>
    %dma_wait3A_52 = arith.constant 0 : i32
    %dma_wait3A_53 = tpu.memref_slice %arg5[%add3A_47, %dma_wait3A_52] : memref<2752x120xi32, #tpu.memory_space<hbm>> -> memref<1x120xi32, #tpu.memory_space<hbm>>
    %dma_wait3A_54 = tpu.memref_squeeze %dma_wait3A_53 : memref<1x120xi32, #tpu.memory_space<hbm>> -> memref<120xi32, #tpu.memory_space<hbm>>
    %dma_wait3A_55 = arith.constant 0 : i32
    %dma_wait3A_56 = tpu.memref_slice %arg9[%dma_wait3A_48, %dma_wait3A_55] : memref<2x120xi32, #tpu.memory_space<vmem>> -> memref<1x120xi32, #tpu.memory_space<vmem>>
    %dma_wait3A_57 = tpu.memref_squeeze %dma_wait3A_56 : memref<1x120xi32, #tpu.memory_space<vmem>> -> memref<120xi32, #tpu.memory_space<vmem>>
    %dma_wait3A_58 = arith.constant 0 : i32
    %dma_wait3A_59 = tpu.memref_slice %arg5[%add3A_47, %dma_wait3A_58] : memref<2752x120xi32, #tpu.memory_space<hbm>> -> memref<1x120xi32, #tpu.memory_space<hbm>>
    %dma_wait3A_60 = tpu.memref_squeeze %dma_wait3A_59 : memref<1x120xi32, #tpu.memory_space<hbm>> -> memref<120xi32, #tpu.memory_space<hbm>>
    tpu.wait_dma2 semaphore(%arg22 : memref<!tpu.dma_semaphore, #tpu.memory_space<semaphore_mem>>) src(%dma_wait3A_60 : memref<120xi32, #tpu.memory_space<hbm>>) dst(%dma_wait3A_57 : memref<120xi32, #tpu.memory_space<vmem>>)
    %dma_start3A_61 = arith.constant 0 : i32
    %dma_start3A_62 = arith.constant 0 : i32
    %dma_start3A_63 = tpu.memref_slice %arg8[%dma_start3A_61, %dma_start3A_62] : memref<2x120xi32, #tpu.memory_space<vmem>> -> memref<1x120xi32, #tpu.memory_space<vmem>>
    %dma_start3A_64 = tpu.memref_squeeze %dma_start3A_63 : memref<1x120xi32, #tpu.memory_space<vmem>> -> memref<120xi32, #tpu.memory_space<vmem>>
    %dma_start3A_65 = arith.constant 0 : i32
    %dma_start3A_66 = arith.constant 0 : i32
    %dma_start3A_67 = tpu.memref_slice %arg2[%dma_start3A_65, %dma_start3A_66] : memref<10240x128xi32, #tpu.memory_space<hbm>> -> memref<10240x128xi32, #tpu.memory_space<hbm>>
    tpu.enqueue_indirect_dma source(%dma_start3A_67 : memref<10240x128xi32, #tpu.memory_space<hbm>>) target(%arg10 : memref<120x128xi32, #tpu.memory_space<vmem>>) offsets(%dma_start3A_64 : memref<120xi32, #tpu.memory_space<vmem>>) semaphore(%arg14 : memref<!tpu.dma_semaphore, #tpu.memory_space<semaphore_mem>>)
    %dma_start3A_68 = arith.constant 0 : i32
    %dma_start3A_69 = arith.constant 0 : i32
    %dma_start3A_70 = tpu.memref_slice %arg9[%dma_start3A_68, %dma_start3A_69] : memref<2x120xi32, #tpu.memory_space<vmem>> -> memref<1x120xi32, #tpu.memory_space<vmem>>
    %dma_start3A_71 = tpu.memref_squeeze %dma_start3A_70 : memref<1x120xi32, #tpu.memory_space<vmem>> -> memref<120xi32, #tpu.memory_space<vmem>>
    %dma_start3A_72 = arith.constant 0 : i32
    %dma_start3A_73 = arith.constant 0 : i32
    %dma_start3A_74 = tpu.memref_slice %arg3[%dma_start3A_72, %dma_start3A_73] : memref<10240x128xi32, #tpu.memory_space<hbm>> -> memref<10240x128xi32, #tpu.memory_space<hbm>>
    tpu.enqueue_indirect_dma source(%dma_start3A_74 : memref<10240x128xi32, #tpu.memory_space<hbm>>) target(%arg12 : memref<120x128xi32, #tpu.memory_space<vmem>>) offsets(%dma_start3A_71 : memref<120xi32, #tpu.memory_space<vmem>>) semaphore(%arg16 : memref<!tpu.dma_semaphore, #tpu.memory_space<semaphore_mem>>)
    %add3A_75 = arith.constant 1 : i32
    %add3A_76 = arith.addi %mul3A_2, %add3A_75 : i32
    %dma_start3A_77 = arith.constant 1 : i32
    %dma_start3A_78 = arith.constant 0 : i32
    %dma_start3A_79 = tpu.memref_slice %arg8[%dma_start3A_77, %dma_start3A_78] : memref<2x120xi32, #tpu.memory_space<vmem>> -> memref<1x120xi32, #tpu.memory_space<vmem>>
    %dma_start3A_80 = tpu.memref_squeeze %dma_start3A_79 : memref<1x120xi32, #tpu.memory_space<vmem>> -> memref<120xi32, #tpu.memory_space<vmem>>
    %dma_start3A_81 = arith.constant 0 : i32
    %dma_start3A_82 = tpu.memref_slice %arg4[%add3A_76, %dma_start3A_81] : memref<2752x120xi32, #tpu.memory_space<hbm>> -> memref<1x120xi32, #tpu.memory_space<hbm>>
    %dma_start3A_83 = tpu.memref_squeeze %dma_start3A_82 : memref<1x120xi32, #tpu.memory_space<hbm>> -> memref<120xi32, #tpu.memory_space<hbm>>
    %dma_start3A_84 = arith.constant 0 : i32
    %dma_start3A_85 = tpu.memref_slice %arg8[%dma_start3A_77, %dma_start3A_84] : memref<2x120xi32, #tpu.memory_space<vmem>> -> memref<1x120xi32, #tpu.memory_space<vmem>>
    %dma_start3A_86 = tpu.memref_squeeze %dma_start3A_85 : memref<1x120xi32, #tpu.memory_space<vmem>> -> memref<120xi32, #tpu.memory_space<vmem>>
    %dma_start3A_87 = arith.constant 0 : i32
    %dma_start3A_88 = tpu.memref_slice %arg4[%add3A_76, %dma_start3A_87] : memref<2752x120xi32, #tpu.memory_space<hbm>> -> memref<1x120xi32, #tpu.memory_space<hbm>>
    %dma_start3A_89 = tpu.memref_squeeze %dma_start3A_88 : memref<1x120xi32, #tpu.memory_space<hbm>> -> memref<120xi32, #tpu.memory_space<hbm>>
    tpu.enqueue_dma source(%dma_start3A_89 : memref<120xi32, #tpu.memory_space<hbm>>) target(%dma_start3A_86 : memref<120xi32, #tpu.memory_space<vmem>>) target_semaphore(%arg23 : memref<!tpu.dma_semaphore, #tpu.memory_space<semaphore_mem>>)
    %add3A_90 = arith.constant 1 : i32
    %add3A_91 = arith.addi %mul3A_2, %add3A_90 : i32
    %dma_start3A_92 = arith.constant 1 : i32
    %dma_start3A_93 = arith.constant 0 : i32
    %dma_start3A_94 = tpu.memref_slice %arg9[%dma_start3A_92, %dma_start3A_93] : memref<2x120xi32, #tpu.memory_space<vmem>> -> memref<1x120xi32, #tpu.memory_space<vmem>>
    %dma_start3A_95 = tpu.memref_squeeze %dma_start3A_94 : memref<1x120xi32, #tpu.memory_space<vmem>> -> memref<120xi32, #tpu.memory_space<vmem>>
    %dma_start3A_96 = arith.constant 0 : i32
    %dma_start3A_97 = tpu.memref_slice %arg5[%add3A_91, %dma_start3A_96] : memref<2752x120xi32, #tpu.memory_space<hbm>> -> memref<1x120xi32, #tpu.memory_space<hbm>>
    %dma_start3A_98 = tpu.memref_squeeze %dma_start3A_97 : memref<1x120xi32, #tpu.memory_space<hbm>> -> memref<120xi32, #tpu.memory_space<hbm>>
    %dma_start3A_99 = arith.constant 0 : i32
    %dma_start3A_100 = tpu.memref_slice %arg9[%dma_start3A_92, %dma_start3A_99] : memref<2x120xi32, #tpu.memory_space<vmem>> -> memref<1x120xi32, #tpu.memory_space<vmem>>
    %dma_start3A_101 = tpu.memref_squeeze %dma_start3A_100 : memref<1x120xi32, #tpu.memory_space<vmem>> -> memref<120xi32, #tpu.memory_space<vmem>>
    %dma_start3A_102 = arith.constant 0 : i32
    %dma_start3A_103 = tpu.memref_slice %arg5[%add3A_91, %dma_start3A_102] : memref<2752x120xi32, #tpu.memory_space<hbm>> -> memref<1x120xi32, #tpu.memory_space<hbm>>
    %dma_start3A_104 = tpu.memref_squeeze %dma_start3A_103 : memref<1x120xi32, #tpu.memory_space<hbm>> -> memref<120xi32, #tpu.memory_space<hbm>>
    tpu.enqueue_dma source(%dma_start3A_104 : memref<120xi32, #tpu.memory_space<hbm>>) target(%dma_start3A_101 : memref<120xi32, #tpu.memory_space<vmem>>) target_semaphore(%arg23 : memref<!tpu.dma_semaphore, #tpu.memory_space<semaphore_mem>>)
    %scan3A = arith.constant 0 : i32
    %scan3A_105 = arith.constant 0 : i32
    %scan3A_106 = arith.constant 42 : i32
    %scan3A_107 = arith.addi %scan3A_105, %scan3A_106 : i32
    %scan3A_108 = arith.constant 1 : i32
    scf.for %scan3A_282 = %scan3A_105 to %scan3A_107 step %scan3A_108  : i32 {
      %mul3A_283 = arith.constant 2 : i32
      %mul3A_284 = arith.muli %mul3A_283, %scan3A_282 : i32
      %add3A_285 = arith.constant 1 : i32
      %add3A_286 = arith.addi %mul3A_284, %add3A_285 : i32
      %gt3A = arith.constant 0 : i32
      %gt3A_287 = arith.cmpi sgt, %scan3A_282, %gt3A : i32
      %dma_wait3A_288 = arith.constant 0 : i32
      %dma_wait3A_289 = arith.constant 0 : i32
      %dma_wait3A_290 = tpu.memref_slice %arg8[%dma_wait3A_288, %dma_wait3A_289] : memref<2x120xi32, #tpu.memory_space<vmem>> -> memref<1x120xi32, #tpu.memory_space<vmem>>
      %dma_wait3A_291 = tpu.memref_squeeze %dma_wait3A_290 : memref<1x120xi32, #tpu.memory_space<vmem>> -> memref<120xi32, #tpu.memory_space<vmem>>
      %dma_wait3A_292 = arith.constant 0 : i32
      %dma_wait3A_293 = arith.constant 0 : i32
      %dma_wait3A_294 = tpu.memref_slice %arg2[%dma_wait3A_292, %dma_wait3A_293] : memref<10240x128xi32, #tpu.memory_space<hbm>> -> memref<10240x128xi32, #tpu.memory_space<hbm>>
      tpu.wait_indirect_dma semaphore(%arg14 : memref<!tpu.dma_semaphore, #tpu.memory_space<semaphore_mem>>) src(%dma_wait3A_294 : memref<10240x128xi32, #tpu.memory_space<hbm>>) dst(%arg10 : memref<120x128xi32, #tpu.memory_space<vmem>>)
      %dma_wait3A_295 = arith.constant 0 : i32
      %dma_wait3A_296 = arith.constant 0 : i32
      %dma_wait3A_297 = tpu.memref_slice %arg9[%dma_wait3A_295, %dma_wait3A_296] : memref<2x120xi32, #tpu.memory_space<vmem>> -> memref<1x120xi32, #tpu.memory_space<vmem>>
      %dma_wait3A_298 = tpu.memref_squeeze %dma_wait3A_297 : memref<1x120xi32, #tpu.memory_space<vmem>> -> memref<120xi32, #tpu.memory_space<vmem>>
      %dma_wait3A_299 = arith.constant 0 : i32
      %dma_wait3A_300 = arith.constant 0 : i32
      %dma_wait3A_301 = tpu.memref_slice %arg3[%dma_wait3A_299, %dma_wait3A_300] : memref<10240x128xi32, #tpu.memory_space<hbm>> -> memref<10240x128xi32, #tpu.memory_space<hbm>>
      tpu.wait_indirect_dma semaphore(%arg16 : memref<!tpu.dma_semaphore, #tpu.memory_space<semaphore_mem>>) src(%dma_wait3A_301 : memref<10240x128xi32, #tpu.memory_space<hbm>>) dst(%arg12 : memref<120x128xi32, #tpu.memory_space<vmem>>)
      %add3A_302 = arith.constant 1 : i32
      %add3A_303 = arith.addi %add3A_286, %add3A_302 : i32
      %add3A_304 = arith.addi %mul3A_2, %add3A_303 : i32
      %dma_start3A_305 = arith.constant 0 : i32
      %dma_start3A_306 = arith.constant 0 : i32
      %dma_start3A_307 = tpu.memref_slice %arg8[%dma_start3A_305, %dma_start3A_306] : memref<2x120xi32, #tpu.memory_space<vmem>> -> memref<1x120xi32, #tpu.memory_space<vmem>>
      %dma_start3A_308 = tpu.memref_squeeze %dma_start3A_307 : memref<1x120xi32, #tpu.memory_space<vmem>> -> memref<120xi32, #tpu.memory_space<vmem>>
      %dma_start3A_309 = arith.constant 0 : i32
      %dma_start3A_310 = tpu.memref_slice %arg4[%add3A_304, %dma_start3A_309] : memref<2752x120xi32, #tpu.memory_space<hbm>> -> memref<1x120xi32, #tpu.memory_space<hbm>>
      %dma_start3A_311 = tpu.memref_squeeze %dma_start3A_310 : memref<1x120xi32, #tpu.memory_space<hbm>> -> memref<120xi32, #tpu.memory_space<hbm>>
      %dma_start3A_312 = arith.constant 0 : i32
      %dma_start3A_313 = tpu.memref_slice %arg8[%dma_start3A_305, %dma_start3A_312] : memref<2x120xi32, #tpu.memory_space<vmem>> -> memref<1x120xi32, #tpu.memory_space<vmem>>
      %dma_start3A_314 = tpu.memref_squeeze %dma_start3A_313 : memref<1x120xi32, #tpu.memory_space<vmem>> -> memref<120xi32, #tpu.memory_space<vmem>>
      %dma_start3A_315 = arith.constant 0 : i32
      %dma_start3A_316 = tpu.memref_slice %arg4[%add3A_304, %dma_start3A_315] : memref<2752x120xi32, #tpu.memory_space<hbm>> -> memref<1x120xi32, #tpu.memory_space<hbm>>
      %dma_start3A_317 = tpu.memref_squeeze %dma_start3A_316 : memref<1x120xi32, #tpu.memory_space<hbm>> -> memref<120xi32, #tpu.memory_space<hbm>>
      tpu.enqueue_dma source(%dma_start3A_317 : memref<120xi32, #tpu.memory_space<hbm>>) target(%dma_start3A_314 : memref<120xi32, #tpu.memory_space<vmem>>) target_semaphore(%arg22 : memref<!tpu.dma_semaphore, #tpu.memory_space<semaphore_mem>>)
      %add3A_318 = arith.addi %mul3A_2, %add3A_303 : i32
      %dma_start3A_319 = arith.constant 0 : i32
      %dma_start3A_320 = arith.constant 0 : i32
      %dma_start3A_321 = tpu.memref_slice %arg9[%dma_start3A_319, %dma_start3A_320] : memref<2x120xi32, #tpu.memory_space<vmem>> -> memref<1x120xi32, #tpu.memory_space<vmem>>
      %dma_start3A_322 = tpu.memref_squeeze %dma_start3A_321 : memref<1x120xi32, #tpu.memory_space<vmem>> -> memref<120xi32, #tpu.memory_space<vmem>>
      %dma_start3A_323 = arith.constant 0 : i32
      %dma_start3A_324 = tpu.memref_slice %arg5[%add3A_318, %dma_start3A_323] : memref<2752x120xi32, #tpu.memory_space<hbm>> -> memref<1x120xi32, #tpu.memory_space<hbm>>
      %dma_start3A_325 = tpu.memref_squeeze %dma_start3A_324 : memref<1x120xi32, #tpu.memory_space<hbm>> -> memref<120xi32, #tpu.memory_space<hbm>>
      %dma_start3A_326 = arith.constant 0 : i32
      %dma_start3A_327 = tpu.memref_slice %arg9[%dma_start3A_319, %dma_start3A_326] : memref<2x120xi32, #tpu.memory_space<vmem>> -> memref<1x120xi32, #tpu.memory_space<vmem>>
      %dma_start3A_328 = tpu.memref_squeeze %dma_start3A_327 : memref<1x120xi32, #tpu.memory_space<vmem>> -> memref<120xi32, #tpu.memory_space<vmem>>
      %dma_start3A_329 = arith.constant 0 : i32
      %dma_start3A_330 = tpu.memref_slice %arg5[%add3A_318, %dma_start3A_329] : memref<2752x120xi32, #tpu.memory_space<hbm>> -> memref<1x120xi32, #tpu.memory_space<hbm>>
      %dma_start3A_331 = tpu.memref_squeeze %dma_start3A_330 : memref<1x120xi32, #tpu.memory_space<hbm>> -> memref<120xi32, #tpu.memory_space<hbm>>
      tpu.enqueue_dma source(%dma_start3A_331 : memref<120xi32, #tpu.memory_space<hbm>>) target(%dma_start3A_328 : memref<120xi32, #tpu.memory_space<vmem>>) target_semaphore(%arg22 : memref<!tpu.dma_semaphore, #tpu.memory_space<semaphore_mem>>)
      %convert_element_type3A = arith.extui %gt3A_287 : i1 to i32
      %cond3A = arith.constant 0 : i32
      %cond3A_332 = arith.cmpi ne, %convert_element_type3A, %cond3A : i32
      scf.if %cond3A_332 {
        %sub3A_524 = arith.constant 2 : i32
        %sub3A_525 = arith.subi %add3A_286, %sub3A_524 : i32
        %add3A_526 = arith.addi %mul3A_2, %sub3A_525 : i32
        %dma_wait3A_527 = arith.constant 0 : i32
        %dma_wait3A_528 = arith.constant 0 : i32
        %dma_wait3A_529 = tpu.memref_slice %arg6[%add3A_526, %dma_wait3A_527, %dma_wait3A_528] : memref<2752x120x128xi32, #tpu.memory_space<hbm>> -> memref<1x120x128xi32, #tpu.memory_space<hbm>>
        %dma_wait3A_530 = tpu.memref_squeeze %dma_wait3A_529 : memref<1x120x128xi32, #tpu.memory_space<hbm>> -> memref<120x128xi32, #tpu.memory_space<hbm>>
        %dma_wait3A_531 = arith.constant 0 : i32
        %dma_wait3A_532 = arith.constant 0 : i32
        %dma_wait3A_533 = tpu.memref_slice %arg6[%add3A_526, %dma_wait3A_531, %dma_wait3A_532] : memref<2752x120x128xi32, #tpu.memory_space<hbm>> -> memref<1x120x128xi32, #tpu.memory_space<hbm>>
        %dma_wait3A_534 = tpu.memref_squeeze %dma_wait3A_533 : memref<1x120x128xi32, #tpu.memory_space<hbm>> -> memref<120x128xi32, #tpu.memory_space<hbm>>
        tpu.wait_dma2 semaphore(%arg19 : memref<!tpu.dma_semaphore, #tpu.memory_space<semaphore_mem>>) src(%arg11 : memref<120x128xi32, #tpu.memory_space<vmem>>) dst(%dma_wait3A_534 : memref<120x128xi32, #tpu.memory_space<hbm>>)
        %add3A_535 = arith.addi %mul3A_2, %sub3A_525 : i32
        %dma_wait3A_536 = arith.constant 0 : i32
        %dma_wait3A_537 = arith.constant 0 : i32
        %dma_wait3A_538 = tpu.memref_slice %arg7[%add3A_535, %dma_wait3A_536, %dma_wait3A_537] : memref<2752x120x128xi32, #tpu.memory_space<hbm>> -> memref<1x120x128xi32, #tpu.memory_space<hbm>>
        %dma_wait3A_539 = tpu.memref_squeeze %dma_wait3A_538 : memref<1x120x128xi32, #tpu.memory_space<hbm>> -> memref<120x128xi32, #tpu.memory_space<hbm>>
        %dma_wait3A_540 = arith.constant 0 : i32
        %dma_wait3A_541 = arith.constant 0 : i32
        %dma_wait3A_542 = tpu.memref_slice %arg7[%add3A_535, %dma_wait3A_540, %dma_wait3A_541] : memref<2752x120x128xi32, #tpu.memory_space<hbm>> -> memref<1x120x128xi32, #tpu.memory_space<hbm>>
        %dma_wait3A_543 = tpu.memref_squeeze %dma_wait3A_542 : memref<1x120x128xi32, #tpu.memory_space<hbm>> -> memref<120x128xi32, #tpu.memory_space<hbm>>
        tpu.wait_dma2 semaphore(%arg21 : memref<!tpu.dma_semaphore, #tpu.memory_space<semaphore_mem>>) src(%arg13 : memref<120x128xi32, #tpu.memory_space<vmem>>) dst(%dma_wait3A_543 : memref<120x128xi32, #tpu.memory_space<hbm>>)
      } else {
      }
      %add3A_333 = arith.addi %mul3A_2, %add3A_286 : i32
      %dma_wait3A_334 = arith.constant 1 : i32
      %dma_wait3A_335 = arith.constant 0 : i32
      %dma_wait3A_336 = tpu.memref_slice %arg8[%dma_wait3A_334, %dma_wait3A_335] : memref<2x120xi32, #tpu.memory_space<vmem>> -> memref<1x120xi32, #tpu.memory_space<vmem>>
      %dma_wait3A_337 = tpu.memref_squeeze %dma_wait3A_336 : memref<1x120xi32, #tpu.memory_space<vmem>> -> memref<120xi32, #tpu.memory_space<vmem>>
      %dma_wait3A_338 = arith.constant 0 : i32
      %dma_wait3A_339 = tpu.memref_slice %arg4[%add3A_333, %dma_wait3A_338] : memref<2752x120xi32, #tpu.memory_space<hbm>> -> memref<1x120xi32, #tpu.memory_space<hbm>>
      %dma_wait3A_340 = tpu.memref_squeeze %dma_wait3A_339 : memref<1x120xi32, #tpu.memory_space<hbm>> -> memref<120xi32, #tpu.memory_space<hbm>>
      %dma_wait3A_341 = arith.constant 0 : i32
      %dma_wait3A_342 = tpu.memref_slice %arg8[%dma_wait3A_334, %dma_wait3A_341] : memref<2x120xi32, #tpu.memory_space<vmem>> -> memref<1x120xi32, #tpu.memory_space<vmem>>
      %dma_wait3A_343 = tpu.memref_squeeze %dma_wait3A_342 : memref<1x120xi32, #tpu.memory_space<vmem>> -> memref<120xi32, #tpu.memory_space<vmem>>
      %dma_wait3A_344 = arith.constant 0 : i32
      %dma_wait3A_345 = tpu.memref_slice %arg4[%add3A_333, %dma_wait3A_344] : memref<2752x120xi32, #tpu.memory_space<hbm>> -> memref<1x120xi32, #tpu.memory_space<hbm>>
      %dma_wait3A_346 = tpu.memref_squeeze %dma_wait3A_345 : memref<1x120xi32, #tpu.memory_space<hbm>> -> memref<120xi32, #tpu.memory_space<hbm>>
      tpu.wait_dma2 semaphore(%arg23 : memref<!tpu.dma_semaphore, #tpu.memory_space<semaphore_mem>>) src(%dma_wait3A_346 : memref<120xi32, #tpu.memory_space<hbm>>) dst(%dma_wait3A_343 : memref<120xi32, #tpu.memory_space<vmem>>)
      %add3A_347 = arith.addi %mul3A_2, %add3A_286 : i32
      %dma_wait3A_348 = arith.constant 1 : i32
      %dma_wait3A_349 = arith.constant 0 : i32
      %dma_wait3A_350 = tpu.memref_slice %arg9[%dma_wait3A_348, %dma_wait3A_349] : memref<2x120xi32, #tpu.memory_space<vmem>> -> memref<1x120xi32, #tpu.memory_space<vmem>>
      %dma_wait3A_351 = tpu.memref_squeeze %dma_wait3A_350 : memref<1x120xi32, #tpu.memory_space<vmem>> -> memref<120xi32, #tpu.memory_space<vmem>>
      %dma_wait3A_352 = arith.constant 0 : i32
      %dma_wait3A_353 = tpu.memref_slice %arg5[%add3A_347, %dma_wait3A_352] : memref<2752x120xi32, #tpu.memory_space<hbm>> -> memref<1x120xi32, #tpu.memory_space<hbm>>
      %dma_wait3A_354 = tpu.memref_squeeze %dma_wait3A_353 : memref<1x120xi32, #tpu.memory_space<hbm>> -> memref<120xi32, #tpu.memory_space<hbm>>
      %dma_wait3A_355 = arith.constant 0 : i32
      %dma_wait3A_356 = tpu.memref_slice %arg9[%dma_wait3A_348, %dma_wait3A_355] : memref<2x120xi32, #tpu.memory_space<vmem>> -> memref<1x120xi32, #tpu.memory_space<vmem>>
      %dma_wait3A_357 = tpu.memref_squeeze %dma_wait3A_356 : memref<1x120xi32, #tpu.memory_space<vmem>> -> memref<120xi32, #tpu.memory_space<vmem>>
      %dma_wait3A_358 = arith.constant 0 : i32
      %dma_wait3A_359 = tpu.memref_slice %arg5[%add3A_347, %dma_wait3A_358] : memref<2752x120xi32, #tpu.memory_space<hbm>> -> memref<1x120xi32, #tpu.memory_space<hbm>>
      %dma_wait3A_360 = tpu.memref_squeeze %dma_wait3A_359 : memref<1x120xi32, #tpu.memory_space<hbm>> -> memref<120xi32, #tpu.memory_space<hbm>>
      tpu.wait_dma2 semaphore(%arg23 : memref<!tpu.dma_semaphore, #tpu.memory_space<semaphore_mem>>) src(%dma_wait3A_360 : memref<120xi32, #tpu.memory_space<hbm>>) dst(%dma_wait3A_357 : memref<120xi32, #tpu.memory_space<vmem>>)
      %dma_start3A_361 = arith.constant 1 : i32
      %dma_start3A_362 = arith.constant 0 : i32
      %dma_start3A_363 = tpu.memref_slice %arg8[%dma_start3A_361, %dma_start3A_362] : memref<2x120xi32, #tpu.memory_space<vmem>> -> memref<1x120xi32, #tpu.memory_space<vmem>>
      %dma_start3A_364 = tpu.memref_squeeze %dma_start3A_363 : memref<1x120xi32, #tpu.memory_space<vmem>> -> memref<120xi32, #tpu.memory_space<vmem>>
      %dma_start3A_365 = arith.constant 0 : i32
      %dma_start3A_366 = arith.constant 0 : i32
      %dma_start3A_367 = tpu.memref_slice %arg2[%dma_start3A_365, %dma_start3A_366] : memref<10240x128xi32, #tpu.memory_space<hbm>> -> memref<10240x128xi32, #tpu.memory_space<hbm>>
      tpu.enqueue_indirect_dma source(%dma_start3A_367 : memref<10240x128xi32, #tpu.memory_space<hbm>>) target(%arg11 : memref<120x128xi32, #tpu.memory_space<vmem>>) offsets(%dma_start3A_364 : memref<120xi32, #tpu.memory_space<vmem>>) semaphore(%arg15 : memref<!tpu.dma_semaphore, #tpu.memory_space<semaphore_mem>>)
      %dma_start3A_368 = arith.constant 1 : i32
      %dma_start3A_369 = arith.constant 0 : i32
      %dma_start3A_370 = tpu.memref_slice %arg9[%dma_start3A_368, %dma_start3A_369] : memref<2x120xi32, #tpu.memory_space<vmem>> -> memref<1x120xi32, #tpu.memory_space<vmem>>
      %dma_start3A_371 = tpu.memref_squeeze %dma_start3A_370 : memref<1x120xi32, #tpu.memory_space<vmem>> -> memref<120xi32, #tpu.memory_space<vmem>>
      %dma_start3A_372 = arith.constant 0 : i32
      %dma_start3A_373 = arith.constant 0 : i32
      %dma_start3A_374 = tpu.memref_slice %arg3[%dma_start3A_372, %dma_start3A_373] : memref<10240x128xi32, #tpu.memory_space<hbm>> -> memref<10240x128xi32, #tpu.memory_space<hbm>>
      tpu.enqueue_indirect_dma source(%dma_start3A_374 : memref<10240x128xi32, #tpu.memory_space<hbm>>) target(%arg13 : memref<120x128xi32, #tpu.memory_space<vmem>>) offsets(%dma_start3A_371 : memref<120xi32, #tpu.memory_space<vmem>>) semaphore(%arg17 : memref<!tpu.dma_semaphore, #tpu.memory_space<semaphore_mem>>)
      %sub3A = arith.constant 1 : i32
      %sub3A_375 = arith.subi %add3A_286, %sub3A : i32
      %add3A_376 = arith.addi %mul3A_2, %sub3A_375 : i32
      %dma_start3A_377 = arith.constant 0 : i32
      %dma_start3A_378 = arith.constant 0 : i32
      %dma_start3A_379 = tpu.memref_slice %arg6[%add3A_376, %dma_start3A_377, %dma_start3A_378] : memref<2752x120x128xi32, #tpu.memory_space<hbm>> -> memref<1x120x128xi32, #tpu.memory_space<hbm>>
      %dma_start3A_380 = tpu.memref_squeeze %dma_start3A_379 : memref<1x120x128xi32, #tpu.memory_space<hbm>> -> memref<120x128xi32, #tpu.memory_space<hbm>>
      %dma_start3A_381 = arith.constant 0 : i32
      %dma_start3A_382 = arith.constant 0 : i32
      %dma_start3A_383 = tpu.memref_slice %arg6[%add3A_376, %dma_start3A_381, %dma_start3A_382] : memref<2752x120x128xi32, #tpu.memory_space<hbm>> -> memref<1x120x128xi32, #tpu.memory_space<hbm>>
      %dma_start3A_384 = tpu.memref_squeeze %dma_start3A_383 : memref<1x120x128xi32, #tpu.memory_space<hbm>> -> memref<120x128xi32, #tpu.memory_space<hbm>>
      tpu.enqueue_dma source(%arg10 : memref<120x128xi32, #tpu.memory_space<vmem>>) target(%dma_start3A_384 : memref<120x128xi32, #tpu.memory_space<hbm>>) target_semaphore(%arg18 : memref<!tpu.dma_semaphore, #tpu.memory_space<semaphore_mem>>)
      %add3A_385 = arith.addi %mul3A_2, %sub3A_375 : i32
      %dma_start3A_386 = arith.constant 0 : i32
      %dma_start3A_387 = arith.constant 0 : i32
      %dma_start3A_388 = tpu.memref_slice %arg7[%add3A_385, %dma_start3A_386, %dma_start3A_387] : memref<2752x120x128xi32, #tpu.memory_space<hbm>> -> memref<1x120x128xi32, #tpu.memory_space<hbm>>
      %dma_start3A_389 = tpu.memref_squeeze %dma_start3A_388 : memref<1x120x128xi32, #tpu.memory_space<hbm>> -> memref<120x128xi32, #tpu.memory_space<hbm>>
      %dma_start3A_390 = arith.constant 0 : i32
      %dma_start3A_391 = arith.constant 0 : i32
      %dma_start3A_392 = tpu.memref_slice %arg7[%add3A_385, %dma_start3A_390, %dma_start3A_391] : memref<2752x120x128xi32, #tpu.memory_space<hbm>> -> memref<1x120x128xi32, #tpu.memory_space<hbm>>
      %dma_start3A_393 = tpu.memref_squeeze %dma_start3A_392 : memref<1x120x128xi32, #tpu.memory_space<hbm>> -> memref<120x128xi32, #tpu.memory_space<hbm>>
      tpu.enqueue_dma source(%arg12 : memref<120x128xi32, #tpu.memory_space<vmem>>) target(%dma_start3A_393 : memref<120x128xi32, #tpu.memory_space<hbm>>) target_semaphore(%arg20 : memref<!tpu.dma_semaphore, #tpu.memory_space<semaphore_mem>>)
      %mul3A_394 = arith.constant 2 : i32
      %mul3A_395 = arith.muli %mul3A_394, %scan3A_282 : i32
      %add3A_396 = arith.constant 2 : i32
      %add3A_397 = arith.addi %mul3A_395, %add3A_396 : i32
      %dma_wait3A_398 = arith.constant 1 : i32
      %dma_wait3A_399 = arith.constant 0 : i32
      %dma_wait3A_400 = tpu.memref_slice %arg8[%dma_wait3A_398, %dma_wait3A_399] : memref<2x120xi32, #tpu.memory_space<vmem>> -> memref<1x120xi32, #tpu.memory_space<vmem>>
      %dma_wait3A_401 = tpu.memref_squeeze %dma_wait3A_400 : memref<1x120xi32, #tpu.memory_space<vmem>> -> memref<120xi32, #tpu.memory_space<vmem>>
      %dma_wait3A_402 = arith.constant 0 : i32
      %dma_wait3A_403 = arith.constant 0 : i32
      %dma_wait3A_404 = tpu.memref_slice %arg2[%dma_wait3A_402, %dma_wait3A_403] : memref<10240x128xi32, #tpu.memory_space<hbm>> -> memref<10240x128xi32, #tpu.memory_space<hbm>>
      tpu.wait_indirect_dma semaphore(%arg15 : memref<!tpu.dma_semaphore, #tpu.memory_space<semaphore_mem>>) src(%dma_wait3A_404 : memref<10240x128xi32, #tpu.memory_space<hbm>>) dst(%arg11 : memref<120x128xi32, #tpu.memory_space<vmem>>)
      %dma_wait3A_405 = arith.constant 1 : i32
      %dma_wait3A_406 = arith.constant 0 : i32
      %dma_wait3A_407 = tpu.memref_slice %arg9[%dma_wait3A_405, %dma_wait3A_406] : memref<2x120xi32, #tpu.memory_space<vmem>> -> memref<1x120xi32, #tpu.memory_space<vmem>>
      %dma_wait3A_408 = tpu.memref_squeeze %dma_wait3A_407 : memref<1x120xi32, #tpu.memory_space<vmem>> -> memref<120xi32, #tpu.memory_space<vmem>>
      %dma_wait3A_409 = arith.constant 0 : i32
      %dma_wait3A_410 = arith.constant 0 : i32
      %dma_wait3A_411 = tpu.memref_slice %arg3[%dma_wait3A_409, %dma_wait3A_410] : memref<10240x128xi32, #tpu.memory_space<hbm>> -> memref<10240x128xi32, #tpu.memory_space<hbm>>
      tpu.wait_indirect_dma semaphore(%arg17 : memref<!tpu.dma_semaphore, #tpu.memory_space<semaphore_mem>>) src(%dma_wait3A_411 : memref<10240x128xi32, #tpu.memory_space<hbm>>) dst(%arg13 : memref<120x128xi32, #tpu.memory_space<vmem>>)
      %add3A_412 = arith.constant 1 : i32
      %add3A_413 = arith.addi %add3A_397, %add3A_412 : i32
      %add3A_414 = arith.addi %mul3A_2, %add3A_413 : i32
      %dma_start3A_415 = arith.constant 1 : i32
      %dma_start3A_416 = arith.constant 0 : i32
      %dma_start3A_417 = tpu.memref_slice %arg8[%dma_start3A_415, %dma_start3A_416] : memref<2x120xi32, #tpu.memory_space<vmem>> -> memref<1x120xi32, #tpu.memory_space<vmem>>
      %dma_start3A_418 = tpu.memref_squeeze %dma_start3A_417 : memref<1x120xi32, #tpu.memory_space<vmem>> -> memref<120xi32, #tpu.memory_space<vmem>>
      %dma_start3A_419 = arith.constant 0 : i32
      %dma_start3A_420 = tpu.memref_slice %arg4[%add3A_414, %dma_start3A_419] : memref<2752x120xi32, #tpu.memory_space<hbm>> -> memref<1x120xi32, #tpu.memory_space<hbm>>
      %dma_start3A_421 = tpu.memref_squeeze %dma_start3A_420 : memref<1x120xi32, #tpu.memory_space<hbm>> -> memref<120xi32, #tpu.memory_space<hbm>>
      %dma_start3A_422 = arith.constant 0 : i32
      %dma_start3A_423 = tpu.memref_slice %arg8[%dma_start3A_415, %dma_start3A_422] : memref<2x120xi32, #tpu.memory_space<vmem>> -> memref<1x120xi32, #tpu.memory_space<vmem>>
      %dma_start3A_424 = tpu.memref_squeeze %dma_start3A_423 : memref<1x120xi32, #tpu.memory_space<vmem>> -> memref<120xi32, #tpu.memory_space<vmem>>
      %dma_start3A_425 = arith.constant 0 : i32
      %dma_start3A_426 = tpu.memref_slice %arg4[%add3A_414, %dma_start3A_425] : memref<2752x120xi32, #tpu.memory_space<hbm>> -> memref<1x120xi32, #tpu.memory_space<hbm>>
      %dma_start3A_427 = tpu.memref_squeeze %dma_start3A_426 : memref<1x120xi32, #tpu.memory_space<hbm>> -> memref<120xi32, #tpu.memory_space<hbm>>
      tpu.enqueue_dma source(%dma_start3A_427 : memref<120xi32, #tpu.memory_space<hbm>>) target(%dma_start3A_424 : memref<120xi32, #tpu.memory_space<vmem>>) target_semaphore(%arg23 : memref<!tpu.dma_semaphore, #tpu.memory_space<semaphore_mem>>)
      %add3A_428 = arith.addi %mul3A_2, %add3A_413 : i32
      %dma_start3A_429 = arith.constant 1 : i32
      %dma_start3A_430 = arith.constant 0 : i32
      %dma_start3A_431 = tpu.memref_slice %arg9[%dma_start3A_429, %dma_start3A_430] : memref<2x120xi32, #tpu.memory_space<vmem>> -> memref<1x120xi32, #tpu.memory_space<vmem>>
      %dma_start3A_432 = tpu.memref_squeeze %dma_start3A_431 : memref<1x120xi32, #tpu.memory_space<vmem>> -> memref<120xi32, #tpu.memory_space<vmem>>
      %dma_start3A_433 = arith.constant 0 : i32
      %dma_start3A_434 = tpu.memref_slice %arg5[%add3A_428, %dma_start3A_433] : memref<2752x120xi32, #tpu.memory_space<hbm>> -> memref<1x120xi32, #tpu.memory_space<hbm>>
      %dma_start3A_435 = tpu.memref_squeeze %dma_start3A_434 : memref<1x120xi32, #tpu.memory_space<hbm>> -> memref<120xi32, #tpu.memory_space<hbm>>
      %dma_start3A_436 = arith.constant 0 : i32
      %dma_start3A_437 = tpu.memref_slice %arg9[%dma_start3A_429, %dma_start3A_436] : memref<2x120xi32, #tpu.memory_space<vmem>> -> memref<1x120xi32, #tpu.memory_space<vmem>>
      %dma_start3A_438 = tpu.memref_squeeze %dma_start3A_437 : memref<1x120xi32, #tpu.memory_space<vmem>> -> memref<120xi32, #tpu.memory_space<vmem>>
      %dma_start3A_439 = arith.constant 0 : i32
      %dma_start3A_440 = tpu.memref_slice %arg5[%add3A_428, %dma_start3A_439] : memref<2752x120xi32, #tpu.memory_space<hbm>> -> memref<1x120xi32, #tpu.memory_space<hbm>>
      %dma_start3A_441 = tpu.memref_squeeze %dma_start3A_440 : memref<1x120xi32, #tpu.memory_space<hbm>> -> memref<120xi32, #tpu.memory_space<hbm>>
      tpu.enqueue_dma source(%dma_start3A_441 : memref<120xi32, #tpu.memory_space<hbm>>) target(%dma_start3A_438 : memref<120xi32, #tpu.memory_space<vmem>>) target_semaphore(%arg23 : memref<!tpu.dma_semaphore, #tpu.memory_space<semaphore_mem>>)
      %sub3A_442 = arith.constant 2 : i32
      %sub3A_443 = arith.subi %add3A_397, %sub3A_442 : i32
      %add3A_444 = arith.addi %mul3A_2, %sub3A_443 : i32
      %dma_wait3A_445 = arith.constant 0 : i32
      %dma_wait3A_446 = arith.constant 0 : i32
      %dma_wait3A_447 = tpu.memref_slice %arg6[%add3A_444, %dma_wait3A_445, %dma_wait3A_446] : memref<2752x120x128xi32, #tpu.memory_space<hbm>> -> memref<1x120x128xi32, #tpu.memory_space<hbm>>
      %dma_wait3A_448 = tpu.memref_squeeze %dma_wait3A_447 : memref<1x120x128xi32, #tpu.memory_space<hbm>> -> memref<120x128xi32, #tpu.memory_space<hbm>>
      %dma_wait3A_449 = arith.constant 0 : i32
      %dma_wait3A_450 = arith.constant 0 : i32
      %dma_wait3A_451 = tpu.memref_slice %arg6[%add3A_444, %dma_wait3A_449, %dma_wait3A_450] : memref<2752x120x128xi32, #tpu.memory_space<hbm>> -> memref<1x120x128xi32, #tpu.memory_space<hbm>>
      %dma_wait3A_452 = tpu.memref_squeeze %dma_wait3A_451 : memref<1x120x128xi32, #tpu.memory_space<hbm>> -> memref<120x128xi32, #tpu.memory_space<hbm>>
      tpu.wait_dma2 semaphore(%arg18 : memref<!tpu.dma_semaphore, #tpu.memory_space<semaphore_mem>>) src(%arg10 : memref<120x128xi32, #tpu.memory_space<vmem>>) dst(%dma_wait3A_452 : memref<120x128xi32, #tpu.memory_space<hbm>>)
      %add3A_453 = arith.addi %mul3A_2, %sub3A_443 : i32
      %dma_wait3A_454 = arith.constant 0 : i32
      %dma_wait3A_455 = arith.constant 0 : i32
      %dma_wait3A_456 = tpu.memref_slice %arg7[%add3A_453, %dma_wait3A_454, %dma_wait3A_455] : memref<2752x120x128xi32, #tpu.memory_space<hbm>> -> memref<1x120x128xi32, #tpu.memory_space<hbm>>
      %dma_wait3A_457 = tpu.memref_squeeze %dma_wait3A_456 : memref<1x120x128xi32, #tpu.memory_space<hbm>> -> memref<120x128xi32, #tpu.memory_space<hbm>>
      %dma_wait3A_458 = arith.constant 0 : i32
      %dma_wait3A_459 = arith.constant 0 : i32
      %dma_wait3A_460 = tpu.memref_slice %arg7[%add3A_453, %dma_wait3A_458, %dma_wait3A_459] : memref<2752x120x128xi32, #tpu.memory_space<hbm>> -> memref<1x120x128xi32, #tpu.memory_space<hbm>>
      %dma_wait3A_461 = tpu.memref_squeeze %dma_wait3A_460 : memref<1x120x128xi32, #tpu.memory_space<hbm>> -> memref<120x128xi32, #tpu.memory_space<hbm>>
      tpu.wait_dma2 semaphore(%arg20 : memref<!tpu.dma_semaphore, #tpu.memory_space<semaphore_mem>>) src(%arg12 : memref<120x128xi32, #tpu.memory_space<vmem>>) dst(%dma_wait3A_461 : memref<120x128xi32, #tpu.memory_space<hbm>>)
      %add3A_462 = arith.addi %mul3A_2, %add3A_397 : i32
      %dma_wait3A_463 = arith.constant 0 : i32
      %dma_wait3A_464 = arith.constant 0 : i32
      %dma_wait3A_465 = tpu.memref_slice %arg8[%dma_wait3A_463, %dma_wait3A_464] : memref<2x120xi32, #tpu.memory_space<vmem>> -> memref<1x120xi32, #tpu.memory_space<vmem>>
      %dma_wait3A_466 = tpu.memref_squeeze %dma_wait3A_465 : memref<1x120xi32, #tpu.memory_space<vmem>> -> memref<120xi32, #tpu.memory_space<vmem>>
      %dma_wait3A_467 = arith.constant 0 : i32
      %dma_wait3A_468 = tpu.memref_slice %arg4[%add3A_462, %dma_wait3A_467] : memref<2752x120xi32, #tpu.memory_space<hbm>> -> memref<1x120xi32, #tpu.memory_space<hbm>>
      %dma_wait3A_469 = tpu.memref_squeeze %dma_wait3A_468 : memref<1x120xi32, #tpu.memory_space<hbm>> -> memref<120xi32, #tpu.memory_space<hbm>>
      %dma_wait3A_470 = arith.constant 0 : i32
      %dma_wait3A_471 = tpu.memref_slice %arg8[%dma_wait3A_463, %dma_wait3A_470] : memref<2x120xi32, #tpu.memory_space<vmem>> -> memref<1x120xi32, #tpu.memory_space<vmem>>
      %dma_wait3A_472 = tpu.memref_squeeze %dma_wait3A_471 : memref<1x120xi32, #tpu.memory_space<vmem>> -> memref<120xi32, #tpu.memory_space<vmem>>
      %dma_wait3A_473 = arith.constant 0 : i32
      %dma_wait3A_474 = tpu.memref_slice %arg4[%add3A_462, %dma_wait3A_473] : memref<2752x120xi32, #tpu.memory_space<hbm>> -> memref<1x120xi32, #tpu.memory_space<hbm>>
      %dma_wait3A_475 = tpu.memref_squeeze %dma_wait3A_474 : memref<1x120xi32, #tpu.memory_space<hbm>> -> memref<120xi32, #tpu.memory_space<hbm>>
      tpu.wait_dma2 semaphore(%arg22 : memref<!tpu.dma_semaphore, #tpu.memory_space<semaphore_mem>>) src(%dma_wait3A_475 : memref<120xi32, #tpu.memory_space<hbm>>) dst(%dma_wait3A_472 : memref<120xi32, #tpu.memory_space<vmem>>)
      %add3A_476 = arith.addi %mul3A_2, %add3A_397 : i32
      %dma_wait3A_477 = arith.constant 0 : i32
      %dma_wait3A_478 = arith.constant 0 : i32
      %dma_wait3A_479 = tpu.memref_slice %arg9[%dma_wait3A_477, %dma_wait3A_478] : memref<2x120xi32, #tpu.memory_space<vmem>> -> memref<1x120xi32, #tpu.memory_space<vmem>>
      %dma_wait3A_480 = tpu.memref_squeeze %dma_wait3A_479 : memref<1x120xi32, #tpu.memory_space<vmem>> -> memref<120xi32, #tpu.memory_space<vmem>>
      %dma_wait3A_481 = arith.constant 0 : i32
      %dma_wait3A_482 = tpu.memref_slice %arg5[%add3A_476, %dma_wait3A_481] : memref<2752x120xi32, #tpu.memory_space<hbm>> -> memref<1x120xi32, #tpu.memory_space<hbm>>
      %dma_wait3A_483 = tpu.memref_squeeze %dma_wait3A_482 : memref<1x120xi32, #tpu.memory_space<hbm>> -> memref<120xi32, #tpu.memory_space<hbm>>
      %dma_wait3A_484 = arith.constant 0 : i32
      %dma_wait3A_485 = tpu.memref_slice %arg9[%dma_wait3A_477, %dma_wait3A_484] : memref<2x120xi32, #tpu.memory_space<vmem>> -> memref<1x120xi32, #tpu.memory_space<vmem>>
      %dma_wait3A_486 = tpu.memref_squeeze %dma_wait3A_485 : memref<1x120xi32, #tpu.memory_space<vmem>> -> memref<120xi32, #tpu.memory_space<vmem>>
      %dma_wait3A_487 = arith.constant 0 : i32
      %dma_wait3A_488 = tpu.memref_slice %arg5[%add3A_476, %dma_wait3A_487] : memref<2752x120xi32, #tpu.memory_space<hbm>> -> memref<1x120xi32, #tpu.memory_space<hbm>>
      %dma_wait3A_489 = tpu.memref_squeeze %dma_wait3A_488 : memref<1x120xi32, #tpu.memory_space<hbm>> -> memref<120xi32, #tpu.memory_space<hbm>>
      tpu.wait_dma2 semaphore(%arg22 : memref<!tpu.dma_semaphore, #tpu.memory_space<semaphore_mem>>) src(%dma_wait3A_489 : memref<120xi32, #tpu.memory_space<hbm>>) dst(%dma_wait3A_486 : memref<120xi32, #tpu.memory_space<vmem>>)
      %dma_start3A_490 = arith.constant 0 : i32
      %dma_start3A_491 = arith.constant 0 : i32
      %dma_start3A_492 = tpu.memref_slice %arg8[%dma_start3A_490, %dma_start3A_491] : memref<2x120xi32, #tpu.memory_space<vmem>> -> memref<1x120xi32, #tpu.memory_space<vmem>>
      %dma_start3A_493 = tpu.memref_squeeze %dma_start3A_492 : memref<1x120xi32, #tpu.memory_space<vmem>> -> memref<120xi32, #tpu.memory_space<vmem>>
      %dma_start3A_494 = arith.constant 0 : i32
      %dma_start3A_495 = arith.constant 0 : i32
      %dma_start3A_496 = tpu.memref_slice %arg2[%dma_start3A_494, %dma_start3A_495] : memref<10240x128xi32, #tpu.memory_space<hbm>> -> memref<10240x128xi32, #tpu.memory_space<hbm>>
      tpu.enqueue_indirect_dma source(%dma_start3A_496 : memref<10240x128xi32, #tpu.memory_space<hbm>>) target(%arg10 : memref<120x128xi32, #tpu.memory_space<vmem>>) offsets(%dma_start3A_493 : memref<120xi32, #tpu.memory_space<vmem>>) semaphore(%arg14 : memref<!tpu.dma_semaphore, #tpu.memory_space<semaphore_mem>>)
      %dma_start3A_497 = arith.constant 0 : i32
      %dma_start3A_498 = arith.constant 0 : i32
      %dma_start3A_499 = tpu.memref_slice %arg9[%dma_start3A_497, %dma_start3A_498] : memref<2x120xi32, #tpu.memory_space<vmem>> -> memref<1x120xi32, #tpu.memory_space<vmem>>
      %dma_start3A_500 = tpu.memref_squeeze %dma_start3A_499 : memref<1x120xi32, #tpu.memory_space<vmem>> -> memref<120xi32, #tpu.memory_space<vmem>>
      %dma_start3A_501 = arith.constant 0 : i32
      %dma_start3A_502 = arith.constant 0 : i32
      %dma_start3A_503 = tpu.memref_slice %arg3[%dma_start3A_501, %dma_start3A_502] : memref<10240x128xi32, #tpu.memory_space<hbm>> -> memref<10240x128xi32, #tpu.memory_space<hbm>>
      tpu.enqueue_indirect_dma source(%dma_start3A_503 : memref<10240x128xi32, #tpu.memory_space<hbm>>) target(%arg12 : memref<120x128xi32, #tpu.memory_space<vmem>>) offsets(%dma_start3A_500 : memref<120xi32, #tpu.memory_space<vmem>>) semaphore(%arg16 : memref<!tpu.dma_semaphore, #tpu.memory_space<semaphore_mem>>)
      %sub3A_504 = arith.constant 1 : i32
      %sub3A_505 = arith.subi %add3A_397, %sub3A_504 : i32
      %add3A_506 = arith.addi %mul3A_2, %sub3A_505 : i32
      %dma_start3A_507 = arith.constant 0 : i32
      %dma_start3A_508 = arith.constant 0 : i32
      %dma_start3A_509 = tpu.memref_slice %arg6[%add3A_506, %dma_start3A_507, %dma_start3A_508] : memref<2752x120x128xi32, #tpu.memory_space<hbm>> -> memref<1x120x128xi32, #tpu.memory_space<hbm>>
      %dma_start3A_510 = tpu.memref_squeeze %dma_start3A_509 : memref<1x120x128xi32, #tpu.memory_space<hbm>> -> memref<120x128xi32, #tpu.memory_space<hbm>>
      %dma_start3A_511 = arith.constant 0 : i32
      %dma_start3A_512 = arith.constant 0 : i32
      %dma_start3A_513 = tpu.memref_slice %arg6[%add3A_506, %dma_start3A_511, %dma_start3A_512] : memref<2752x120x128xi32, #tpu.memory_space<hbm>> -> memref<1x120x128xi32, #tpu.memory_space<hbm>>
      %dma_start3A_514 = tpu.memref_squeeze %dma_start3A_513 : memref<1x120x128xi32, #tpu.memory_space<hbm>> -> memref<120x128xi32, #tpu.memory_space<hbm>>
      tpu.enqueue_dma source(%arg11 : memref<120x128xi32, #tpu.memory_space<vmem>>) target(%dma_start3A_514 : memref<120x128xi32, #tpu.memory_space<hbm>>) target_semaphore(%arg19 : memref<!tpu.dma_semaphore, #tpu.memory_space<semaphore_mem>>)
      %add3A_515 = arith.addi %mul3A_2, %sub3A_505 : i32
      %dma_start3A_516 = arith.constant 0 : i32
      %dma_start3A_517 = arith.constant 0 : i32
      %dma_start3A_518 = tpu.memref_slice %arg7[%add3A_515, %dma_start3A_516, %dma_start3A_517] : memref<2752x120x128xi32, #tpu.memory_space<hbm>> -> memref<1x120x128xi32, #tpu.memory_space<hbm>>
      %dma_start3A_519 = tpu.memref_squeeze %dma_start3A_518 : memref<1x120x128xi32, #tpu.memory_space<hbm>> -> memref<120x128xi32, #tpu.memory_space<hbm>>
      %dma_start3A_520 = arith.constant 0 : i32
      %dma_start3A_521 = arith.constant 0 : i32
      %dma_start3A_522 = tpu.memref_slice %arg7[%add3A_515, %dma_start3A_520, %dma_start3A_521] : memref<2752x120x128xi32, #tpu.memory_space<hbm>> -> memref<1x120x128xi32, #tpu.memory_space<hbm>>
      %dma_start3A_523 = tpu.memref_squeeze %dma_start3A_522 : memref<1x120x128xi32, #tpu.memory_space<hbm>> -> memref<120x128xi32, #tpu.memory_space<hbm>>
      tpu.enqueue_dma source(%arg13 : memref<120x128xi32, #tpu.memory_space<vmem>>) target(%dma_start3A_523 : memref<120x128xi32, #tpu.memory_space<hbm>>) target_semaphore(%arg21 : memref<!tpu.dma_semaphore, #tpu.memory_space<semaphore_mem>>)
    }
    %scan3A_109 = arith.constant 42 : i32
    %dma_wait3A_110 = arith.constant 0 : i32
    %dma_wait3A_111 = arith.constant 0 : i32
    %dma_wait3A_112 = tpu.memref_slice %arg8[%dma_wait3A_110, %dma_wait3A_111] : memref<2x120xi32, #tpu.memory_space<vmem>> -> memref<1x120xi32, #tpu.memory_space<vmem>>
    %dma_wait3A_113 = tpu.memref_squeeze %dma_wait3A_112 : memref<1x120xi32, #tpu.memory_space<vmem>> -> memref<120xi32, #tpu.memory_space<vmem>>
    %dma_wait3A_114 = arith.constant 0 : i32
    %dma_wait3A_115 = arith.constant 0 : i32
    %dma_wait3A_116 = tpu.memref_slice %arg2[%dma_wait3A_114, %dma_wait3A_115] : memref<10240x128xi32, #tpu.memory_space<hbm>> -> memref<10240x128xi32, #tpu.memory_space<hbm>>
    tpu.wait_indirect_dma semaphore(%arg14 : memref<!tpu.dma_semaphore, #tpu.memory_space<semaphore_mem>>) src(%dma_wait3A_116 : memref<10240x128xi32, #tpu.memory_space<hbm>>) dst(%arg10 : memref<120x128xi32, #tpu.memory_space<vmem>>)
    %dma_wait3A_117 = arith.constant 0 : i32
    %dma_wait3A_118 = arith.constant 0 : i32
    %dma_wait3A_119 = tpu.memref_slice %arg9[%dma_wait3A_117, %dma_wait3A_118] : memref<2x120xi32, #tpu.memory_space<vmem>> -> memref<1x120xi32, #tpu.memory_space<vmem>>
    %dma_wait3A_120 = tpu.memref_squeeze %dma_wait3A_119 : memref<1x120xi32, #tpu.memory_space<vmem>> -> memref<120xi32, #tpu.memory_space<vmem>>
    %dma_wait3A_121 = arith.constant 0 : i32
    %dma_wait3A_122 = arith.constant 0 : i32
    %dma_wait3A_123 = tpu.memref_slice %arg3[%dma_wait3A_121, %dma_wait3A_122] : memref<10240x128xi32, #tpu.memory_space<hbm>> -> memref<10240x128xi32, #tpu.memory_space<hbm>>
    tpu.wait_indirect_dma semaphore(%arg16 : memref<!tpu.dma_semaphore, #tpu.memory_space<semaphore_mem>>) src(%dma_wait3A_123 : memref<10240x128xi32, #tpu.memory_space<hbm>>) dst(%arg12 : memref<120x128xi32, #tpu.memory_space<vmem>>)
    %add3A_124 = arith.constant 83 : i32
    %add3A_125 = arith.addi %mul3A_2, %add3A_124 : i32
    %dma_wait3A_126 = arith.constant 0 : i32
    %dma_wait3A_127 = arith.constant 0 : i32
    %dma_wait3A_128 = tpu.memref_slice %arg6[%add3A_125, %dma_wait3A_126, %dma_wait3A_127] : memref<2752x120x128xi32, #tpu.memory_space<hbm>> -> memref<1x120x128xi32, #tpu.memory_space<hbm>>
    %dma_wait3A_129 = tpu.memref_squeeze %dma_wait3A_128 : memref<1x120x128xi32, #tpu.memory_space<hbm>> -> memref<120x128xi32, #tpu.memory_space<hbm>>
    %dma_wait3A_130 = arith.constant 0 : i32
    %dma_wait3A_131 = arith.constant 0 : i32
    %dma_wait3A_132 = tpu.memref_slice %arg6[%add3A_125, %dma_wait3A_130, %dma_wait3A_131] : memref<2752x120x128xi32, #tpu.memory_space<hbm>> -> memref<1x120x128xi32, #tpu.memory_space<hbm>>
    %dma_wait3A_133 = tpu.memref_squeeze %dma_wait3A_132 : memref<1x120x128xi32, #tpu.memory_space<hbm>> -> memref<120x128xi32, #tpu.memory_space<hbm>>
    tpu.wait_dma2 semaphore(%arg19 : memref<!tpu.dma_semaphore, #tpu.memory_space<semaphore_mem>>) src(%arg11 : memref<120x128xi32, #tpu.memory_space<vmem>>) dst(%dma_wait3A_133 : memref<120x128xi32, #tpu.memory_space<hbm>>)
    %add3A_134 = arith.constant 83 : i32
    %add3A_135 = arith.addi %mul3A_2, %add3A_134 : i32
    %dma_wait3A_136 = arith.constant 0 : i32
    %dma_wait3A_137 = arith.constant 0 : i32
    %dma_wait3A_138 = tpu.memref_slice %arg7[%add3A_135, %dma_wait3A_136, %dma_wait3A_137] : memref<2752x120x128xi32, #tpu.memory_space<hbm>> -> memref<1x120x128xi32, #tpu.memory_space<hbm>>
    %dma_wait3A_139 = tpu.memref_squeeze %dma_wait3A_138 : memref<1x120x128xi32, #tpu.memory_space<hbm>> -> memref<120x128xi32, #tpu.memory_space<hbm>>
    %dma_wait3A_140 = arith.constant 0 : i32
    %dma_wait3A_141 = arith.constant 0 : i32
    %dma_wait3A_142 = tpu.memref_slice %arg7[%add3A_135, %dma_wait3A_140, %dma_wait3A_141] : memref<2752x120x128xi32, #tpu.memory_space<hbm>> -> memref<1x120x128xi32, #tpu.memory_space<hbm>>
    %dma_wait3A_143 = tpu.memref_squeeze %dma_wait3A_142 : memref<1x120x128xi32, #tpu.memory_space<hbm>> -> memref<120x128xi32, #tpu.memory_space<hbm>>
    tpu.wait_dma2 semaphore(%arg21 : memref<!tpu.dma_semaphore, #tpu.memory_space<semaphore_mem>>) src(%arg13 : memref<120x128xi32, #tpu.memory_space<vmem>>) dst(%dma_wait3A_143 : memref<120x128xi32, #tpu.memory_space<hbm>>)
    %add3A_144 = arith.constant 85 : i32
    %add3A_145 = arith.addi %mul3A_2, %add3A_144 : i32
    %dma_wait3A_146 = arith.constant 1 : i32
    %dma_wait3A_147 = arith.constant 0 : i32
    %dma_wait3A_148 = tpu.memref_slice %arg8[%dma_wait3A_146, %dma_wait3A_147] : memref<2x120xi32, #tpu.memory_space<vmem>> -> memref<1x120xi32, #tpu.memory_space<vmem>>
    %dma_wait3A_149 = tpu.memref_squeeze %dma_wait3A_148 : memref<1x120xi32, #tpu.memory_space<vmem>> -> memref<120xi32, #tpu.memory_space<vmem>>
    %dma_wait3A_150 = arith.constant 0 : i32
    %dma_wait3A_151 = tpu.memref_slice %arg4[%add3A_145, %dma_wait3A_150] : memref<2752x120xi32, #tpu.memory_space<hbm>> -> memref<1x120xi32, #tpu.memory_space<hbm>>
    %dma_wait3A_152 = tpu.memref_squeeze %dma_wait3A_151 : memref<1x120xi32, #tpu.memory_space<hbm>> -> memref<120xi32, #tpu.memory_space<hbm>>
    %dma_wait3A_153 = arith.constant 0 : i32
    %dma_wait3A_154 = tpu.memref_slice %arg8[%dma_wait3A_146, %dma_wait3A_153] : memref<2x120xi32, #tpu.memory_space<vmem>> -> memref<1x120xi32, #tpu.memory_space<vmem>>
    %dma_wait3A_155 = tpu.memref_squeeze %dma_wait3A_154 : memref<1x120xi32, #tpu.memory_space<vmem>> -> memref<120xi32, #tpu.memory_space<vmem>>
    %dma_wait3A_156 = arith.constant 0 : i32
    %dma_wait3A_157 = tpu.memref_slice %arg4[%add3A_145, %dma_wait3A_156] : memref<2752x120xi32, #tpu.memory_space<hbm>> -> memref<1x120xi32, #tpu.memory_space<hbm>>
    %dma_wait3A_158 = tpu.memref_squeeze %dma_wait3A_157 : memref<1x120xi32, #tpu.memory_space<hbm>> -> memref<120xi32, #tpu.memory_space<hbm>>
    tpu.wait_dma2 semaphore(%arg23 : memref<!tpu.dma_semaphore, #tpu.memory_space<semaphore_mem>>) src(%dma_wait3A_158 : memref<120xi32, #tpu.memory_space<hbm>>) dst(%dma_wait3A_155 : memref<120xi32, #tpu.memory_space<vmem>>)
    %add3A_159 = arith.constant 85 : i32
    %add3A_160 = arith.addi %mul3A_2, %add3A_159 : i32
    %dma_wait3A_161 = arith.constant 1 : i32
    %dma_wait3A_162 = arith.constant 0 : i32
    %dma_wait3A_163 = tpu.memref_slice %arg9[%dma_wait3A_161, %dma_wait3A_162] : memref<2x120xi32, #tpu.memory_space<vmem>> -> memref<1x120xi32, #tpu.memory_space<vmem>>
    %dma_wait3A_164 = tpu.memref_squeeze %dma_wait3A_163 : memref<1x120xi32, #tpu.memory_space<vmem>> -> memref<120xi32, #tpu.memory_space<vmem>>
    %dma_wait3A_165 = arith.constant 0 : i32
    %dma_wait3A_166 = tpu.memref_slice %arg5[%add3A_160, %dma_wait3A_165] : memref<2752x120xi32, #tpu.memory_space<hbm>> -> memref<1x120xi32, #tpu.memory_space<hbm>>
    %dma_wait3A_167 = tpu.memref_squeeze %dma_wait3A_166 : memref<1x120xi32, #tpu.memory_space<hbm>> -> memref<120xi32, #tpu.memory_space<hbm>>
    %dma_wait3A_168 = arith.constant 0 : i32
    %dma_wait3A_169 = tpu.memref_slice %arg9[%dma_wait3A_161, %dma_wait3A_168] : memref<2x120xi32, #tpu.memory_space<vmem>> -> memref<1x120xi32, #tpu.memory_space<vmem>>
    %dma_wait3A_170 = tpu.memref_squeeze %dma_wait3A_169 : memref<1x120xi32, #tpu.memory_space<vmem>> -> memref<120xi32, #tpu.memory_space<vmem>>
    %dma_wait3A_171 = arith.constant 0 : i32
    %dma_wait3A_172 = tpu.memref_slice %arg5[%add3A_160, %dma_wait3A_171] : memref<2752x120xi32, #tpu.memory_space<hbm>> -> memref<1x120xi32, #tpu.memory_space<hbm>>
    %dma_wait3A_173 = tpu.memref_squeeze %dma_wait3A_172 : memref<1x120xi32, #tpu.memory_space<hbm>> -> memref<120xi32, #tpu.memory_space<hbm>>
    tpu.wait_dma2 semaphore(%arg23 : memref<!tpu.dma_semaphore, #tpu.memory_space<semaphore_mem>>) src(%dma_wait3A_173 : memref<120xi32, #tpu.memory_space<hbm>>) dst(%dma_wait3A_170 : memref<120xi32, #tpu.memory_space<vmem>>)
    %dma_start3A_174 = arith.constant 1 : i32
    %dma_start3A_175 = arith.constant 0 : i32
    %dma_start3A_176 = tpu.memref_slice %arg8[%dma_start3A_174, %dma_start3A_175] : memref<2x120xi32, #tpu.memory_space<vmem>> -> memref<1x120xi32, #tpu.memory_space<vmem>>
    %dma_start3A_177 = tpu.memref_squeeze %dma_start3A_176 : memref<1x120xi32, #tpu.memory_space<vmem>> -> memref<120xi32, #tpu.memory_space<vmem>>
    %dma_start3A_178 = arith.constant 0 : i32
    %dma_start3A_179 = arith.constant 0 : i32
    %dma_start3A_180 = tpu.memref_slice %arg2[%dma_start3A_178, %dma_start3A_179] : memref<10240x128xi32, #tpu.memory_space<hbm>> -> memref<10240x128xi32, #tpu.memory_space<hbm>>
    tpu.enqueue_indirect_dma source(%dma_start3A_180 : memref<10240x128xi32, #tpu.memory_space<hbm>>) target(%arg11 : memref<120x128xi32, #tpu.memory_space<vmem>>) offsets(%dma_start3A_177 : memref<120xi32, #tpu.memory_space<vmem>>) semaphore(%arg15 : memref<!tpu.dma_semaphore, #tpu.memory_space<semaphore_mem>>)
    %dma_start3A_181 = arith.constant 1 : i32
    %dma_start3A_182 = arith.constant 0 : i32
    %dma_start3A_183 = tpu.memref_slice %arg9[%dma_start3A_181, %dma_start3A_182] : memref<2x120xi32, #tpu.memory_space<vmem>> -> memref<1x120xi32, #tpu.memory_space<vmem>>
    %dma_start3A_184 = tpu.memref_squeeze %dma_start3A_183 : memref<1x120xi32, #tpu.memory_space<vmem>> -> memref<120xi32, #tpu.memory_space<vmem>>
    %dma_start3A_185 = arith.constant 0 : i32
    %dma_start3A_186 = arith.constant 0 : i32
    %dma_start3A_187 = tpu.memref_slice %arg3[%dma_start3A_185, %dma_start3A_186] : memref<10240x128xi32, #tpu.memory_space<hbm>> -> memref<10240x128xi32, #tpu.memory_space<hbm>>
    tpu.enqueue_indirect_dma source(%dma_start3A_187 : memref<10240x128xi32, #tpu.memory_space<hbm>>) target(%arg13 : memref<120x128xi32, #tpu.memory_space<vmem>>) offsets(%dma_start3A_184 : memref<120xi32, #tpu.memory_space<vmem>>) semaphore(%arg17 : memref<!tpu.dma_semaphore, #tpu.memory_space<semaphore_mem>>)
    %add3A_188 = arith.constant 84 : i32
    %add3A_189 = arith.addi %mul3A_2, %add3A_188 : i32
    %dma_start3A_190 = arith.constant 0 : i32
    %dma_start3A_191 = arith.constant 0 : i32
    %dma_start3A_192 = tpu.memref_slice %arg6[%add3A_189, %dma_start3A_190, %dma_start3A_191] : memref<2752x120x128xi32, #tpu.memory_space<hbm>> -> memref<1x120x128xi32, #tpu.memory_space<hbm>>
    %dma_start3A_193 = tpu.memref_squeeze %dma_start3A_192 : memref<1x120x128xi32, #tpu.memory_space<hbm>> -> memref<120x128xi32, #tpu.memory_space<hbm>>
    %dma_start3A_194 = arith.constant 0 : i32
    %dma_start3A_195 = arith.constant 0 : i32
    %dma_start3A_196 = tpu.memref_slice %arg6[%add3A_189, %dma_start3A_194, %dma_start3A_195] : memref<2752x120x128xi32, #tpu.memory_space<hbm>> -> memref<1x120x128xi32, #tpu.memory_space<hbm>>
    %dma_start3A_197 = tpu.memref_squeeze %dma_start3A_196 : memref<1x120x128xi32, #tpu.memory_space<hbm>> -> memref<120x128xi32, #tpu.memory_space<hbm>>
    tpu.enqueue_dma source(%arg10 : memref<120x128xi32, #tpu.memory_space<vmem>>) target(%dma_start3A_197 : memref<120x128xi32, #tpu.memory_space<hbm>>) target_semaphore(%arg18 : memref<!tpu.dma_semaphore, #tpu.memory_space<semaphore_mem>>)
    %add3A_198 = arith.constant 84 : i32
    %add3A_199 = arith.addi %mul3A_2, %add3A_198 : i32
    %dma_start3A_200 = arith.constant 0 : i32
    %dma_start3A_201 = arith.constant 0 : i32
    %dma_start3A_202 = tpu.memref_slice %arg7[%add3A_199, %dma_start3A_200, %dma_start3A_201] : memref<2752x120x128xi32, #tpu.memory_space<hbm>> -> memref<1x120x128xi32, #tpu.memory_space<hbm>>
    %dma_start3A_203 = tpu.memref_squeeze %dma_start3A_202 : memref<1x120x128xi32, #tpu.memory_space<hbm>> -> memref<120x128xi32, #tpu.memory_space<hbm>>
    %dma_start3A_204 = arith.constant 0 : i32
    %dma_start3A_205 = arith.constant 0 : i32
    %dma_start3A_206 = tpu.memref_slice %arg7[%add3A_199, %dma_start3A_204, %dma_start3A_205] : memref<2752x120x128xi32, #tpu.memory_space<hbm>> -> memref<1x120x128xi32, #tpu.memory_space<hbm>>
    %dma_start3A_207 = tpu.memref_squeeze %dma_start3A_206 : memref<1x120x128xi32, #tpu.memory_space<hbm>> -> memref<120x128xi32, #tpu.memory_space<hbm>>
    tpu.enqueue_dma source(%arg12 : memref<120x128xi32, #tpu.memory_space<vmem>>) target(%dma_start3A_207 : memref<120x128xi32, #tpu.memory_space<hbm>>) target_semaphore(%arg20 : memref<!tpu.dma_semaphore, #tpu.memory_space<semaphore_mem>>)
    %dma_wait3A_208 = arith.constant 1 : i32
    %dma_wait3A_209 = arith.constant 0 : i32
    %dma_wait3A_210 = tpu.memref_slice %arg8[%dma_wait3A_208, %dma_wait3A_209] : memref<2x120xi32, #tpu.memory_space<vmem>> -> memref<1x120xi32, #tpu.memory_space<vmem>>
    %dma_wait3A_211 = tpu.memref_squeeze %dma_wait3A_210 : memref<1x120xi32, #tpu.memory_space<vmem>> -> memref<120xi32, #tpu.memory_space<vmem>>
    %dma_wait3A_212 = arith.constant 0 : i32
    %dma_wait3A_213 = arith.constant 0 : i32
    %dma_wait3A_214 = tpu.memref_slice %arg2[%dma_wait3A_212, %dma_wait3A_213] : memref<10240x128xi32, #tpu.memory_space<hbm>> -> memref<10240x128xi32, #tpu.memory_space<hbm>>
    tpu.wait_indirect_dma semaphore(%arg15 : memref<!tpu.dma_semaphore, #tpu.memory_space<semaphore_mem>>) src(%dma_wait3A_214 : memref<10240x128xi32, #tpu.memory_space<hbm>>) dst(%arg11 : memref<120x128xi32, #tpu.memory_space<vmem>>)
    %dma_wait3A_215 = arith.constant 1 : i32
    %dma_wait3A_216 = arith.constant 0 : i32
    %dma_wait3A_217 = tpu.memref_slice %arg9[%dma_wait3A_215, %dma_wait3A_216] : memref<2x120xi32, #tpu.memory_space<vmem>> -> memref<1x120xi32, #tpu.memory_space<vmem>>
    %dma_wait3A_218 = tpu.memref_squeeze %dma_wait3A_217 : memref<1x120xi32, #tpu.memory_space<vmem>> -> memref<120xi32, #tpu.memory_space<vmem>>
    %dma_wait3A_219 = arith.constant 0 : i32
    %dma_wait3A_220 = arith.constant 0 : i32
    %dma_wait3A_221 = tpu.memref_slice %arg3[%dma_wait3A_219, %dma_wait3A_220] : memref<10240x128xi32, #tpu.memory_space<hbm>> -> memref<10240x128xi32, #tpu.memory_space<hbm>>
    tpu.wait_indirect_dma semaphore(%arg17 : memref<!tpu.dma_semaphore, #tpu.memory_space<semaphore_mem>>) src(%dma_wait3A_221 : memref<10240x128xi32, #tpu.memory_space<hbm>>) dst(%arg13 : memref<120x128xi32, #tpu.memory_space<vmem>>)
    %add3A_222 = arith.constant 85 : i32
    %add3A_223 = arith.addi %mul3A_2, %add3A_222 : i32
    %dma_start3A_224 = arith.constant 0 : i32
    %dma_start3A_225 = arith.constant 0 : i32
    %dma_start3A_226 = tpu.memref_slice %arg6[%add3A_223, %dma_start3A_224, %dma_start3A_225] : memref<2752x120x128xi32, #tpu.memory_space<hbm>> -> memref<1x120x128xi32, #tpu.memory_space<hbm>>
    %dma_start3A_227 = tpu.memref_squeeze %dma_start3A_226 : memref<1x120x128xi32, #tpu.memory_space<hbm>> -> memref<120x128xi32, #tpu.memory_space<hbm>>
    %dma_start3A_228 = arith.constant 0 : i32
    %dma_start3A_229 = arith.constant 0 : i32
    %dma_start3A_230 = tpu.memref_slice %arg6[%add3A_223, %dma_start3A_228, %dma_start3A_229] : memref<2752x120x128xi32, #tpu.memory_space<hbm>> -> memref<1x120x128xi32, #tpu.memory_space<hbm>>
    %dma_start3A_231 = tpu.memref_squeeze %dma_start3A_230 : memref<1x120x128xi32, #tpu.memory_space<hbm>> -> memref<120x128xi32, #tpu.memory_space<hbm>>
    tpu.enqueue_dma source(%arg11 : memref<120x128xi32, #tpu.memory_space<vmem>>) target(%dma_start3A_231 : memref<120x128xi32, #tpu.memory_space<hbm>>) target_semaphore(%arg19 : memref<!tpu.dma_semaphore, #tpu.memory_space<semaphore_mem>>)
    %add3A_232 = arith.constant 85 : i32
    %add3A_233 = arith.addi %mul3A_2, %add3A_232 : i32
    %dma_start3A_234 = arith.constant 0 : i32
    %dma_start3A_235 = arith.constant 0 : i32
    %dma_start3A_236 = tpu.memref_slice %arg7[%add3A_233, %dma_start3A_234, %dma_start3A_235] : memref<2752x120x128xi32, #tpu.memory_space<hbm>> -> memref<1x120x128xi32, #tpu.memory_space<hbm>>
    %dma_start3A_237 = tpu.memref_squeeze %dma_start3A_236 : memref<1x120x128xi32, #tpu.memory_space<hbm>> -> memref<120x128xi32, #tpu.memory_space<hbm>>
    %dma_start3A_238 = arith.constant 0 : i32
    %dma_start3A_239 = arith.constant 0 : i32
    %dma_start3A_240 = tpu.memref_slice %arg7[%add3A_233, %dma_start3A_238, %dma_start3A_239] : memref<2752x120x128xi32, #tpu.memory_space<hbm>> -> memref<1x120x128xi32, #tpu.memory_space<hbm>>
    %dma_start3A_241 = tpu.memref_squeeze %dma_start3A_240 : memref<1x120x128xi32, #tpu.memory_space<hbm>> -> memref<120x128xi32, #tpu.memory_space<hbm>>
    tpu.enqueue_dma source(%arg13 : memref<120x128xi32, #tpu.memory_space<vmem>>) target(%dma_start3A_241 : memref<120x128xi32, #tpu.memory_space<hbm>>) target_semaphore(%arg21 : memref<!tpu.dma_semaphore, #tpu.memory_space<semaphore_mem>>)
    %add3A_242 = arith.constant 84 : i32
    %add3A_243 = arith.addi %mul3A_2, %add3A_242 : i32
    %dma_wait3A_244 = arith.constant 0 : i32
    %dma_wait3A_245 = arith.constant 0 : i32
    %dma_wait3A_246 = tpu.memref_slice %arg6[%add3A_243, %dma_wait3A_244, %dma_wait3A_245] : memref<2752x120x128xi32, #tpu.memory_space<hbm>> -> memref<1x120x128xi32, #tpu.memory_space<hbm>>
    %dma_wait3A_247 = tpu.memref_squeeze %dma_wait3A_246 : memref<1x120x128xi32, #tpu.memory_space<hbm>> -> memref<120x128xi32, #tpu.memory_space<hbm>>
    %dma_wait3A_248 = arith.constant 0 : i32
    %dma_wait3A_249 = arith.constant 0 : i32
    %dma_wait3A_250 = tpu.memref_slice %arg6[%add3A_243, %dma_wait3A_248, %dma_wait3A_249] : memref<2752x120x128xi32, #tpu.memory_space<hbm>> -> memref<1x120x128xi32, #tpu.memory_space<hbm>>
    %dma_wait3A_251 = tpu.memref_squeeze %dma_wait3A_250 : memref<1x120x128xi32, #tpu.memory_space<hbm>> -> memref<120x128xi32, #tpu.memory_space<hbm>>
    tpu.wait_dma2 semaphore(%arg18 : memref<!tpu.dma_semaphore, #tpu.memory_space<semaphore_mem>>) src(%arg10 : memref<120x128xi32, #tpu.memory_space<vmem>>) dst(%dma_wait3A_251 : memref<120x128xi32, #tpu.memory_space<hbm>>)
    %add3A_252 = arith.constant 84 : i32
    %add3A_253 = arith.addi %mul3A_2, %add3A_252 : i32
    %dma_wait3A_254 = arith.constant 0 : i32
    %dma_wait3A_255 = arith.constant 0 : i32
    %dma_wait3A_256 = tpu.memref_slice %arg7[%add3A_253, %dma_wait3A_254, %dma_wait3A_255] : memref<2752x120x128xi32, #tpu.memory_space<hbm>> -> memref<1x120x128xi32, #tpu.memory_space<hbm>>
    %dma_wait3A_257 = tpu.memref_squeeze %dma_wait3A_256 : memref<1x120x128xi32, #tpu.memory_space<hbm>> -> memref<120x128xi32, #tpu.memory_space<hbm>>
    %dma_wait3A_258 = arith.constant 0 : i32
    %dma_wait3A_259 = arith.constant 0 : i32
    %dma_wait3A_260 = tpu.memref_slice %arg7[%add3A_253, %dma_wait3A_258, %dma_wait3A_259] : memref<2752x120x128xi32, #tpu.memory_space<hbm>> -> memref<1x120x128xi32, #tpu.memory_space<hbm>>
    %dma_wait3A_261 = tpu.memref_squeeze %dma_wait3A_260 : memref<1x120x128xi32, #tpu.memory_space<hbm>> -> memref<120x128xi32, #tpu.memory_space<hbm>>
    tpu.wait_dma2 semaphore(%arg20 : memref<!tpu.dma_semaphore, #tpu.memory_space<semaphore_mem>>) src(%arg12 : memref<120x128xi32, #tpu.memory_space<vmem>>) dst(%dma_wait3A_261 : memref<120x128xi32, #tpu.memory_space<hbm>>)
    %add3A_262 = arith.constant 85 : i32
    %add3A_263 = arith.addi %mul3A_2, %add3A_262 : i32
    %dma_wait3A_264 = arith.constant 0 : i32
    %dma_wait3A_265 = arith.constant 0 : i32
    %dma_wait3A_266 = tpu.memref_slice %arg6[%add3A_263, %dma_wait3A_264, %dma_wait3A_265] : memref<2752x120x128xi32, #tpu.memory_space<hbm>> -> memref<1x120x128xi32, #tpu.memory_space<hbm>>
    %dma_wait3A_267 = tpu.memref_squeeze %dma_wait3A_266 : memref<1x120x128xi32, #tpu.memory_space<hbm>> -> memref<120x128xi32, #tpu.memory_space<hbm>>
    %dma_wait3A_268 = arith.constant 0 : i32
    %dma_wait3A_269 = arith.constant 0 : i32
    %dma_wait3A_270 = tpu.memref_slice %arg6[%add3A_263, %dma_wait3A_268, %dma_wait3A_269] : memref<2752x120x128xi32, #tpu.memory_space<hbm>> -> memref<1x120x128xi32, #tpu.memory_space<hbm>>
    %dma_wait3A_271 = tpu.memref_squeeze %dma_wait3A_270 : memref<1x120x128xi32, #tpu.memory_space<hbm>> -> memref<120x128xi32, #tpu.memory_space<hbm>>
    tpu.wait_dma2 semaphore(%arg19 : memref<!tpu.dma_semaphore, #tpu.memory_space<semaphore_mem>>) src(%arg11 : memref<120x128xi32, #tpu.memory_space<vmem>>) dst(%dma_wait3A_271 : memref<120x128xi32, #tpu.memory_space<hbm>>)
    %add3A_272 = arith.constant 85 : i32
    %add3A_273 = arith.addi %mul3A_2, %add3A_272 : i32
    %dma_wait3A_274 = arith.constant 0 : i32
    %dma_wait3A_275 = arith.constant 0 : i32
    %dma_wait3A_276 = tpu.memref_slice %arg7[%add3A_273, %dma_wait3A_274, %dma_wait3A_275] : memref<2752x120x128xi32, #tpu.memory_space<hbm>> -> memref<1x120x128xi32, #tpu.memory_space<hbm>>
    %dma_wait3A_277 = tpu.memref_squeeze %dma_wait3A_276 : memref<1x120x128xi32, #tpu.memory_space<hbm>> -> memref<120x128xi32, #tpu.memory_space<hbm>>
    %dma_wait3A_278 = arith.constant 0 : i32
    %dma_wait3A_279 = arith.constant 0 : i32
    %dma_wait3A_280 = tpu.memref_slice %arg7[%add3A_273, %dma_wait3A_278, %dma_wait3A_279] : memref<2752x120x128xi32, #tpu.memory_space<hbm>> -> memref<1x120x128xi32, #tpu.memory_space<hbm>>
    %dma_wait3A_281 = tpu.memref_squeeze %dma_wait3A_280 : memref<1x120x128xi32, #tpu.memory_space<hbm>> -> memref<120x128xi32, #tpu.memory_space<hbm>>
    tpu.wait_dma2 semaphore(%arg21 : memref<!tpu.dma_semaphore, #tpu.memory_space<semaphore_mem>>) src(%arg13 : memref<120x128xi32, #tpu.memory_space<vmem>>) dst(%dma_wait3A_281 : memref<120x128xi32, #tpu.memory_space<hbm>>)
    return
  }
}

module attributes {stable_mosaic.version = 14 : i64} {
  func.func @_tc2_body(%arg0: i32, %arg1: memref<1024x128xf32, #tpu.memory_space<vmem>>, %arg2: memref<1024x128xf32, #tpu.memory_space<vmem>>, %arg3: memref<1024x1xf32, #tpu.memory_space<vmem>>, %arg4: memref<1x256xf32, #tpu.memory_space<vmem>>, %arg5: memref<256x256xf32, #tpu.memory_space<vmem>>, %arg6: memref<2x1024x128xf32, #tpu.memory_space<vmem>>) attributes {dimension_semantics = [#tpu.dimension_semantics<arbitrary>], iteration_bounds = array<i64: 10>, scalar_prefetch = 0 : i64, scratch_operands = 0 : i64, tpu.core_type = #tpu.core_type<tc>, window_params = [{transform_indices = @transform_0, window_bounds = array<i64: 1024, 128>}, {transform_indices = @transform_1, window_bounds = array<i64: 1024, 128>}, {transform_indices = @transform_2, window_bounds = array<i64: 1024, 1>}, {pipeline_mode = #tpu.pipeline_mode<synchronous>, transform_indices = @transform_3, window_bounds = array<i64: 1, 256>}, {pipeline_mode = #tpu.pipeline_mode<synchronous>, transform_indices = @transform_4, window_bounds = array<i64: 256, 256>}, {transform_indices = @transform_5, window_bounds = array<i64: 2, 1024, 128>}]} {
    %get3A = arith.constant 0 : index
    %get3A_0 = arith.constant 0 : index
    %get3A_1 = vector.load %arg1[%get3A, %get3A_0] : memref<1024x128xf32, #tpu.memory_space<vmem>>, vector<1024x128xf32>
    %get3A_2 = arith.constant 0 : index
    %get3A_3 = arith.constant 0 : index
    %get3A_4 = vector.load %arg2[%get3A_2, %get3A_3] : memref<1024x128xf32, #tpu.memory_space<vmem>>, vector<1024x128xf32>
    %concatenate3A = tpu.concatenate %get3A_1, %get3A_4 in 1 : vector<1024x128xf32>, vector<1024x128xf32> -> vector<1024x256xf32>
    %get3A_5 = arith.constant 0 : index
    %get3A_6 = arith.constant 0 : index
    %get3A_7 = vector.load %arg3[%get3A_5, %get3A_6] : memref<1024x1xf32, #tpu.memory_space<vmem>>, vector<1024x1xf32>
    %mul3A = vector.broadcast %get3A_7 : vector<1024x1xf32> to vector<1024x256xf32>
    %mul3A_8 = arith.mulf %concatenate3A, %mul3A : vector<1024x256xf32>
    %get3A_9 = arith.constant 0 : index
    %get3A_10 = arith.constant 0 : index
    %get3A_11 = vector.load %arg4[%get3A_9, %get3A_10] : memref<1x256xf32, #tpu.memory_space<vmem>>, vector<1x256xf32>
    %add3A = vector.broadcast %get3A_11 : vector<1x256xf32> to vector<1024x256xf32>
    %add3A_12 = arith.addf %mul3A_8, %add3A : vector<1024x256xf32>
    %max3A = arith.constant 0.000000e+00 : f32
    %max3A_13 = vector.broadcast %max3A : f32 to vector<1024x256xf32>
    %max3A_14 = arith.maximumf %add3A_12, %max3A_13 : vector<1024x256xf32>
    %get3A_15 = arith.constant 0 : index
    %get3A_16 = arith.constant 0 : index
    %get3A_17 = vector.load %arg5[%get3A_15, %get3A_16] : memref<256x256xf32, #tpu.memory_space<vmem>>, vector<256x256xf32>
    %dot_general3A = arith.constant dense<0.000000e+00> : vector<1024x256xf32>
    %dot_general3A_18 = tpu.matmul %max3A_14, %get3A_17, %dot_general3A {dimension_numbers = #tpu.dot_dimension_numbers<[1], [0], [0], [1], [0, 0, 1, 1], [], []>, transpose_lhs_hint = false} : vector<1024x256xf32>, vector<256x256xf32>, vector<1024x256xf32> -> vector<1024x256xf32>
    %mul3A_19 = vector.broadcast %get3A_7 : vector<1024x1xf32> to vector<1024x256xf32>
    %mul3A_20 = arith.mulf %dot_general3A_18, %mul3A_19 : vector<1024x256xf32>
    %slice3A = vector.extract_strided_slice %mul3A_20 {offsets = [0, 0], sizes = [1024, 128], strides = [1, 1]} : vector<1024x256xf32> to vector<1024x128xf32>
    %swap3A = arith.constant 0 : index
    %swap3A_21 = arith.constant 0 : index
    %swap3A_22 = arith.constant 0 : index
    %swap3A_23 = vector.load %arg6[%swap3A, %swap3A_21, %swap3A_22] : memref<2x1024x128xf32, #tpu.memory_space<vmem>>, vector<1x1024x128xf32>
    %swap3A_24 = vector.shape_cast %swap3A_23 : vector<1x1024x128xf32> to vector<1024x128xf32>
    %swap3A_25 = vector.shape_cast %slice3A : vector<1024x128xf32> to vector<1x1024x128xf32>
    tpu.vector_store %arg6[%swap3A, %swap3A_21, %swap3A_22], %swap3A_25 {strides = array<i32>} : memref<2x1024x128xf32, #tpu.memory_space<vmem>>, vector<1x1024x128xf32>,
    %slice3A_26 = vector.extract_strided_slice %mul3A_20 {offsets = [0, 128], sizes = [1024, 128], strides = [1, 1]} : vector<1024x256xf32> to vector<1024x128xf32>
    %swap3A_27 = arith.constant 1 : index
    %swap3A_28 = arith.constant 0 : index
    %swap3A_29 = arith.constant 0 : index
    %swap3A_30 = vector.load %arg6[%swap3A_27, %swap3A_28, %swap3A_29] : memref<2x1024x128xf32, #tpu.memory_space<vmem>>, vector<1x1024x128xf32>
    %swap3A_31 = vector.shape_cast %swap3A_30 : vector<1x1024x128xf32> to vector<1024x128xf32>
    %swap3A_32 = vector.shape_cast %slice3A_26 : vector<1024x128xf32> to vector<1x1024x128xf32>
    tpu.vector_store %arg6[%swap3A_27, %swap3A_28, %swap3A_29], %swap3A_32 {strides = array<i32>} : memref<2x1024x128xf32, #tpu.memory_space<vmem>>, vector<1x1024x128xf32>,
    return
  }
  func.func @transform_0(%arg0: i32) -> (i32, i32) {
    %c0_i32 = arith.constant 0 : i32
    %c0_i32_0 = arith.constant 0 : i32
    return %arg0, %c0_i32 : i32, i32
  }
  func.func @transform_1(%arg0: i32) -> (i32, i32) {
    %add3A = arith.constant 10 : i32
    %add3A_0 = arith.addi %arg0, %add3A : i32
    %c0_i32 = arith.constant 0 : i32
    %c0_i32_1 = arith.constant 0 : i32
    return %add3A_0, %c0_i32 : i32, i32
  }
  func.func @transform_2(%arg0: i32) -> (i32, i32) {
    %c0_i32 = arith.constant 0 : i32
    %c0_i32_0 = arith.constant 0 : i32
    return %arg0, %c0_i32 : i32, i32
  }
  func.func @transform_3(%arg0: i32) -> (i32, i32) {
    %c0_i32 = arith.constant 0 : i32
    %c0_i32_0 = arith.constant 0 : i32
    %c0_i32_1 = arith.constant 0 : i32
    return %c0_i32, %c0_i32_0 : i32, i32
  }
  func.func @transform_4(%arg0: i32) -> (i32, i32) {
    %c0_i32 = arith.constant 0 : i32
    %c0_i32_0 = arith.constant 0 : i32
    %c0_i32_1 = arith.constant 0 : i32
    return %c0_i32, %c0_i32_0 : i32, i32
  }
  func.func @transform_5(%arg0: i32) -> (i32, i32, i32) {
    %c0_i32 = arith.constant 0 : i32
    %c0_i32_0 = arith.constant 0 : i32
    %c0_i32_1 = arith.constant 0 : i32
    return %c0_i32, %arg0, %c0_i32_0 : i32, i32, i32
  }
}

module attributes {stable_mosaic.version = 14 : i64} {
  func.func @_tc1_body(%arg0: i32, %arg1: memref<32x1024xf32, #tpu.memory_space<vmem>>, %arg2: memref<1024x128xf32, #tpu.memory_space<vmem>>, %arg3: memref<128x256xf32, #tpu.memory_space<vmem>>, %arg4: memref<2x1024x128xf32, #tpu.memory_space<vmem>>, %arg5: memref<1024x1xf32, #tpu.memory_space<vmem>>) attributes {dimension_semantics = [#tpu.dimension_semantics<arbitrary>], iteration_bounds = array<i64: 10>, scalar_prefetch = 0 : i64, scratch_operands = 0 : i64, tpu.core_type = #tpu.core_type<tc>, window_params = [{transform_indices = @transform_0, window_bounds = array<i64: 32, 1024>}, {transform_indices = @transform_1, window_bounds = array<i64: 1024, 128>}, {pipeline_mode = #tpu.pipeline_mode<synchronous>, transform_indices = @transform_2, window_bounds = array<i64: 128, 256>}, {transform_indices = @transform_3, window_bounds = array<i64: 2, 1024, 128>}, {transform_indices = @transform_4, window_bounds = array<i64: 1024, 1>}]} {
    %get3A = arith.constant 0 : index
    %get3A_0 = arith.constant 0 : index
    %get3A_1 = vector.load %arg1[%get3A, %get3A_0] : memref<32x1024xf32, #tpu.memory_space<vmem>>, vector<32x1024xf32>
    %reduce_sum3A = arith.constant dense<0.000000e+00> : vector<1024xf32>
    %reduce_sum3A_2 = vector.multi_reduction <add>, %get3A_1, %reduce_sum3A [0] : vector<32x1024xf32> to vector<1024xf32>
    %add3A = arith.constant 1.000000e+00 : f32
    %add3A_3 = vector.broadcast %add3A : f32 to vector<1024xf32>
    %add3A_4 = arith.addf %reduce_sum3A_2, %add3A_3 : vector<1024xf32>
    %rsqrt3A = math.rsqrt %add3A_4 : vector<1024xf32>
    %broadcast_in_dim3A = vector.shape_cast %rsqrt3A : vector<1024xf32> to vector<1024x1xf32>
    %swap3A = arith.constant 0 : index
    %swap3A_5 = arith.constant 0 : index
    %swap3A_6 = vector.load %arg5[%swap3A, %swap3A_5] : memref<1024x1xf32, #tpu.memory_space<vmem>>, vector<1024x1xf32>
    tpu.vector_store %arg5[%swap3A, %swap3A_5], %broadcast_in_dim3A {strides = array<i32>} : memref<1024x1xf32, #tpu.memory_space<vmem>>, vector<1024x1xf32>,
    %get3A_7 = arith.constant 0 : index
    %get3A_8 = arith.constant 0 : index
    %get3A_9 = vector.load %arg2[%get3A_7, %get3A_8] : memref<1024x128xf32, #tpu.memory_space<vmem>>, vector<1024x128xf32>
    %get3A_10 = arith.constant 0 : index
    %get3A_11 = arith.constant 0 : index
    %get3A_12 = vector.load %arg3[%get3A_10, %get3A_11] : memref<128x256xf32, #tpu.memory_space<vmem>>, vector<128x256xf32>
    %dot_general3A = arith.constant dense<0.000000e+00> : vector<1024x256xf32>
    %dot_general3A_13 = tpu.matmul %get3A_9, %get3A_12, %dot_general3A {dimension_numbers = #tpu.dot_dimension_numbers<[1], [0], [0], [1], [0, 0, 1, 1], [], []>, transpose_lhs_hint = false} : vector<1024x128xf32>, vector<128x256xf32>, vector<1024x256xf32> -> vector<1024x256xf32>
    %mul3A = vector.broadcast %broadcast_in_dim3A : vector<1024x1xf32> to vector<1024x256xf32>
    %mul3A_14 = arith.mulf %dot_general3A_13, %mul3A : vector<1024x256xf32>
    %slice3A = vector.extract_strided_slice %mul3A_14 {offsets = [0, 0], sizes = [1024, 128], strides = [1, 1]} : vector<1024x256xf32> to vector<1024x128xf32>
    %swap3A_15 = arith.constant 0 : index
    %swap3A_16 = arith.constant 0 : index
    %swap3A_17 = arith.constant 0 : index
    %swap3A_18 = vector.load %arg4[%swap3A_15, %swap3A_16, %swap3A_17] : memref<2x1024x128xf32, #tpu.memory_space<vmem>>, vector<1x1024x128xf32>
    %swap3A_19 = vector.shape_cast %swap3A_18 : vector<1x1024x128xf32> to vector<1024x128xf32>
    %swap3A_20 = vector.shape_cast %slice3A : vector<1024x128xf32> to vector<1x1024x128xf32>
    tpu.vector_store %arg4[%swap3A_15, %swap3A_16, %swap3A_17], %swap3A_20 {strides = array<i32>} : memref<2x1024x128xf32, #tpu.memory_space<vmem>>, vector<1x1024x128xf32>,
    %slice3A_21 = vector.extract_strided_slice %mul3A_14 {offsets = [0, 128], sizes = [1024, 128], strides = [1, 1]} : vector<1024x256xf32> to vector<1024x128xf32>
    %swap3A_22 = arith.constant 1 : index
    %swap3A_23 = arith.constant 0 : index
    %swap3A_24 = arith.constant 0 : index
    %swap3A_25 = vector.load %arg4[%swap3A_22, %swap3A_23, %swap3A_24] : memref<2x1024x128xf32, #tpu.memory_space<vmem>>, vector<1x1024x128xf32>
    %swap3A_26 = vector.shape_cast %swap3A_25 : vector<1x1024x128xf32> to vector<1024x128xf32>
    %swap3A_27 = vector.shape_cast %slice3A_21 : vector<1024x128xf32> to vector<1x1024x128xf32>
    tpu.vector_store %arg4[%swap3A_22, %swap3A_23, %swap3A_24], %swap3A_27 {strides = array<i32>} : memref<2x1024x128xf32, #tpu.memory_space<vmem>>, vector<1x1024x128xf32>,
    return
  }
  func.func @transform_0(%arg0: i32) -> (i32, i32) {
    %c0_i32 = arith.constant 0 : i32
    %c0_i32_0 = arith.constant 0 : i32
    return %c0_i32, %arg0 : i32, i32
  }
  func.func @transform_1(%arg0: i32) -> (i32, i32) {
    %c0_i32 = arith.constant 0 : i32
    %c0_i32_0 = arith.constant 0 : i32
    return %arg0, %c0_i32 : i32, i32
  }
  func.func @transform_2(%arg0: i32) -> (i32, i32) {
    %c0_i32 = arith.constant 0 : i32
    %c0_i32_0 = arith.constant 0 : i32
    %c0_i32_1 = arith.constant 0 : i32
    return %c0_i32, %c0_i32_0 : i32, i32
  }
  func.func @transform_3(%arg0: i32) -> (i32, i32, i32) {
    %c0_i32 = arith.constant 0 : i32
    %c0_i32_0 = arith.constant 0 : i32
    %c0_i32_1 = arith.constant 0 : i32
    return %c0_i32, %arg0, %c0_i32_0 : i32, i32, i32
  }
  func.func @transform_4(%arg0: i32) -> (i32, i32) {
    %c0_i32 = arith.constant 0 : i32
    %c0_i32_0 = arith.constant 0 : i32
    return %arg0, %c0_i32 : i32, i32
  }
}

module attributes {stable_mosaic.version = 14 : i64} {
  func.func @_tc3_body(%arg0: i32, %arg1: memref<1024x128xf32, #tpu.memory_space<vmem>>, %arg2: memref<1024x128xf32, #tpu.memory_space<vmem>>, %arg3: memref<1024x1xf32, #tpu.memory_space<vmem>>, %arg4: memref<1x256xf32, #tpu.memory_space<vmem>>, %arg5: memref<512x256xf32, #tpu.memory_space<vmem>>, %arg6: memref<1x256xf32, #tpu.memory_space<vmem>>, %arg7: memref<1024x256xf32, #tpu.memory_space<vmem>>, %arg8: memref<1024x128xi32, #tpu.memory_space<vmem>>, %arg9: memref<1024x128xi32, #tpu.memory_space<vmem>>) attributes {dimension_semantics = [#tpu.dimension_semantics<arbitrary>], iteration_bounds = array<i64: 10>, scalar_prefetch = 0 : i64, scratch_operands = 0 : i64, tpu.core_type = #tpu.core_type<tc>, window_params = [{transform_indices = @transform_0, window_bounds = array<i64: 1024, 128>}, {transform_indices = @transform_1, window_bounds = array<i64: 1024, 128>}, {transform_indices = @transform_2, window_bounds = array<i64: 1024, 1>}, {pipeline_mode = #tpu.pipeline_mode<synchronous>, transform_indices = @transform_3, window_bounds = array<i64: 1, 256>}, {pipeline_mode = #tpu.pipeline_mode<synchronous>, transform_indices = @transform_4, window_bounds = array<i64: 512, 256>}, {pipeline_mode = #tpu.pipeline_mode<synchronous>, transform_indices = @transform_5, window_bounds = array<i64: 1, 256>}, {transform_indices = @transform_6, window_bounds = array<i64: 1024, 256>}, {transform_indices = @transform_7, window_bounds = array<i64: 1024, 128>}, {transform_indices = @transform_8, window_bounds = array<i64: 1024, 128>}]} {
    %get3A = arith.constant 0 : index
    %get3A_0 = arith.constant 0 : index
    %get3A_1 = vector.load %arg1[%get3A, %get3A_0] : memref<1024x128xf32, #tpu.memory_space<vmem>>, vector<1024x128xf32>
    %get3A_2 = arith.constant 0 : index
    %get3A_3 = arith.constant 0 : index
    %get3A_4 = vector.load %arg2[%get3A_2, %get3A_3] : memref<1024x128xf32, #tpu.memory_space<vmem>>, vector<1024x128xf32>
    %concatenate3A = tpu.concatenate %get3A_1, %get3A_4 in 1 : vector<1024x128xf32>, vector<1024x128xf32> -> vector<1024x256xf32>
    %get3A_5 = arith.constant 0 : index
    %get3A_6 = arith.constant 0 : index
    %get3A_7 = vector.load %arg3[%get3A_5, %get3A_6] : memref<1024x1xf32, #tpu.memory_space<vmem>>, vector<1024x1xf32>
    %mul3A = vector.broadcast %get3A_7 : vector<1024x1xf32> to vector<1024x256xf32>
    %mul3A_8 = arith.mulf %concatenate3A, %mul3A : vector<1024x256xf32>
    %get3A_9 = arith.constant 0 : index
    %get3A_10 = arith.constant 0 : index
    %get3A_11 = vector.load %arg4[%get3A_9, %get3A_10] : memref<1x256xf32, #tpu.memory_space<vmem>>, vector<1x256xf32>
    %add3A = vector.broadcast %get3A_11 : vector<1x256xf32> to vector<1024x256xf32>
    %add3A_12 = arith.addf %mul3A_8, %add3A : vector<1024x256xf32>
    %max3A = arith.constant 0.000000e+00 : f32
    %max3A_13 = vector.broadcast %max3A : f32 to vector<1024x256xf32>
    %max3A_14 = arith.maximumf %add3A_12, %max3A_13 : vector<1024x256xf32>
    %swap3A = arith.constant 0 : index
    %swap3A_15 = arith.constant 0 : index
    %swap3A_16 = vector.load %arg7[%swap3A, %swap3A_15] : memref<1024x256xf32, #tpu.memory_space<vmem>>, vector<1024x256xf32>
    tpu.vector_store %arg7[%swap3A, %swap3A_15], %max3A_14 {strides = array<i32>} : memref<1024x256xf32, #tpu.memory_space<vmem>>, vector<1024x256xf32>,
    %get3A_17 = arith.constant 0 : index
    %get3A_18 = arith.constant 0 : index
    %get3A_19 = vector.load %arg5[%get3A_17, %get3A_18] : memref<512x256xf32, #tpu.memory_space<vmem>>, vector<256x256xf32>
    %dot_general3A = arith.constant dense<0.000000e+00> : vector<1024x256xf32>
    %dot_general3A_20 = tpu.matmul %max3A_14, %get3A_19, %dot_general3A {dimension_numbers = #tpu.dot_dimension_numbers<[1], [0], [0], [1], [0, 0, 1, 1], [], []>, transpose_lhs_hint = false} : vector<1024x256xf32>, vector<256x256xf32>, vector<1024x256xf32> -> vector<1024x256xf32>
    %get3A_21 = arith.constant 0 : index
    %get3A_22 = arith.constant 0 : index
    %get3A_23 = vector.load %arg6[%get3A_21, %get3A_22] : memref<1x256xf32, #tpu.memory_space<vmem>>, vector<1x256xf32>
    %add3A_24 = vector.broadcast %get3A_23 : vector<1x256xf32> to vector<1024x256xf32>
    %add3A_25 = arith.addf %dot_general3A_20, %add3A_24 : vector<1024x256xf32>
    %convert_element_type3A = arith.truncf %add3A_25 : vector<1024x256xf32> to vector<1024x256xbf16>
    %slice3A = vector.extract_strided_slice %convert_element_type3A {offsets = [0, 0], sizes = [1024, 128], strides = [1, 1]} : vector<1024x256xbf16> to vector<1024x128xbf16>
    %bitcast_convert_type3A = tpu.bitcast %slice3A : vector<1024x128xbf16> -> vector<1024x128xi16>
    %convert_element_type3A_26 = arith.extui %bitcast_convert_type3A : vector<1024x128xi16> to vector<1024x128xi32>
    %slice3A_27 = vector.extract_strided_slice %convert_element_type3A {offsets = [0, 128], sizes = [1024, 128], strides = [1, 1]} : vector<1024x256xbf16> to vector<1024x128xbf16>
    %bitcast_convert_type3A_28 = tpu.bitcast %slice3A_27 : vector<1024x128xbf16> -> vector<1024x128xi16>
    %convert_element_type3A_29 = arith.extui %bitcast_convert_type3A_28 : vector<1024x128xi16> to vector<1024x128xi32>
    %shift_left3A = arith.constant 16 : i32
    %shift_left3A_30 = vector.broadcast %shift_left3A : i32 to vector<1024x128xi32>
    %shift_left3A_31 = arith.shli %convert_element_type3A_29, %shift_left3A_30 : vector<1024x128xi32>
    %or3A = arith.ori %convert_element_type3A_26, %shift_left3A_31 : vector<1024x128xi32>
    %swap3A_32 = arith.constant 0 : index
    %swap3A_33 = arith.constant 0 : index
    %swap3A_34 = vector.load %arg8[%swap3A_32, %swap3A_33] : memref<1024x128xi32, #tpu.memory_space<vmem>>, vector<1024x128xi32>
    tpu.vector_store %arg8[%swap3A_32, %swap3A_33], %or3A {strides = array<i32>} : memref<1024x128xi32, #tpu.memory_space<vmem>>, vector<1024x128xi32>,
    %get3A_35 = arith.constant 256 : index
    %get3A_36 = arith.constant 0 : index
    %get3A_37 = vector.load %arg5[%get3A_35, %get3A_36] : memref<512x256xf32, #tpu.memory_space<vmem>>, vector<256x256xf32>
    %dot_general3A_38 = arith.constant dense<0.000000e+00> : vector<1024x256xf32>
    %dot_general3A_39 = tpu.matmul %max3A_14, %get3A_37, %dot_general3A_38 {dimension_numbers = #tpu.dot_dimension_numbers<[1], [0], [0], [1], [0, 0, 1, 1], [], []>, transpose_lhs_hint = false} : vector<1024x256xf32>, vector<256x256xf32>, vector<1024x256xf32> -> vector<1024x256xf32>
    %convert_element_type3A_40 = arith.truncf %dot_general3A_39 : vector<1024x256xf32> to vector<1024x256xbf16>
    %slice3A_41 = vector.extract_strided_slice %convert_element_type3A_40 {offsets = [0, 0], sizes = [1024, 128], strides = [1, 1]} : vector<1024x256xbf16> to vector<1024x128xbf16>
    %bitcast_convert_type3A_42 = tpu.bitcast %slice3A_41 : vector<1024x128xbf16> -> vector<1024x128xi16>
    %convert_element_type3A_43 = arith.extui %bitcast_convert_type3A_42 : vector<1024x128xi16> to vector<1024x128xi32>
    %slice3A_44 = vector.extract_strided_slice %convert_element_type3A_40 {offsets = [0, 128], sizes = [1024, 128], strides = [1, 1]} : vector<1024x256xbf16> to vector<1024x128xbf16>
    %bitcast_convert_type3A_45 = tpu.bitcast %slice3A_44 : vector<1024x128xbf16> -> vector<1024x128xi16>
    %convert_element_type3A_46 = arith.extui %bitcast_convert_type3A_45 : vector<1024x128xi16> to vector<1024x128xi32>
    %shift_left3A_47 = arith.constant 16 : i32
    %shift_left3A_48 = vector.broadcast %shift_left3A_47 : i32 to vector<1024x128xi32>
    %shift_left3A_49 = arith.shli %convert_element_type3A_46, %shift_left3A_48 : vector<1024x128xi32>
    %or3A_50 = arith.ori %convert_element_type3A_43, %shift_left3A_49 : vector<1024x128xi32>
    %swap3A_51 = arith.constant 0 : index
    %swap3A_52 = arith.constant 0 : index
    %swap3A_53 = vector.load %arg9[%swap3A_51, %swap3A_52] : memref<1024x128xi32, #tpu.memory_space<vmem>>, vector<1024x128xi32>
    tpu.vector_store %arg9[%swap3A_51, %swap3A_52], %or3A_50 {strides = array<i32>} : memref<1024x128xi32, #tpu.memory_space<vmem>>, vector<1024x128xi32>,
    return
  }
  func.func @transform_0(%arg0: i32) -> (i32, i32) {
    %c0_i32 = arith.constant 0 : i32
    %c0_i32_0 = arith.constant 0 : i32
    return %arg0, %c0_i32 : i32, i32
  }
  func.func @transform_1(%arg0: i32) -> (i32, i32) {
    %add3A = arith.constant 10 : i32
    %add3A_0 = arith.addi %arg0, %add3A : i32
    %c0_i32 = arith.constant 0 : i32
    %c0_i32_1 = arith.constant 0 : i32
    return %add3A_0, %c0_i32 : i32, i32
  }
  func.func @transform_2(%arg0: i32) -> (i32, i32) {
    %c0_i32 = arith.constant 0 : i32
    %c0_i32_0 = arith.constant 0 : i32
    return %arg0, %c0_i32 : i32, i32
  }
  func.func @transform_3(%arg0: i32) -> (i32, i32) {
    %c0_i32 = arith.constant 0 : i32
    %c0_i32_0 = arith.constant 0 : i32
    %c0_i32_1 = arith.constant 0 : i32
    return %c0_i32, %c0_i32_0 : i32, i32
  }
  func.func @transform_4(%arg0: i32) -> (i32, i32) {
    %c0_i32 = arith.constant 0 : i32
    %c0_i32_0 = arith.constant 0 : i32
    %c0_i32_1 = arith.constant 0 : i32
    return %c0_i32, %c0_i32_0 : i32, i32
  }
  func.func @transform_5(%arg0: i32) -> (i32, i32) {
    %c0_i32 = arith.constant 0 : i32
    %c0_i32_0 = arith.constant 0 : i32
    %c0_i32_1 = arith.constant 0 : i32
    return %c0_i32, %c0_i32_0 : i32, i32
  }
  func.func @transform_6(%arg0: i32) -> (i32, i32) {
    %c0_i32 = arith.constant 0 : i32
    %c0_i32_0 = arith.constant 0 : i32
    return %arg0, %c0_i32 : i32, i32
  }
  func.func @transform_7(%arg0: i32) -> (i32, i32) {
    %c0_i32 = arith.constant 0 : i32
    %c0_i32_0 = arith.constant 0 : i32
    return %arg0, %c0_i32 : i32, i32
  }
  func.func @transform_8(%arg0: i32) -> (i32, i32) {
    %c0_i32 = arith.constant 0 : i32
    %c0_i32_0 = arith.constant 0 : i32
    return %arg0, %c0_i32 : i32, i32
  }
}

module attributes {stable_mosaic.version = 14 : i64} {
  func.func @_tc4_body(%arg0: i32, %arg1: memref<1920x128xi32, #tpu.memory_space<vmem>>, %arg2: memref<1920x128xi32, #tpu.memory_space<vmem>>, %arg3: memref<256x8xf32, #tpu.memory_space<vmem>>, %arg4: memref<1x8xf32, #tpu.memory_space<vmem>>, %arg5: memref<1920x8xf32, #tpu.memory_space<vmem>>) attributes {dimension_semantics = [#tpu.dimension_semantics<arbitrary>], iteration_bounds = array<i64: 172>, scalar_prefetch = 0 : i64, scratch_operands = 0 : i64, tpu.core_type = #tpu.core_type<tc>, window_params = [{transform_indices = @transform_0, window_bounds = array<i64: 1920, 128>}, {transform_indices = @transform_1, window_bounds = array<i64: 1920, 128>}, {pipeline_mode = #tpu.pipeline_mode<synchronous>, transform_indices = @transform_2, window_bounds = array<i64: 256, 8>}, {pipeline_mode = #tpu.pipeline_mode<synchronous>, transform_indices = @transform_3, window_bounds = array<i64: 1, 8>}, {transform_indices = @transform_4, window_bounds = array<i64: 1920, 8>}]} {
    %get3A = arith.constant 0 : index
    %get3A_0 = arith.constant 0 : index
    %get3A_1 = vector.load %arg1[%get3A, %get3A_0] : memref<1920x128xi32, #tpu.memory_space<vmem>>, vector<1920x128xi32>
    %and3A = arith.constant 65535 : i32
    %and3A_2 = vector.broadcast %and3A : i32 to vector<1920x128xi32>
    %and3A_3 = arith.andi %get3A_1, %and3A_2 : vector<1920x128xi32>
    %convert_element_type3A = arith.trunci %and3A_3 : vector<1920x128xi32> to vector<1920x128xi16>
    %bitcast_convert_type3A = tpu.bitcast %convert_element_type3A : vector<1920x128xi16> -> vector<1920x128xbf16>
    %convert_element_type3A_4 = arith.extf %bitcast_convert_type3A : vector<1920x128xbf16> to vector<1920x128xf32>
    %shift_right_logical3A = arith.constant 16 : i32
    %shift_right_logical3A_5 = vector.broadcast %shift_right_logical3A : i32 to vector<1920x128xi32>
    %shift_right_logical3A_6 = arith.shrui %get3A_1, %shift_right_logical3A_5 : vector<1920x128xi32>
    %convert_element_type3A_7 = arith.trunci %shift_right_logical3A_6 : vector<1920x128xi32> to vector<1920x128xi16>
    %bitcast_convert_type3A_8 = tpu.bitcast %convert_element_type3A_7 : vector<1920x128xi16> -> vector<1920x128xbf16>
    %convert_element_type3A_9 = arith.extf %bitcast_convert_type3A_8 : vector<1920x128xbf16> to vector<1920x128xf32>
    %get3A_10 = arith.constant 0 : index
    %get3A_11 = arith.constant 0 : index
    %get3A_12 = vector.load %arg2[%get3A_10, %get3A_11] : memref<1920x128xi32, #tpu.memory_space<vmem>>, vector<1920x128xi32>
    %and3A_13 = arith.constant 65535 : i32
    %and3A_14 = vector.broadcast %and3A_13 : i32 to vector<1920x128xi32>
    %and3A_15 = arith.andi %get3A_12, %and3A_14 : vector<1920x128xi32>
    %convert_element_type3A_16 = arith.trunci %and3A_15 : vector<1920x128xi32> to vector<1920x128xi16>
    %bitcast_convert_type3A_17 = tpu.bitcast %convert_element_type3A_16 : vector<1920x128xi16> -> vector<1920x128xbf16>
    %convert_element_type3A_18 = arith.extf %bitcast_convert_type3A_17 : vector<1920x128xbf16> to vector<1920x128xf32>
    %shift_right_logical3A_19 = arith.constant 16 : i32
    %shift_right_logical3A_20 = vector.broadcast %shift_right_logical3A_19 : i32 to vector<1920x128xi32>
    %shift_right_logical3A_21 = arith.shrui %get3A_12, %shift_right_logical3A_20 : vector<1920x128xi32>
    %convert_element_type3A_22 = arith.trunci %shift_right_logical3A_21 : vector<1920x128xi32> to vector<1920x128xi16>
    %bitcast_convert_type3A_23 = tpu.bitcast %convert_element_type3A_22 : vector<1920x128xi16> -> vector<1920x128xbf16>
    %convert_element_type3A_24 = arith.extf %bitcast_convert_type3A_23 : vector<1920x128xbf16> to vector<1920x128xf32>
    %add3A = arith.addf %convert_element_type3A_4, %convert_element_type3A_18 : vector<1920x128xf32>
    %add3A_25 = arith.addf %convert_element_type3A_9, %convert_element_type3A_24 : vector<1920x128xf32>
    %concatenate3A = tpu.concatenate %add3A, %add3A_25 in 1 : vector<1920x128xf32>, vector<1920x128xf32> -> vector<1920x256xf32>
    %max3A = arith.constant 0.000000e+00 : f32
    %max3A_26 = vector.broadcast %max3A : f32 to vector<1920x256xf32>
    %max3A_27 = arith.maximumf %concatenate3A, %max3A_26 : vector<1920x256xf32>
    %get3A_28 = arith.constant 0 : index
    %get3A_29 = arith.constant 0 : index
    %get3A_30 = vector.load %arg3[%get3A_28, %get3A_29] : memref<256x8xf32, #tpu.memory_space<vmem>>, vector<256x8xf32>
    %dot_general3A = arith.constant dense<0.000000e+00> : vector<1920x8xf32>
    %dot_general3A_31 = tpu.matmul %max3A_27, %get3A_30, %dot_general3A {dimension_numbers = #tpu.dot_dimension_numbers<[1], [0], [0], [1], [0, 0, 1, 1], [], []>, transpose_lhs_hint = false} : vector<1920x256xf32>, vector<256x8xf32>, vector<1920x8xf32> -> vector<1920x8xf32>
    %get3A_32 = arith.constant 0 : index
    %get3A_33 = arith.constant 0 : index
    %get3A_34 = vector.load %arg4[%get3A_32, %get3A_33] : memref<1x8xf32, #tpu.memory_space<vmem>>, vector<1x8xf32>
    %add3A_35 = vector.broadcast %get3A_34 : vector<1x8xf32> to vector<1920x8xf32>
    %add3A_36 = arith.addf %dot_general3A_31, %add3A_35 : vector<1920x8xf32>
    %swap3A = arith.constant 0 : index
    %swap3A_37 = arith.constant 0 : index
    %swap3A_38 = vector.load %arg5[%swap3A, %swap3A_37] : memref<1920x8xf32, #tpu.memory_space<vmem>>, vector<1920x8xf32>
    tpu.vector_store %arg5[%swap3A, %swap3A_37], %add3A_36 {strides = array<i32>} : memref<1920x8xf32, #tpu.memory_space<vmem>>, vector<1920x8xf32>,
    return
  }
  func.func @transform_0(%arg0: i32) -> (i32, i32) {
    %c0_i32 = arith.constant 0 : i32
    %c0_i32_0 = arith.constant 0 : i32
    return %arg0, %c0_i32 : i32, i32
  }
  func.func @transform_1(%arg0: i32) -> (i32, i32) {
    %c0_i32 = arith.constant 0 : i32
    %c0_i32_0 = arith.constant 0 : i32
    return %arg0, %c0_i32 : i32, i32
  }
  func.func @transform_2(%arg0: i32) -> (i32, i32) {
    %c0_i32 = arith.constant 0 : i32
    %c0_i32_0 = arith.constant 0 : i32
    %c0_i32_1 = arith.constant 0 : i32
    return %c0_i32, %c0_i32_0 : i32, i32
  }
  func.func @transform_3(%arg0: i32) -> (i32, i32) {
    %c0_i32 = arith.constant 0 : i32
    %c0_i32_0 = arith.constant 0 : i32
    %c0_i32_1 = arith.constant 0 : i32
    return %c0_i32, %c0_i32_0 : i32, i32
  }
  func.func @transform_4(%arg0: i32) -> (i32, i32) {
    %c0_i32 = arith.constant 0 : i32
    %c0_i32_0 = arith.constant 0 : i32
    return %arg0, %c0_i32 : i32, i32
  }
}

</mosaic_0001>

<sc_bundles>
// kernel: kernel.10.cloned.1.call-start
scs
__scs_entry_jumppad:
0x0: {  	(pc) =	sbr.rel $0x88, $3  }
0x1: {  	(tag) =	ssettag $0x0;
	lr =	simm.s32 $0x1  }
0x2: {  	[smem:$0x3F96] =	sst lr;
	_ =	strace $0xD0000000  }
0x3: {  	_ = 	snop  }
0x4: {  	_ = 	snop  }
0x5: {  	_ = 	snop  }
0x6: {  	_ = 	snop  }
0x7: {  	_ = 	snop  }
__scs_overlays_trampoline_lowered:
0x8: {  	[smem:$0x3FA5] =	sst s0  }
0x9: {  	[smem:$0x3FA6] =	sst s1  }
0xa: {  	[smem:$0x3FA7] =	sst s2  }
0xb: {  	[smem:$0x3FA8] =	sst s3  }
0xc: {  	[smem:$0x3FA9] =	sst s4  }
0xd: {  	[smem:$0x3FAA] =	sst s5  }
0xe: {  	[smem:$0x3FAB] =	sst s6  }
0xf: {  	[smem:$0x3FAC] =	sst s7  }
0x10: {  	[smem:$0x3FAD] =	sst s8  }
0x11: {  	[smem:$0x3FAE] =	sst s9;
	s0 =	simm.s32 @!p0 $0x0  }
0x12: {  	s1 =	sld [smem:$0x3F94];
	s0 =	simm.s32 @p0 $0x1  }
0x13: {  	[smem:$0x3FAF] =	sst s0;
	s0 =	simm.s32 @!p1 $0x0  }
0x14: {  	s2 =	sld [smem:$0x3F93];
	s0 =	simm.s32 @p1 $0x1  }
0x15: {  	[smem:$0x3FB0] =	sst s0;
	s0 =	simm.s32 @!p2 $0x0  }
0x16: {  	s3 =	sld [smem:$0x3FDB];
	s0 =	simm.s32 @p2 $0x1  }
0x17: {  	s4 =	simm.s32 $0x1BF5;
	[smem:$0x3FB2] =	sst s0  }
0x18: {  	s0 =	sld [smem:$0x3F95];
	_ =	swait.ge [sflag:s4], $0x0  }
0x19: {  	s7 =	sld [smem:$0x3F96]  }
0x1a: {  	s8 =	sadd.s32 $0xFFFFE003, lr  }
0x1b: {  	s9 =	sadd.s32 $0xFFFFFEF7, lr;
	s5 =	simm.s32 $0xFFFFFFFF;
	p2 =	slt.u32 s8, $0xFFFFF086  }
0x1c: {  	p1 =	slt.u32 s9, $0xF7A;
	s5 =	simm.s32 @!p2 $0x0  }
0x1d: {  	s5 =	simm.s32 @p1 $0x1;
	p0 =	seq.s32 s7, s2  }
0x1e: {  	s7 =	smul.u32 @!p0 $0xF7A, s2;
	p2 =	seq.s32 @!p0 s5, $0x0  }
0x1f: {  	s9 =	smul.u32 $0xF7A, s1;
	s8 =	simm.s32 @!p0 $0x1BF5;
	p2 =	por !p2, p0  }
0x20: {  	[sflag:s8] =	ssyncset.s32 @!p0 $0xFFFFF086;
	s6 =	sadd.s32 @!p0 s3, s7;
	s7 =	simm.s32 @!p0 $0x108  }
0x21: {  	s3 =	sadd.s32 s3, s9;
	s6 =	sadd.s32 @!p0 $0x88, s6;
	s7 =	simm.s32 @p2 $0x1082  }
0x22: {  	[simem:s7], [sflag:s8] =	dma.local @!p0 [hbm:s6], $0xF7A  }
0x23: {  	s9 =	sor.u32 $0xD0000000, s2;
	s6 =	simm.s32 $0x108;
	_ =	swait.ge @!p0 [sflag:s8], $0x0  }
0x24: {  	s3 =	sadd.s32 $0x88, s3;
	s6 =	simm.s32 @!p1 $0x1082;
	[sflag:s4] =	ssyncset.s32 $0xFFFFF086  }
0x25: {  	[simem:s6], [sflag:s4] =	dma.local [hbm:s3], $0xF7A  }
0x26: {  	[smem:$0x3F96] =	sst s1;
	(tag) =	ssettag s2;
	_ =	strace s9  }
0x27: {  	s1 =	sld [smem:$0x3FA6]  }
0x28: {  	s2 =	sld [smem:$0x3FA7]  }
0x29: {  	s4 =	sld [smem:$0x3FA9]  }
0x2a: {  	p0 =	seq.s32 s5, $0x0;
	s5 =	sld [smem:$0x3FAA]  }
0x2b: {  	s6 =	sld [smem:$0x3FAB]  }
0x2c: {  	s7 =	sld [smem:$0x3FAC]  }
0x2d: {  	s3 =	simm.s32 $0x108;
	s8 =	sld [smem:$0x3FAD]  }
0x2e: {  	s3 =	simm.s32 @!p0 $0x1082;
	s9 =	sld [smem:$0x3FAE]  }
0x2f: {  	lr =	sadd.s32 s0, s3;
	s0 =	sld [smem:$0x3FA5]  }
0x30: {  	s3 =	sld [smem:$0x3FA8]  }
0x31: {  	[smem:$0x3FB1] =	sst s10  }
0x32: {  	s10 =	sld [smem:$0x3FAF];
	_ =	sdelay $0x3  }
0x33: {  	p0 =	seq.s32 s10, $0x1;
	s10 =	sld [smem:$0x3FB1];
	_ =	sdelay $0x3  }
0x34: {  	[smem:$0x3FB1] =	sst s10  }
0x35: {  	s10 =	sld [smem:$0x3FB0];
	_ =	sdelay $0x3  }
0x36: {  	p1 =	seq.s32 s10, $0x1;
	s10 =	sld [smem:$0x3FB1];
	_ =	sdelay $0x3  }
0x37: {  	[smem:$0x3FB1] =	sst s10  }
0x38: {  	s10 =	sld [smem:$0x3FB2]  }
0x39: {  	_ = 	snop;
	(pc) =	sbr.ind lr, $3  }
0x3a: {  	_ = 	snop  }
0x3b: {  	_ = 	snop  }
0x3c: {  	p2 =	seq.s32 s10, $0x1;
	s10 =	sld [smem:$0x3FB1]  }
0x3d: {  	_ =	shalt  }
0x3e: {  	_ =	shalt  }
0x3f: {  	_ =	shalt  }
0x40: {  	_ =	shalt  }
0x41: {  	_ =	shalt  }
0x42: {  	_ =	shalt  }
0x43: {  	_ =	shalt  }
0x44: {  	_ =	shalt  }
0x45: {  	_ =	shalt  }
0x46: {  	_ =	shalt  }
0x47: {  	_ =	shalt  }
0x48: {  	_ =	shalt  }
0x49: {  	_ =	shalt  }
0x4a: {  	_ =	shalt  }
0x4b: {  	_ =	shalt  }
0x4c: {  	_ =	shalt  }
0x4d: {  	_ =	shalt  }
0x4e: {  	_ =	shalt  }
0x4f: {  	_ =	shalt  }
0x50: {  	_ =	shalt  }
0x51: {  	_ =	shalt  }
0x52: {  	_ =	shalt  }
0x53: {  	_ =	shalt  }
0x54: {  	_ =	shalt  }
0x55: {  	_ =	shalt  }
0x56: {  	_ =	shalt  }
0x57: {  	_ =	shalt  }
0x58: {  	_ =	shalt  }
0x59: {  	_ =	shalt  }
0x5a: {  	_ =	shalt  }
0x5b: {  	_ =	shalt  }
0x5c: {  	_ =	shalt  }
0x5d: {  	_ =	shalt  }
0x5e: {  	_ =	shalt  }
0x5f: {  	_ =	shalt  }
0x60: {  	_ =	shalt  }
0x61: {  	_ =	shalt  }
0x62: {  	_ =	shalt  }
0x63: {  	_ =	shalt  }
0x64: {  	_ =	shalt  }
0x65: {  	_ =	shalt  }
0x66: {  	_ =	shalt  }
0x67: {  	_ =	shalt  }
0x68: {  	_ =	shalt  }
0x69: {  	_ =	shalt  }
0x6a: {  	_ =	shalt  }
0x6b: {  	_ =	shalt  }
0x6c: {  	_ =	shalt  }
0x6d: {  	_ =	shalt  }
0x6e: {  	_ =	shalt  }
0x6f: {  	_ =	shalt  }
0x70: {  	_ =	shalt  }
0x71: {  	_ =	shalt  }
0x72: {  	_ =	shalt  }
0x73: {  	_ =	shalt  }
0x74: {  	_ =	shalt  }
0x75: {  	_ =	shalt  }
0x76: {  	_ =	shalt  }
0x77: {  	_ =	shalt  }
0x78: {  	_ =	shalt  }
0x79: {  	_ =	shalt  }
0x7a: {  	_ =	shalt  }
0x7b: {  	_ =	shalt  }
0x7c: {  	_ =	shalt  }
0x7d: {  	_ =	shalt  }
0x7e: {  	_ =	shalt  }
0x7f: {  	_ =	shalt  }
0x80: {  	_ =	shalt  }
0x81: {  	_ =	shalt  }
0x82: {  	_ =	shalt  }
0x83: {  	_ =	shalt  }
0x84: {  	_ =	shalt  }
0x85: {  	_ =	shalt  }
0x86: {  	_ =	shalt  }
0x87: {  	_ =	shalt  }
.Lfunc_end0:
.L_simem_size_0:
called_computation_lowered:
.L_overlay_start_0:
0x88: {  	s2 =	sld [smem:$0x3FD9]  }
0x89: {  	s3 =	sld [smem:$0x3FFE];
	_ =	sdelay $0x1  }
0x8a: {  	s1 =	srdreg.scid  }
0x8b: {  	s0 =	sand.u32 $0x1, s1  }
0x8c: {  	s14 =	sshll.u32 s0, $0xA;
	s2 =	sadd.s32 s3, s2  }
0x8d: {  	s2 =	sadd.s32 s2, s14  }
0x8e: {  	[smem:$0x3FBD] =	sst s2  }
0x8f: {  	_ = 	snop  }
0x90: {  	s2 =	sld [smem:$0x3FD0];
	_ =	sdelay $0x2  }
0x91: {  	s15 =	simm.s32 $0xA;
	s4 =	simm.s32 $0x10  }
0x92: {  	[smem:s4], [sflag:s15] =	dma.local [hbm:s2], $0x1  }
0x93: {  	_ =	swait.eq [sflag:s15], $0x1  }
0x94: {  	[sflag:s15] =	ssyncset.done $0x0  }
0x95: {  	[sflag:s15] =	ssyncadd.s32 $0xFFFFFFFF  }
0x96: {  	s16 =	sld [smem:$0x11];
	(tm) =	ssettm $0x1  }
0x97: {  	s17 =	sld [smem:$0x3FFB];
	_ =	sdelay $0x3  }
0x98: {  	_ =	strace s17  }
0x99: {  	s3 =	sld [smem:$0x3FFC];
	_ =	sdelay $0x3  }
0x9a: {  	_ =	strace s3  }
0x9b: {  	s3 =	sld [smem:$0x3FFD];
	_ =	sdelay $0x3  }
0x9c: {  	_ =	strace s3  }
0x9d: {  	_ =	strace $0x8FFFFFFF  }
0x9e: {  	s18 =	sld [smem:$0x3FDB];
	_ =	sdelay $0x1  }
0x9f: {  	s19 =	simm.s32 $_scs_section_size  }
0xa0: {  	s5 =	simm.s32 $_size__tile_overlayer_lowered;
	s6 =	simm.s32 $_tile_overlayer_lowered  }
0xa1: {  	s22 =	simm.s32 $0x1BFF;
	s21 =	sshll.u32 s6, $0x1;
	s3 =	sadd.s32 s19, s18  }
0xa2: {  	s7 =	simm.s32 $0x0;
	s20 =	sshll.u32 s5, $0x1;
	s5 =	sadd.s32 s21, s3  }
0xa3: {  	[timem:s7], [sflag:s22] =	dma.local [hbm:s5], s20  }
0xa4: {  	_ =	swait.ge [sflag:s22], s20  }
0xa5: {  	s4 =	ssub.s32 $0x0, s20;
	[sflag:s22] =	ssyncset.done $0x0  }
0xa6: {  	[sflag:s22] =	ssyncadd.s32 s4;
	_ =	sdelay $0x1  }
0xa7: {  	s23 =	simm.s32 $0x1B8B  }
0xa8: {  	_ =	swait.ge [sflag:s23], $0x1  }
0xa9: {  	[sflag:s23] =	ssyncset.done $0x0  }
0xaa: {  	s25 =	simm.s32 $0x1B8E;
	s24 =	sld [smem:$0x3FFE];
	[sflag:s23] =	ssyncadd.s32 $0xFFFFFFFF  }
0xab: {  	s26 =	simm.s32 $execute0_lowered;
	[smem:$0x3FD2] =	sst s25  }
0xac: {  	s5 =	sshll.u32 s26, $0x1;
	_ =	strace $0x80000046;
	[dreg:$0x1] =	wrdreg $0xFFFFFFFF  }
0xad: {  	s28 =	simm.s32 $_size_execute0_lowered;
	s3 =	sadd.s32 s3, s5;
	[dreg:$0x0] =	wrdreg $0x0  }
0xae: {  	s5 =	sshll.u32 s28, $0x1;
	[dreg:$0x2] =	wrdreg s3  }
0xaf: {  	[dreg:$0x3] =	wrdreg s5  }
0xb0: {  	[dreg:$0x4] =	wrdreg $0xC0  }
0xb1: {  	_ =	task [dreg:s7], $0x5FFFF  }
0xb2: {  	[dreg:$0x1] =	wrdreg $0xFFFFFFFF  }
0xb3: {  	[dreg:$0x0] =	wrdreg $0x60  }
0xb4: {  	[dreg:$0x2] =	wrdreg s16  }
0xb5: {  	[dreg:$0x3] =	wrdreg s24  }
0xb6: {  	[dreg:$0x4] =	wrdreg $0x9  }
0xb7: {  	_ =	task.clear_ibuf [dreg:s7], $0x5FFFF;
	_ =	strace $0x90000046  }
0xb8: {  	s29 =	simm.s32 $0x9;
	_ =	strace $0x80000048  }
0xb9: {  	_ =	swait.ge [sflag:s29], $0x1  }
0xba: {  	[sflag:s29] =	ssyncadd.s32 $0xFFFFFFFF  }
0xbb: {  	_ =	strace $0x90000048  }
0xbc: {  	_ =	sfence  }
0xbd: {  	s30 =	sld [smem:$0x0];
	_ =	sdelay $0x2  }
0xbe: {  	s31 =	sshll.u32 s1, $0xD;
	s1 =	sshrl.u32 s1, $0x2  }
0xbf: {  	s3 =	sand.u32 $0x4000, s31;
	s1 =	sadd.s32 s1, s30  }
0xc0: {  	s0 =	sor.u32 s3, s0;
	s1 =	sshll.u32 s1, $0x11  }
0xc1: {  	s0 =	sor.u32 s1, s0  }
0xc2: {  	s0 =	sadd.s32 $0x8F2B, s0  }
0xc3: {  	[sflag:s0] =	ssyncadd.remote.s32 $0x1  }
0xc4: {  	_ =	sfence.sel $0xFFFF  }
0xc5: {  	[dreg:$0x0] =	wrdreg $0xFFFFFFFF;
	(pc) =	sbr.abs _section_cstart, $3  }
0xc6: {  	[dreg:$0x1] =	wrdreg $0xFFFFFFFF  }
0xc7: {  	_ =	task.clear_ibuf [dreg:s7], $0x2FFFF;
	_ =	strace $0x9FFFFFFF  }
0xc8: {  	(tm) =	ssettm $0x7FFFFFFF  }
0xc9: {  	_ =	shalt  }
tec
execute0_lowered:
.L_overlay_start_1:
0x0: {  	(tag) =	ssettag $0x1  }
0x1: {  	s3 =	rddreg [dreg:$0x0];
	s1 =	srdreg.scid  }
0x2: {  	s0 =	stileid.u32;
	s6 =	rddreg [dreg:$0x1];
	s8 =	simm.s32 $0x1  }
0x3: {  	s9 =	simm.s32 $0x2800;
	s10 =	simm.s32 $0x0;
	s4 =	sand.u32 $0x1, s1  }
0x4: {  	s29 =	sshrl.u32 s0, $0x2;
	s2 =	sshll.u32 s0, $0x8;
	s1 =	rddreg [dreg:$0x2]  }
0x5: {  	s5 =	smul.u32 $0x14000, s29;
	s30 =	sshll.u32 s4, $0x7;
	s2 =	sand.u32 $0x300, s2  }
0x6: {  	s4 =	ssub.s32 $0x2, s4;
	s7 =	sor.u32 s30, s2;
	s2 =	simm.s32 $0x0  }
0x7: {  	s31 =	sshrl.u32 s4, $0x1;
	s5 =	sor.u32 s5, s7;
	[smem:$0x7FF] =	sst s2  }
0x8: {  	s7 =	ssub.s32 s4, s31;
	s5 =	sshrl.u32 s5, $0x3;
	_ =	strace $0x80000047  }
0x9: {  	s6 =	sadd.s32 s5, s6;
	s3 =	sadd.s32 s3, s5;
	s5 =	smax.u32 s7, $0x1  }
0xa: {  	v0 =	vimm.f32 $0.0e+00;
	v1 =	vimm.f32 $1.000000000e+00;
	s7 =	simm.s32 $0x400;
	s4 =	sadd.s32 $0x3A00, s6;
	s6 =	simm.s32 $0x80  }
.LBB2_1:
0xb: {  	[tilespmem:s2], [sflag:$0x1] =	stream.strided.gather [hbm4b:s3+s6], $0x2800, s7, s6, $0x38;
	[tilespmem:$0x5000] =	vst v63  }
0xc: {  	_ =	swait.ge [sflag:s8], $0x2800  }
0xd: {  	[sflag:s8] =	ssyncset.done $0x0  }
0xe: {  	s11 =	simm.s32 $0x0;
	[sflag:s8] =	ssyncadd.s32 $0xFFFFD800  }
.LBB2_2:
0xf: {  	p0 =	sne.s32 s11, $0x9FC0  }
.Ltmp0:
0x10: {  	_ = 	snop;
	(pc) =	sbr.rel @p0 .LBB2_2-.Ltmp0, $3  }
0x11: {  	_ =	sdelay $0x1  }
0x12: {  	s12 =	sshra.s32 s11, $0x2  }
0x13: {  	s11 =	sadd.s32 $0x40, s11;
	[tilespmem:s12+$0x2800] =	vst v0  }
0x14: {  	s12 =	simm.s32 $0x0;
	s11 =	simm.s32 $0x40  }
.LBB2_4:
0x15: {  	p0 =	sne.s32 s11, $0x9FC0;
	v2 =	vld [tilespmem:s12+$0x0];
	_ =	sdelay $0x3  }
.Ltmp1:
0x16: {  	(pc) =	sbr.rel @p0 .LBB2_4-.Ltmp1, $2  }
0x17: {  	_ =	sdelay $0x2  }
0x18: {  	s12 =	sshra.s32 s11, $0x2;
	s11 =	sadd.s32 $0x40, s11;
	[tilespmem:v2+s9+$0x0] =	vst.idx.add.f32.msk $0xffff, v1  }
0x19: {  	v2 =	vld [tilespmem:s12+$0x0];
	_ =	sdelay $0x5  }
0x1a: {  	s10 =	sadd.s32 $0x1, s10  }
0x1b: {  	p0 =	sne.s32 s10, s5  }
.Ltmp2:
0x1c: {  	[tilespmem:v2+s9+$0x0] =	vst.idx.add.f32.msk $0xffff, v1;
	(pc) =	sbr.rel @p0 .LBB2_1-.Ltmp2, $4  }
0x1d: {  	[hbm4b:s4+s6] =	stream.strided.scatter [tilespmem:s9], [sflag:$0x1], $0x2800, s7, s6, $0x38;
	[tilespmem:$0x5000] =	vst v63  }
0x1e: {  	_ =	swait.ge [sflag:s8], $0x2800  }
0x1f: {  	[sflag:s8] =	ssyncset.done $0x0  }
0x20: {  	[sflag:s8] =	ssyncadd.s32 $0xFFFFD800  }
0x21: {  	_ =	sfence.sel $0x180000  }
0x22: {  	[bflag:$0x0] =	sbarrier.arrive $0xFFFF  }
0x23: {  	p0 =	sne.s32 s0, $0x0;
	_ =	strace $0x90000047  }
0x24: {  	s0 =	sadd.s32 @!p0 $0x100000, s1;
	[bflag:$0x2] =	sbarrier.arrive $0xFFFF  }
0x25: {  	[sflag:s0] =	ssyncadd.tile.s32 @!p0 $0x1;
	_ =	shalt  }
.Lfunc_end2:
_tile_overlayer_lowered:
.L_overlay_start_2:
0x26: {  	(tag) =	ssettag $0x2  }
0x27: {  	s0 =	rddreg [dreg:$0x0];
	s2 =	stileid.u32  }
0x28: {  	s1 =	rddreg [dreg:$0x1];
	p0 =	sne.s32 s2, $0x0  }
0x29: {  	s3 =	rddreg [dreg:$0x2];
	[bflag:$0x3] =	sbarrier.arrive $0xFFFF;
	s2 =	simm.s32 @!p0 $0x1C01  }
0x2a: {  	[timem:s3], [sflag:s2] =	dma.local @!p0 [hbm:s0], s1  }
0x2b: {  	s0 =	simm.s32 @!p0 $0x1  }
0x2c: {  	_ =	swait.ge @!p0 [sflag:s0], s1  }
0x2d: {  	s1 =	ssub.s32 @!p0 $0x0, s1;
	[sflag:s0] =	ssyncset.done @!p0 $0x0  }
0x2e: {  	[sflag:s0] =	ssyncadd.s32 @!p0 s1  }
0x2f: {  	[bflag:$0x3] =	sbarrier.arrive $0xFFFF  }
0x30: {  	_ =	shalt  }

// kernel: kernel.13.cloned.1.call-start
scs
__scs_entry_jumppad:
0x0: {  	(pc) =	sbr.rel $0x88, $3  }
0x1: {  	(tag) =	ssettag $0x0;
	lr =	simm.s32 $0x1  }
0x2: {  	[smem:$0x3F96] =	sst lr;
	_ =	strace $0xD0000000  }
0x3: {  	_ = 	snop  }
0x4: {  	_ = 	snop  }
0x5: {  	_ = 	snop  }
0x6: {  	_ = 	snop  }
0x7: {  	_ = 	snop  }
__scs_overlays_trampoline_lowered:
0x8: {  	[smem:$0x3FA5] =	sst s0  }
0x9: {  	[smem:$0x3FA6] =	sst s1  }
0xa: {  	[smem:$0x3FA7] =	sst s2  }
0xb: {  	[smem:$0x3FA8] =	sst s3  }
0xc: {  	[smem:$0x3FA9] =	sst s4  }
0xd: {  	[smem:$0x3FAA] =	sst s5  }
0xe: {  	[smem:$0x3FAB] =	sst s6  }
0xf: {  	[smem:$0x3FAC] =	sst s7  }
0x10: {  	[smem:$0x3FAD] =	sst s8  }
0x11: {  	[smem:$0x3FAE] =	sst s9;
	s0 =	simm.s32 @!p0 $0x0  }
0x12: {  	s1 =	sld [smem:$0x3F94];
	s0 =	simm.s32 @p0 $0x1  }
0x13: {  	[smem:$0x3FAF] =	sst s0;
	s0 =	simm.s32 @!p1 $0x0  }
0x14: {  	s2 =	sld [smem:$0x3F93];
	s0 =	simm.s32 @p1 $0x1  }
0x15: {  	[smem:$0x3FB0] =	sst s0;
	s0 =	simm.s32 @!p2 $0x0  }
0x16: {  	s3 =	sld [smem:$0x3FDB];
	s0 =	simm.s32 @p2 $0x1  }
0x17: {  	s4 =	simm.s32 $0x1BF5;
	[smem:$0x3FB2] =	sst s0  }
0x18: {  	s0 =	sld [smem:$0x3F95];
	_ =	swait.ge [sflag:s4], $0x0  }
0x19: {  	s7 =	sld [smem:$0x3F96]  }
0x1a: {  	s8 =	sadd.s32 $0xFFFFE003, lr  }
0x1b: {  	s9 =	sadd.s32 $0xFFFFFEF7, lr;
	s5 =	simm.s32 $0xFFFFFFFF;
	p2 =	slt.u32 s8, $0xFFFFF086  }
0x1c: {  	p1 =	slt.u32 s9, $0xF7A;
	s5 =	simm.s32 @!p2 $0x0  }
0x1d: {  	s5 =	simm.s32 @p1 $0x1;
	p0 =	seq.s32 s7, s2  }
0x1e: {  	s7 =	smul.u32 @!p0 $0xF7A, s2;
	p2 =	seq.s32 @!p0 s5, $0x0  }
0x1f: {  	s9 =	smul.u32 $0xF7A, s1;
	s8 =	simm.s32 @!p0 $0x1BF5;
	p2 =	por !p2, p0  }
0x20: {  	[sflag:s8] =	ssyncset.s32 @!p0 $0xFFFFF086;
	s6 =	sadd.s32 @!p0 s3, s7;
	s7 =	simm.s32 @!p0 $0x108  }
0x21: {  	s3 =	sadd.s32 s3, s9;
	s6 =	sadd.s32 @!p0 $0x88, s6;
	s7 =	simm.s32 @p2 $0x1082  }
0x22: {  	[simem:s7], [sflag:s8] =	dma.local @!p0 [hbm:s6], $0xF7A  }
0x23: {  	s9 =	sor.u32 $0xD0000000, s2;
	s6 =	simm.s32 $0x108;
	_ =	swait.ge @!p0 [sflag:s8], $0x0  }
0x24: {  	s3 =	sadd.s32 $0x88, s3;
	s6 =	simm.s32 @!p1 $0x1082;
	[sflag:s4] =	ssyncset.s32 $0xFFFFF086  }
0x25: {  	[simem:s6], [sflag:s4] =	dma.local [hbm:s3], $0xF7A  }
0x26: {  	[smem:$0x3F96] =	sst s1;
	(tag) =	ssettag s2;
	_ =	strace s9  }
0x27: {  	s1 =	sld [smem:$0x3FA6]  }
0x28: {  	s2 =	sld [smem:$0x3FA7]  }
0x29: {  	s4 =	sld [smem:$0x3FA9]  }
0x2a: {  	p0 =	seq.s32 s5, $0x0;
	s5 =	sld [smem:$0x3FAA]  }
0x2b: {  	s6 =	sld [smem:$0x3FAB]  }
0x2c: {  	s7 =	sld [smem:$0x3FAC]  }
0x2d: {  	s3 =	simm.s32 $0x108;
	s8 =	sld [smem:$0x3FAD]  }
0x2e: {  	s3 =	simm.s32 @!p0 $0x1082;
	s9 =	sld [smem:$0x3FAE]  }
0x2f: {  	lr =	sadd.s32 s0, s3;
	s0 =	sld [smem:$0x3FA5]  }
0x30: {  	s3 =	sld [smem:$0x3FA8]  }
0x31: {  	[smem:$0x3FB1] =	sst s10  }
0x32: {  	s10 =	sld [smem:$0x3FAF];
	_ =	sdelay $0x3  }
0x33: {  	p0 =	seq.s32 s10, $0x1;
	s10 =	sld [smem:$0x3FB1];
	_ =	sdelay $0x3  }
0x34: {  	[smem:$0x3FB1] =	sst s10  }
0x35: {  	s10 =	sld [smem:$0x3FB0];
	_ =	sdelay $0x3  }
0x36: {  	p1 =	seq.s32 s10, $0x1;
	s10 =	sld [smem:$0x3FB1];
	_ =	sdelay $0x3  }
0x37: {  	[smem:$0x3FB1] =	sst s10  }
0x38: {  	s10 =	sld [smem:$0x3FB2]  }
0x39: {  	_ = 	snop;
	(pc) =	sbr.ind lr, $3  }
0x3a: {  	_ = 	snop  }
0x3b: {  	_ = 	snop  }
0x3c: {  	p2 =	seq.s32 s10, $0x1;
	s10 =	sld [smem:$0x3FB1]  }
0x3d: {  	_ =	shalt  }
0x3e: {  	_ =	shalt  }
0x3f: {  	_ =	shalt  }
0x40: {  	_ =	shalt  }
0x41: {  	_ =	shalt  }
0x42: {  	_ =	shalt  }
0x43: {  	_ =	shalt  }
0x44: {  	_ =	shalt  }
0x45: {  	_ =	shalt  }
0x46: {  	_ =	shalt  }
0x47: {  	_ =	shalt  }
0x48: {  	_ =	shalt  }
0x49: {  	_ =	shalt  }
0x4a: {  	_ =	shalt  }
0x4b: {  	_ =	shalt  }
0x4c: {  	_ =	shalt  }
0x4d: {  	_ =	shalt  }
0x4e: {  	_ =	shalt  }
0x4f: {  	_ =	shalt  }
0x50: {  	_ =	shalt  }
0x51: {  	_ =	shalt  }
0x52: {  	_ =	shalt  }
0x53: {  	_ =	shalt  }
0x54: {  	_ =	shalt  }
0x55: {  	_ =	shalt  }
0x56: {  	_ =	shalt  }
0x57: {  	_ =	shalt  }
0x58: {  	_ =	shalt  }
0x59: {  	_ =	shalt  }
0x5a: {  	_ =	shalt  }
0x5b: {  	_ =	shalt  }
0x5c: {  	_ =	shalt  }
0x5d: {  	_ =	shalt  }
0x5e: {  	_ =	shalt  }
0x5f: {  	_ =	shalt  }
0x60: {  	_ =	shalt  }
0x61: {  	_ =	shalt  }
0x62: {  	_ =	shalt  }
0x63: {  	_ =	shalt  }
0x64: {  	_ =	shalt  }
0x65: {  	_ =	shalt  }
0x66: {  	_ =	shalt  }
0x67: {  	_ =	shalt  }
0x68: {  	_ =	shalt  }
0x69: {  	_ =	shalt  }
0x6a: {  	_ =	shalt  }
0x6b: {  	_ =	shalt  }
0x6c: {  	_ =	shalt  }
0x6d: {  	_ =	shalt  }
0x6e: {  	_ =	shalt  }
0x6f: {  	_ =	shalt  }
0x70: {  	_ =	shalt  }
0x71: {  	_ =	shalt  }
0x72: {  	_ =	shalt  }
0x73: {  	_ =	shalt  }
0x74: {  	_ =	shalt  }
0x75: {  	_ =	shalt  }
0x76: {  	_ =	shalt  }
0x77: {  	_ =	shalt  }
0x78: {  	_ =	shalt  }
0x79: {  	_ =	shalt  }
0x7a: {  	_ =	shalt  }
0x7b: {  	_ =	shalt  }
0x7c: {  	_ =	shalt  }
0x7d: {  	_ =	shalt  }
0x7e: {  	_ =	shalt  }
0x7f: {  	_ =	shalt  }
0x80: {  	_ =	shalt  }
0x81: {  	_ =	shalt  }
0x82: {  	_ =	shalt  }
0x83: {  	_ =	shalt  }
0x84: {  	_ =	shalt  }
0x85: {  	_ =	shalt  }
0x86: {  	_ =	shalt  }
0x87: {  	_ =	shalt  }
.Lfunc_end0:
.L_simem_size_0:
called_computation.1_lowered:
.L_overlay_start_0:
0x88: {  	s2 =	sld [smem:$0x3FD9]  }
0x89: {  	s3 =	sld [smem:$0x3FFE];
	_ =	sdelay $0x1  }
0x8a: {  	s1 =	srdreg.scid  }
0x8b: {  	s0 =	sand.u32 $0x1, s1  }
0x8c: {  	s14 =	sshll.u32 s0, $0xA;
	s2 =	sadd.s32 s3, s2  }
0x8d: {  	s2 =	sadd.s32 s2, s14  }
0x8e: {  	[smem:$0x3FBD] =	sst s2  }
0x8f: {  	_ = 	snop  }
0x90: {  	s2 =	sld [smem:$0x3FD0];
	_ =	sdelay $0x2  }
0x91: {  	s15 =	simm.s32 $0xA;
	s4 =	simm.s32 $0x10  }
0x92: {  	[smem:s4], [sflag:s15] =	dma.local [hbm:s2], $0x1  }
0x93: {  	_ =	swait.eq [sflag:s15], $0x1  }
0x94: {  	[sflag:s15] =	ssyncset.done $0x0  }
0x95: {  	s16 =	sld [smem:$0x10];
	[sflag:s15] =	ssyncadd.s32 $0xFFFFFFFF  }
0x96: {  	s17 =	sld [smem:$0x12];
	(tm) =	ssettm $0x1  }
0x97: {  	s18 =	sld [smem:$0x3FFB];
	_ =	sdelay $0x3  }
0x98: {  	_ =	strace s18  }
0x99: {  	s4 =	sld [smem:$0x3FFC];
	_ =	sdelay $0x3  }
0x9a: {  	_ =	strace s4  }
0x9b: {  	s4 =	sld [smem:$0x3FFD];
	_ =	sdelay $0x3  }
0x9c: {  	_ =	strace s4  }
0x9d: {  	_ =	strace $0x8FFFFFFF  }
0x9e: {  	s19 =	sld [smem:$0x3FDB];
	_ =	sdelay $0x1  }
0x9f: {  	s5 =	simm.s32 $_scs_section_size  }
0xa0: {  	s6 =	simm.s32 $_size__tile_overlayer_lowered;
	s7 =	simm.s32 $_tile_overlayer_lowered  }
0xa1: {  	s22 =	simm.s32 $0x1BFF;
	s21 =	sshll.u32 s7, $0x1;
	s4 =	sadd.s32 s5, s19  }
0xa2: {  	s8 =	simm.s32 $0x0;
	s20 =	sshll.u32 s6, $0x1;
	s6 =	sadd.s32 s21, s4  }
0xa3: {  	[timem:s8], [sflag:s22] =	dma.local [hbm:s6], s20  }
0xa4: {  	_ =	swait.ge [sflag:s22], s20  }
0xa5: {  	s5 =	ssub.s32 $0x0, s20;
	[sflag:s22] =	ssyncset.done $0x0  }
0xa6: {  	[sflag:s22] =	ssyncadd.s32 s5;
	_ =	sdelay $0x1  }
0xa7: {  	s23 =	simm.s32 $0x1B8B  }
0xa8: {  	_ =	swait.ge [sflag:s23], $0x1  }
0xa9: {  	[sflag:s23] =	ssyncset.done $0x0  }
0xaa: {  	s25 =	simm.s32 $0x1B8E;
	s24 =	sld [smem:$0x3FFE];
	[sflag:s23] =	ssyncadd.s32 $0xFFFFFFFF  }
0xab: {  	s26 =	simm.s32 $execute0_lowered;
	[smem:$0x3FD2] =	sst s25  }
0xac: {  	s6 =	sshll.u32 s26, $0x1;
	_ =	strace $0x80000049;
	[dreg:$0x1] =	wrdreg $0xFFFFFFFF  }
0xad: {  	s28 =	simm.s32 $_size_execute0_lowered;
	s4 =	sadd.s32 s4, s6;
	[dreg:$0x0] =	wrdreg $0x0  }
0xae: {  	s6 =	sshll.u32 s28, $0x1;
	[dreg:$0x2] =	wrdreg s4  }
0xaf: {  	[dreg:$0x3] =	wrdreg s6  }
0xb0: {  	[dreg:$0x4] =	wrdreg $0xC0  }
0xb1: {  	_ =	task [dreg:s8], $0x5FFFF  }
0xb2: {  	[dreg:$0x1] =	wrdreg $0xFFFFFFFF  }
0xb3: {  	[dreg:$0x0] =	wrdreg $0x60  }
0xb4: {  	[dreg:$0x2] =	wrdreg s24  }
0xb5: {  	[dreg:$0x3] =	wrdreg s17  }
0xb6: {  	[dreg:$0x4] =	wrdreg s16  }
0xb7: {  	[dreg:$0x5] =	wrdreg $0x90000  }
0xb8: {  	[dreg:$0x6] =	wrdreg $0x9  }
0xb9: {  	_ =	task.clear_ibuf [dreg:s8], $0x7FFFF;
	_ =	strace $0x90000049  }
0xba: {  	s29 =	simm.s32 $0x9;
	_ =	strace $0x8000004B  }
0xbb: {  	_ =	swait.ge [sflag:s29], $0x1  }
0xbc: {  	[sflag:s29] =	ssyncadd.s32 $0xFFFFFFFF  }
0xbd: {  	_ =	strace $0x9000004B  }
0xbe: {  	_ =	sfence  }
0xbf: {  	s30 =	sld [smem:$0x0];
	_ =	sdelay $0x2  }
0xc0: {  	s31 =	sshll.u32 s1, $0xD;
	s1 =	sshrl.u32 s1, $0x2  }
0xc1: {  	s3 =	sand.u32 $0x4000, s31;
	s1 =	sadd.s32 s1, s30  }
0xc2: {  	s0 =	sor.u32 s3, s0;
	s1 =	sshll.u32 s1, $0x11  }
0xc3: {  	s0 =	sor.u32 s1, s0  }
0xc4: {  	s0 =	sadd.s32 $0x8F2B, s0  }
0xc5: {  	[sflag:s0] =	ssyncadd.remote.s32 $0x1  }
0xc6: {  	_ =	sfence.sel $0xFFFF  }
0xc7: {  	[dreg:$0x0] =	wrdreg $0xFFFFFFFF;
	(pc) =	sbr.abs _section_cstart, $3  }
0xc8: {  	[dreg:$0x1] =	wrdreg $0xFFFFFFFF  }
0xc9: {  	_ =	task.clear_ibuf [dreg:s8], $0x2FFFF;
	_ =	strace $0x9FFFFFFF  }
0xca: {  	(tm) =	ssettm $0x7FFFFFFF  }
0xcb: {  	_ =	shalt  }
tec
execute0_lowered:
.L_overlay_start_1:
0x0: {  	(tag) =	ssettag $0x1  }
0x1: {  	s5 =	rddreg [dreg:$0x0]  }
0x2: {  	s11 =	rddreg [dreg:$0x1]  }
0x3: {  	s8 =	rddreg [dreg:$0x2]  }
0x4: {  	s1 =	rddreg [dreg:$0x3];
	s2 =	srdreg.scid;
	s3 =	simm.s32 $0x0  }
0x5: {  	s0 =	stileid.u32;
	s28 =	simm.s32 $0x100;
	s30 =	simm.s32 $0x880  }
0x6: {  	s16 =	simm.s32 $0x200;
	s17 =	simm.s32 $0x980;
	[smem:$0x7FF] =	sst s3  }
0x7: {  	s18 =	simm.s32 $0x280;
	_ =	strace $0x8000004A;
	[dreg:$0x5] =	wrdreg s28  }
0x8: {  	s10 =	sand.u32 $0x1, s2;
	s2 =	simm.s32 $0x180;
	[dreg:$0x6] =	wrdreg s30  }
0x9: {  	s20 =	simm.s32 $0xA00;
	s7 =	smul.u32 $0x280, s0;
	[dreg:$0x7] =	wrdreg s2  }
0xa: {  	s21 =	simm.s32 $0x300;
	s12 =	smul.u32 $0xA0, s0;
	[dreg:$0x9] =	wrdreg s16  }
0xb: {  	s22 =	simm.s32 $0x380;
	s14 =	smul.u32 $0x50000, s0;
	[dreg:$0xa] =	wrdreg s17  }
0xc: {  	s24 =	simm.s32 $0xB00;
	s19 =	smul.u32 $0xA00, s0;
	[dreg:$0xb] =	wrdreg s18  }
0xd: {  	s4 =	sadd.s32 $0x3A00, s5;
	s6 =	smul.u32 $0x2800, s10;
	[dreg:$0xc] =	wrdreg s20  }
0xe: {  	s25 =	smul.u32 $0xA00, s10;
	s9 =	ssub.s32 $0x2, s10;
	[dreg:$0xd] =	wrdreg s21  }
0xf: {  	s16 =	simm.s32 $0xA80;
	s23 =	smul.u32 $0xA000, s10;
	[dreg:$0xf] =	wrdreg s22  }
0x10: {  	[dreg:$0x10] =	wrdreg s24;
	s28 =	simm.s32 $0x500;
	s30 =	simm.s32 $0x580  }
0x11: {  	s17 =	simm.s32 $0x600;
	s18 =	simm.s32 $0xD80;
	[dreg:$0xe] =	wrdreg s16  }
0x12: {  	s20 =	simm.s32 $0xE00;
	s21 =	simm.s32 $0x700;
	[dreg:$0x13] =	wrdreg s28  }
0x13: {  	s22 =	simm.s32 $0xE80;
	s24 =	simm.s32 $0xF00;
	[dreg:$0x15] =	wrdreg s30  }
0x14: {  	s26 =	sshrl.u32 s9, $0x1;
	s29 =	sshrl.u32 s14, $0x2;
	[dreg:$0x17] =	wrdreg s17  }
0x15: {  	s14 =	sshll.u32 s0, $0x6;
	s8 =	sadd.s32 s8, s19;
	[dreg:$0x18] =	wrdreg s18  }
0x16: {  	s16 =	simm.s32 $0x5000;
	s17 =	simm.s32 $0x1;
	[dreg:$0x1a] =	wrdreg s20  }
0x17: {  	s18 =	simm.s32 $0x1000;
	s20 =	simm.s32 $0x2;
	[dreg:$0x1b] =	wrdreg s21  }
0x18: {  	s21 =	simm.s32 $0x400;
	[dreg:$0x1c] =	wrdreg s22;
	s22 =	simm.s32 $0xC00  }
0x19: {  	[dreg:$0x1e] =	wrdreg s24;
	s24 =	simm.s32 $0x6;
	s6 =	sadd.s32 s7, s6  }
0x1a: {  	s15 =	ssub.s32 s9, s26;
	s7 =	sadd.s32 s12, s25;
	s9 =	simm.s32 $0x900  }
0x1b: {  	s31 =	sadd.s32 s29, s1;
	s25 =	simm.s32 $0xB80;
	[dreg:$0x8] =	wrdreg s9  }
0x1c: {  	s26 =	simm.s32 $0x480;
	s29 =	simm.s32 $0xC80;
	[dreg:$0x11] =	wrdreg s25  }
0x1d: {  	s6 =	sshll.u32 s6, $0x4;
	s7 =	sshll.u32 s7, $0x4;
	[dreg:$0x12] =	wrdreg s26  }
0x1e: {  	s10 =	smax.u32 s15, $0x1;
	s12 =	sshrl.u32 s31, $0x3;
	[dreg:$0x14] =	wrdreg s29  }
0x1f: {  	s31 =	simm.s32 $0xD00;
	s15 =	simm.s32 $0x80;
	s25 =	simm.s32 $0xF80  }
0x20: {  	s13 =	sadd.s32 s6, s5;
	s5 =	sadd.s32 s4, s6;
	s6 =	sor.u32 $0x1C07, s14  }
0x21: {  	s7 =	sadd.s32 s11, s7;
	s11 =	sadd.s32 s23, s11;
	[dreg:$0x16] =	wrdreg s31  }
0x22: {  	s14 =	simm.s32 $0x800;
	s23 =	simm.s32 $0x780;
	[dreg:$0x1f] =	wrdreg s25  }
0x23: {  	s25 =	simm.s32 $0x0;
	s9 =	sadd.s32 $0x53A00, s13;
	s11 =	sadd.s32 s19, s11  }
0x24: {  	s13 =	simm.s32 $0x7;
	s19 =	simm.s32 $0x680;
	[dreg:$0x1d] =	wrdreg s23  }
0x25: {  	s23 =	simm.s32 $0x4;
	[dreg:$0x19] =	wrdreg s19;
	s19 =	simm.s32 $0x3  }
.LBB2_1:
0x26: {  	[spmem:s12], [sflag:s6] =	dma.local [hbm:s5], $0x2800  }
0x27: {  	_ =	swait.ge [sflag:s13], $0x2800  }
0x28: {  	[sflag:s13] =	ssyncset.done $0x0  }
0x29: {  	p0 =	por $0x1, $0x1;
	[sflag:s13] =	ssyncadd.s32 $0xFFFFD800  }
0x2a: {  	[tilespmem:s3], [sflag:$0x5] =	stream.linear.gather [hbm4b:s7+s3], $0x400, $0x38;
	[tilespmem:$0x1D000] =	vst v63  }
0x2b: {  	p0 =	por p0, p0  }
0x2c: {  	[tilespmem:s14], [sflag:$0x5] =	stream.linear.gather [hbm4b:s8+s3], $0x400, $0x38;
	[tilespmem:$0x1D000] =	vst v63  }
0x2d: {  	s26 =	simm.s32 @p0 $0x5;
	[bflag:$0x0] =	sbarrier.arrive $0xFFFF  }
0x2e: {  	_ =	swait.ge @p0 [sflag:s26], $0x400  }
0x2f: {  	[sflag:s26] =	ssyncset.done @p0 $0x0  }
0x30: {  	[sflag:s26] =	ssyncadd.s32 @p0 $0xFFFFFC00  }
0x31: {  	_ =	swait.ge @p0 [sflag:s26], $0x400  }
0x32: {  	s28 =	simm.s32 @p0 $0x1000;
	[sflag:s26] =	ssyncset.done @p0 $0x0  }
0x33: {  	s29 =	simm.s32 @p0 $0x0;
	[sflag:s26] =	ssyncadd.s32 @p0 $0xFFFFFC00;
	s26 =	simm.s32 @p0 $0x80  }
0x34: {  	[tilespmem:s28], [sflag:$0x1] =	stream.indirect.gather @p0 [hbm4b:s4+s26], $0x80, s29, s26, $0xb8;
	[tilespmem:$0x1D000] =	vst v63  }
0x35: {  	s26 =	simm.s32 @!p0 $0x3  }
0x36: {  	_ =	swait.ge @!p0 [sflag:s26], $0x4000  }
0x37: {  	[sflag:s26] =	ssyncset.done @!p0 $0x0  }
0x38: {  	[sflag:s26] =	ssyncadd.s32 @!p0 $0xFFFFC000;
	s26 =	simm.s32 @!p0 $0x5  }
0x39: {  	_ =	swait.ge @!p0 [sflag:s26], $0x400  }
0x3a: {  	[sflag:s26] =	ssyncset.done @!p0 $0x0  }
0x3b: {  	[sflag:s26] =	ssyncadd.s32 @!p0 $0xFFFFFC00  }
0x3c: {  	_ =	swait.ge @!p0 [sflag:s26], $0x400  }
0x3d: {  	s28 =	simm.s32 @!p0 $0x1000;
	[sflag:s26] =	ssyncset.done @!p0 $0x0  }
0x3e: {  	s29 =	simm.s32 @!p0 $0x0;
	[sflag:s26] =	ssyncadd.s32 @!p0 $0xFFFFFC00;
	s26 =	simm.s32 @!p0 $0x80  }
0x3f: {  	[tilespmem:s28], [sflag:$0x1] =	stream.indirect.gather @!p0 [hbm4b:s4+s26], $0x80, s29, s26, $0xb8;
	[tilespmem:$0x1D000] =	vst v63  }
0x40: {  	s26 =	simm.s32 @!p0 $0x4  }
0x41: {  	_ =	swait.ge @!p0 [sflag:s26], $0x4000  }
0x42: {  	[sflag:s26] =	ssyncset.done @!p0 $0x0  }
0x43: {  	[sflag:s26] =	ssyncadd.s32 @!p0 $0xFFFFC000  }
0x44: {  	[tilespmem:s16], [sflag:$0x2] =	stream.indirect.gather [hbm4b:s4+s15], $0x80, s15, s15, $0xb8;
	[tilespmem:$0x1D000] =	vst v63  }
0x45: {  	_ =	swait.ge [sflag:s17], $0x4000  }
0x46: {  	[sflag:s17] =	ssyncset.done $0x0  }
0x47: {  	[sflag:s17] =	ssyncadd.s32 $0xFFFFC000  }
0x48: {  	[spmem:s1] =	stream.indirect.scatter.add.f32 [tilespmem:s18], [sflag:$0x3], $0x80, s14, s15, $0xb8;
	[tilespmem:$0x1D000] =	vst v63  }
0x49: {  	_ =	swait.ge [sflag:s19], $0x4000  }
0x4a: {  	[sflag:s19] =	ssyncset.done $0x0  }
0x4b: {  	s0 =	rddreg [dreg:$0x5];
	[sflag:s19] =	ssyncadd.s32 $0xFFFFC000  }
0x4c: {  	[tilespmem:s18], [sflag:$0x1] =	stream.indirect.gather [hbm4b:s4+s15], $0x80, s0, s15, $0xb8;
	[tilespmem:$0x1D000] =	vst v63  }
0x4d: {  	_ =	swait.ge [sflag:s20], $0x4000  }
0x4e: {  	[sflag:s20] =	ssyncset.done $0x0  }
0x4f: {  	s28 =	sadd.s32 $0x0, s11;
	s2 =	rddreg [dreg:$0x6];
	[sflag:s20] =	ssyncadd.s32 $0xFFFFC000  }
0x50: {  	[spmem:s1] =	stream.indirect.scatter.add.f32 [tilespmem:s16], [sflag:$0x4], $0x80, s2, s15, $0xb8;
	[tilespmem:$0x1D000] =	vst v63  }
0x51: {  	s29 =	sadd.s32 $0x80, s28;
	s28 =	sadd.s32 $0x0, s8  }
0x52: {  	[tilespmem:s21], [sflag:$0x6] =	stream.linear.gather [hbm4b:s29+s3], $0x400, $0x38;
	[tilespmem:$0x1D000] =	vst v63  }
0x53: {  	s31 =	sadd.s32 $0x80, s28  }
0x54: {  	[tilespmem:s22], [sflag:$0x6] =	stream.linear.gather [hbm4b:s31+s3], $0x400, $0x38;
	[tilespmem:$0x1D000] =	vst v63  }
0x55: {  	_ =	swait.ge [sflag:s23], $0x4000  }
0x56: {  	[sflag:s23] =	ssyncset.done $0x0  }
0x57: {  	s0 =	rddreg [dreg:$0x7];
	[sflag:s23] =	ssyncadd.s32 $0xFFFFC000  }
0x58: {  	[tilespmem:s16], [sflag:$0x2] =	stream.indirect.gather [hbm4b:s4+s15], $0x80, s0, s15, $0xb8;
	[tilespmem:$0x1D000] =	vst v63  }
0x59: {  	_ =	swait.ge [sflag:s17], $0x4000  }
0x5a: {  	[sflag:s17] =	ssyncset.done $0x0  }
0x5b: {  	s2 =	rddreg [dreg:$0x8];
	[sflag:s17] =	ssyncadd.s32 $0xFFFFC000  }
0x5c: {  	[spmem:s1] =	stream.indirect.scatter.add.f32 [tilespmem:s18], [sflag:$0x3], $0x80, s2, s15, $0xb8;
	[tilespmem:$0x1D000] =	vst v63  }
0x5d: {  	_ =	swait.ge [sflag:s19], $0x4000  }
0x5e: {  	[sflag:s19] =	ssyncset.done $0x0  }
0x5f: {  	s29 =	rddreg [dreg:$0x9];
	[sflag:s19] =	ssyncadd.s32 $0xFFFFC000  }
0x60: {  	[tilespmem:s18], [sflag:$0x1] =	stream.indirect.gather [hbm4b:s4+s15], $0x80, s29, s15, $0xb8;
	[tilespmem:$0x1D000] =	vst v63  }
0x61: {  	_ =	swait.ge [sflag:s20], $0x4000  }
0x62: {  	[sflag:s20] =	ssyncset.done $0x0  }
0x63: {  	s31 =	rddreg [dreg:$0xa];
	[sflag:s20] =	ssyncadd.s32 $0xFFFFC000  }
0x64: {  	[spmem:s1] =	stream.indirect.scatter.add.f32 [tilespmem:s16], [sflag:$0x4], $0x80, s31, s15, $0xb8;
	[tilespmem:$0x1D000] =	vst v63  }
0x65: {  	_ =	swait.ge [sflag:s23], $0x4000  }
0x66: {  	[sflag:s23] =	ssyncset.done $0x0  }
0x67: {  	s0 =	rddreg [dreg:$0xb];
	[sflag:s23] =	ssyncadd.s32 $0xFFFFC000  }
0x68: {  	[tilespmem:s16], [sflag:$0x2] =	stream.indirect.gather [hbm4b:s4+s15], $0x80, s0, s15, $0xb8;
	[tilespmem:$0x1D000] =	vst v63  }
0x69: {  	_ =	swait.ge [sflag:s17], $0x4000  }
0x6a: {  	[sflag:s17] =	ssyncset.done $0x0  }
0x6b: {  	s2 =	rddreg [dreg:$0xc];
	[sflag:s17] =	ssyncadd.s32 $0xFFFFC000  }
0x6c: {  	[spmem:s1] =	stream.indirect.scatter.add.f32 [tilespmem:s18], [sflag:$0x3], $0x80, s2, s15, $0xb8;
	[tilespmem:$0x1D000] =	vst v63  }
0x6d: {  	_ =	swait.ge [sflag:s19], $0x4000  }
0x6e: {  	[sflag:s19] =	ssyncset.done $0x0  }
0x6f: {  	s29 =	rddreg [dreg:$0xd];
	[sflag:s19] =	ssyncadd.s32 $0xFFFFC000  }
0x70: {  	[tilespmem:s18], [sflag:$0x1] =	stream.indirect.gather [hbm4b:s4+s15], $0x80, s29, s15, $0xb8;
	[tilespmem:$0x1D000] =	vst v63  }
0x71: {  	_ =	swait.ge [sflag:s20], $0x4000  }
0x72: {  	[sflag:s20] =	ssyncset.done $0x0  }
0x73: {  	s31 =	rddreg [dreg:$0xe];
	[sflag:s20] =	ssyncadd.s32 $0xFFFFC000  }
0x74: {  	[spmem:s1] =	stream.indirect.scatter.add.f32 [tilespmem:s16], [sflag:$0x4], $0x80, s31, s15, $0xb8;
	[tilespmem:$0x1D000] =	vst v63  }
0x75: {  	_ =	swait.ge [sflag:s23], $0x4000  }
0x76: {  	[sflag:s23] =	ssyncset.done $0x0  }
0x77: {  	s0 =	rddreg [dreg:$0xf];
	[sflag:s23] =	ssyncadd.s32 $0xFFFFC000  }
0x78: {  	[tilespmem:s16], [sflag:$0x2] =	stream.indirect.gather [hbm4b:s4+s15], $0x80, s0, s15, $0xb8;
	[tilespmem:$0x1D000] =	vst v63  }
0x79: {  	_ =	swait.ge [sflag:s17], $0x4000  }
0x7a: {  	[sflag:s17] =	ssyncset.done $0x0  }
0x7b: {  	s2 =	rddreg [dreg:$0x10];
	[sflag:s17] =	ssyncadd.s32 $0xFFFFC000  }
0x7c: {  	[spmem:s1] =	stream.indirect.scatter.add.f32 [tilespmem:s18], [sflag:$0x3], $0x80, s2, s15, $0xb8;
	[tilespmem:$0x1D000] =	vst v63  }
0x7d: {  	_ =	swait.ge [sflag:s19], $0x4000  }
0x7e: {  	[sflag:s19] =	ssyncset.done $0x0  }
0x7f: {  	[sflag:s19] =	ssyncadd.s32 $0xFFFFC000  }
0x80: {  	_ =	swait.ge [sflag:s24], $0x400  }
0x81: {  	[sflag:s24] =	ssyncset.done $0x0  }
0x82: {  	[sflag:s24] =	ssyncadd.s32 $0xFFFFFC00  }
0x83: {  	_ =	swait.ge [sflag:s24], $0x400  }
0x84: {  	[sflag:s24] =	ssyncset.done $0x0  }
0x85: {  	[sflag:s24] =	ssyncadd.s32 $0xFFFFFC00  }
0x86: {  	[tilespmem:s18], [sflag:$0x1] =	stream.indirect.gather [hbm4b:s4+s15], $0x80, s21, s15, $0xb8;
	[tilespmem:$0x1D000] =	vst v63  }
0x87: {  	_ =	swait.ge [sflag:s20], $0x4000  }
0x88: {  	[sflag:s20] =	ssyncset.done $0x0  }
0x89: {  	s29 =	rddreg [dreg:$0x11];
	[sflag:s20] =	ssyncadd.s32 $0xFFFFC000  }
0x8a: {  	[spmem:s1] =	stream.indirect.scatter.add.f32 [tilespmem:s16], [sflag:$0x4], $0x80, s29, s15, $0xb8;
	[tilespmem:$0x1D000] =	vst v63  }
0x8b: {  	_ =	swait.ge [sflag:s23], $0x4000  }
0x8c: {  	[sflag:s23] =	ssyncset.done $0x0  }
0x8d: {  	s31 =	rddreg [dreg:$0x12];
	[sflag:s23] =	ssyncadd.s32 $0xFFFFC000  }
0x8e: {  	[tilespmem:s16], [sflag:$0x2] =	stream.indirect.gather [hbm4b:s4+s15], $0x80, s31, s15, $0xb8;
	[tilespmem:$0x1D000] =	vst v63  }
0x8f: {  	_ =	swait.ge [sflag:s17], $0x4000  }
0x90: {  	p0 =	por $0x0, $0x0;
	[sflag:s17] =	ssyncset.done $0x0  }
0x91: {  	s26 =	sadd.s32 @!p0 $0x0, s11;
	[sflag:s17] =	ssyncadd.s32 $0xFFFFC000  }
0x92: {  	[spmem:s1] =	stream.indirect.scatter.add.f32 [tilespmem:s18], [sflag:$0x3], $0x80, s22, s15, $0xb8;
	[tilespmem:$0x1D000] =	vst v63  }
0x93: {  	s28 =	simm.s32 @!p0 $0x0;
	s26 =	sadd.s32 @!p0 $0x100, s26;
	s29 =	sadd.s32 @!p0 $0x0, s8  }
0x94: {  	[tilespmem:s28], [sflag:$0x5] =	stream.linear.gather @!p0 [hbm4b:s26+s28], $0x400, $0x38;
	[tilespmem:$0x1D000] =	vst v63  }
0x95: {  	s26 =	sadd.s32 @!p0 $0x100, s29;
	s29 =	simm.s32 @!p0 $0x800  }
0x96: {  	[tilespmem:s29], [sflag:$0x5] =	stream.linear.gather @!p0 [hbm4b:s26+s28], $0x400, $0x38;
	[tilespmem:$0x1D000] =	vst v63  }
0x97: {  	_ =	swait.ge [sflag:s19], $0x4000  }
0x98: {  	[sflag:s19] =	ssyncset.done $0x0  }
0x99: {  	s0 =	rddreg [dreg:$0x13];
	[sflag:s19] =	ssyncadd.s32 $0xFFFFC000  }
0x9a: {  	[tilespmem:s18], [sflag:$0x1] =	stream.indirect.gather [hbm4b:s4+s15], $0x80, s0, s15, $0xb8;
	[tilespmem:$0x1D000] =	vst v63  }
0x9b: {  	_ =	swait.ge [sflag:s20], $0x4000  }
0x9c: {  	[sflag:s20] =	ssyncset.done $0x0  }
0x9d: {  	s2 =	rddreg [dreg:$0x14];
	[sflag:s20] =	ssyncadd.s32 $0xFFFFC000  }
0x9e: {  	[spmem:s1] =	stream.indirect.scatter.add.f32 [tilespmem:s16], [sflag:$0x4], $0x80, s2, s15, $0xb8;
	[tilespmem:$0x1D000] =	vst v63  }
0x9f: {  	_ =	swait.ge [sflag:s23], $0x4000  }
0xa0: {  	[sflag:s23] =	ssyncset.done $0x0  }
0xa1: {  	s29 =	rddreg [dreg:$0x15];
	[sflag:s23] =	ssyncadd.s32 $0xFFFFC000  }
0xa2: {  	[tilespmem:s16], [sflag:$0x2] =	stream.indirect.gather [hbm4b:s4+s15], $0x80, s29, s15, $0xb8;
	[tilespmem:$0x1D000] =	vst v63  }
0xa3: {  	_ =	swait.ge [sflag:s17], $0x4000  }
0xa4: {  	[sflag:s17] =	ssyncset.done $0x0  }
0xa5: {  	s31 =	rddreg [dreg:$0x16];
	[sflag:s17] =	ssyncadd.s32 $0xFFFFC000  }
0xa6: {  	[spmem:s1] =	stream.indirect.scatter.add.f32 [tilespmem:s18], [sflag:$0x3], $0x80, s31, s15, $0xb8;
	[tilespmem:$0x1D000] =	vst v63  }
0xa7: {  	_ =	swait.ge [sflag:s19], $0x4000  }
0xa8: {  	[sflag:s19] =	ssyncset.done $0x0  }
0xa9: {  	s0 =	rddreg [dreg:$0x17];
	[sflag:s19] =	ssyncadd.s32 $0xFFFFC000  }
0xaa: {  	[tilespmem:s18], [sflag:$0x1] =	stream.indirect.gather [hbm4b:s4+s15], $0x80, s0, s15, $0xb8;
	[tilespmem:$0x1D000] =	vst v63  }
0xab: {  	_ =	swait.ge [sflag:s20], $0x4000  }
0xac: {  	[sflag:s20] =	ssyncset.done $0x0  }
0xad: {  	s2 =	rddreg [dreg:$0x18];
	[sflag:s20] =	ssyncadd.s32 $0xFFFFC000  }
0xae: {  	[spmem:s1] =	stream.indirect.scatter.add.f32 [tilespmem:s16], [sflag:$0x4], $0x80, s2, s15, $0xb8;
	[tilespmem:$0x1D000] =	vst v63  }
0xaf: {  	_ =	swait.ge [sflag:s23], $0x4000  }
0xb0: {  	[sflag:s23] =	ssyncset.done $0x0  }
0xb1: {  	s29 =	rddreg [dreg:$0x19];
	[sflag:s23] =	ssyncadd.s32 $0xFFFFC000  }
0xb2: {  	[tilespmem:s16], [sflag:$0x2] =	stream.indirect.gather [hbm4b:s4+s15], $0x80, s29, s15, $0xb8;
	[tilespmem:$0x1D000] =	vst v63  }
0xb3: {  	_ =	swait.ge [sflag:s17], $0x4000  }
0xb4: {  	[sflag:s17] =	ssyncset.done $0x0  }
0xb5: {  	s31 =	rddreg [dreg:$0x1a];
	[sflag:s17] =	ssyncadd.s32 $0xFFFFC000  }
0xb6: {  	[spmem:s1] =	stream.indirect.scatter.add.f32 [tilespmem:s18], [sflag:$0x3], $0x80, s31, s15, $0xb8;
	[tilespmem:$0x1D000] =	vst v63  }
0xb7: {  	_ =	swait.ge [sflag:s19], $0x4000  }
0xb8: {  	[sflag:s19] =	ssyncset.done $0x0  }
0xb9: {  	s0 =	rddreg [dreg:$0x1b];
	[sflag:s19] =	ssyncadd.s32 $0xFFFFC000  }
0xba: {  	[tilespmem:s18], [sflag:$0x1] =	stream.indirect.gather [hbm4b:s4+s15], $0x80, s0, s15, $0xb8;
	[tilespmem:$0x1D000] =	vst v63  }
0xbb: {  	_ =	swait.ge [sflag:s20], $0x4000  }
0xbc: {  	[sflag:s20] =	ssyncset.done $0x0  }
0xbd: {  	s2 =	rddreg [dreg:$0x1c];
	[sflag:s20] =	ssyncadd.s32 $0xFFFFC000  }
0xbe: {  	[spmem:s1] =	stream.indirect.scatter.add.f32 [tilespmem:s16], [sflag:$0x4], $0x80, s2, s15, $0xb8;
	[tilespmem:$0x1D000] =	vst v63  }
0xbf: {  	_ =	swait.ge [sflag:s23], $0x4000  }
0xc0: {  	[sflag:s23] =	ssyncset.done $0x0  }
0xc1: {  	s29 =	rddreg [dreg:$0x1d];
	[sflag:s23] =	ssyncadd.s32 $0xFFFFC000  }
0xc2: {  	[tilespmem:s16], [sflag:$0x2] =	stream.indirect.gather [hbm4b:s4+s15], $0x80, s29, s15, $0xb8;
	[tilespmem:$0x1D000] =	vst v63  }
0xc3: {  	_ =	swait.ge [sflag:s17], $0x4000  }
0xc4: {  	[sflag:s17] =	ssyncset.done $0x0  }
0xc5: {  	s31 =	rddreg [dreg:$0x1e];
	[sflag:s17] =	ssyncadd.s32 $0xFFFFC000  }
0xc6: {  	[spmem:s1] =	stream.indirect.scatter.add.f32 [tilespmem:s18], [sflag:$0x3], $0x80, s31, s15, $0xb8;
	[tilespmem:$0x1D000] =	vst v63  }
0xc7: {  	p6 =	por $0x0, $0x0;
	_ =	swait.ge [sflag:s20], $0x4000  }
0xc8: {  	s26 =	simm.s32 $0x100;
	s28 =	simm.s32 $0x200;
	[sflag:s20] =	ssyncset.done $0x0  }
0xc9: {  	p0 =	por p6, p6;
	s30 =	rddreg [dreg:$0x1f];
	[sflag:s20] =	ssyncadd.s32 $0xFFFFC000  }
.LBB2_2:
0xca: {  	s31 =	simm.s32 @p0 $0x5  }
0xcb: {  	[spmem:s1] =	stream.indirect.scatter.add.f32 [tilespmem:s16], [sflag:$0x4], $0x80, s30, s15, $0xb8;
	[tilespmem:$0x1D000] =	vst v63  }
0xcc: {  	_ =	swait.ge @p0 [sflag:s31], $0x400  }
0xcd: {  	[sflag:s31] =	ssyncset.done @p0 $0x0  }
0xce: {  	[sflag:s31] =	ssyncadd.s32 @p0 $0xFFFFFC00  }
0xcf: {  	_ =	swait.ge @p0 [sflag:s31], $0x400  }
0xd0: {  	s30 =	simm.s32 @p0 $0x1000;
	s0 =	simm.s32 @!p0 $0x3;
	[sflag:s31] =	ssyncset.done @p0 $0x0  }
0xd1: {  	s2 =	simm.s32 @p0 $0x0;
	[sflag:s31] =	ssyncadd.s32 @p0 $0xFFFFFC00;
	s31 =	simm.s32 @p0 $0x80  }
0xd2: {  	[tilespmem:s30], [sflag:$0x1] =	stream.indirect.gather @p0 [hbm4b:s4+s31], $0x80, s2, s31, $0xb8;
	[tilespmem:$0x1D000] =	vst v63  }
0xd3: {  	_ =	swait.ge @!p0 [sflag:s0], $0x4000  }
0xd4: {  	[sflag:s0] =	ssyncset.done @!p0 $0x0  }
0xd5: {  	[sflag:s0] =	ssyncadd.s32 @!p0 $0xFFFFC000;
	s0 =	simm.s32 @!p0 $0x5  }
0xd6: {  	_ =	swait.ge @!p0 [sflag:s0], $0x400  }
0xd7: {  	[sflag:s0] =	ssyncset.done @!p0 $0x0  }
0xd8: {  	[sflag:s0] =	ssyncadd.s32 @!p0 $0xFFFFFC00  }
0xd9: {  	_ =	swait.ge @!p0 [sflag:s0], $0x400  }
0xda: {  	s2 =	simm.s32 @!p0 $0x1000;
	s30 =	simm.s32 @!p0 $0x4;
	[sflag:s0] =	ssyncset.done @!p0 $0x0  }
0xdb: {  	s31 =	simm.s32 @!p0 $0x0;
	[sflag:s0] =	ssyncadd.s32 @!p0 $0xFFFFFC00;
	s0 =	simm.s32 @!p0 $0x80  }
0xdc: {  	[tilespmem:s2], [sflag:$0x1] =	stream.indirect.gather @!p0 [hbm4b:s4+s0], $0x80, s31, s0, $0xb8;
	[tilespmem:$0x1D000] =	vst v63  }
0xdd: {  	_ =	swait.ge @!p0 [sflag:s30], $0x4000  }
0xde: {  	[sflag:s30] =	ssyncset.done @!p0 $0x0  }
0xdf: {  	[sflag:s30] =	ssyncadd.s32 @!p0 $0xFFFFC000  }
0xe0: {  	[tilespmem:s16], [sflag:$0x2] =	stream.indirect.gather [hbm4b:s4+s15], $0x80, s15, s15, $0xb8;
	[tilespmem:$0x1D000] =	vst v63  }
0xe1: {  	_ =	swait.ge [sflag:s17], $0x4000  }
0xe2: {  	[sflag:s17] =	ssyncset.done $0x0  }
0xe3: {  	[sflag:s17] =	ssyncadd.s32 $0xFFFFC000  }
0xe4: {  	[spmem:s1] =	stream.indirect.scatter.add.f32 [tilespmem:s18], [sflag:$0x3], $0x80, s14, s15, $0xb8;
	[tilespmem:$0x1D000] =	vst v63  }
0xe5: {  	_ =	swait.ge [sflag:s19], $0x4000  }
0xe6: {  	[sflag:s19] =	ssyncset.done $0x0  }
0xe7: {  	s31 =	rddreg [dreg:$0x5];
	[sflag:s19] =	ssyncadd.s32 $0xFFFFC000  }
0xe8: {  	[tilespmem:s18], [sflag:$0x1] =	stream.indirect.gather [hbm4b:s4+s15], $0x80, s31, s15, $0xb8;
	[tilespmem:$0x1D000] =	vst v63  }
0xe9: {  	_ =	swait.ge [sflag:s20], $0x4000  }
0xea: {  	[sflag:s20] =	ssyncset.done $0x0  }
0xeb: {  	s31 =	sadd.s32 s26, s11;
	s2 =	rddreg [dreg:$0x6];
	[sflag:s20] =	ssyncadd.s32 $0xFFFFC000  }
0xec: {  	[spmem:s1] =	stream.indirect.scatter.add.f32 [tilespmem:s16], [sflag:$0x4], $0x80, s2, s15, $0xb8;
	[tilespmem:$0x1D000] =	vst v63  }
0xed: {  	s2 =	sadd.s32 $0x80, s31;
	s31 =	sadd.s32 s26, s8  }
0xee: {  	[tilespmem:s21], [sflag:$0x6] =	stream.linear.gather [hbm4b:s2+s3], $0x400, $0x38;
	[tilespmem:$0x1D000] =	vst v63  }
0xef: {  	s31 =	sadd.s32 $0x80, s31  }
0xf0: {  	[tilespmem:s22], [sflag:$0x6] =	stream.linear.gather [hbm4b:s31+s3], $0x400, $0x38;
	[tilespmem:$0x1D000] =	vst v63  }
0xf1: {  	_ =	swait.ge [sflag:s23], $0x4000  }
0xf2: {  	[sflag:s23] =	ssyncset.done $0x0  }
0xf3: {  	s2 =	rddreg [dreg:$0x7];
	[sflag:s23] =	ssyncadd.s32 $0xFFFFC000  }
0xf4: {  	[tilespmem:s16], [sflag:$0x2] =	stream.indirect.gather [hbm4b:s4+s15], $0x80, s2, s15, $0xb8;
	[tilespmem:$0x1D000] =	vst v63  }
0xf5: {  	_ =	swait.ge [sflag:s17], $0x4000  }
0xf6: {  	[sflag:s17] =	ssyncset.done $0x0  }
0xf7: {  	s31 =	rddreg [dreg:$0x8];
	[sflag:s17] =	ssyncadd.s32 $0xFFFFC000  }
0xf8: {  	[spmem:s1] =	stream.indirect.scatter.add.f32 [tilespmem:s18], [sflag:$0x3], $0x80, s31, s15, $0xb8;
	[tilespmem:$0x1D000] =	vst v63  }
0xf9: {  	_ =	swait.ge [sflag:s19], $0x4000  }
0xfa: {  	[sflag:s19] =	ssyncset.done $0x0  }
0xfb: {  	s2 =	rddreg [dreg:$0x9];
	[sflag:s19] =	ssyncadd.s32 $0xFFFFC000  }
0xfc: {  	[tilespmem:s18], [sflag:$0x1] =	stream.indirect.gather [hbm4b:s4+s15], $0x80, s2, s15, $0xb8;
	[tilespmem:$0x1D000] =	vst v63  }
0xfd: {  	_ =	swait.ge [sflag:s20], $0x4000  }
0xfe: {  	[sflag:s20] =	ssyncset.done $0x0  }
0xff: {  	s31 =	rddreg [dreg:$0xa];
	[sflag:s20] =	ssyncadd.s32 $0xFFFFC000  }
0x100: {  	[spmem:s1] =	stream.indirect.scatter.add.f32 [tilespmem:s16], [sflag:$0x4], $0x80, s31, s15, $0xb8;
	[tilespmem:$0x1D000] =	vst v63  }
0x101: {  	_ =	swait.ge [sflag:s23], $0x4000  }
0x102: {  	[sflag:s23] =	ssyncset.done $0x0  }
0x103: {  	s2 =	rddreg [dreg:$0xb];
	[sflag:s23] =	ssyncadd.s32 $0xFFFFC000  }
0x104: {  	[tilespmem:s16], [sflag:$0x2] =	stream.indirect.gather [hbm4b:s4+s15], $0x80, s2, s15, $0xb8;
	[tilespmem:$0x1D000] =	vst v63  }
0x105: {  	_ =	swait.ge [sflag:s17], $0x4000  }
0x106: {  	[sflag:s17] =	ssyncset.done $0x0  }
0x107: {  	s31 =	rddreg [dreg:$0xc];
	[sflag:s17] =	ssyncadd.s32 $0xFFFFC000  }
0x108: {  	[spmem:s1] =	stream.indirect.scatter.add.f32 [tilespmem:s18], [sflag:$0x3], $0x80, s31, s15, $0xb8;
	[tilespmem:$0x1D000] =	vst v63  }
0x109: {  	_ =	swait.ge [sflag:s19], $0x4000  }
0x10a: {  	[sflag:s19] =	ssyncset.done $0x0  }
0x10b: {  	s2 =	rddreg [dreg:$0xd];
	[sflag:s19] =	ssyncadd.s32 $0xFFFFC000  }
0x10c: {  	[tilespmem:s18], [sflag:$0x1] =	stream.indirect.gather [hbm4b:s4+s15], $0x80, s2, s15, $0xb8;
	[tilespmem:$0x1D000] =	vst v63  }
0x10d: {  	_ =	swait.ge [sflag:s20], $0x4000  }
0x10e: {  	[sflag:s20] =	ssyncset.done $0x0  }
0x10f: {  	s31 =	rddreg [dreg:$0xe];
	[sflag:s20] =	ssyncadd.s32 $0xFFFFC000  }
0x110: {  	[spmem:s1] =	stream.indirect.scatter.add.f32 [tilespmem:s16], [sflag:$0x4], $0x80, s31, s15, $0xb8;
	[tilespmem:$0x1D000] =	vst v63  }
0x111: {  	_ =	swait.ge [sflag:s23], $0x4000  }
0x112: {  	[sflag:s23] =	ssyncset.done $0x0  }
0x113: {  	s2 =	rddreg [dreg:$0xf];
	[sflag:s23] =	ssyncadd.s32 $0xFFFFC000  }
0x114: {  	[tilespmem:s16], [sflag:$0x2] =	stream.indirect.gather [hbm4b:s4+s15], $0x80, s2, s15, $0xb8;
	[tilespmem:$0x1D000] =	vst v63  }
0x115: {  	_ =	swait.ge [sflag:s17], $0x4000  }
0x116: {  	[sflag:s17] =	ssyncset.done $0x0  }
0x117: {  	s31 =	rddreg [dreg:$0x10];
	[sflag:s17] =	ssyncadd.s32 $0xFFFFC000  }
0x118: {  	[spmem:s1] =	stream.indirect.scatter.add.f32 [tilespmem:s18], [sflag:$0x3], $0x80, s31, s15, $0xb8;
	[tilespmem:$0x1D000] =	vst v63  }
0x119: {  	_ =	swait.ge [sflag:s19], $0x4000  }
0x11a: {  	[sflag:s19] =	ssyncset.done $0x0  }
0x11b: {  	[sflag:s19] =	ssyncadd.s32 $0xFFFFC000  }
0x11c: {  	_ =	swait.ge [sflag:s24], $0x400  }
0x11d: {  	[sflag:s24] =	ssyncset.done $0x0  }
0x11e: {  	[sflag:s24] =	ssyncadd.s32 $0xFFFFFC00  }
0x11f: {  	_ =	swait.ge [sflag:s24], $0x400  }
0x120: {  	[sflag:s24] =	ssyncset.done $0x0  }
0x121: {  	[sflag:s24] =	ssyncadd.s32 $0xFFFFFC00  }
0x122: {  	[tilespmem:s18], [sflag:$0x1] =	stream.indirect.gather [hbm4b:s4+s15], $0x80, s21, s15, $0xb8;
	[tilespmem:$0x1D000] =	vst v63  }
0x123: {  	_ =	swait.ge [sflag:s20], $0x4000  }
0x124: {  	[sflag:s20] =	ssyncset.done $0x0  }
0x125: {  	s2 =	rddreg [dreg:$0x11];
	[sflag:s20] =	ssyncadd.s32 $0xFFFFC000  }
0x126: {  	[spmem:s1] =	stream.indirect.scatter.add.f32 [tilespmem:s16], [sflag:$0x4], $0x80, s2, s15, $0xb8;
	[tilespmem:$0x1D000] =	vst v63  }
0x127: {  	_ =	swait.ge [sflag:s23], $0x4000  }
0x128: {  	[sflag:s23] =	ssyncset.done $0x0  }
0x129: {  	s31 =	rddreg [dreg:$0x12];
	[sflag:s23] =	ssyncadd.s32 $0xFFFFC000  }
0x12a: {  	[tilespmem:s16], [sflag:$0x2] =	stream.indirect.gather [hbm4b:s4+s15], $0x80, s31, s15, $0xb8;
	[tilespmem:$0x1D000] =	vst v63  }
0x12b: {  	p2 =	seq.s32 s28, $0x0;
	_ =	swait.ge [sflag:s17], $0x4000  }
0x12c: {  	p0 =	por p2, p2;
	p2 =	seq.s32 s26, $0x900;
	[sflag:s17] =	ssyncset.done $0x0  }
0x12d: {  	s0 =	sadd.s32 @!p2 s26, s11;
	[sflag:s17] =	ssyncadd.s32 $0xFFFFC000  }
0x12e: {  	[spmem:s1] =	stream.indirect.scatter.add.f32 [tilespmem:s18], [sflag:$0x3], $0x80, s22, s15, $0xb8;
	[tilespmem:$0x1D000] =	vst v63  }
0x12f: {  	s0 =	sadd.s32 @!p2 $0x100, s0;
	s26 =	sadd.s32 @!p2 s26, s8;
	s2 =	simm.s32 @!p2 $0x0  }
0x130: {  	[tilespmem:s2], [sflag:$0x5] =	stream.linear.gather @!p2 [hbm4b:s0+s2], $0x400, $0x38;
	[tilespmem:$0x1D000] =	vst v63  }
0x131: {  	s30 =	sadd.s32 @!p2 $0x100, s26;
	s31 =	simm.s32 @!p2 $0x800  }
0x132: {  	[tilespmem:s31], [sflag:$0x5] =	stream.linear.gather @!p2 [hbm4b:s30+s2], $0x400, $0x38;
	[tilespmem:$0x1D000] =	vst v63  }
0x133: {  	_ =	swait.ge [sflag:s19], $0x4000  }
0x134: {  	[sflag:s19] =	ssyncset.done $0x0  }
0x135: {  	s2 =	rddreg [dreg:$0x13];
	[sflag:s19] =	ssyncadd.s32 $0xFFFFC000  }
0x136: {  	[tilespmem:s18], [sflag:$0x1] =	stream.indirect.gather [hbm4b:s4+s15], $0x80, s2, s15, $0xb8;
	[tilespmem:$0x1D000] =	vst v63  }
0x137: {  	_ =	swait.ge [sflag:s20], $0x4000  }
0x138: {  	s29 =	smov.u32 s28;
	[sflag:s20] =	ssyncset.done $0x0  }
0x139: {  	s26 =	smov.u32 s29;
	s29 =	rddreg [dreg:$0x14];
	[sflag:s20] =	ssyncadd.s32 $0xFFFFC000  }
0x13a: {  	[spmem:s1] =	stream.indirect.scatter.add.f32 [tilespmem:s16], [sflag:$0x4], $0x80, s29, s15, $0xb8;
	[tilespmem:$0x1D000] =	vst v63  }
0x13b: {  	_ =	swait.ge [sflag:s23], $0x4000  }
0x13c: {  	[sflag:s23] =	ssyncset.done $0x0  }
0x13d: {  	s31 =	rddreg [dreg:$0x15];
	[sflag:s23] =	ssyncadd.s32 $0xFFFFC000  }
0x13e: {  	[tilespmem:s16], [sflag:$0x2] =	stream.indirect.gather [hbm4b:s4+s15], $0x80, s31, s15, $0xb8;
	[tilespmem:$0x1D000] =	vst v63  }
0x13f: {  	_ =	swait.ge [sflag:s17], $0x4000  }
0x140: {  	[sflag:s17] =	ssyncset.done $0x0  }
0x141: {  	s2 =	rddreg [dreg:$0x16];
	[sflag:s17] =	ssyncadd.s32 $0xFFFFC000  }
0x142: {  	[spmem:s1] =	stream.indirect.scatter.add.f32 [tilespmem:s18], [sflag:$0x3], $0x80, s2, s15, $0xb8;
	[tilespmem:$0x1D000] =	vst v63  }
0x143: {  	_ =	swait.ge [sflag:s19], $0x4000  }
0x144: {  	[sflag:s19] =	ssyncset.done $0x0  }
0x145: {  	s29 =	rddreg [dreg:$0x17];
	[sflag:s19] =	ssyncadd.s32 $0xFFFFC000  }
0x146: {  	[tilespmem:s18], [sflag:$0x1] =	stream.indirect.gather [hbm4b:s4+s15], $0x80, s29, s15, $0xb8;
	[tilespmem:$0x1D000] =	vst v63  }
0x147: {  	_ =	swait.ge [sflag:s20], $0x4000  }
0x148: {  	[sflag:s20] =	ssyncset.done $0x0  }
0x149: {  	s31 =	rddreg [dreg:$0x18];
	[sflag:s20] =	ssyncadd.s32 $0xFFFFC000  }
0x14a: {  	[spmem:s1] =	stream.indirect.scatter.add.f32 [tilespmem:s16], [sflag:$0x4], $0x80, s31, s15, $0xb8;
	[tilespmem:$0x1D000] =	vst v63  }
0x14b: {  	_ =	swait.ge [sflag:s23], $0x4000  }
0x14c: {  	[sflag:s23] =	ssyncset.done $0x0  }
0x14d: {  	s2 =	rddreg [dreg:$0x19];
	[sflag:s23] =	ssyncadd.s32 $0xFFFFC000  }
0x14e: {  	[tilespmem:s16], [sflag:$0x2] =	stream.indirect.gather [hbm4b:s4+s15], $0x80, s2, s15, $0xb8;
	[tilespmem:$0x1D000] =	vst v63  }
0x14f: {  	_ =	swait.ge [sflag:s17], $0x4000  }
0x150: {  	[sflag:s17] =	ssyncset.done $0x0  }
0x151: {  	s29 =	rddreg [dreg:$0x1a];
	[sflag:s17] =	ssyncadd.s32 $0xFFFFC000  }
0x152: {  	[spmem:s1] =	stream.indirect.scatter.add.f32 [tilespmem:s18], [sflag:$0x3], $0x80, s29, s15, $0xb8;
	[tilespmem:$0x1D000] =	vst v63  }
0x153: {  	_ =	swait.ge [sflag:s19], $0x4000  }
0x154: {  	[sflag:s19] =	ssyncset.done $0x0  }
0x155: {  	s31 =	rddreg [dreg:$0x1b];
	[sflag:s19] =	ssyncadd.s32 $0xFFFFC000  }
0x156: {  	[tilespmem:s18], [sflag:$0x1] =	stream.indirect.gather [hbm4b:s4+s15], $0x80, s31, s15, $0xb8;
	[tilespmem:$0x1D000] =	vst v63  }
0x157: {  	_ =	swait.ge [sflag:s20], $0x4000  }
0x158: {  	[sflag:s20] =	ssyncset.done $0x0  }
0x159: {  	s2 =	rddreg [dreg:$0x1c];
	[sflag:s20] =	ssyncadd.s32 $0xFFFFC000  }
0x15a: {  	[spmem:s1] =	stream.indirect.scatter.add.f32 [tilespmem:s16], [sflag:$0x4], $0x80, s2, s15, $0xb8;
	[tilespmem:$0x1D000] =	vst v63  }
0x15b: {  	_ =	swait.ge [sflag:s23], $0x4000  }
0x15c: {  	[sflag:s23] =	ssyncset.done $0x0  }
0x15d: {  	s29 =	rddreg [dreg:$0x1d];
	[sflag:s23] =	ssyncadd.s32 $0xFFFFC000  }
0x15e: {  	[tilespmem:s16], [sflag:$0x2] =	stream.indirect.gather [hbm4b:s4+s15], $0x80, s29, s15, $0xb8;
	[tilespmem:$0x1D000] =	vst v63  }
0x15f: {  	s28 =	sadd.s32 $0x100, s28;
	_ =	swait.ge [sflag:s17], $0x4000  }
0x160: {  	p1 =	sne.s32 s28, $0xA00;
	[sflag:s17] =	ssyncset.done $0x0  }
.Ltmp0:
0x161: {  	s31 =	rddreg [dreg:$0x1e];
	[sflag:s17] =	ssyncadd.s32 $0xFFFFC000;
	(pc) =	sbr.rel @p1 .LBB2_2-.Ltmp0, $4  }
0x162: {  	[spmem:s1] =	stream.indirect.scatter.add.f32 [tilespmem:s18], [sflag:$0x3], $0x80, s31, s15, $0xb8;
	[tilespmem:$0x1D000] =	vst v63  }
0x163: {  	_ =	swait.ge [sflag:s20], $0x4000  }
0x164: {  	[sflag:s20] =	ssyncset.done $0x0  }
0x165: {  	s30 =	rddreg [dreg:$0x1f];
	[sflag:s20] =	ssyncadd.s32 $0xFFFFC000  }
0x166: {  	s0 =	simm.s32 @p0 $0x5  }
0x167: {  	[spmem:s1] =	stream.indirect.scatter.add.f32 [tilespmem:s16], [sflag:$0x4], $0x80, s30, s15, $0xb8;
	[tilespmem:$0x1D000] =	vst v63  }
0x168: {  	_ =	swait.ge @p0 [sflag:s0], $0x400  }
0x169: {  	[sflag:s0] =	ssyncset.done @p0 $0x0  }
0x16a: {  	[sflag:s0] =	ssyncadd.s32 @p0 $0xFFFFFC00  }
0x16b: {  	_ =	swait.ge @p0 [sflag:s0], $0x400  }
0x16c: {  	s2 =	simm.s32 @p0 $0x1000;
	[sflag:s0] =	ssyncset.done @p0 $0x0  }
0x16d: {  	s28 =	simm.s32 @p0 $0x0;
	[sflag:s0] =	ssyncadd.s32 @p0 $0xFFFFFC00;
	s0 =	simm.s32 @p0 $0x80  }
0x16e: {  	[tilespmem:s2], [sflag:$0x1] =	stream.indirect.gather @p0 [hbm4b:s4+s0], $0x80, s28, s0, $0xb8;
	[tilespmem:$0x1D000] =	vst v63  }
0x16f: {  	s0 =	simm.s32 @!p0 $0x3  }
0x170: {  	_ =	swait.ge @!p0 [sflag:s0], $0x4000  }
0x171: {  	[sflag:s0] =	ssyncset.done @!p0 $0x0  }
0x172: {  	[sflag:s0] =	ssyncadd.s32 @!p0 $0xFFFFC000;
	s0 =	simm.s32 @!p0 $0x5  }
0x173: {  	_ =	swait.ge @!p0 [sflag:s0], $0x400  }
0x174: {  	[sflag:s0] =	ssyncset.done @!p0 $0x0  }
0x175: {  	[sflag:s0] =	ssyncadd.s32 @!p0 $0xFFFFFC00  }
0x176: {  	_ =	swait.ge @!p0 [sflag:s0], $0x400  }
0x177: {  	s2 =	simm.s32 @!p0 $0x1000;
	[sflag:s0] =	ssyncset.done @!p0 $0x0  }
0x178: {  	s28 =	simm.s32 @!p0 $0x0;
	[sflag:s0] =	ssyncadd.s32 @!p0 $0xFFFFFC00;
	s0 =	simm.s32 @!p0 $0x80  }
0x179: {  	[tilespmem:s2], [sflag:$0x1] =	stream.indirect.gather @!p0 [hbm4b:s4+s0], $0x80, s28, s0, $0xb8;
	[tilespmem:$0x1D000] =	vst v63  }
0x17a: {  	s0 =	simm.s32 @!p0 $0x4  }
0x17b: {  	_ =	swait.ge @!p0 [sflag:s0], $0x4000  }
0x17c: {  	[sflag:s0] =	ssyncset.done @!p0 $0x0  }
0x17d: {  	[sflag:s0] =	ssyncadd.s32 @!p0 $0xFFFFC000  }
0x17e: {  	[tilespmem:s16], [sflag:$0x2] =	stream.indirect.gather [hbm4b:s4+s15], $0x80, s15, s15, $0xb8;
	[tilespmem:$0x1D000] =	vst v63  }
0x17f: {  	_ =	swait.ge [sflag:s17], $0x4000  }
0x180: {  	[sflag:s17] =	ssyncset.done $0x0  }
0x181: {  	[sflag:s17] =	ssyncadd.s32 $0xFFFFC000  }
0x182: {  	[spmem:s1] =	stream.indirect.scatter.add.f32 [tilespmem:s18], [sflag:$0x3], $0x80, s14, s15, $0xb8;
	[tilespmem:$0x1D000] =	vst v63  }
0x183: {  	_ =	swait.ge [sflag:s19], $0x4000  }
0x184: {  	[sflag:s19] =	ssyncset.done $0x0  }
0x185: {  	s2 =	rddreg [dreg:$0x5];
	[sflag:s19] =	ssyncadd.s32 $0xFFFFC000  }
0x186: {  	[tilespmem:s18], [sflag:$0x1] =	stream.indirect.gather [hbm4b:s4+s15], $0x80, s2, s15, $0xb8;
	[tilespmem:$0x1D000] =	vst v63  }
0x187: {  	_ =	swait.ge [sflag:s20], $0x4000  }
0x188: {  	[sflag:s20] =	ssyncset.done $0x0  }
0x189: {  	s29 =	sadd.s32 s26, s11;
	s28 =	rddreg [dreg:$0x6];
	[sflag:s20] =	ssyncadd.s32 $0xFFFFC000  }
0x18a: {  	[spmem:s1] =	stream.indirect.scatter.add.f32 [tilespmem:s16], [sflag:$0x4], $0x80, s28, s15, $0xb8;
	[tilespmem:$0x1D000] =	vst v63  }
0x18b: {  	s31 =	sadd.s32 s26, s8;
	s30 =	sadd.s32 $0x80, s29  }
0x18c: {  	[tilespmem:s21], [sflag:$0x6] =	stream.linear.gather [hbm4b:s30+s3], $0x400, $0x38;
	[tilespmem:$0x1D000] =	vst v63  }
0x18d: {  	s28 =	sadd.s32 $0x80, s31  }
0x18e: {  	[tilespmem:s22], [sflag:$0x6] =	stream.linear.gather [hbm4b:s28+s3], $0x400, $0x38;
	[tilespmem:$0x1D000] =	vst v63  }
0x18f: {  	_ =	swait.ge [sflag:s23], $0x4000  }
0x190: {  	[sflag:s23] =	ssyncset.done $0x0  }
0x191: {  	s29 =	rddreg [dreg:$0x7];
	[sflag:s23] =	ssyncadd.s32 $0xFFFFC000  }
0x192: {  	[tilespmem:s16], [sflag:$0x2] =	stream.indirect.gather [hbm4b:s4+s15], $0x80, s29, s15, $0xb8;
	[tilespmem:$0x1D000] =	vst v63  }
0x193: {  	_ =	swait.ge [sflag:s17], $0x4000  }
0x194: {  	[sflag:s17] =	ssyncset.done $0x0  }
0x195: {  	s30 =	rddreg [dreg:$0x8];
	[sflag:s17] =	ssyncadd.s32 $0xFFFFC000  }
0x196: {  	[spmem:s1] =	stream.indirect.scatter.add.f32 [tilespmem:s18], [sflag:$0x3], $0x80, s30, s15, $0xb8;
	[tilespmem:$0x1D000] =	vst v63  }
0x197: {  	_ =	swait.ge [sflag:s19], $0x4000  }
0x198: {  	[sflag:s19] =	ssyncset.done $0x0  }
0x199: {  	s31 =	rddreg [dreg:$0x9];
	[sflag:s19] =	ssyncadd.s32 $0xFFFFC000  }
0x19a: {  	[tilespmem:s18], [sflag:$0x1] =	stream.indirect.gather [hbm4b:s4+s15], $0x80, s31, s15, $0xb8;
	[tilespmem:$0x1D000] =	vst v63  }
0x19b: {  	_ =	swait.ge [sflag:s20], $0x4000  }
0x19c: {  	[sflag:s20] =	ssyncset.done $0x0  }
0x19d: {  	s2 =	rddreg [dreg:$0xa];
	[sflag:s20] =	ssyncadd.s32 $0xFFFFC000  }
0x19e: {  	[spmem:s1] =	stream.indirect.scatter.add.f32 [tilespmem:s16], [sflag:$0x4], $0x80, s2, s15, $0xb8;
	[tilespmem:$0x1D000] =	vst v63  }
0x19f: {  	_ =	swait.ge [sflag:s23], $0x4000  }
0x1a0: {  	[sflag:s23] =	ssyncset.done $0x0  }
0x1a1: {  	s28 =	rddreg [dreg:$0xb];
	[sflag:s23] =	ssyncadd.s32 $0xFFFFC000  }
0x1a2: {  	[tilespmem:s16], [sflag:$0x2] =	stream.indirect.gather [hbm4b:s4+s15], $0x80, s28, s15, $0xb8;
	[tilespmem:$0x1D000] =	vst v63  }
0x1a3: {  	_ =	swait.ge [sflag:s17], $0x4000  }
0x1a4: {  	[sflag:s17] =	ssyncset.done $0x0  }
0x1a5: {  	s29 =	rddreg [dreg:$0xc];
	[sflag:s17] =	ssyncadd.s32 $0xFFFFC000  }
0x1a6: {  	[spmem:s1] =	stream.indirect.scatter.add.f32 [tilespmem:s18], [sflag:$0x3], $0x80, s29, s15, $0xb8;
	[tilespmem:$0x1D000] =	vst v63  }
0x1a7: {  	_ =	swait.ge [sflag:s19], $0x4000  }
0x1a8: {  	[sflag:s19] =	ssyncset.done $0x0  }
0x1a9: {  	s30 =	rddreg [dreg:$0xd];
	[sflag:s19] =	ssyncadd.s32 $0xFFFFC000  }
0x1aa: {  	[tilespmem:s18], [sflag:$0x1] =	stream.indirect.gather [hbm4b:s4+s15], $0x80, s30, s15, $0xb8;
	[tilespmem:$0x1D000] =	vst v63  }
0x1ab: {  	_ =	swait.ge [sflag:s20], $0x4000  }
0x1ac: {  	[sflag:s20] =	ssyncset.done $0x0  }
0x1ad: {  	s31 =	rddreg [dreg:$0xe];
	[sflag:s20] =	ssyncadd.s32 $0xFFFFC000  }
0x1ae: {  	[spmem:s1] =	stream.indirect.scatter.add.f32 [tilespmem:s16], [sflag:$0x4], $0x80, s31, s15, $0xb8;
	[tilespmem:$0x1D000] =	vst v63  }
0x1af: {  	_ =	swait.ge [sflag:s23], $0x4000  }
0x1b0: {  	[sflag:s23] =	ssyncset.done $0x0  }
0x1b1: {  	s2 =	rddreg [dreg:$0xf];
	[sflag:s23] =	ssyncadd.s32 $0xFFFFC000  }
0x1b2: {  	[tilespmem:s16], [sflag:$0x2] =	stream.indirect.gather [hbm4b:s4+s15], $0x80, s2, s15, $0xb8;
	[tilespmem:$0x1D000] =	vst v63  }
0x1b3: {  	_ =	swait.ge [sflag:s17], $0x4000  }
0x1b4: {  	[sflag:s17] =	ssyncset.done $0x0  }
0x1b5: {  	s28 =	rddreg [dreg:$0x10];
	[sflag:s17] =	ssyncadd.s32 $0xFFFFC000  }
0x1b6: {  	[spmem:s1] =	stream.indirect.scatter.add.f32 [tilespmem:s18], [sflag:$0x3], $0x80, s28, s15, $0xb8;
	[tilespmem:$0x1D000] =	vst v63  }
0x1b7: {  	_ =	swait.ge [sflag:s19], $0x4000  }
0x1b8: {  	[sflag:s19] =	ssyncset.done $0x0  }
0x1b9: {  	[sflag:s19] =	ssyncadd.s32 $0xFFFFC000  }
0x1ba: {  	_ =	swait.ge [sflag:s24], $0x400  }
0x1bb: {  	[sflag:s24] =	ssyncset.done $0x0  }
0x1bc: {  	[sflag:s24] =	ssyncadd.s32 $0xFFFFFC00  }
0x1bd: {  	_ =	swait.ge [sflag:s24], $0x400  }
0x1be: {  	[sflag:s24] =	ssyncset.done $0x0  }
0x1bf: {  	[sflag:s24] =	ssyncadd.s32 $0xFFFFFC00  }
0x1c0: {  	[tilespmem:s18], [sflag:$0x1] =	stream.indirect.gather [hbm4b:s4+s15], $0x80, s21, s15, $0xb8;
	[tilespmem:$0x1D000] =	vst v63  }
0x1c1: {  	_ =	swait.ge [sflag:s20], $0x4000  }
0x1c2: {  	[sflag:s20] =	ssyncset.done $0x0  }
0x1c3: {  	s29 =	rddreg [dreg:$0x11];
	[sflag:s20] =	ssyncadd.s32 $0xFFFFC000  }
0x1c4: {  	[spmem:s1] =	stream.indirect.scatter.add.f32 [tilespmem:s16], [sflag:$0x4], $0x80, s29, s15, $0xb8;
	[tilespmem:$0x1D000] =	vst v63  }
0x1c5: {  	_ =	swait.ge [sflag:s23], $0x4000  }
0x1c6: {  	[sflag:s23] =	ssyncset.done $0x0  }
0x1c7: {  	s30 =	rddreg [dreg:$0x12];
	[sflag:s23] =	ssyncadd.s32 $0xFFFFC000  }
0x1c8: {  	[tilespmem:s16], [sflag:$0x2] =	stream.indirect.gather [hbm4b:s4+s15], $0x80, s30, s15, $0xb8;
	[tilespmem:$0x1D000] =	vst v63  }
0x1c9: {  	_ =	swait.ge [sflag:s17], $0x4000  }
0x1ca: {  	p0 =	seq.s32 s26, $0x900;
	[sflag:s17] =	ssyncset.done $0x0  }
0x1cb: {  	s0 =	sadd.s32 @!p0 s26, s11;
	[sflag:s17] =	ssyncadd.s32 $0xFFFFC000  }
0x1cc: {  	[spmem:s1] =	stream.indirect.scatter.add.f32 [tilespmem:s18], [sflag:$0x3], $0x80, s22, s15, $0xb8;
	[tilespmem:$0x1D000] =	vst v63  }
0x1cd: {  	s26 =	sadd.s32 @!p0 s26, s8;
	s0 =	sadd.s32 @!p0 $0x100, s0;
	s2 =	simm.s32 @!p0 $0x0  }
0x1ce: {  	[tilespmem:s2], [sflag:$0x5] =	stream.linear.gather @!p0 [hbm4b:s0+s2], $0x400, $0x38;
	[tilespmem:$0x1D000] =	vst v63  }
0x1cf: {  	s0 =	sadd.s32 @!p0 $0x100, s26;
	s26 =	simm.s32 @!p0 $0x800  }
0x1d0: {  	[tilespmem:s26], [sflag:$0x5] =	stream.linear.gather @!p0 [hbm4b:s0+s2], $0x400, $0x38;
	[tilespmem:$0x1D000] =	vst v63  }
0x1d1: {  	_ =	swait.ge [sflag:s19], $0x4000  }
0x1d2: {  	[sflag:s19] =	ssyncset.done $0x0  }
0x1d3: {  	s31 =	rddreg [dreg:$0x13];
	[sflag:s19] =	ssyncadd.s32 $0xFFFFC000  }
0x1d4: {  	[tilespmem:s18], [sflag:$0x1] =	stream.indirect.gather [hbm4b:s4+s15], $0x80, s31, s15, $0xb8;
	[tilespmem:$0x1D000] =	vst v63  }
0x1d5: {  	_ =	swait.ge [sflag:s20], $0x4000  }
0x1d6: {  	[sflag:s20] =	ssyncset.done $0x0  }
0x1d7: {  	s2 =	rddreg [dreg:$0x14];
	[sflag:s20] =	ssyncadd.s32 $0xFFFFC000  }
0x1d8: {  	[spmem:s1] =	stream.indirect.scatter.add.f32 [tilespmem:s16], [sflag:$0x4], $0x80, s2, s15, $0xb8;
	[tilespmem:$0x1D000] =	vst v63  }
0x1d9: {  	_ =	swait.ge [sflag:s23], $0x4000  }
0x1da: {  	[sflag:s23] =	ssyncset.done $0x0  }
0x1db: {  	s26 =	rddreg [dreg:$0x15];
	[sflag:s23] =	ssyncadd.s32 $0xFFFFC000  }
0x1dc: {  	[tilespmem:s16], [sflag:$0x2] =	stream.indirect.gather [hbm4b:s4+s15], $0x80, s26, s15, $0xb8;
	[tilespmem:$0x1D000] =	vst v63  }
0x1dd: {  	_ =	swait.ge [sflag:s17], $0x4000  }
0x1de: {  	[sflag:s17] =	ssyncset.done $0x0  }
0x1df: {  	s28 =	rddreg [dreg:$0x16];
	[sflag:s17] =	ssyncadd.s32 $0xFFFFC000  }
0x1e0: {  	[spmem:s1] =	stream.indirect.scatter.add.f32 [tilespmem:s18], [sflag:$0x3], $0x80, s28, s15, $0xb8;
	[tilespmem:$0x1D000] =	vst v63  }
0x1e1: {  	_ =	swait.ge [sflag:s19], $0x4000  }
0x1e2: {  	[sflag:s19] =	ssyncset.done $0x0  }
0x1e3: {  	s29 =	rddreg [dreg:$0x17];
	[sflag:s19] =	ssyncadd.s32 $0xFFFFC000  }
0x1e4: {  	[tilespmem:s18], [sflag:$0x1] =	stream.indirect.gather [hbm4b:s4+s15], $0x80, s29, s15, $0xb8;
	[tilespmem:$0x1D000] =	vst v63  }
0x1e5: {  	_ =	swait.ge [sflag:s20], $0x4000  }
0x1e6: {  	[sflag:s20] =	ssyncset.done $0x0  }
0x1e7: {  	s30 =	rddreg [dreg:$0x18];
	[sflag:s20] =	ssyncadd.s32 $0xFFFFC000  }
0x1e8: {  	[spmem:s1] =	stream.indirect.scatter.add.f32 [tilespmem:s16], [sflag:$0x4], $0x80, s30, s15, $0xb8;
	[tilespmem:$0x1D000] =	vst v63  }
0x1e9: {  	_ =	swait.ge [sflag:s23], $0x4000  }
0x1ea: {  	[sflag:s23] =	ssyncset.done $0x0  }
0x1eb: {  	s31 =	rddreg [dreg:$0x19];
	[sflag:s23] =	ssyncadd.s32 $0xFFFFC000  }
0x1ec: {  	[tilespmem:s16], [sflag:$0x2] =	stream.indirect.gather [hbm4b:s4+s15], $0x80, s31, s15, $0xb8;
	[tilespmem:$0x1D000] =	vst v63  }
0x1ed: {  	_ =	swait.ge [sflag:s17], $0x4000  }
0x1ee: {  	[sflag:s17] =	ssyncset.done $0x0  }
0x1ef: {  	s2 =	rddreg [dreg:$0x1a];
	[sflag:s17] =	ssyncadd.s32 $0xFFFFC000  }
0x1f0: {  	[spmem:s1] =	stream.indirect.scatter.add.f32 [tilespmem:s18], [sflag:$0x3], $0x80, s2, s15, $0xb8;
	[tilespmem:$0x1D000] =	vst v63  }
0x1f1: {  	_ =	swait.ge [sflag:s19], $0x4000  }
0x1f2: {  	[sflag:s19] =	ssyncset.done $0x0  }
0x1f3: {  	s26 =	rddreg [dreg:$0x1b];
	[sflag:s19] =	ssyncadd.s32 $0xFFFFC000  }
0x1f4: {  	[tilespmem:s18], [sflag:$0x1] =	stream.indirect.gather [hbm4b:s4+s15], $0x80, s26, s15, $0xb8;
	[tilespmem:$0x1D000] =	vst v63  }
0x1f5: {  	_ =	swait.ge [sflag:s20], $0x4000  }
0x1f6: {  	[sflag:s20] =	ssyncset.done $0x0  }
0x1f7: {  	s28 =	rddreg [dreg:$0x1c];
	[sflag:s20] =	ssyncadd.s32 $0xFFFFC000  }
0x1f8: {  	[spmem:s1] =	stream.indirect.scatter.add.f32 [tilespmem:s16], [sflag:$0x4], $0x80, s28, s15, $0xb8;
	[tilespmem:$0x1D000] =	vst v63  }
0x1f9: {  	_ =	swait.ge [sflag:s23], $0x4000  }
0x1fa: {  	[sflag:s23] =	ssyncset.done $0x0  }
0x1fb: {  	s29 =	rddreg [dreg:$0x1d];
	[sflag:s23] =	ssyncadd.s32 $0xFFFFC000  }
0x1fc: {  	[tilespmem:s16], [sflag:$0x2] =	stream.indirect.gather [hbm4b:s4+s15], $0x80, s29, s15, $0xb8;
	[tilespmem:$0x1D000] =	vst v63  }
0x1fd: {  	_ =	swait.ge [sflag:s17], $0x4000  }
0x1fe: {  	[sflag:s17] =	ssyncset.done $0x0  }
0x1ff: {  	s30 =	rddreg [dreg:$0x1e];
	[sflag:s17] =	ssyncadd.s32 $0xFFFFC000  }
0x200: {  	[spmem:s1] =	stream.indirect.scatter.add.f32 [tilespmem:s18], [sflag:$0x3], $0x80, s30, s15, $0xb8;
	[tilespmem:$0x1D000] =	vst v63  }
0x201: {  	_ =	swait.ge [sflag:s20], $0x4000  }
0x202: {  	[sflag:s20] =	ssyncset.done $0x0  }
0x203: {  	s31 =	rddreg [dreg:$0x1f];
	[sflag:s20] =	ssyncadd.s32 $0xFFFFC000  }
0x204: {  	[spmem:s1] =	stream.indirect.scatter.add.f32 [tilespmem:s16], [sflag:$0x4], $0x80, s31, s15, $0xb8;
	[tilespmem:$0x1D000] =	vst v63  }
0x205: {  	_ =	swait.ge [sflag:s19], $0x4000  }
0x206: {  	[sflag:s19] =	ssyncset.done $0x0  }
0x207: {  	[sflag:s19] =	ssyncadd.s32 $0xFFFFC000  }
0x208: {  	_ =	swait.ge [sflag:s23], $0x4000  }
0x209: {  	s25 =	sadd.s32 $0x1, s25;
	[sflag:s23] =	ssyncset.done $0x0  }
0x20a: {  	p0 =	sne.s32 s25, s10;
	[sflag:s23] =	ssyncadd.s32 $0xFFFFC000  }
.Ltmp1:
0x20b: {  	[bflag:$0x0] =	sbarrier.arrive $0xFFFF;
	(pc) =	sbr.rel @p0 .LBB2_1-.Ltmp1, $4  }
0x20c: {  	[hbm:s9], [sflag:s6] =	dma.local [spmem:s12], $0x2800  }
0x20d: {  	_ =	swait.ge [sflag:s13], $0x2800  }
0x20e: {  	[sflag:s13] =	ssyncset.done $0x0  }
0x20f: {  	[sflag:s13] =	ssyncadd.s32 $0xFFFFD800  }
0x210: {  	_ =	sfence.sel $0x180000  }
0x211: {  	[bflag:$0x0] =	sbarrier.arrive $0xFFFF  }
0x212: {  	_ =	strace $0x9000004A  }
0x213: {  	s0 =	stileid.u32;
	[bflag:$0x2] =	sbarrier.arrive $0xFFFF  }
0x214: {  	p0 =	sne.s32 s0, $0x0;
	s0 =	rddreg [dreg:$0x4]  }
0x215: {  	s0 =	sadd.s32 @!p0 $0x100000, s0  }
0x216: {  	[sflag:s0] =	ssyncadd.tile.s32 @!p0 $0x1;
	_ =	shalt  }
.Lfunc_end2:
_tile_overlayer_lowered:
.L_overlay_start_2:
0x217: {  	(tag) =	ssettag $0x2  }
0x218: {  	s0 =	rddreg [dreg:$0x0];
	s2 =	stileid.u32  }
0x219: {  	s1 =	rddreg [dreg:$0x1];
	p0 =	sne.s32 s2, $0x0  }
0x21a: {  	s3 =	rddreg [dreg:$0x2];
	[bflag:$0x3] =	sbarrier.arrive $0xFFFF;
	s2 =	simm.s32 @!p0 $0x1C07  }
0x21b: {  	[timem:s3], [sflag:s2] =	dma.local @!p0 [hbm:s0], s1  }
0x21c: {  	s0 =	simm.s32 @!p0 $0x7  }
0x21d: {  	_ =	swait.ge @!p0 [sflag:s0], s1  }
0x21e: {  	s1 =	ssub.s32 @!p0 $0x0, s1;
	[sflag:s0] =	ssyncset.done @!p0 $0x0  }
0x21f: {  	[sflag:s0] =	ssyncadd.s32 @!p0 s1  }
0x220: {  	[bflag:$0x3] =	sbarrier.arrive $0xFFFF  }
0x221: {  	_ =	shalt  }

// kernel: kernel.16.cloned.1.call-start
scs
__scs_entry_jumppad:
0x0: {  	(pc) =	sbr.rel $0x88, $3  }
0x1: {  	(tag) =	ssettag $0x0;
	lr =	simm.s32 $0x1  }
0x2: {  	[smem:$0x3F96] =	sst lr;
	_ =	strace $0xD0000000  }
0x3: {  	_ = 	snop  }
0x4: {  	_ = 	snop  }
0x5: {  	_ = 	snop  }
0x6: {  	_ = 	snop  }
0x7: {  	_ = 	snop  }
__scs_overlays_trampoline_lowered:
0x8: {  	[smem:$0x3FA5] =	sst s0  }
0x9: {  	[smem:$0x3FA6] =	sst s1  }
0xa: {  	[smem:$0x3FA7] =	sst s2  }
0xb: {  	[smem:$0x3FA8] =	sst s3  }
0xc: {  	[smem:$0x3FA9] =	sst s4  }
0xd: {  	[smem:$0x3FAA] =	sst s5  }
0xe: {  	[smem:$0x3FAB] =	sst s6  }
0xf: {  	[smem:$0x3FAC] =	sst s7  }
0x10: {  	[smem:$0x3FAD] =	sst s8  }
0x11: {  	[smem:$0x3FAE] =	sst s9;
	s0 =	simm.s32 @!p0 $0x0  }
0x12: {  	s1 =	sld [smem:$0x3F94];
	s0 =	simm.s32 @p0 $0x1  }
0x13: {  	[smem:$0x3FAF] =	sst s0;
	s0 =	simm.s32 @!p1 $0x0  }
0x14: {  	s2 =	sld [smem:$0x3F93];
	s0 =	simm.s32 @p1 $0x1  }
0x15: {  	[smem:$0x3FB0] =	sst s0;
	s0 =	simm.s32 @!p2 $0x0  }
0x16: {  	s3 =	sld [smem:$0x3FDB];
	s0 =	simm.s32 @p2 $0x1  }
0x17: {  	s4 =	simm.s32 $0x1BF5;
	[smem:$0x3FB2] =	sst s0  }
0x18: {  	s0 =	sld [smem:$0x3F95];
	_ =	swait.ge [sflag:s4], $0x0  }
0x19: {  	s7 =	sld [smem:$0x3F96]  }
0x1a: {  	s8 =	sadd.s32 $0xFFFFE003, lr  }
0x1b: {  	s9 =	sadd.s32 $0xFFFFFEF7, lr;
	s5 =	simm.s32 $0xFFFFFFFF;
	p2 =	slt.u32 s8, $0xFFFFF086  }
0x1c: {  	p1 =	slt.u32 s9, $0xF7A;
	s5 =	simm.s32 @!p2 $0x0  }
0x1d: {  	s5 =	simm.s32 @p1 $0x1;
	p0 =	seq.s32 s7, s2  }
0x1e: {  	s7 =	smul.u32 @!p0 $0xF7A, s2;
	p2 =	seq.s32 @!p0 s5, $0x0  }
0x1f: {  	s9 =	smul.u32 $0xF7A, s1;
	s8 =	simm.s32 @!p0 $0x1BF5;
	p2 =	por !p2, p0  }
0x20: {  	[sflag:s8] =	ssyncset.s32 @!p0 $0xFFFFF086;
	s6 =	sadd.s32 @!p0 s3, s7;
	s7 =	simm.s32 @!p0 $0x108  }
0x21: {  	s3 =	sadd.s32 s3, s9;
	s6 =	sadd.s32 @!p0 $0x88, s6;
	s7 =	simm.s32 @p2 $0x1082  }
0x22: {  	[simem:s7], [sflag:s8] =	dma.local @!p0 [hbm:s6], $0xF7A  }
0x23: {  	s9 =	sor.u32 $0xD0000000, s2;
	s6 =	simm.s32 $0x108;
	_ =	swait.ge @!p0 [sflag:s8], $0x0  }
0x24: {  	s3 =	sadd.s32 $0x88, s3;
	s6 =	simm.s32 @!p1 $0x1082;
	[sflag:s4] =	ssyncset.s32 $0xFFFFF086  }
0x25: {  	[simem:s6], [sflag:s4] =	dma.local [hbm:s3], $0xF7A  }
0x26: {  	[smem:$0x3F96] =	sst s1;
	(tag) =	ssettag s2;
	_ =	strace s9  }
0x27: {  	s1 =	sld [smem:$0x3FA6]  }
0x28: {  	s2 =	sld [smem:$0x3FA7]  }
0x29: {  	s4 =	sld [smem:$0x3FA9]  }
0x2a: {  	p0 =	seq.s32 s5, $0x0;
	s5 =	sld [smem:$0x3FAA]  }
0x2b: {  	s6 =	sld [smem:$0x3FAB]  }
0x2c: {  	s7 =	sld [smem:$0x3FAC]  }
0x2d: {  	s3 =	simm.s32 $0x108;
	s8 =	sld [smem:$0x3FAD]  }
0x2e: {  	s3 =	simm.s32 @!p0 $0x1082;
	s9 =	sld [smem:$0x3FAE]  }
0x2f: {  	lr =	sadd.s32 s0, s3;
	s0 =	sld [smem:$0x3FA5]  }
0x30: {  	s3 =	sld [smem:$0x3FA8]  }
0x31: {  	[smem:$0x3FB1] =	sst s10  }
0x32: {  	s10 =	sld [smem:$0x3FAF];
	_ =	sdelay $0x3  }
0x33: {  	p0 =	seq.s32 s10, $0x1;
	s10 =	sld [smem:$0x3FB1];
	_ =	sdelay $0x3  }
0x34: {  	[smem:$0x3FB1] =	sst s10  }
0x35: {  	s10 =	sld [smem:$0x3FB0];
	_ =	sdelay $0x3  }
0x36: {  	p1 =	seq.s32 s10, $0x1;
	s10 =	sld [smem:$0x3FB1];
	_ =	sdelay $0x3  }
0x37: {  	[smem:$0x3FB1] =	sst s10  }
0x38: {  	s10 =	sld [smem:$0x3FB2]  }
0x39: {  	_ = 	snop;
	(pc) =	sbr.ind lr, $3  }
0x3a: {  	_ = 	snop  }
0x3b: {  	_ = 	snop  }
0x3c: {  	p2 =	seq.s32 s10, $0x1;
	s10 =	sld [smem:$0x3FB1]  }
0x3d: {  	_ =	shalt  }
0x3e: {  	_ =	shalt  }
0x3f: {  	_ =	shalt  }
0x40: {  	_ =	shalt  }
0x41: {  	_ =	shalt  }
0x42: {  	_ =	shalt  }
0x43: {  	_ =	shalt  }
0x44: {  	_ =	shalt  }
0x45: {  	_ =	shalt  }
0x46: {  	_ =	shalt  }
0x47: {  	_ =	shalt  }
0x48: {  	_ =	shalt  }
0x49: {  	_ =	shalt  }
0x4a: {  	_ =	shalt  }
0x4b: {  	_ =	shalt  }
0x4c: {  	_ =	shalt  }
0x4d: {  	_ =	shalt  }
0x4e: {  	_ =	shalt  }
0x4f: {  	_ =	shalt  }
0x50: {  	_ =	shalt  }
0x51: {  	_ =	shalt  }
0x52: {  	_ =	shalt  }
0x53: {  	_ =	shalt  }
0x54: {  	_ =	shalt  }
0x55: {  	_ =	shalt  }
0x56: {  	_ =	shalt  }
0x57: {  	_ =	shalt  }
0x58: {  	_ =	shalt  }
0x59: {  	_ =	shalt  }
0x5a: {  	_ =	shalt  }
0x5b: {  	_ =	shalt  }
0x5c: {  	_ =	shalt  }
0x5d: {  	_ =	shalt  }
0x5e: {  	_ =	shalt  }
0x5f: {  	_ =	shalt  }
0x60: {  	_ =	shalt  }
0x61: {  	_ =	shalt  }
0x62: {  	_ =	shalt  }
0x63: {  	_ =	shalt  }
0x64: {  	_ =	shalt  }
0x65: {  	_ =	shalt  }
0x66: {  	_ =	shalt  }
0x67: {  	_ =	shalt  }
0x68: {  	_ =	shalt  }
0x69: {  	_ =	shalt  }
0x6a: {  	_ =	shalt  }
0x6b: {  	_ =	shalt  }
0x6c: {  	_ =	shalt  }
0x6d: {  	_ =	shalt  }
0x6e: {  	_ =	shalt  }
0x6f: {  	_ =	shalt  }
0x70: {  	_ =	shalt  }
0x71: {  	_ =	shalt  }
0x72: {  	_ =	shalt  }
0x73: {  	_ =	shalt  }
0x74: {  	_ =	shalt  }
0x75: {  	_ =	shalt  }
0x76: {  	_ =	shalt  }
0x77: {  	_ =	shalt  }
0x78: {  	_ =	shalt  }
0x79: {  	_ =	shalt  }
0x7a: {  	_ =	shalt  }
0x7b: {  	_ =	shalt  }
0x7c: {  	_ =	shalt  }
0x7d: {  	_ =	shalt  }
0x7e: {  	_ =	shalt  }
0x7f: {  	_ =	shalt  }
0x80: {  	_ =	shalt  }
0x81: {  	_ =	shalt  }
0x82: {  	_ =	shalt  }
0x83: {  	_ =	shalt  }
0x84: {  	_ =	shalt  }
0x85: {  	_ =	shalt  }
0x86: {  	_ =	shalt  }
0x87: {  	_ =	shalt  }
.Lfunc_end0:
.L_simem_size_0:
called_computation.2_lowered:
.L_overlay_start_0:
0x88: {  	s2 =	sld [smem:$0x3FD9]  }
0x89: {  	s3 =	sld [smem:$0x3FFE];
	_ =	sdelay $0x1  }
0x8a: {  	s1 =	srdreg.scid  }
0x8b: {  	s0 =	sand.u32 $0x1, s1  }
0x8c: {  	s14 =	sshll.u32 s0, $0xA;
	s2 =	sadd.s32 s3, s2  }
0x8d: {  	s2 =	sadd.s32 s2, s14  }
0x8e: {  	[smem:$0x3FBD] =	sst s2  }
0x8f: {  	_ = 	snop  }
0x90: {  	s2 =	sld [smem:$0x3FD0];
	_ =	sdelay $0x2  }
0x91: {  	s15 =	simm.s32 $0xA;
	s4 =	simm.s32 $0x10  }
0x92: {  	[smem:s4], [sflag:s15] =	dma.local [hbm:s2], $0x1  }
0x93: {  	_ =	swait.eq [sflag:s15], $0x1  }
0x94: {  	[sflag:s15] =	ssyncset.done $0x0  }
0x95: {  	s16 =	sld [smem:$0x10];
	[sflag:s15] =	ssyncadd.s32 $0xFFFFFFFF  }
0x96: {  	s17 =	sld [smem:$0x12];
	(tm) =	ssettm $0x1  }
0x97: {  	s18 =	sld [smem:$0x3FFB];
	_ =	sdelay $0x3  }
0x98: {  	_ =	strace s18  }
0x99: {  	s4 =	sld [smem:$0x3FFC];
	_ =	sdelay $0x3  }
0x9a: {  	_ =	strace s4  }
0x9b: {  	s4 =	sld [smem:$0x3FFD];
	_ =	sdelay $0x3  }
0x9c: {  	_ =	strace s4  }
0x9d: {  	_ =	strace $0x8FFFFFFF  }
0x9e: {  	s19 =	sld [smem:$0x3FDB];
	_ =	sdelay $0x1  }
0x9f: {  	s5 =	simm.s32 $_scs_section_size  }
0xa0: {  	s6 =	simm.s32 $_size__tile_overlayer_lowered;
	s7 =	simm.s32 $_tile_overlayer_lowered  }
0xa1: {  	s22 =	simm.s32 $0x1BFF;
	s21 =	sshll.u32 s7, $0x1;
	s4 =	sadd.s32 s5, s19  }
0xa2: {  	s8 =	simm.s32 $0x0;
	s20 =	sshll.u32 s6, $0x1;
	s6 =	sadd.s32 s21, s4  }
0xa3: {  	[timem:s8], [sflag:s22] =	dma.local [hbm:s6], s20  }
0xa4: {  	_ =	swait.ge [sflag:s22], s20  }
0xa5: {  	s5 =	ssub.s32 $0x0, s20;
	[sflag:s22] =	ssyncset.done $0x0  }
0xa6: {  	[sflag:s22] =	ssyncadd.s32 s5;
	_ =	sdelay $0x1  }
0xa7: {  	s23 =	simm.s32 $0x1B8B  }
0xa8: {  	_ =	swait.ge [sflag:s23], $0x1  }
0xa9: {  	[sflag:s23] =	ssyncset.done $0x0  }
0xaa: {  	s25 =	simm.s32 $0x1B8E;
	s24 =	sld [smem:$0x3FFE];
	[sflag:s23] =	ssyncadd.s32 $0xFFFFFFFF  }
0xab: {  	s26 =	simm.s32 $execute0_lowered;
	[smem:$0x3FD2] =	sst s25  }
0xac: {  	s6 =	sshll.u32 s26, $0x1;
	_ =	strace $0x8000004C;
	[dreg:$0x1] =	wrdreg $0xFFFFFFFF  }
0xad: {  	s28 =	simm.s32 $_size_execute0_lowered;
	s4 =	sadd.s32 s4, s6;
	[dreg:$0x0] =	wrdreg $0x0  }
0xae: {  	s6 =	sshll.u32 s28, $0x1;
	[dreg:$0x2] =	wrdreg s4  }
0xaf: {  	[dreg:$0x3] =	wrdreg s6  }
0xb0: {  	[dreg:$0x4] =	wrdreg $0xC0  }
0xb1: {  	_ =	task [dreg:s8], $0x5FFFF  }
0xb2: {  	[dreg:$0x1] =	wrdreg $0xFFFFFFFF  }
0xb3: {  	[dreg:$0x0] =	wrdreg $0x60  }
0xb4: {  	[dreg:$0x2] =	wrdreg s24  }
0xb5: {  	[dreg:$0x3] =	wrdreg s17  }
0xb6: {  	[dreg:$0x4] =	wrdreg s16  }
0xb7: {  	[dreg:$0x5] =	wrdreg $0x90000  }
0xb8: {  	[dreg:$0x6] =	wrdreg $0x9  }
0xb9: {  	_ =	task.clear_ibuf [dreg:s8], $0x7FFFF;
	_ =	strace $0x9000004C  }
0xba: {  	s29 =	simm.s32 $0x9;
	_ =	strace $0x8000004E  }
0xbb: {  	_ =	swait.ge [sflag:s29], $0x1  }
0xbc: {  	[sflag:s29] =	ssyncadd.s32 $0xFFFFFFFF  }
0xbd: {  	_ =	strace $0x9000004E  }
0xbe: {  	_ =	sfence  }
0xbf: {  	s30 =	sld [smem:$0x0];
	_ =	sdelay $0x2  }
0xc0: {  	s31 =	sshll.u32 s1, $0xD;
	s1 =	sshrl.u32 s1, $0x2  }
0xc1: {  	s3 =	sand.u32 $0x4000, s31;
	s1 =	sadd.s32 s1, s30  }
0xc2: {  	s0 =	sor.u32 s3, s0;
	s1 =	sshll.u32 s1, $0x11  }
0xc3: {  	s0 =	sor.u32 s1, s0  }
0xc4: {  	s0 =	sadd.s32 $0x8F2B, s0  }
0xc5: {  	[sflag:s0] =	ssyncadd.remote.s32 $0x1  }
0xc6: {  	_ =	sfence.sel $0xFFFF  }
0xc7: {  	[dreg:$0x0] =	wrdreg $0xFFFFFFFF;
	(pc) =	sbr.abs _section_cstart, $3  }
0xc8: {  	[dreg:$0x1] =	wrdreg $0xFFFFFFFF  }
0xc9: {  	_ =	task.clear_ibuf [dreg:s8], $0x2FFFF;
	_ =	strace $0x9FFFFFFF  }
0xca: {  	(tm) =	ssettm $0x7FFFFFFF  }
0xcb: {  	_ =	shalt  }
tec
execute0_lowered:
.L_overlay_start_1:
0x0: {  	(tag) =	ssettag $0x1  }
0x1: {  	s5 =	rddreg [dreg:$0x0]  }
0x2: {  	s11 =	rddreg [dreg:$0x1]  }
0x3: {  	s8 =	rddreg [dreg:$0x2]  }
0x4: {  	s1 =	rddreg [dreg:$0x3];
	s2 =	srdreg.scid;
	s3 =	simm.s32 $0x0  }
0x5: {  	s0 =	stileid.u32;
	s28 =	simm.s32 $0x100;
	s30 =	simm.s32 $0x880  }
0x6: {  	s16 =	simm.s32 $0x200;
	s17 =	simm.s32 $0x980;
	[smem:$0x7FF] =	sst s3  }
0x7: {  	s18 =	simm.s32 $0x280;
	_ =	strace $0x8000004D;
	[dreg:$0x5] =	wrdreg s28  }
0x8: {  	s10 =	sand.u32 $0x1, s2;
	s2 =	simm.s32 $0x180;
	[dreg:$0x6] =	wrdreg s30  }
0x9: {  	s20 =	simm.s32 $0xA00;
	s7 =	smul.u32 $0x280, s0;
	[dreg:$0x7] =	wrdreg s2  }
0xa: {  	s21 =	simm.s32 $0x300;
	s12 =	smul.u32 $0xA0, s0;
	[dreg:$0x9] =	wrdreg s16  }
0xb: {  	s22 =	simm.s32 $0x380;
	s14 =	smul.u32 $0x50000, s0;
	[dreg:$0xa] =	wrdreg s17  }
0xc: {  	s24 =	simm.s32 $0xB00;
	s19 =	smul.u32 $0xA00, s0;
	[dreg:$0xb] =	wrdreg s18  }
0xd: {  	s4 =	sadd.s32 $0x3A00, s5;
	s6 =	smul.u32 $0x2800, s10;
	[dreg:$0xc] =	wrdreg s20  }
0xe: {  	s25 =	smul.u32 $0xA00, s10;
	s9 =	ssub.s32 $0x2, s10;
	[dreg:$0xd] =	wrdreg s21  }
0xf: {  	s16 =	simm.s32 $0xA80;
	s23 =	smul.u32 $0xA000, s10;
	[dreg:$0xf] =	wrdreg s22  }
0x10: {  	[dreg:$0x10] =	wrdreg s24;
	s28 =	simm.s32 $0x500;
	s30 =	simm.s32 $0x580  }
0x11: {  	s17 =	simm.s32 $0x600;
	s18 =	simm.s32 $0xD80;
	[dreg:$0xe] =	wrdreg s16  }
0x12: {  	s20 =	simm.s32 $0xE00;
	s21 =	simm.s32 $0x700;
	[dreg:$0x13] =	wrdreg s28  }
0x13: {  	s22 =	simm.s32 $0xE80;
	s24 =	simm.s32 $0xF00;
	[dreg:$0x15] =	wrdreg s30  }
0x14: {  	s26 =	sshrl.u32 s9, $0x1;
	s29 =	sshrl.u32 s14, $0x2;
	[dreg:$0x17] =	wrdreg s17  }
0x15: {  	s14 =	sshll.u32 s0, $0x6;
	s8 =	sadd.s32 s8, s19;
	[dreg:$0x18] =	wrdreg s18  }
0x16: {  	s16 =	simm.s32 $0x5000;
	s17 =	simm.s32 $0x1;
	[dreg:$0x1a] =	wrdreg s20  }
0x17: {  	s18 =	simm.s32 $0x1000;
	s20 =	simm.s32 $0x2;
	[dreg:$0x1b] =	wrdreg s21  }
0x18: {  	s21 =	simm.s32 $0x400;
	[dreg:$0x1c] =	wrdreg s22;
	s22 =	simm.s32 $0xC00  }
0x19: {  	[dreg:$0x1e] =	wrdreg s24;
	s24 =	simm.s32 $0x6;
	s6 =	sadd.s32 s7, s6  }
0x1a: {  	s15 =	ssub.s32 s9, s26;
	s7 =	sadd.s32 s12, s25;
	s9 =	simm.s32 $0x900  }
0x1b: {  	s31 =	sadd.s32 s29, s1;
	s25 =	simm.s32 $0xB80;
	[dreg:$0x8] =	wrdreg s9  }
0x1c: {  	s26 =	simm.s32 $0x480;
	s29 =	simm.s32 $0xC80;
	[dreg:$0x11] =	wrdreg s25  }
0x1d: {  	s6 =	sshll.u32 s6, $0x4;
	s7 =	sshll.u32 s7, $0x4;
	[dreg:$0x12] =	wrdreg s26  }
0x1e: {  	s10 =	smax.u32 s15, $0x1;
	s12 =	sshrl.u32 s31, $0x3;
	[dreg:$0x14] =	wrdreg s29  }
0x1f: {  	s31 =	simm.s32 $0xD00;
	s15 =	simm.s32 $0x80;
	s25 =	simm.s32 $0xF80  }
0x20: {  	s13 =	sadd.s32 s6, s5;
	s5 =	sadd.s32 s4, s6;
	s6 =	sor.u32 $0x1C07, s14  }
0x21: {  	s7 =	sadd.s32 s11, s7;
	s11 =	sadd.s32 s23, s11;
	[dreg:$0x16] =	wrdreg s31  }
0x22: {  	s14 =	simm.s32 $0x800;
	s23 =	simm.s32 $0x780;
	[dreg:$0x1f] =	wrdreg s25  }
0x23: {  	s25 =	simm.s32 $0x0;
	s9 =	sadd.s32 $0x53A00, s13;
	s11 =	sadd.s32 s19, s11  }
0x24: {  	s13 =	simm.s32 $0x7;
	s19 =	simm.s32 $0x680;
	[dreg:$0x1d] =	wrdreg s23  }
0x25: {  	s23 =	simm.s32 $0x4;
	[dreg:$0x19] =	wrdreg s19;
	s19 =	simm.s32 $0x3  }
.LBB2_1:
0x26: {  	[spmem:s12], [sflag:s6] =	dma.local [hbm:s5], $0x2800  }
0x27: {  	_ =	swait.ge [sflag:s13], $0x2800  }
0x28: {  	[sflag:s13] =	ssyncset.done $0x0  }
0x29: {  	p0 =	por $0x1, $0x1;
	[sflag:s13] =	ssyncadd.s32 $0xFFFFD800  }
0x2a: {  	[tilespmem:s3], [sflag:$0x5] =	stream.linear.gather [hbm4b:s7+s3], $0x400, $0x38;
	[tilespmem:$0x1D000] =	vst v63  }
0x2b: {  	p0 =	por p0, p0  }
0x2c: {  	[tilespmem:s14], [sflag:$0x5] =	stream.linear.gather [hbm4b:s8+s3], $0x400, $0x38;
	[tilespmem:$0x1D000] =	vst v63  }
0x2d: {  	s26 =	simm.s32 @p0 $0x5;
	[bflag:$0x0] =	sbarrier.arrive $0xFFFF  }
0x2e: {  	_ =	swait.ge @p0 [sflag:s26], $0x400  }
0x2f: {  	[sflag:s26] =	ssyncset.done @p0 $0x0  }
0x30: {  	[sflag:s26] =	ssyncadd.s32 @p0 $0xFFFFFC00  }
0x31: {  	_ =	swait.ge @p0 [sflag:s26], $0x400  }
0x32: {  	s28 =	simm.s32 @p0 $0x1000;
	[sflag:s26] =	ssyncset.done @p0 $0x0  }
0x33: {  	s29 =	simm.s32 @p0 $0x0;
	[sflag:s26] =	ssyncadd.s32 @p0 $0xFFFFFC00;
	s26 =	simm.s32 @p0 $0x80  }
0x34: {  	[tilespmem:s28], [sflag:$0x1] =	stream.indirect.gather @p0 [hbm4b:s4+s26], $0x80, s29, s26, $0xb8;
	[tilespmem:$0x1D000] =	vst v63  }
0x35: {  	s26 =	simm.s32 @!p0 $0x3  }
0x36: {  	_ =	swait.ge @!p0 [sflag:s26], $0x4000  }
0x37: {  	[sflag:s26] =	ssyncset.done @!p0 $0x0  }
0x38: {  	[sflag:s26] =	ssyncadd.s32 @!p0 $0xFFFFC000;
	s26 =	simm.s32 @!p0 $0x5  }
0x39: {  	_ =	swait.ge @!p0 [sflag:s26], $0x400  }
0x3a: {  	[sflag:s26] =	ssyncset.done @!p0 $0x0  }
0x3b: {  	[sflag:s26] =	ssyncadd.s32 @!p0 $0xFFFFFC00  }
0x3c: {  	_ =	swait.ge @!p0 [sflag:s26], $0x400  }
0x3d: {  	s28 =	simm.s32 @!p0 $0x1000;
	[sflag:s26] =	ssyncset.done @!p0 $0x0  }
0x3e: {  	s29 =	simm.s32 @!p0 $0x0;
	[sflag:s26] =	ssyncadd.s32 @!p0 $0xFFFFFC00;
	s26 =	simm.s32 @!p0 $0x80  }
0x3f: {  	[tilespmem:s28], [sflag:$0x1] =	stream.indirect.gather @!p0 [hbm4b:s4+s26], $0x80, s29, s26, $0xb8;
	[tilespmem:$0x1D000] =	vst v63  }
0x40: {  	s26 =	simm.s32 @!p0 $0x4  }
0x41: {  	_ =	swait.ge @!p0 [sflag:s26], $0x4000  }
0x42: {  	[sflag:s26] =	ssyncset.done @!p0 $0x0  }
0x43: {  	[sflag:s26] =	ssyncadd.s32 @!p0 $0xFFFFC000  }
0x44: {  	[tilespmem:s16], [sflag:$0x2] =	stream.indirect.gather [hbm4b:s4+s15], $0x80, s15, s15, $0xb8;
	[tilespmem:$0x1D000] =	vst v63  }
0x45: {  	_ =	swait.ge [sflag:s17], $0x4000  }
0x46: {  	[sflag:s17] =	ssyncset.done $0x0  }
0x47: {  	[sflag:s17] =	ssyncadd.s32 $0xFFFFC000  }
0x48: {  	[spmem:s1] =	stream.indirect.scatter.add.f32 [tilespmem:s18], [sflag:$0x3], $0x80, s14, s15, $0xb8;
	[tilespmem:$0x1D000] =	vst v63  }
0x49: {  	_ =	swait.ge [sflag:s19], $0x4000  }
0x4a: {  	[sflag:s19] =	ssyncset.done $0x0  }
0x4b: {  	s0 =	rddreg [dreg:$0x5];
	[sflag:s19] =	ssyncadd.s32 $0xFFFFC000  }
0x4c: {  	[tilespmem:s18], [sflag:$0x1] =	stream.indirect.gather [hbm4b:s4+s15], $0x80, s0, s15, $0xb8;
	[tilespmem:$0x1D000] =	vst v63  }
0x4d: {  	_ =	swait.ge [sflag:s20], $0x4000  }
0x4e: {  	[sflag:s20] =	ssyncset.done $0x0  }
0x4f: {  	s28 =	sadd.s32 $0x0, s11;
	s2 =	rddreg [dreg:$0x6];
	[sflag:s20] =	ssyncadd.s32 $0xFFFFC000  }
0x50: {  	[spmem:s1] =	stream.indirect.scatter.add.f32 [tilespmem:s16], [sflag:$0x4], $0x80, s2, s15, $0xb8;
	[tilespmem:$0x1D000] =	vst v63  }
0x51: {  	s29 =	sadd.s32 $0x80, s28;
	s28 =	sadd.s32 $0x0, s8  }
0x52: {  	[tilespmem:s21], [sflag:$0x6] =	stream.linear.gather [hbm4b:s29+s3], $0x400, $0x38;
	[tilespmem:$0x1D000] =	vst v63  }
0x53: {  	s31 =	sadd.s32 $0x80, s28  }
0x54: {  	[tilespmem:s22], [sflag:$0x6] =	stream.linear.gather [hbm4b:s31+s3], $0x400, $0x38;
	[tilespmem:$0x1D000] =	vst v63  }
0x55: {  	_ =	swait.ge [sflag:s23], $0x4000  }
0x56: {  	[sflag:s23] =	ssyncset.done $0x0  }
0x57: {  	s0 =	rddreg [dreg:$0x7];
	[sflag:s23] =	ssyncadd.s32 $0xFFFFC000  }
0x58: {  	[tilespmem:s16], [sflag:$0x2] =	stream.indirect.gather [hbm4b:s4+s15], $0x80, s0, s15, $0xb8;
	[tilespmem:$0x1D000] =	vst v63  }
0x59: {  	_ =	swait.ge [sflag:s17], $0x4000  }
0x5a: {  	[sflag:s17] =	ssyncset.done $0x0  }
0x5b: {  	s2 =	rddreg [dreg:$0x8];
	[sflag:s17] =	ssyncadd.s32 $0xFFFFC000  }
0x5c: {  	[spmem:s1] =	stream.indirect.scatter.add.f32 [tilespmem:s18], [sflag:$0x3], $0x80, s2, s15, $0xb8;
	[tilespmem:$0x1D000] =	vst v63  }
0x5d: {  	_ =	swait.ge [sflag:s19], $0x4000  }
0x5e: {  	[sflag:s19] =	ssyncset.done $0x0  }
0x5f: {  	s29 =	rddreg [dreg:$0x9];
	[sflag:s19] =	ssyncadd.s32 $0xFFFFC000  }
0x60: {  	[tilespmem:s18], [sflag:$0x1] =	stream.indirect.gather [hbm4b:s4+s15], $0x80, s29, s15, $0xb8;
	[tilespmem:$0x1D000] =	vst v63  }
0x61: {  	_ =	swait.ge [sflag:s20], $0x4000  }
0x62: {  	[sflag:s20] =	ssyncset.done $0x0  }
0x63: {  	s31 =	rddreg [dreg:$0xa];
	[sflag:s20] =	ssyncadd.s32 $0xFFFFC000  }
0x64: {  	[spmem:s1] =	stream.indirect.scatter.add.f32 [tilespmem:s16], [sflag:$0x4], $0x80, s31, s15, $0xb8;
	[tilespmem:$0x1D000] =	vst v63  }
0x65: {  	_ =	swait.ge [sflag:s23], $0x4000  }
0x66: {  	[sflag:s23] =	ssyncset.done $0x0  }
0x67: {  	s0 =	rddreg [dreg:$0xb];
	[sflag:s23] =	ssyncadd.s32 $0xFFFFC000  }
0x68: {  	[tilespmem:s16], [sflag:$0x2] =	stream.indirect.gather [hbm4b:s4+s15], $0x80, s0, s15, $0xb8;
	[tilespmem:$0x1D000] =	vst v63  }
0x69: {  	_ =	swait.ge [sflag:s17], $0x4000  }
0x6a: {  	[sflag:s17] =	ssyncset.done $0x0  }
0x6b: {  	s2 =	rddreg [dreg:$0xc];
	[sflag:s17] =	ssyncadd.s32 $0xFFFFC000  }
0x6c: {  	[spmem:s1] =	stream.indirect.scatter.add.f32 [tilespmem:s18], [sflag:$0x3], $0x80, s2, s15, $0xb8;
	[tilespmem:$0x1D000] =	vst v63  }
0x6d: {  	_ =	swait.ge [sflag:s19], $0x4000  }
0x6e: {  	[sflag:s19] =	ssyncset.done $0x0  }
0x6f: {  	s29 =	rddreg [dreg:$0xd];
	[sflag:s19] =	ssyncadd.s32 $0xFFFFC000  }
0x70: {  	[tilespmem:s18], [sflag:$0x1] =	stream.indirect.gather [hbm4b:s4+s15], $0x80, s29, s15, $0xb8;
	[tilespmem:$0x1D000] =	vst v63  }
0x71: {  	_ =	swait.ge [sflag:s20], $0x4000  }
0x72: {  	[sflag:s20] =	ssyncset.done $0x0  }
0x73: {  	s31 =	rddreg [dreg:$0xe];
	[sflag:s20] =	ssyncadd.s32 $0xFFFFC000  }
0x74: {  	[spmem:s1] =	stream.indirect.scatter.add.f32 [tilespmem:s16], [sflag:$0x4], $0x80, s31, s15, $0xb8;
	[tilespmem:$0x1D000] =	vst v63  }
0x75: {  	_ =	swait.ge [sflag:s23], $0x4000  }
0x76: {  	[sflag:s23] =	ssyncset.done $0x0  }
0x77: {  	s0 =	rddreg [dreg:$0xf];
	[sflag:s23] =	ssyncadd.s32 $0xFFFFC000  }
0x78: {  	[tilespmem:s16], [sflag:$0x2] =	stream.indirect.gather [hbm4b:s4+s15], $0x80, s0, s15, $0xb8;
	[tilespmem:$0x1D000] =	vst v63  }
0x79: {  	_ =	swait.ge [sflag:s17], $0x4000  }
0x7a: {  	[sflag:s17] =	ssyncset.done $0x0  }
0x7b: {  	s2 =	rddreg [dreg:$0x10];
	[sflag:s17] =	ssyncadd.s32 $0xFFFFC000  }
0x7c: {  	[spmem:s1] =	stream.indirect.scatter.add.f32 [tilespmem:s18], [sflag:$0x3], $0x80, s2, s15, $0xb8;
	[tilespmem:$0x1D000] =	vst v63  }
0x7d: {  	_ =	swait.ge [sflag:s19], $0x4000  }
0x7e: {  	[sflag:s19] =	ssyncset.done $0x0  }
0x7f: {  	[sflag:s19] =	ssyncadd.s32 $0xFFFFC000  }
0x80: {  	_ =	swait.ge [sflag:s24], $0x400  }
0x81: {  	[sflag:s24] =	ssyncset.done $0x0  }
0x82: {  	[sflag:s24] =	ssyncadd.s32 $0xFFFFFC00  }
0x83: {  	_ =	swait.ge [sflag:s24], $0x400  }
0x84: {  	[sflag:s24] =	ssyncset.done $0x0  }
0x85: {  	[sflag:s24] =	ssyncadd.s32 $0xFFFFFC00  }
0x86: {  	[tilespmem:s18], [sflag:$0x1] =	stream.indirect.gather [hbm4b:s4+s15], $0x80, s21, s15, $0xb8;
	[tilespmem:$0x1D000] =	vst v63  }
0x87: {  	_ =	swait.ge [sflag:s20], $0x4000  }
0x88: {  	[sflag:s20] =	ssyncset.done $0x0  }
0x89: {  	s29 =	rddreg [dreg:$0x11];
	[sflag:s20] =	ssyncadd.s32 $0xFFFFC000  }
0x8a: {  	[spmem:s1] =	stream.indirect.scatter.add.f32 [tilespmem:s16], [sflag:$0x4], $0x80, s29, s15, $0xb8;
	[tilespmem:$0x1D000] =	vst v63  }
0x8b: {  	_ =	swait.ge [sflag:s23], $0x4000  }
0x8c: {  	[sflag:s23] =	ssyncset.done $0x0  }
0x8d: {  	s31 =	rddreg [dreg:$0x12];
	[sflag:s23] =	ssyncadd.s32 $0xFFFFC000  }
0x8e: {  	[tilespmem:s16], [sflag:$0x2] =	stream.indirect.gather [hbm4b:s4+s15], $0x80, s31, s15, $0xb8;
	[tilespmem:$0x1D000] =	vst v63  }
0x8f: {  	_ =	swait.ge [sflag:s17], $0x4000  }
0x90: {  	p0 =	por $0x0, $0x0;
	[sflag:s17] =	ssyncset.done $0x0  }
0x91: {  	s26 =	sadd.s32 @!p0 $0x0, s11;
	[sflag:s17] =	ssyncadd.s32 $0xFFFFC000  }
0x92: {  	[spmem:s1] =	stream.indirect.scatter.add.f32 [tilespmem:s18], [sflag:$0x3], $0x80, s22, s15, $0xb8;
	[tilespmem:$0x1D000] =	vst v63  }
0x93: {  	s28 =	simm.s32 @!p0 $0x0;
	s26 =	sadd.s32 @!p0 $0x100, s26;
	s29 =	sadd.s32 @!p0 $0x0, s8  }
0x94: {  	[tilespmem:s28], [sflag:$0x5] =	stream.linear.gather @!p0 [hbm4b:s26+s28], $0x400, $0x38;
	[tilespmem:$0x1D000] =	vst v63  }
0x95: {  	s26 =	sadd.s32 @!p0 $0x100, s29;
	s29 =	simm.s32 @!p0 $0x800  }
0x96: {  	[tilespmem:s29], [sflag:$0x5] =	stream.linear.gather @!p0 [hbm4b:s26+s28], $0x400, $0x38;
	[tilespmem:$0x1D000] =	vst v63  }
0x97: {  	_ =	swait.ge [sflag:s19], $0x4000  }
0x98: {  	[sflag:s19] =	ssyncset.done $0x0  }
0x99: {  	s0 =	rddreg [dreg:$0x13];
	[sflag:s19] =	ssyncadd.s32 $0xFFFFC000  }
0x9a: {  	[tilespmem:s18], [sflag:$0x1] =	stream.indirect.gather [hbm4b:s4+s15], $0x80, s0, s15, $0xb8;
	[tilespmem:$0x1D000] =	vst v63  }
0x9b: {  	_ =	swait.ge [sflag:s20], $0x4000  }
0x9c: {  	[sflag:s20] =	ssyncset.done $0x0  }
0x9d: {  	s2 =	rddreg [dreg:$0x14];
	[sflag:s20] =	ssyncadd.s32 $0xFFFFC000  }
0x9e: {  	[spmem:s1] =	stream.indirect.scatter.add.f32 [tilespmem:s16], [sflag:$0x4], $0x80, s2, s15, $0xb8;
	[tilespmem:$0x1D000] =	vst v63  }
0x9f: {  	_ =	swait.ge [sflag:s23], $0x4000  }
0xa0: {  	[sflag:s23] =	ssyncset.done $0x0  }
0xa1: {  	s29 =	rddreg [dreg:$0x15];
	[sflag:s23] =	ssyncadd.s32 $0xFFFFC000  }
0xa2: {  	[tilespmem:s16], [sflag:$0x2] =	stream.indirect.gather [hbm4b:s4+s15], $0x80, s29, s15, $0xb8;
	[tilespmem:$0x1D000] =	vst v63  }
0xa3: {  	_ =	swait.ge [sflag:s17], $0x4000  }
0xa4: {  	[sflag:s17] =	ssyncset.done $0x0  }
0xa5: {  	s31 =	rddreg [dreg:$0x16];
	[sflag:s17] =	ssyncadd.s32 $0xFFFFC000  }
0xa6: {  	[spmem:s1] =	stream.indirect.scatter.add.f32 [tilespmem:s18], [sflag:$0x3], $0x80, s31, s15, $0xb8;
	[tilespmem:$0x1D000] =	vst v63  }
0xa7: {  	_ =	swait.ge [sflag:s19], $0x4000  }
0xa8: {  	[sflag:s19] =	ssyncset.done $0x0  }
0xa9: {  	s0 =	rddreg [dreg:$0x17];
	[sflag:s19] =	ssyncadd.s32 $0xFFFFC000  }
0xaa: {  	[tilespmem:s18], [sflag:$0x1] =	stream.indirect.gather [hbm4b:s4+s15], $0x80, s0, s15, $0xb8;
	[tilespmem:$0x1D000] =	vst v63  }
0xab: {  	_ =	swait.ge [sflag:s20], $0x4000  }
0xac: {  	[sflag:s20] =	ssyncset.done $0x0  }
0xad: {  	s2 =	rddreg [dreg:$0x18];
	[sflag:s20] =	ssyncadd.s32 $0xFFFFC000  }
0xae: {  	[spmem:s1] =	stream.indirect.scatter.add.f32 [tilespmem:s16], [sflag:$0x4], $0x80, s2, s15, $0xb8;
	[tilespmem:$0x1D000] =	vst v63  }
0xaf: {  	_ =	swait.ge [sflag:s23], $0x4000  }
0xb0: {  	[sflag:s23] =	ssyncset.done $0x0  }
0xb1: {  	s29 =	rddreg [dreg:$0x19];
	[sflag:s23] =	ssyncadd.s32 $0xFFFFC000  }
0xb2: {  	[tilespmem:s16], [sflag:$0x2] =	stream.indirect.gather [hbm4b:s4+s15], $0x80, s29, s15, $0xb8;
	[tilespmem:$0x1D000] =	vst v63  }
0xb3: {  	_ =	swait.ge [sflag:s17], $0x4000  }
0xb4: {  	[sflag:s17] =	ssyncset.done $0x0  }
0xb5: {  	s31 =	rddreg [dreg:$0x1a];
	[sflag:s17] =	ssyncadd.s32 $0xFFFFC000  }
0xb6: {  	[spmem:s1] =	stream.indirect.scatter.add.f32 [tilespmem:s18], [sflag:$0x3], $0x80, s31, s15, $0xb8;
	[tilespmem:$0x1D000] =	vst v63  }
0xb7: {  	_ =	swait.ge [sflag:s19], $0x4000  }
0xb8: {  	[sflag:s19] =	ssyncset.done $0x0  }
0xb9: {  	s0 =	rddreg [dreg:$0x1b];
	[sflag:s19] =	ssyncadd.s32 $0xFFFFC000  }
0xba: {  	[tilespmem:s18], [sflag:$0x1] =	stream.indirect.gather [hbm4b:s4+s15], $0x80, s0, s15, $0xb8;
	[tilespmem:$0x1D000] =	vst v63  }
0xbb: {  	_ =	swait.ge [sflag:s20], $0x4000  }
0xbc: {  	[sflag:s20] =	ssyncset.done $0x0  }
0xbd: {  	s2 =	rddreg [dreg:$0x1c];
	[sflag:s20] =	ssyncadd.s32 $0xFFFFC000  }
0xbe: {  	[spmem:s1] =	stream.indirect.scatter.add.f32 [tilespmem:s16], [sflag:$0x4], $0x80, s2, s15, $0xb8;
	[tilespmem:$0x1D000] =	vst v63  }
0xbf: {  	_ =	swait.ge [sflag:s23], $0x4000  }
0xc0: {  	[sflag:s23] =	ssyncset.done $0x0  }
0xc1: {  	s29 =	rddreg [dreg:$0x1d];
	[sflag:s23] =	ssyncadd.s32 $0xFFFFC000  }
0xc2: {  	[tilespmem:s16], [sflag:$0x2] =	stream.indirect.gather [hbm4b:s4+s15], $0x80, s29, s15, $0xb8;
	[tilespmem:$0x1D000] =	vst v63  }
0xc3: {  	_ =	swait.ge [sflag:s17], $0x4000  }
0xc4: {  	[sflag:s17] =	ssyncset.done $0x0  }
0xc5: {  	s31 =	rddreg [dreg:$0x1e];
	[sflag:s17] =	ssyncadd.s32 $0xFFFFC000  }
0xc6: {  	[spmem:s1] =	stream.indirect.scatter.add.f32 [tilespmem:s18], [sflag:$0x3], $0x80, s31, s15, $0xb8;
	[tilespmem:$0x1D000] =	vst v63  }
0xc7: {  	p6 =	por $0x0, $0x0;
	_ =	swait.ge [sflag:s20], $0x4000  }
0xc8: {  	s26 =	simm.s32 $0x100;
	s28 =	simm.s32 $0x200;
	[sflag:s20] =	ssyncset.done $0x0  }
0xc9: {  	p0 =	por p6, p6;
	s30 =	rddreg [dreg:$0x1f];
	[sflag:s20] =	ssyncadd.s32 $0xFFFFC000  }
.LBB2_2:
0xca: {  	s31 =	simm.s32 @p0 $0x5  }
0xcb: {  	[spmem:s1] =	stream.indirect.scatter.add.f32 [tilespmem:s16], [sflag:$0x4], $0x80, s30, s15, $0xb8;
	[tilespmem:$0x1D000] =	vst v63  }
0xcc: {  	_ =	swait.ge @p0 [sflag:s31], $0x400  }
0xcd: {  	[sflag:s31] =	ssyncset.done @p0 $0x0  }
0xce: {  	[sflag:s31] =	ssyncadd.s32 @p0 $0xFFFFFC00  }
0xcf: {  	_ =	swait.ge @p0 [sflag:s31], $0x400  }
0xd0: {  	s30 =	simm.s32 @p0 $0x1000;
	s0 =	simm.s32 @!p0 $0x3;
	[sflag:s31] =	ssyncset.done @p0 $0x0  }
0xd1: {  	s2 =	simm.s32 @p0 $0x0;
	[sflag:s31] =	ssyncadd.s32 @p0 $0xFFFFFC00;
	s31 =	simm.s32 @p0 $0x80  }
0xd2: {  	[tilespmem:s30], [sflag:$0x1] =	stream.indirect.gather @p0 [hbm4b:s4+s31], $0x80, s2, s31, $0xb8;
	[tilespmem:$0x1D000] =	vst v63  }
0xd3: {  	_ =	swait.ge @!p0 [sflag:s0], $0x4000  }
0xd4: {  	[sflag:s0] =	ssyncset.done @!p0 $0x0  }
0xd5: {  	[sflag:s0] =	ssyncadd.s32 @!p0 $0xFFFFC000;
	s0 =	simm.s32 @!p0 $0x5  }
0xd6: {  	_ =	swait.ge @!p0 [sflag:s0], $0x400  }
0xd7: {  	[sflag:s0] =	ssyncset.done @!p0 $0x0  }
0xd8: {  	[sflag:s0] =	ssyncadd.s32 @!p0 $0xFFFFFC00  }
0xd9: {  	_ =	swait.ge @!p0 [sflag:s0], $0x400  }
0xda: {  	s2 =	simm.s32 @!p0 $0x1000;
	s30 =	simm.s32 @!p0 $0x4;
	[sflag:s0] =	ssyncset.done @!p0 $0x0  }
0xdb: {  	s31 =	simm.s32 @!p0 $0x0;
	[sflag:s0] =	ssyncadd.s32 @!p0 $0xFFFFFC00;
	s0 =	simm.s32 @!p0 $0x80  }
0xdc: {  	[tilespmem:s2], [sflag:$0x1] =	stream.indirect.gather @!p0 [hbm4b:s4+s0], $0x80, s31, s0, $0xb8;
	[tilespmem:$0x1D000] =	vst v63  }
0xdd: {  	_ =	swait.ge @!p0 [sflag:s30], $0x4000  }
0xde: {  	[sflag:s30] =	ssyncset.done @!p0 $0x0  }
0xdf: {  	[sflag:s30] =	ssyncadd.s32 @!p0 $0xFFFFC000  }
0xe0: {  	[tilespmem:s16], [sflag:$0x2] =	stream.indirect.gather [hbm4b:s4+s15], $0x80, s15, s15, $0xb8;
	[tilespmem:$0x1D000] =	vst v63  }
0xe1: {  	_ =	swait.ge [sflag:s17], $0x4000  }
0xe2: {  	[sflag:s17] =	ssyncset.done $0x0  }
0xe3: {  	[sflag:s17] =	ssyncadd.s32 $0xFFFFC000  }
0xe4: {  	[spmem:s1] =	stream.indirect.scatter.add.f32 [tilespmem:s18], [sflag:$0x3], $0x80, s14, s15, $0xb8;
	[tilespmem:$0x1D000] =	vst v63  }
0xe5: {  	_ =	swait.ge [sflag:s19], $0x4000  }
0xe6: {  	[sflag:s19] =	ssyncset.done $0x0  }
0xe7: {  	s31 =	rddreg [dreg:$0x5];
	[sflag:s19] =	ssyncadd.s32 $0xFFFFC000  }
0xe8: {  	[tilespmem:s18], [sflag:$0x1] =	stream.indirect.gather [hbm4b:s4+s15], $0x80, s31, s15, $0xb8;
	[tilespmem:$0x1D000] =	vst v63  }
0xe9: {  	_ =	swait.ge [sflag:s20], $0x4000  }
0xea: {  	[sflag:s20] =	ssyncset.done $0x0  }
0xeb: {  	s31 =	sadd.s32 s26, s11;
	s2 =	rddreg [dreg:$0x6];
	[sflag:s20] =	ssyncadd.s32 $0xFFFFC000  }
0xec: {  	[spmem:s1] =	stream.indirect.scatter.add.f32 [tilespmem:s16], [sflag:$0x4], $0x80, s2, s15, $0xb8;
	[tilespmem:$0x1D000] =	vst v63  }
0xed: {  	s2 =	sadd.s32 $0x80, s31;
	s31 =	sadd.s32 s26, s8  }
0xee: {  	[tilespmem:s21], [sflag:$0x6] =	stream.linear.gather [hbm4b:s2+s3], $0x400, $0x38;
	[tilespmem:$0x1D000] =	vst v63  }
0xef: {  	s31 =	sadd.s32 $0x80, s31  }
0xf0: {  	[tilespmem:s22], [sflag:$0x6] =	stream.linear.gather [hbm4b:s31+s3], $0x400, $0x38;
	[tilespmem:$0x1D000] =	vst v63  }
0xf1: {  	_ =	swait.ge [sflag:s23], $0x4000  }
0xf2: {  	[sflag:s23] =	ssyncset.done $0x0  }
0xf3: {  	s2 =	rddreg [dreg:$0x7];
	[sflag:s23] =	ssyncadd.s32 $0xFFFFC000  }
0xf4: {  	[tilespmem:s16], [sflag:$0x2] =	stream.indirect.gather [hbm4b:s4+s15], $0x80, s2, s15, $0xb8;
	[tilespmem:$0x1D000] =	vst v63  }
0xf5: {  	_ =	swait.ge [sflag:s17], $0x4000  }
0xf6: {  	[sflag:s17] =	ssyncset.done $0x0  }
0xf7: {  	s31 =	rddreg [dreg:$0x8];
	[sflag:s17] =	ssyncadd.s32 $0xFFFFC000  }
0xf8: {  	[spmem:s1] =	stream.indirect.scatter.add.f32 [tilespmem:s18], [sflag:$0x3], $0x80, s31, s15, $0xb8;
	[tilespmem:$0x1D000] =	vst v63  }
0xf9: {  	_ =	swait.ge [sflag:s19], $0x4000  }
0xfa: {  	[sflag:s19] =	ssyncset.done $0x0  }
0xfb: {  	s2 =	rddreg [dreg:$0x9];
	[sflag:s19] =	ssyncadd.s32 $0xFFFFC000  }
0xfc: {  	[tilespmem:s18], [sflag:$0x1] =	stream.indirect.gather [hbm4b:s4+s15], $0x80, s2, s15, $0xb8;
	[tilespmem:$0x1D000] =	vst v63  }
0xfd: {  	_ =	swait.ge [sflag:s20], $0x4000  }
0xfe: {  	[sflag:s20] =	ssyncset.done $0x0  }
0xff: {  	s31 =	rddreg [dreg:$0xa];
	[sflag:s20] =	ssyncadd.s32 $0xFFFFC000  }
0x100: {  	[spmem:s1] =	stream.indirect.scatter.add.f32 [tilespmem:s16], [sflag:$0x4], $0x80, s31, s15, $0xb8;
	[tilespmem:$0x1D000] =	vst v63  }
0x101: {  	_ =	swait.ge [sflag:s23], $0x4000  }
0x102: {  	[sflag:s23] =	ssyncset.done $0x0  }
0x103: {  	s2 =	rddreg [dreg:$0xb];
	[sflag:s23] =	ssyncadd.s32 $0xFFFFC000  }
0x104: {  	[tilespmem:s16], [sflag:$0x2] =	stream.indirect.gather [hbm4b:s4+s15], $0x80, s2, s15, $0xb8;
	[tilespmem:$0x1D000] =	vst v63  }
0x105: {  	_ =	swait.ge [sflag:s17], $0x4000  }
0x106: {  	[sflag:s17] =	ssyncset.done $0x0  }
0x107: {  	s31 =	rddreg [dreg:$0xc];
	[sflag:s17] =	ssyncadd.s32 $0xFFFFC000  }
0x108: {  	[spmem:s1] =	stream.indirect.scatter.add.f32 [tilespmem:s18], [sflag:$0x3], $0x80, s31, s15, $0xb8;
	[tilespmem:$0x1D000] =	vst v63  }
0x109: {  	_ =	swait.ge [sflag:s19], $0x4000  }
0x10a: {  	[sflag:s19] =	ssyncset.done $0x0  }
0x10b: {  	s2 =	rddreg [dreg:$0xd];
	[sflag:s19] =	ssyncadd.s32 $0xFFFFC000  }
0x10c: {  	[tilespmem:s18], [sflag:$0x1] =	stream.indirect.gather [hbm4b:s4+s15], $0x80, s2, s15, $0xb8;
	[tilespmem:$0x1D000] =	vst v63  }
0x10d: {  	_ =	swait.ge [sflag:s20], $0x4000  }
0x10e: {  	[sflag:s20] =	ssyncset.done $0x0  }
0x10f: {  	s31 =	rddreg [dreg:$0xe];
	[sflag:s20] =	ssyncadd.s32 $0xFFFFC000  }
0x110: {  	[spmem:s1] =	stream.indirect.scatter.add.f32 [tilespmem:s16], [sflag:$0x4], $0x80, s31, s15, $0xb8;
	[tilespmem:$0x1D000] =	vst v63  }
0x111: {  	_ =	swait.ge [sflag:s23], $0x4000  }
0x112: {  	[sflag:s23] =	ssyncset.done $0x0  }
0x113: {  	s2 =	rddreg [dreg:$0xf];
	[sflag:s23] =	ssyncadd.s32 $0xFFFFC000  }
0x114: {  	[tilespmem:s16], [sflag:$0x2] =	stream.indirect.gather [hbm4b:s4+s15], $0x80, s2, s15, $0xb8;
	[tilespmem:$0x1D000] =	vst v63  }
0x115: {  	_ =	swait.ge [sflag:s17], $0x4000  }
0x116: {  	[sflag:s17] =	ssyncset.done $0x0  }
0x117: {  	s31 =	rddreg [dreg:$0x10];
	[sflag:s17] =	ssyncadd.s32 $0xFFFFC000  }
0x118: {  	[spmem:s1] =	stream.indirect.scatter.add.f32 [tilespmem:s18], [sflag:$0x3], $0x80, s31, s15, $0xb8;
	[tilespmem:$0x1D000] =	vst v63  }
0x119: {  	_ =	swait.ge [sflag:s19], $0x4000  }
0x11a: {  	[sflag:s19] =	ssyncset.done $0x0  }
0x11b: {  	[sflag:s19] =	ssyncadd.s32 $0xFFFFC000  }
0x11c: {  	_ =	swait.ge [sflag:s24], $0x400  }
0x11d: {  	[sflag:s24] =	ssyncset.done $0x0  }
0x11e: {  	[sflag:s24] =	ssyncadd.s32 $0xFFFFFC00  }
0x11f: {  	_ =	swait.ge [sflag:s24], $0x400  }
0x120: {  	[sflag:s24] =	ssyncset.done $0x0  }
0x121: {  	[sflag:s24] =	ssyncadd.s32 $0xFFFFFC00  }
0x122: {  	[tilespmem:s18], [sflag:$0x1] =	stream.indirect.gather [hbm4b:s4+s15], $0x80, s21, s15, $0xb8;
	[tilespmem:$0x1D000] =	vst v63  }
0x123: {  	_ =	swait.ge [sflag:s20], $0x4000  }
0x124: {  	[sflag:s20] =	ssyncset.done $0x0  }
0x125: {  	s2 =	rddreg [dreg:$0x11];
	[sflag:s20] =	ssyncadd.s32 $0xFFFFC000  }
0x126: {  	[spmem:s1] =	stream.indirect.scatter.add.f32 [tilespmem:s16], [sflag:$0x4], $0x80, s2, s15, $0xb8;
	[tilespmem:$0x1D000] =	vst v63  }
0x127: {  	_ =	swait.ge [sflag:s23], $0x4000  }
0x128: {  	[sflag:s23] =	ssyncset.done $0x0  }
0x129: {  	s31 =	rddreg [dreg:$0x12];
	[sflag:s23] =	ssyncadd.s32 $0xFFFFC000  }
0x12a: {  	[tilespmem:s16], [sflag:$0x2] =	stream.indirect.gather [hbm4b:s4+s15], $0x80, s31, s15, $0xb8;
	[tilespmem:$0x1D000] =	vst v63  }
0x12b: {  	p2 =	seq.s32 s28, $0x0;
	_ =	swait.ge [sflag:s17], $0x4000  }
0x12c: {  	p0 =	por p2, p2;
	p2 =	seq.s32 s26, $0x900;
	[sflag:s17] =	ssyncset.done $0x0  }
0x12d: {  	s0 =	sadd.s32 @!p2 s26, s11;
	[sflag:s17] =	ssyncadd.s32 $0xFFFFC000  }
0x12e: {  	[spmem:s1] =	stream.indirect.scatter.add.f32 [tilespmem:s18], [sflag:$0x3], $0x80, s22, s15, $0xb8;
	[tilespmem:$0x1D000] =	vst v63  }
0x12f: {  	s0 =	sadd.s32 @!p2 $0x100, s0;
	s26 =	sadd.s32 @!p2 s26, s8;
	s2 =	simm.s32 @!p2 $0x0  }
0x130: {  	[tilespmem:s2], [sflag:$0x5] =	stream.linear.gather @!p2 [hbm4b:s0+s2], $0x400, $0x38;
	[tilespmem:$0x1D000] =	vst v63  }
0x131: {  	s30 =	sadd.s32 @!p2 $0x100, s26;
	s31 =	simm.s32 @!p2 $0x800  }
0x132: {  	[tilespmem:s31], [sflag:$0x5] =	stream.linear.gather @!p2 [hbm4b:s30+s2], $0x400, $0x38;
	[tilespmem:$0x1D000] =	vst v63  }
0x133: {  	_ =	swait.ge [sflag:s19], $0x4000  }
0x134: {  	[sflag:s19] =	ssyncset.done $0x0  }
0x135: {  	s2 =	rddreg [dreg:$0x13];
	[sflag:s19] =	ssyncadd.s32 $0xFFFFC000  }
0x136: {  	[tilespmem:s18], [sflag:$0x1] =	stream.indirect.gather [hbm4b:s4+s15], $0x80, s2, s15, $0xb8;
	[tilespmem:$0x1D000] =	vst v63  }
0x137: {  	_ =	swait.ge [sflag:s20], $0x4000  }
0x138: {  	s29 =	smov.u32 s28;
	[sflag:s20] =	ssyncset.done $0x0  }
0x139: {  	s26 =	smov.u32 s29;
	s29 =	rddreg [dreg:$0x14];
	[sflag:s20] =	ssyncadd.s32 $0xFFFFC000  }
0x13a: {  	[spmem:s1] =	stream.indirect.scatter.add.f32 [tilespmem:s16], [sflag:$0x4], $0x80, s29, s15, $0xb8;
	[tilespmem:$0x1D000] =	vst v63  }
0x13b: {  	_ =	swait.ge [sflag:s23], $0x4000  }
0x13c: {  	[sflag:s23] =	ssyncset.done $0x0  }
0x13d: {  	s31 =	rddreg [dreg:$0x15];
	[sflag:s23] =	ssyncadd.s32 $0xFFFFC000  }
0x13e: {  	[tilespmem:s16], [sflag:$0x2] =	stream.indirect.gather [hbm4b:s4+s15], $0x80, s31, s15, $0xb8;
	[tilespmem:$0x1D000] =	vst v63  }
0x13f: {  	_ =	swait.ge [sflag:s17], $0x4000  }
0x140: {  	[sflag:s17] =	ssyncset.done $0x0  }
0x141: {  	s2 =	rddreg [dreg:$0x16];
	[sflag:s17] =	ssyncadd.s32 $0xFFFFC000  }
0x142: {  	[spmem:s1] =	stream.indirect.scatter.add.f32 [tilespmem:s18], [sflag:$0x3], $0x80, s2, s15, $0xb8;
	[tilespmem:$0x1D000] =	vst v63  }
0x143: {  	_ =	swait.ge [sflag:s19], $0x4000  }
0x144: {  	[sflag:s19] =	ssyncset.done $0x0  }
0x145: {  	s29 =	rddreg [dreg:$0x17];
	[sflag:s19] =	ssyncadd.s32 $0xFFFFC000  }
0x146: {  	[tilespmem:s18], [sflag:$0x1] =	stream.indirect.gather [hbm4b:s4+s15], $0x80, s29, s15, $0xb8;
	[tilespmem:$0x1D000] =	vst v63  }
0x147: {  	_ =	swait.ge [sflag:s20], $0x4000  }
0x148: {  	[sflag:s20] =	ssyncset.done $0x0  }
0x149: {  	s31 =	rddreg [dreg:$0x18];
	[sflag:s20] =	ssyncadd.s32 $0xFFFFC000  }
0x14a: {  	[spmem:s1] =	stream.indirect.scatter.add.f32 [tilespmem:s16], [sflag:$0x4], $0x80, s31, s15, $0xb8;
	[tilespmem:$0x1D000] =	vst v63  }
0x14b: {  	_ =	swait.ge [sflag:s23], $0x4000  }
0x14c: {  	[sflag:s23] =	ssyncset.done $0x0  }
0x14d: {  	s2 =	rddreg [dreg:$0x19];
	[sflag:s23] =	ssyncadd.s32 $0xFFFFC000  }
0x14e: {  	[tilespmem:s16], [sflag:$0x2] =	stream.indirect.gather [hbm4b:s4+s15], $0x80, s2, s15, $0xb8;
	[tilespmem:$0x1D000] =	vst v63  }
0x14f: {  	_ =	swait.ge [sflag:s17], $0x4000  }
0x150: {  	[sflag:s17] =	ssyncset.done $0x0  }
0x151: {  	s29 =	rddreg [dreg:$0x1a];
	[sflag:s17] =	ssyncadd.s32 $0xFFFFC000  }
0x152: {  	[spmem:s1] =	stream.indirect.scatter.add.f32 [tilespmem:s18], [sflag:$0x3], $0x80, s29, s15, $0xb8;
	[tilespmem:$0x1D000] =	vst v63  }
0x153: {  	_ =	swait.ge [sflag:s19], $0x4000  }
0x154: {  	[sflag:s19] =	ssyncset.done $0x0  }
0x155: {  	s31 =	rddreg [dreg:$0x1b];
	[sflag:s19] =	ssyncadd.s32 $0xFFFFC000  }
0x156: {  	[tilespmem:s18], [sflag:$0x1] =	stream.indirect.gather [hbm4b:s4+s15], $0x80, s31, s15, $0xb8;
	[tilespmem:$0x1D000] =	vst v63  }
0x157: {  	_ =	swait.ge [sflag:s20], $0x4000  }
0x158: {  	[sflag:s20] =	ssyncset.done $0x0  }
0x159: {  	s2 =	rddreg [dreg:$0x1c];
	[sflag:s20] =	ssyncadd.s32 $0xFFFFC000  }
0x15a: {  	[spmem:s1] =	stream.indirect.scatter.add.f32 [tilespmem:s16], [sflag:$0x4], $0x80, s2, s15, $0xb8;
	[tilespmem:$0x1D000] =	vst v63  }
0x15b: {  	_ =	swait.ge [sflag:s23], $0x4000  }
0x15c: {  	[sflag:s23] =	ssyncset.done $0x0  }
0x15d: {  	s29 =	rddreg [dreg:$0x1d];
	[sflag:s23] =	ssyncadd.s32 $0xFFFFC000  }
0x15e: {  	[tilespmem:s16], [sflag:$0x2] =	stream.indirect.gather [hbm4b:s4+s15], $0x80, s29, s15, $0xb8;
	[tilespmem:$0x1D000] =	vst v63  }
0x15f: {  	s28 =	sadd.s32 $0x100, s28;
	_ =	swait.ge [sflag:s17], $0x4000  }
0x160: {  	p1 =	sne.s32 s28, $0xA00;
	[sflag:s17] =	ssyncset.done $0x0  }
.Ltmp0:
0x161: {  	s31 =	rddreg [dreg:$0x1e];
	[sflag:s17] =	ssyncadd.s32 $0xFFFFC000;
	(pc) =	sbr.rel @p1 .LBB2_2-.Ltmp0, $4  }
0x162: {  	[spmem:s1] =	stream.indirect.scatter.add.f32 [tilespmem:s18], [sflag:$0x3], $0x80, s31, s15, $0xb8;
	[tilespmem:$0x1D000] =	vst v63  }
0x163: {  	_ =	swait.ge [sflag:s20], $0x4000  }
0x164: {  	[sflag:s20] =	ssyncset.done $0x0  }
0x165: {  	s30 =	rddreg [dreg:$0x1f];
	[sflag:s20] =	ssyncadd.s32 $0xFFFFC000  }
0x166: {  	s0 =	simm.s32 @p0 $0x5  }
0x167: {  	[spmem:s1] =	stream.indirect.scatter.add.f32 [tilespmem:s16], [sflag:$0x4], $0x80, s30, s15, $0xb8;
	[tilespmem:$0x1D000] =	vst v63  }
0x168: {  	_ =	swait.ge @p0 [sflag:s0], $0x400  }
0x169: {  	[sflag:s0] =	ssyncset.done @p0 $0x0  }
0x16a: {  	[sflag:s0] =	ssyncadd.s32 @p0 $0xFFFFFC00  }
0x16b: {  	_ =	swait.ge @p0 [sflag:s0], $0x400  }
0x16c: {  	s2 =	simm.s32 @p0 $0x1000;
	[sflag:s0] =	ssyncset.done @p0 $0x0  }
0x16d: {  	s28 =	simm.s32 @p0 $0x0;
	[sflag:s0] =	ssyncadd.s32 @p0 $0xFFFFFC00;
	s0 =	simm.s32 @p0 $0x80  }
0x16e: {  	[tilespmem:s2], [sflag:$0x1] =	stream.indirect.gather @p0 [hbm4b:s4+s0], $0x80, s28, s0, $0xb8;
	[tilespmem:$0x1D000] =	vst v63  }
0x16f: {  	s0 =	simm.s32 @!p0 $0x3  }
0x170: {  	_ =	swait.ge @!p0 [sflag:s0], $0x4000  }
0x171: {  	[sflag:s0] =	ssyncset.done @!p0 $0x0  }
0x172: {  	[sflag:s0] =	ssyncadd.s32 @!p0 $0xFFFFC000;
	s0 =	simm.s32 @!p0 $0x5  }
0x173: {  	_ =	swait.ge @!p0 [sflag:s0], $0x400  }
0x174: {  	[sflag:s0] =	ssyncset.done @!p0 $0x0  }
0x175: {  	[sflag:s0] =	ssyncadd.s32 @!p0 $0xFFFFFC00  }
0x176: {  	_ =	swait.ge @!p0 [sflag:s0], $0x400  }
0x177: {  	s2 =	simm.s32 @!p0 $0x1000;
	[sflag:s0] =	ssyncset.done @!p0 $0x0  }
0x178: {  	s28 =	simm.s32 @!p0 $0x0;
	[sflag:s0] =	ssyncadd.s32 @!p0 $0xFFFFFC00;
	s0 =	simm.s32 @!p0 $0x80  }
0x179: {  	[tilespmem:s2], [sflag:$0x1] =	stream.indirect.gather @!p0 [hbm4b:s4+s0], $0x80, s28, s0, $0xb8;
	[tilespmem:$0x1D000] =	vst v63  }
0x17a: {  	s0 =	simm.s32 @!p0 $0x4  }
0x17b: {  	_ =	swait.ge @!p0 [sflag:s0], $0x4000  }
0x17c: {  	[sflag:s0] =	ssyncset.done @!p0 $0x0  }
0x17d: {  	[sflag:s0] =	ssyncadd.s32 @!p0 $0xFFFFC000  }
0x17e: {  	[tilespmem:s16], [sflag:$0x2] =	stream.indirect.gather [hbm4b:s4+s15], $0x80, s15, s15, $0xb8;
	[tilespmem:$0x1D000] =	vst v63  }
0x17f: {  	_ =	swait.ge [sflag:s17], $0x4000  }
0x180: {  	[sflag:s17] =	ssyncset.done $0x0  }
0x181: {  	[sflag:s17] =	ssyncadd.s32 $0xFFFFC000  }
0x182: {  	[spmem:s1] =	stream.indirect.scatter.add.f32 [tilespmem:s18], [sflag:$0x3], $0x80, s14, s15, $0xb8;
	[tilespmem:$0x1D000] =	vst v63  }
0x183: {  	_ =	swait.ge [sflag:s19], $0x4000  }
0x184: {  	[sflag:s19] =	ssyncset.done $0x0  }
0x185: {  	s2 =	rddreg [dreg:$0x5];
	[sflag:s19] =	ssyncadd.s32 $0xFFFFC000  }
0x186: {  	[tilespmem:s18], [sflag:$0x1] =	stream.indirect.gather [hbm4b:s4+s15], $0x80, s2, s15, $0xb8;
	[tilespmem:$0x1D000] =	vst v63  }
0x187: {  	_ =	swait.ge [sflag:s20], $0x4000  }
0x188: {  	[sflag:s20] =	ssyncset.done $0x0  }
0x189: {  	s29 =	sadd.s32 s26, s11;
	s28 =	rddreg [dreg:$0x6];
	[sflag:s20] =	ssyncadd.s32 $0xFFFFC000  }
0x18a: {  	[spmem:s1] =	stream.indirect.scatter.add.f32 [tilespmem:s16], [sflag:$0x4], $0x80, s28, s15, $0xb8;
	[tilespmem:$0x1D000] =	vst v63  }
0x18b: {  	s31 =	sadd.s32 s26, s8;
	s30 =	sadd.s32 $0x80, s29  }
0x18c: {  	[tilespmem:s21], [sflag:$0x6] =	stream.linear.gather [hbm4b:s30+s3], $0x400, $0x38;
	[tilespmem:$0x1D000] =	vst v63  }
0x18d: {  	s28 =	sadd.s32 $0x80, s31  }
0x18e: {  	[tilespmem:s22], [sflag:$0x6] =	stream.linear.gather [hbm4b:s28+s3], $0x400, $0x38;
	[tilespmem:$0x1D000] =	vst v63  }
0x18f: {  	_ =	swait.ge [sflag:s23], $0x4000  }
0x190: {  	[sflag:s23] =	ssyncset.done $0x0  }
0x191: {  	s29 =	rddreg [dreg:$0x7];
	[sflag:s23] =	ssyncadd.s32 $0xFFFFC000  }
0x192: {  	[tilespmem:s16], [sflag:$0x2] =	stream.indirect.gather [hbm4b:s4+s15], $0x80, s29, s15, $0xb8;
	[tilespmem:$0x1D000] =	vst v63  }
0x193: {  	_ =	swait.ge [sflag:s17], $0x4000  }
0x194: {  	[sflag:s17] =	ssyncset.done $0x0  }
0x195: {  	s30 =	rddreg [dreg:$0x8];
	[sflag:s17] =	ssyncadd.s32 $0xFFFFC000  }
0x196: {  	[spmem:s1] =	stream.indirect.scatter.add.f32 [tilespmem:s18], [sflag:$0x3], $0x80, s30, s15, $0xb8;
	[tilespmem:$0x1D000] =	vst v63  }
0x197: {  	_ =	swait.ge [sflag:s19], $0x4000  }
0x198: {  	[sflag:s19] =	ssyncset.done $0x0  }
0x199: {  	s31 =	rddreg [dreg:$0x9];
	[sflag:s19] =	ssyncadd.s32 $0xFFFFC000  }
0x19a: {  	[tilespmem:s18], [sflag:$0x1] =	stream.indirect.gather [hbm4b:s4+s15], $0x80, s31, s15, $0xb8;
	[tilespmem:$0x1D000] =	vst v63  }
0x19b: {  	_ =	swait.ge [sflag:s20], $0x4000  }
0x19c: {  	[sflag:s20] =	ssyncset.done $0x0  }
0x19d: {  	s2 =	rddreg [dreg:$0xa];
	[sflag:s20] =	ssyncadd.s32 $0xFFFFC000  }
0x19e: {  	[spmem:s1] =	stream.indirect.scatter.add.f32 [tilespmem:s16], [sflag:$0x4], $0x80, s2, s15, $0xb8;
	[tilespmem:$0x1D000] =	vst v63  }
0x19f: {  	_ =	swait.ge [sflag:s23], $0x4000  }
0x1a0: {  	[sflag:s23] =	ssyncset.done $0x0  }
0x1a1: {  	s28 =	rddreg [dreg:$0xb];
	[sflag:s23] =	ssyncadd.s32 $0xFFFFC000  }
0x1a2: {  	[tilespmem:s16], [sflag:$0x2] =	stream.indirect.gather [hbm4b:s4+s15], $0x80, s28, s15, $0xb8;
	[tilespmem:$0x1D000] =	vst v63  }
0x1a3: {  	_ =	swait.ge [sflag:s17], $0x4000  }
0x1a4: {  	[sflag:s17] =	ssyncset.done $0x0  }
0x1a5: {  	s29 =	rddreg [dreg:$0xc];
	[sflag:s17] =	ssyncadd.s32 $0xFFFFC000  }
0x1a6: {  	[spmem:s1] =	stream.indirect.scatter.add.f32 [tilespmem:s18], [sflag:$0x3], $0x80, s29, s15, $0xb8;
	[tilespmem:$0x1D000] =	vst v63  }
0x1a7: {  	_ =	swait.ge [sflag:s19], $0x4000  }
0x1a8: {  	[sflag:s19] =	ssyncset.done $0x0  }
0x1a9: {  	s30 =	rddreg [dreg:$0xd];
	[sflag:s19] =	ssyncadd.s32 $0xFFFFC000  }
0x1aa: {  	[tilespmem:s18], [sflag:$0x1] =	stream.indirect.gather [hbm4b:s4+s15], $0x80, s30, s15, $0xb8;
	[tilespmem:$0x1D000] =	vst v63  }
0x1ab: {  	_ =	swait.ge [sflag:s20], $0x4000  }
0x1ac: {  	[sflag:s20] =	ssyncset.done $0x0  }
0x1ad: {  	s31 =	rddreg [dreg:$0xe];
	[sflag:s20] =	ssyncadd.s32 $0xFFFFC000  }
0x1ae: {  	[spmem:s1] =	stream.indirect.scatter.add.f32 [tilespmem:s16], [sflag:$0x4], $0x80, s31, s15, $0xb8;
	[tilespmem:$0x1D000] =	vst v63  }
0x1af: {  	_ =	swait.ge [sflag:s23], $0x4000  }
0x1b0: {  	[sflag:s23] =	ssyncset.done $0x0  }
0x1b1: {  	s2 =	rddreg [dreg:$0xf];
	[sflag:s23] =	ssyncadd.s32 $0xFFFFC000  }
0x1b2: {  	[tilespmem:s16], [sflag:$0x2] =	stream.indirect.gather [hbm4b:s4+s15], $0x80, s2, s15, $0xb8;
	[tilespmem:$0x1D000] =	vst v63  }
0x1b3: {  	_ =	swait.ge [sflag:s17], $0x4000  }
0x1b4: {  	[sflag:s17] =	ssyncset.done $0x0  }
0x1b5: {  	s28 =	rddreg [dreg:$0x10];
	[sflag:s17] =	ssyncadd.s32 $0xFFFFC000  }
0x1b6: {  	[spmem:s1] =	stream.indirect.scatter.add.f32 [tilespmem:s18], [sflag:$0x3], $0x80, s28, s15, $0xb8;
	[tilespmem:$0x1D000] =	vst v63  }
0x1b7: {  	_ =	swait.ge [sflag:s19], $0x4000  }
0x1b8: {  	[sflag:s19] =	ssyncset.done $0x0  }
0x1b9: {  	[sflag:s19] =	ssyncadd.s32 $0xFFFFC000  }
0x1ba: {  	_ =	swait.ge [sflag:s24], $0x400  }
0x1bb: {  	[sflag:s24] =	ssyncset.done $0x0  }
0x1bc: {  	[sflag:s24] =	ssyncadd.s32 $0xFFFFFC00  }
0x1bd: {  	_ =	swait.ge [sflag:s24], $0x400  }
0x1be: {  	[sflag:s24] =	ssyncset.done $0x0  }
0x1bf: {  	[sflag:s24] =	ssyncadd.s32 $0xFFFFFC00  }
0x1c0: {  	[tilespmem:s18], [sflag:$0x1] =	stream.indirect.gather [hbm4b:s4+s15], $0x80, s21, s15, $0xb8;
	[tilespmem:$0x1D000] =	vst v63  }
0x1c1: {  	_ =	swait.ge [sflag:s20], $0x4000  }
0x1c2: {  	[sflag:s20] =	ssyncset.done $0x0  }
0x1c3: {  	s29 =	rddreg [dreg:$0x11];
	[sflag:s20] =	ssyncadd.s32 $0xFFFFC000  }
0x1c4: {  	[spmem:s1] =	stream.indirect.scatter.add.f32 [tilespmem:s16], [sflag:$0x4], $0x80, s29, s15, $0xb8;
	[tilespmem:$0x1D000] =	vst v63  }
0x1c5: {  	_ =	swait.ge [sflag:s23], $0x4000  }
0x1c6: {  	[sflag:s23] =	ssyncset.done $0x0  }
0x1c7: {  	s30 =	rddreg [dreg:$0x12];
	[sflag:s23] =	ssyncadd.s32 $0xFFFFC000  }
0x1c8: {  	[tilespmem:s16], [sflag:$0x2] =	stream.indirect.gather [hbm4b:s4+s15], $0x80, s30, s15, $0xb8;
	[tilespmem:$0x1D000] =	vst v63  }
0x1c9: {  	_ =	swait.ge [sflag:s17], $0x4000  }
0x1ca: {  	p0 =	seq.s32 s26, $0x900;
	[sflag:s17] =	ssyncset.done $0x0  }
0x1cb: {  	s0 =	sadd.s32 @!p0 s26, s11;
	[sflag:s17] =	ssyncadd.s32 $0xFFFFC000  }
0x1cc: {  	[spmem:s1] =	stream.indirect.scatter.add.f32 [tilespmem:s18], [sflag:$0x3], $0x80, s22, s15, $0xb8;
	[tilespmem:$0x1D000] =	vst v63  }
0x1cd: {  	s26 =	sadd.s32 @!p0 s26, s8;
	s0 =	sadd.s32 @!p0 $0x100, s0;
	s2 =	simm.s32 @!p0 $0x0  }
0x1ce: {  	[tilespmem:s2], [sflag:$0x5] =	stream.linear.gather @!p0 [hbm4b:s0+s2], $0x400, $0x38;
	[tilespmem:$0x1D000] =	vst v63  }
0x1cf: {  	s0 =	sadd.s32 @!p0 $0x100, s26;
	s26 =	simm.s32 @!p0 $0x800  }
0x1d0: {  	[tilespmem:s26], [sflag:$0x5] =	stream.linear.gather @!p0 [hbm4b:s0+s2], $0x400, $0x38;
	[tilespmem:$0x1D000] =	vst v63  }
0x1d1: {  	_ =	swait.ge [sflag:s19], $0x4000  }
0x1d2: {  	[sflag:s19] =	ssyncset.done $0x0  }
0x1d3: {  	s31 =	rddreg [dreg:$0x13];
	[sflag:s19] =	ssyncadd.s32 $0xFFFFC000  }
0x1d4: {  	[tilespmem:s18], [sflag:$0x1] =	stream.indirect.gather [hbm4b:s4+s15], $0x80, s31, s15, $0xb8;
	[tilespmem:$0x1D000] =	vst v63  }
0x1d5: {  	_ =	swait.ge [sflag:s20], $0x4000  }
0x1d6: {  	[sflag:s20] =	ssyncset.done $0x0  }
0x1d7: {  	s2 =	rddreg [dreg:$0x14];
	[sflag:s20] =	ssyncadd.s32 $0xFFFFC000  }
0x1d8: {  	[spmem:s1] =	stream.indirect.scatter.add.f32 [tilespmem:s16], [sflag:$0x4], $0x80, s2, s15, $0xb8;
	[tilespmem:$0x1D000] =	vst v63  }
0x1d9: {  	_ =	swait.ge [sflag:s23], $0x4000  }
0x1da: {  	[sflag:s23] =	ssyncset.done $0x0  }
0x1db: {  	s26 =	rddreg [dreg:$0x15];
	[sflag:s23] =	ssyncadd.s32 $0xFFFFC000  }
0x1dc: {  	[tilespmem:s16], [sflag:$0x2] =	stream.indirect.gather [hbm4b:s4+s15], $0x80, s26, s15, $0xb8;
	[tilespmem:$0x1D000] =	vst v63  }
0x1dd: {  	_ =	swait.ge [sflag:s17], $0x4000  }
0x1de: {  	[sflag:s17] =	ssyncset.done $0x0  }
0x1df: {  	s28 =	rddreg [dreg:$0x16];
	[sflag:s17] =	ssyncadd.s32 $0xFFFFC000  }
0x1e0: {  	[spmem:s1] =	stream.indirect.scatter.add.f32 [tilespmem:s18], [sflag:$0x3], $0x80, s28, s15, $0xb8;
	[tilespmem:$0x1D000] =	vst v63  }
0x1e1: {  	_ =	swait.ge [sflag:s19], $0x4000  }
0x1e2: {  	[sflag:s19] =	ssyncset.done $0x0  }
0x1e3: {  	s29 =	rddreg [dreg:$0x17];
	[sflag:s19] =	ssyncadd.s32 $0xFFFFC000  }
0x1e4: {  	[tilespmem:s18], [sflag:$0x1] =	stream.indirect.gather [hbm4b:s4+s15], $0x80, s29, s15, $0xb8;
	[tilespmem:$0x1D000] =	vst v63  }
0x1e5: {  	_ =	swait.ge [sflag:s20], $0x4000  }
0x1e6: {  	[sflag:s20] =	ssyncset.done $0x0  }
0x1e7: {  	s30 =	rddreg [dreg:$0x18];
	[sflag:s20] =	ssyncadd.s32 $0xFFFFC000  }
0x1e8: {  	[spmem:s1] =	stream.indirect.scatter.add.f32 [tilespmem:s16], [sflag:$0x4], $0x80, s30, s15, $0xb8;
	[tilespmem:$0x1D000] =	vst v63  }
0x1e9: {  	_ =	swait.ge [sflag:s23], $0x4000  }
0x1ea: {  	[sflag:s23] =	ssyncset.done $0x0  }
0x1eb: {  	s31 =	rddreg [dreg:$0x19];
	[sflag:s23] =	ssyncadd.s32 $0xFFFFC000  }
0x1ec: {  	[tilespmem:s16], [sflag:$0x2] =	stream.indirect.gather [hbm4b:s4+s15], $0x80, s31, s15, $0xb8;
	[tilespmem:$0x1D000] =	vst v63  }
0x1ed: {  	_ =	swait.ge [sflag:s17], $0x4000  }
0x1ee: {  	[sflag:s17] =	ssyncset.done $0x0  }
0x1ef: {  	s2 =	rddreg [dreg:$0x1a];
	[sflag:s17] =	ssyncadd.s32 $0xFFFFC000  }
0x1f0: {  	[spmem:s1] =	stream.indirect.scatter.add.f32 [tilespmem:s18], [sflag:$0x3], $0x80, s2, s15, $0xb8;
	[tilespmem:$0x1D000] =	vst v63  }
0x1f1: {  	_ =	swait.ge [sflag:s19], $0x4000  }
0x1f2: {  	[sflag:s19] =	ssyncset.done $0x0  }
0x1f3: {  	s26 =	rddreg [dreg:$0x1b];
	[sflag:s19] =	ssyncadd.s32 $0xFFFFC000  }
0x1f4: {  	[tilespmem:s18], [sflag:$0x1] =	stream.indirect.gather [hbm4b:s4+s15], $0x80, s26, s15, $0xb8;
	[tilespmem:$0x1D000] =	vst v63  }
0x1f5: {  	_ =	swait.ge [sflag:s20], $0x4000  }
0x1f6: {  	[sflag:s20] =	ssyncset.done $0x0  }
0x1f7: {  	s28 =	rddreg [dreg:$0x1c];
	[sflag:s20] =	ssyncadd.s32 $0xFFFFC000  }
0x1f8: {  	[spmem:s1] =	stream.indirect.scatter.add.f32 [tilespmem:s16], [sflag:$0x4], $0x80, s28, s15, $0xb8;
	[tilespmem:$0x1D000] =	vst v63  }
0x1f9: {  	_ =	swait.ge [sflag:s23], $0x4000  }
0x1fa: {  	[sflag:s23] =	ssyncset.done $0x0  }
0x1fb: {  	s29 =	rddreg [dreg:$0x1d];
	[sflag:s23] =	ssyncadd.s32 $0xFFFFC000  }
0x1fc: {  	[tilespmem:s16], [sflag:$0x2] =	stream.indirect.gather [hbm4b:s4+s15], $0x80, s29, s15, $0xb8;
	[tilespmem:$0x1D000] =	vst v63  }
0x1fd: {  	_ =	swait.ge [sflag:s17], $0x4000  }
0x1fe: {  	[sflag:s17] =	ssyncset.done $0x0  }
0x1ff: {  	s30 =	rddreg [dreg:$0x1e];
	[sflag:s17] =	ssyncadd.s32 $0xFFFFC000  }
0x200: {  	[spmem:s1] =	stream.indirect.scatter.add.f32 [tilespmem:s18], [sflag:$0x3], $0x80, s30, s15, $0xb8;
	[tilespmem:$0x1D000] =	vst v63  }
0x201: {  	_ =	swait.ge [sflag:s20], $0x4000  }
0x202: {  	[sflag:s20] =	ssyncset.done $0x0  }
0x203: {  	s31 =	rddreg [dreg:$0x1f];
	[sflag:s20] =	ssyncadd.s32 $0xFFFFC000  }
0x204: {  	[spmem:s1] =	stream.indirect.scatter.add.f32 [tilespmem:s16], [sflag:$0x4], $0x80, s31, s15, $0xb8;
	[tilespmem:$0x1D000] =	vst v63  }
0x205: {  	_ =	swait.ge [sflag:s19], $0x4000  }
0x206: {  	[sflag:s19] =	ssyncset.done $0x0  }
0x207: {  	[sflag:s19] =	ssyncadd.s32 $0xFFFFC000  }
0x208: {  	_ =	swait.ge [sflag:s23], $0x4000  }
0x209: {  	s25 =	sadd.s32 $0x1, s25;
	[sflag:s23] =	ssyncset.done $0x0  }
0x20a: {  	p0 =	sne.s32 s25, s10;
	[sflag:s23] =	ssyncadd.s32 $0xFFFFC000  }
.Ltmp1:
0x20b: {  	[bflag:$0x0] =	sbarrier.arrive $0xFFFF;
	(pc) =	sbr.rel @p0 .LBB2_1-.Ltmp1, $4  }
0x20c: {  	[hbm:s9], [sflag:s6] =	dma.local [spmem:s12], $0x2800  }
0x20d: {  	_ =	swait.ge [sflag:s13], $0x2800  }
0x20e: {  	[sflag:s13] =	ssyncset.done $0x0  }
0x20f: {  	[sflag:s13] =	ssyncadd.s32 $0xFFFFD800  }
0x210: {  	_ =	sfence.sel $0x180000  }
0x211: {  	[bflag:$0x0] =	sbarrier.arrive $0xFFFF  }
0x212: {  	_ =	strace $0x9000004D  }
0x213: {  	s0 =	stileid.u32;
	[bflag:$0x2] =	sbarrier.arrive $0xFFFF  }
0x214: {  	p0 =	sne.s32 s0, $0x0;
	s0 =	rddreg [dreg:$0x4]  }
0x215: {  	s0 =	sadd.s32 @!p0 $0x100000, s0  }
0x216: {  	[sflag:s0] =	ssyncadd.tile.s32 @!p0 $0x1;
	_ =	shalt  }
.Lfunc_end2:
_tile_overlayer_lowered:
.L_overlay_start_2:
0x217: {  	(tag) =	ssettag $0x2  }
0x218: {  	s0 =	rddreg [dreg:$0x0];
	s2 =	stileid.u32  }
0x219: {  	s1 =	rddreg [dreg:$0x1];
	p0 =	sne.s32 s2, $0x0  }
0x21a: {  	s3 =	rddreg [dreg:$0x2];
	[bflag:$0x3] =	sbarrier.arrive $0xFFFF;
	s2 =	simm.s32 @!p0 $0x1C07  }
0x21b: {  	[timem:s3], [sflag:s2] =	dma.local @!p0 [hbm:s0], s1  }
0x21c: {  	s0 =	simm.s32 @!p0 $0x7  }
0x21d: {  	_ =	swait.ge @!p0 [sflag:s0], s1  }
0x21e: {  	s1 =	ssub.s32 @!p0 $0x0, s1;
	[sflag:s0] =	ssyncset.done @!p0 $0x0  }
0x21f: {  	[sflag:s0] =	ssyncadd.s32 @!p0 s1  }
0x220: {  	[bflag:$0x3] =	sbarrier.arrive $0xFFFF  }
0x221: {  	_ =	shalt  }

// kernel: kernel.19.cloned.1.call-start
scs
__scs_entry_jumppad:
0x0: {  	(pc) =	sbr.rel $0x88, $3  }
0x1: {  	(tag) =	ssettag $0x0;
	lr =	simm.s32 $0x1  }
0x2: {  	[smem:$0x3F96] =	sst lr;
	_ =	strace $0xD0000000  }
0x3: {  	_ = 	snop  }
0x4: {  	_ = 	snop  }
0x5: {  	_ = 	snop  }
0x6: {  	_ = 	snop  }
0x7: {  	_ = 	snop  }
__scs_overlays_trampoline_lowered:
0x8: {  	[smem:$0x3FA5] =	sst s0  }
0x9: {  	[smem:$0x3FA6] =	sst s1  }
0xa: {  	[smem:$0x3FA7] =	sst s2  }
0xb: {  	[smem:$0x3FA8] =	sst s3  }
0xc: {  	[smem:$0x3FA9] =	sst s4  }
0xd: {  	[smem:$0x3FAA] =	sst s5  }
0xe: {  	[smem:$0x3FAB] =	sst s6  }
0xf: {  	[smem:$0x3FAC] =	sst s7  }
0x10: {  	[smem:$0x3FAD] =	sst s8  }
0x11: {  	[smem:$0x3FAE] =	sst s9;
	s0 =	simm.s32 @!p0 $0x0  }
0x12: {  	s1 =	sld [smem:$0x3F94];
	s0 =	simm.s32 @p0 $0x1  }
0x13: {  	[smem:$0x3FAF] =	sst s0;
	s0 =	simm.s32 @!p1 $0x0  }
0x14: {  	s2 =	sld [smem:$0x3F93];
	s0 =	simm.s32 @p1 $0x1  }
0x15: {  	[smem:$0x3FB0] =	sst s0;
	s0 =	simm.s32 @!p2 $0x0  }
0x16: {  	s3 =	sld [smem:$0x3FDB];
	s0 =	simm.s32 @p2 $0x1  }
0x17: {  	s4 =	simm.s32 $0x1BF5;
	[smem:$0x3FB2] =	sst s0  }
0x18: {  	s0 =	sld [smem:$0x3F95];
	_ =	swait.ge [sflag:s4], $0x0  }
0x19: {  	s7 =	sld [smem:$0x3F96]  }
0x1a: {  	s8 =	sadd.s32 $0xFFFFE003, lr  }
0x1b: {  	s9 =	sadd.s32 $0xFFFFFEF7, lr;
	s5 =	simm.s32 $0xFFFFFFFF;
	p2 =	slt.u32 s8, $0xFFFFF086  }
0x1c: {  	p1 =	slt.u32 s9, $0xF7A;
	s5 =	simm.s32 @!p2 $0x0  }
0x1d: {  	s5 =	simm.s32 @p1 $0x1;
	p0 =	seq.s32 s7, s2  }
0x1e: {  	s7 =	smul.u32 @!p0 $0xF7A, s2;
	p2 =	seq.s32 @!p0 s5, $0x0  }
0x1f: {  	s9 =	smul.u32 $0xF7A, s1;
	s8 =	simm.s32 @!p0 $0x1BF5;
	p2 =	por !p2, p0  }
0x20: {  	[sflag:s8] =	ssyncset.s32 @!p0 $0xFFFFF086;
	s6 =	sadd.s32 @!p0 s3, s7;
	s7 =	simm.s32 @!p0 $0x108  }
0x21: {  	s3 =	sadd.s32 s3, s9;
	s6 =	sadd.s32 @!p0 $0x88, s6;
	s7 =	simm.s32 @p2 $0x1082  }
0x22: {  	[simem:s7], [sflag:s8] =	dma.local @!p0 [hbm:s6], $0xF7A  }
0x23: {  	s9 =	sor.u32 $0xD0000000, s2;
	s6 =	simm.s32 $0x108;
	_ =	swait.ge @!p0 [sflag:s8], $0x0  }
0x24: {  	s3 =	sadd.s32 $0x88, s3;
	s6 =	simm.s32 @!p1 $0x1082;
	[sflag:s4] =	ssyncset.s32 $0xFFFFF086  }
0x25: {  	[simem:s6], [sflag:s4] =	dma.local [hbm:s3], $0xF7A  }
0x26: {  	[smem:$0x3F96] =	sst s1;
	(tag) =	ssettag s2;
	_ =	strace s9  }
0x27: {  	s1 =	sld [smem:$0x3FA6]  }
0x28: {  	s2 =	sld [smem:$0x3FA7]  }
0x29: {  	s4 =	sld [smem:$0x3FA9]  }
0x2a: {  	p0 =	seq.s32 s5, $0x0;
	s5 =	sld [smem:$0x3FAA]  }
0x2b: {  	s6 =	sld [smem:$0x3FAB]  }
0x2c: {  	s7 =	sld [smem:$0x3FAC]  }
0x2d: {  	s3 =	simm.s32 $0x108;
	s8 =	sld [smem:$0x3FAD]  }
0x2e: {  	s3 =	simm.s32 @!p0 $0x1082;
	s9 =	sld [smem:$0x3FAE]  }
0x2f: {  	lr =	sadd.s32 s0, s3;
	s0 =	sld [smem:$0x3FA5]  }
0x30: {  	s3 =	sld [smem:$0x3FA8]  }
0x31: {  	[smem:$0x3FB1] =	sst s10  }
0x32: {  	s10 =	sld [smem:$0x3FAF];
	_ =	sdelay $0x3  }
0x33: {  	p0 =	seq.s32 s10, $0x1;
	s10 =	sld [smem:$0x3FB1];
	_ =	sdelay $0x3  }
0x34: {  	[smem:$0x3FB1] =	sst s10  }
0x35: {  	s10 =	sld [smem:$0x3FB0];
	_ =	sdelay $0x3  }
0x36: {  	p1 =	seq.s32 s10, $0x1;
	s10 =	sld [smem:$0x3FB1];
	_ =	sdelay $0x3  }
0x37: {  	[smem:$0x3FB1] =	sst s10  }
0x38: {  	s10 =	sld [smem:$0x3FB2]  }
0x39: {  	_ = 	snop;
	(pc) =	sbr.ind lr, $3  }
0x3a: {  	_ = 	snop  }
0x3b: {  	_ = 	snop  }
0x3c: {  	p2 =	seq.s32 s10, $0x1;
	s10 =	sld [smem:$0x3FB1]  }
0x3d: {  	_ =	shalt  }
0x3e: {  	_ =	shalt  }
0x3f: {  	_ =	shalt  }
0x40: {  	_ =	shalt  }
0x41: {  	_ =	shalt  }
0x42: {  	_ =	shalt  }
0x43: {  	_ =	shalt  }
0x44: {  	_ =	shalt  }
0x45: {  	_ =	shalt  }
0x46: {  	_ =	shalt  }
0x47: {  	_ =	shalt  }
0x48: {  	_ =	shalt  }
0x49: {  	_ =	shalt  }
0x4a: {  	_ =	shalt  }
0x4b: {  	_ =	shalt  }
0x4c: {  	_ =	shalt  }
0x4d: {  	_ =	shalt  }
0x4e: {  	_ =	shalt  }
0x4f: {  	_ =	shalt  }
0x50: {  	_ =	shalt  }
0x51: {  	_ =	shalt  }
0x52: {  	_ =	shalt  }
0x53: {  	_ =	shalt  }
0x54: {  	_ =	shalt  }
0x55: {  	_ =	shalt  }
0x56: {  	_ =	shalt  }
0x57: {  	_ =	shalt  }
0x58: {  	_ =	shalt  }
0x59: {  	_ =	shalt  }
0x5a: {  	_ =	shalt  }
0x5b: {  	_ =	shalt  }
0x5c: {  	_ =	shalt  }
0x5d: {  	_ =	shalt  }
0x5e: {  	_ =	shalt  }
0x5f: {  	_ =	shalt  }
0x60: {  	_ =	shalt  }
0x61: {  	_ =	shalt  }
0x62: {  	_ =	shalt  }
0x63: {  	_ =	shalt  }
0x64: {  	_ =	shalt  }
0x65: {  	_ =	shalt  }
0x66: {  	_ =	shalt  }
0x67: {  	_ =	shalt  }
0x68: {  	_ =	shalt  }
0x69: {  	_ =	shalt  }
0x6a: {  	_ =	shalt  }
0x6b: {  	_ =	shalt  }
0x6c: {  	_ =	shalt  }
0x6d: {  	_ =	shalt  }
0x6e: {  	_ =	shalt  }
0x6f: {  	_ =	shalt  }
0x70: {  	_ =	shalt  }
0x71: {  	_ =	shalt  }
0x72: {  	_ =	shalt  }
0x73: {  	_ =	shalt  }
0x74: {  	_ =	shalt  }
0x75: {  	_ =	shalt  }
0x76: {  	_ =	shalt  }
0x77: {  	_ =	shalt  }
0x78: {  	_ =	shalt  }
0x79: {  	_ =	shalt  }
0x7a: {  	_ =	shalt  }
0x7b: {  	_ =	shalt  }
0x7c: {  	_ =	shalt  }
0x7d: {  	_ =	shalt  }
0x7e: {  	_ =	shalt  }
0x7f: {  	_ =	shalt  }
0x80: {  	_ =	shalt  }
0x81: {  	_ =	shalt  }
0x82: {  	_ =	shalt  }
0x83: {  	_ =	shalt  }
0x84: {  	_ =	shalt  }
0x85: {  	_ =	shalt  }
0x86: {  	_ =	shalt  }
0x87: {  	_ =	shalt  }
.Lfunc_end0:
.L_simem_size_0:
called_computation.3_lowered:
.L_overlay_start_0:
0x88: {  	s2 =	sld [smem:$0x3FD9]  }
0x89: {  	s3 =	sld [smem:$0x3FFE];
	_ =	sdelay $0x1  }
0x8a: {  	s1 =	srdreg.scid  }
0x8b: {  	s0 =	sand.u32 $0x1, s1  }
0x8c: {  	s14 =	sshll.u32 s0, $0xA;
	s2 =	sadd.s32 s3, s2  }
0x8d: {  	s2 =	sadd.s32 s2, s14  }
0x8e: {  	[smem:$0x3FBD] =	sst s2  }
0x8f: {  	_ = 	snop  }
0x90: {  	s2 =	sld [smem:$0x3FD0];
	_ =	sdelay $0x2  }
0x91: {  	s15 =	simm.s32 $0xA;
	s4 =	simm.s32 $0x10  }
0x92: {  	[smem:s4], [sflag:s15] =	dma.local [hbm:s2], $0x1  }
0x93: {  	_ =	swait.eq [sflag:s15], $0x1  }
0x94: {  	[sflag:s15] =	ssyncset.done $0x0  }
0x95: {  	s16 =	sld [smem:$0x10];
	[sflag:s15] =	ssyncadd.s32 $0xFFFFFFFF  }
0x96: {  	s17 =	sld [smem:$0x11];
	(tm) =	ssettm $0x1  }
0x97: {  	s18 =	sld [smem:$0x3FFB];
	_ =	sdelay $0x3  }
0x98: {  	_ =	strace s18  }
0x99: {  	s4 =	sld [smem:$0x3FFC];
	_ =	sdelay $0x3  }
0x9a: {  	_ =	strace s4  }
0x9b: {  	s4 =	sld [smem:$0x3FFD];
	_ =	sdelay $0x3  }
0x9c: {  	_ =	strace s4  }
0x9d: {  	_ =	strace $0x8FFFFFFF  }
0x9e: {  	s19 =	sld [smem:$0x3FDB];
	_ =	sdelay $0x1  }
0x9f: {  	s5 =	simm.s32 $_scs_section_size  }
0xa0: {  	s6 =	simm.s32 $_size__tile_overlayer_lowered;
	s7 =	simm.s32 $_tile_overlayer_lowered  }
0xa1: {  	s22 =	simm.s32 $0x1BFF;
	s21 =	sshll.u32 s7, $0x1;
	s4 =	sadd.s32 s5, s19  }
0xa2: {  	s8 =	simm.s32 $0x0;
	s20 =	sshll.u32 s6, $0x1;
	s6 =	sadd.s32 s21, s4  }
0xa3: {  	[timem:s8], [sflag:s22] =	dma.local [hbm:s6], s20  }
0xa4: {  	_ =	swait.ge [sflag:s22], s20  }
0xa5: {  	s5 =	ssub.s32 $0x0, s20;
	[sflag:s22] =	ssyncset.done $0x0  }
0xa6: {  	[sflag:s22] =	ssyncadd.s32 s5;
	_ =	sdelay $0x1  }
0xa7: {  	s23 =	simm.s32 $0x1B8B  }
0xa8: {  	_ =	swait.ge [sflag:s23], $0x1  }
0xa9: {  	[sflag:s23] =	ssyncset.done $0x0  }
0xaa: {  	s25 =	simm.s32 $0x1B8E;
	s24 =	sld [smem:$0x3FFE];
	[sflag:s23] =	ssyncadd.s32 $0xFFFFFFFF  }
0xab: {  	s26 =	simm.s32 $execute0_lowered;
	[smem:$0x3FD2] =	sst s25  }
0xac: {  	s6 =	sshll.u32 s26, $0x1;
	_ =	strace $0x8000004F;
	[dreg:$0x1] =	wrdreg $0xFFFFFFFF  }
0xad: {  	s28 =	simm.s32 $_size_execute0_lowered;
	s4 =	sadd.s32 s4, s6;
	[dreg:$0x0] =	wrdreg $0x0  }
0xae: {  	s6 =	sshll.u32 s28, $0x1;
	[dreg:$0x2] =	wrdreg s4  }
0xaf: {  	[dreg:$0x3] =	wrdreg s6  }
0xb0: {  	[dreg:$0x4] =	wrdreg $0xC0  }
0xb1: {  	_ =	task [dreg:s8], $0x5FFFF  }
0xb2: {  	[dreg:$0x1] =	wrdreg $0xFFFFFFFF  }
0xb3: {  	[dreg:$0x0] =	wrdreg $0x60  }
0xb4: {  	[dreg:$0x2] =	wrdreg s16  }
0xb5: {  	[dreg:$0x3] =	wrdreg s24  }
0xb6: {  	[dreg:$0x4] =	wrdreg s17  }
0xb7: {  	[dreg:$0x5] =	wrdreg $0x9  }
0xb8: {  	_ =	task.clear_ibuf [dreg:s8], $0x6FFFF;
	_ =	strace $0x9000004F  }
0xb9: {  	s29 =	simm.s32 $0x9;
	_ =	strace $0x80000051  }
0xba: {  	_ =	swait.ge [sflag:s29], $0x1  }
0xbb: {  	[sflag:s29] =	ssyncadd.s32 $0xFFFFFFFF  }
0xbc: {  	_ =	strace $0x90000051  }
0xbd: {  	_ =	sfence  }
0xbe: {  	s30 =	sld [smem:$0x0];
	_ =	sdelay $0x2  }
0xbf: {  	s31 =	sshll.u32 s1, $0xD;
	s1 =	sshrl.u32 s1, $0x2  }
0xc0: {  	s3 =	sand.u32 $0x4000, s31;
	s1 =	sadd.s32 s1, s30  }
0xc1: {  	s0 =	sor.u32 s3, s0;
	s1 =	sshll.u32 s1, $0x11  }
0xc2: {  	s0 =	sor.u32 s1, s0  }
0xc3: {  	s0 =	sadd.s32 $0x8F2B, s0  }
0xc4: {  	[sflag:s0] =	ssyncadd.remote.s32 $0x1  }
0xc5: {  	_ =	sfence.sel $0xFFFF  }
0xc6: {  	[dreg:$0x0] =	wrdreg $0xFFFFFFFF;
	(pc) =	sbr.abs _section_cstart, $3  }
0xc7: {  	[dreg:$0x1] =	wrdreg $0xFFFFFFFF  }
0xc8: {  	_ =	task.clear_ibuf [dreg:s8], $0x2FFFF;
	_ =	strace $0x9FFFFFFF  }
0xc9: {  	(tm) =	ssettm $0x7FFFFFFF  }
tec
execute0_lowered:
.L_overlay_start_1:
0x0: {  	(tag) =	ssettag $0x1  }
0x1: {  	s1 =	rddreg [dreg:$0x0]  }
0x2: {  	s0 =	rddreg [dreg:$0x1];
	s2 =	srdreg.scid  }
0x3: {  	s14 =	stileid.u32;
	s5 =	rddreg [dreg:$0x2];
	s3 =	simm.s32 $0x0  }
0x4: {  	s28 =	simm.s32 $0xA;
	s29 =	simm.s32 $0x3E00;
	s12 =	smul.u32 $0xAC, s14  }
0x5: {  	s30 =	simm.s32 $0xB600;
	s2 =	sand.u32 $0x1, s2;
	s23 =	smul.u32 $0x50A00, s14  }
0x6: {  	s4 =	sshll.u32 s14, $0x1;
	[smem:$0x7FF] =	sst s3;
	s26 =	smul.u32 $0x56, s2  }
0x7: {  	s6 =	sor.u32 s2, s4;
	s11 =	ssub.s32 $0x2, s2;
	s2 =	smul.u32 $0x28500, s2  }
0x8: {  	s9 =	sadd.s32 $0xA3A00, s0;
	s10 =	sadd.s32 $0xAE600, s0;
	s7 =	smul.u32 $0x2B00, s6  }
0x9: {  	_ =	strace $0x80000050;
	s4 =	sadd.s32 $0x53A00, s0;
	s8 =	smul.u32 $0x300, s6  }
0xa: {  	s31 =	simm.s32 $0x2;
	s0 =	sadd.s32 $0x5B8600, s0;
	s6 =	smul.u32 $0x142800, s6  }
0xb: {  	s24 =	sshrl.u32 s11, $0x1;
	s7 =	sand.u32 $0x7FC00, s7;
	s8 =	sand.u32 $0x300, s8  }
0xc: {  	s6 =	sshrl.u32 s6, $0x3;
	s7 =	sor.u32 s8, s7;
	s8 =	ssub.s32 s11, s24  }
0xd: {  	s16 =	sadd.s32 $0x27600, s6;
	s11 =	sadd.s32 s26, s12;
	s6 =	sadd.s32 $0x27D80, s6  }
0xe: {  	s24 =	sadd.s32 s23, s10;
	s7 =	sshrl.u32 s7, $0x3;
	s17 =	sadd.s32 s10, s16  }
0xf: {  	s18 =	sshll.u32 s11, $0x4;
	s19 =	sadd.s32 s0, s16;
	s20 =	sadd.s32 s10, s6  }
0x10: {  	s6 =	sadd.s32 s0, s6;
	s21 =	smax.u32 s8, $0x1;
	[dreg:$0xa] =	wrdreg s17  }
0x11: {  	s0 =	sadd.s32 s23, s0;
	s23 =	simm.s32 $0x80;
	[dreg:$0xb] =	wrdreg s19  }
0x12: {  	s8 =	simm.s32 $0x0;
	s25 =	sadd.s32 s5, s7;
	[dreg:$0xc] =	wrdreg s20  }
0x13: {  	s13 =	sadd.s32 s9, s7;
	s7 =	sor.u32 $0x10, s7;
	[dreg:$0xd] =	wrdreg s6  }
0x14: {  	[dreg:$0xe] =	wrdreg s21;
	s0 =	sadd.s32 s2, s0;
	s19 =	simm.s32 $0x9  }
0x15: {  	s20 =	simm.s32 $0x78;
	s21 =	simm.s32 $0x200;
	[dreg:$0x6] =	wrdreg s25  }
0x16: {  	s6 =	simm.s32 $0x6;
	[dreg:$0x7] =	wrdreg s13;
	s15 =	sadd.s32 s5, s7  }
0x17: {  	s7 =	sadd.s32 s9, s7;
	s25 =	sadd.s32 s2, s24;
	s0 =	sadd.s32 $0x780, s0  }
0x18: {  	s24 =	simm.s32 $0x180;
	s2 =	simm.s32 $0x4;
	[dreg:$0x8] =	wrdreg s15  }
0x19: {  	[dreg:$0x9] =	wrdreg s7;
	s7 =	sadd.s32 $0x20, s18;
	s26 =	sadd.s32 $0x780, s25  }
0x1a: {  	[dreg:$0x10] =	wrdreg s0;
	s18 =	simm.s32 $0x100;
	s25 =	simm.s32 $0x1  }
0x1b: {  	s0 =	simm.s32 $0x5;
	s13 =	sadd.s32 s7, s9;
	s15 =	sadd.s32 s7, s5  }
0x1c: {  	[dreg:$0xf] =	wrdreg s26;
	s26 =	simm.s32 $0x3;
	s22 =	sadd.s32 $0x10, s13  }
0x1d: {  	s7 =	simm.s32 $0x8;
	s5 =	sadd.s32 $0x10, s15;
	[dreg:$0x4] =	wrdreg s22  }
0x1e: {  	[dreg:$0x5] =	wrdreg s5;
	s22 =	simm.s32 $0x7A00;
	s5 =	simm.s32 $0x7  }
.LBB2_1:
0x1f: {  	s9 =	rddreg [dreg:$0x6]  }
0x20: {  	[tilespmem:s3], [sflag:$0x9] =	stream.linear.gather [hbm4b:s9+s3], $0x80, $0x38;
	[tilespmem:$0xF200] =	vst v63  }
0x21: {  	s11 =	rddreg [dreg:$0x7]  }
0x22: {  	[tilespmem:s18], [sflag:$0x9] =	stream.linear.gather [hbm4b:s11+s3], $0x80, $0x38;
	[tilespmem:$0xF200] =	vst v63  }
0x23: {  	_ =	swait.ge [sflag:s19], $0x80  }
0x24: {  	[sflag:s19] =	ssyncset.done $0x0  }
0x25: {  	[sflag:s19] =	ssyncadd.s32 $0xFFFFFF80  }
0x26: {  	_ =	swait.ge [sflag:s19], $0x80  }
0x27: {  	[sflag:s19] =	ssyncset.done $0x0  }
0x28: {  	[sflag:s19] =	ssyncadd.s32 $0xFFFFFF80  }
0x29: {  	[tilespmem:s21], [sflag:$0x1] =	stream.indirect.gather [hbm4b:s1+s20], $0x80, s3, s20, $0xb8;
	[tilespmem:$0xF200] =	vst v63  }
0x2a: {  	_ = 	snop  }
0x2b: {  	[tilespmem:s22], [sflag:$0x3] =	stream.indirect.gather [hbm4b:s4+s20], $0x80, s18, s20, $0xb8;
	[tilespmem:$0xF200] =	vst v63  }
0x2c: {  	s12 =	rddreg [dreg:$0x8]  }
0x2d: {  	[tilespmem:s23], [sflag:$0xA] =	stream.linear.gather [hbm4b:s12+s3], $0x80, $0x38;
	[tilespmem:$0xF200] =	vst v63  }
0x2e: {  	s14 =	rddreg [dreg:$0x9]  }
0x2f: {  	[tilespmem:s24], [sflag:$0xA] =	stream.linear.gather [hbm4b:s14+s3], $0x80, $0x38;
	[tilespmem:$0xF200] =	vst v63  }
0x30: {  	_ =	swait.ge [sflag:s25], $0x3C00  }
0x31: {  	[sflag:s25] =	ssyncset.done $0x0  }
0x32: {  	[sflag:s25] =	ssyncadd.s32 $0xFFFFC400  }
0x33: {  	_ =	swait.ge [sflag:s26], $0x3C00  }
0x34: {  	[sflag:s26] =	ssyncset.done $0x0  }
0x35: {  	s16 =	sadd.s32 $0x0, s15;
	p0 =	por $0x1, $0x1;
	[sflag:s26] =	ssyncadd.s32 $0xFFFFC400  }
0x36: {  	[tilespmem:s3], [sflag:$0x9] =	stream.linear.gather [hbm4b:s16+s3], $0x80, $0x38;
	[tilespmem:$0xF200] =	vst v63  }
0x37: {  	s17 =	sadd.s32 $0x0, s13;
	s9 =	simm.s32 @!p0 $0x6  }
0x38: {  	[tilespmem:s18], [sflag:$0x9] =	stream.linear.gather [hbm4b:s17+s3], $0x80, $0x38;
	[tilespmem:$0xF200] =	vst v63  }
0x39: {  	_ =	swait.ge @!p0 [sflag:s9], $0x3C00  }
0x3a: {  	[sflag:s9] =	ssyncset.done @!p0 $0x0  }
0x3b: {  	s11 =	simm.s32 @!p0 $0x8;
	[sflag:s9] =	ssyncadd.s32 @!p0 $0xFFFFC400  }
0x3c: {  	_ =	swait.ge @!p0 [sflag:s11], $0x3C00  }
0x3d: {  	[sflag:s11] =	ssyncset.done @!p0 $0x0  }
0x3e: {  	[sflag:s11] =	ssyncadd.s32 @!p0 $0xFFFFC400  }
0x3f: {  	_ =	swait.ge [sflag:s28], $0x80  }
0x40: {  	[sflag:s28] =	ssyncset.done $0x0  }
0x41: {  	[sflag:s28] =	ssyncadd.s32 $0xFFFFFF80  }
0x42: {  	_ =	swait.ge [sflag:s28], $0x80  }
0x43: {  	[sflag:s28] =	ssyncset.done $0x0  }
0x44: {  	[sflag:s28] =	ssyncadd.s32 $0xFFFFFF80  }
0x45: {  	[tilespmem:s29], [sflag:$0x2] =	stream.indirect.gather [hbm4b:s1+s20], $0x80, s23, s20, $0xb8;
	[tilespmem:$0xF200] =	vst v63  }
0x46: {  	s16 =	rddreg [dreg:$0xf]  }
0x47: {  	[tilespmem:s30], [sflag:$0x4] =	stream.indirect.gather [hbm4b:s4+s20], $0x80, s24, s20, $0xb8;
	[tilespmem:$0xF200] =	vst v63  }
0x48: {  	s10 =	sadd.s32 $0xFFFFF880, s16  }
0x49: {  	[hbm4b:s10+s3] =	stream.linear.scatter [tilespmem:s21], [sflag:$0x5], $0x3C00, $0x38;
	[tilespmem:$0xF200] =	vst v63  }
0x4a: {  	s10 =	rddreg [dreg:$0x10]  }
0x4b: {  	s11 =	sadd.s32 $0xFFFFF880, s10  }
0x4c: {  	[hbm4b:s11+s3] =	stream.linear.scatter [tilespmem:s22], [sflag:$0x7], $0x3C00, $0x38;
	[tilespmem:$0xF200] =	vst v63  }
0x4d: {  	_ =	swait.ge [sflag:s31], $0x3C00  }
0x4e: {  	[sflag:s31] =	ssyncset.done $0x0  }
0x4f: {  	[sflag:s31] =	ssyncadd.s32 $0xFFFFC400  }
0x50: {  	_ =	swait.ge [sflag:s2], $0x3C00  }
0x51: {  	s12 =	rddreg [dreg:$0x5];
	[sflag:s2] =	ssyncset.done $0x0  }
0x52: {  	s14 =	rddreg [dreg:$0x4];
	[sflag:s2] =	ssyncadd.s32 $0xFFFFC400;
	s9 =	sadd.s32 $0x0, s12  }
0x53: {  	[tilespmem:s23], [sflag:$0xA] =	stream.linear.gather [hbm4b:s9+s3], $0x80, $0x38;
	[tilespmem:$0xF200] =	vst v63  }
0x54: {  	s17 =	sadd.s32 $0x0, s14  }
0x55: {  	[tilespmem:s24], [sflag:$0xA] =	stream.linear.gather [hbm4b:s17+s3], $0x80, $0x38;
	[tilespmem:$0xF200] =	vst v63  }
0x56: {  	_ =	swait.ge [sflag:s0], $0x3C00  }
0x57: {  	[sflag:s0] =	ssyncset.done $0x0  }
0x58: {  	[sflag:s0] =	ssyncadd.s32 $0xFFFFC400  }
0x59: {  	_ =	swait.ge [sflag:s5], $0x3C00  }
0x5a: {  	[sflag:s5] =	ssyncset.done $0x0  }
0x5b: {  	[sflag:s5] =	ssyncadd.s32 $0xFFFFC400  }
0x5c: {  	_ =	swait.ge [sflag:s19], $0x80  }
0x5d: {  	[sflag:s19] =	ssyncset.done $0x0  }
0x5e: {  	[sflag:s19] =	ssyncadd.s32 $0xFFFFFF80  }
0x5f: {  	_ =	swait.ge [sflag:s19], $0x80  }
0x60: {  	[sflag:s19] =	ssyncset.done $0x0  }
0x61: {  	[sflag:s19] =	ssyncadd.s32 $0xFFFFFF80  }
0x62: {  	[tilespmem:s21], [sflag:$0x1] =	stream.indirect.gather [hbm4b:s1+s20], $0x80, s3, s20, $0xb8;
	[tilespmem:$0xF200] =	vst v63  }
0x63: {  	_ = 	snop  }
0x64: {  	[tilespmem:s22], [sflag:$0x3] =	stream.indirect.gather [hbm4b:s4+s20], $0x80, s18, s20, $0xb8;
	[tilespmem:$0xF200] =	vst v63  }
0x65: {  	s11 =	smov.u32 s10;
	s9 =	simm.s32 $0x20;
	s17 =	smov.u32 s10  }
0x66: {  	[hbm4b:s16+s3] =	stream.linear.scatter [tilespmem:s29], [sflag:$0x6], $0x3C00, $0x38;
	[tilespmem:$0xF200] =	vst v63  }
.LBB2_2:
0x67: {  	[hbm4b:s11+s3] =	stream.linear.scatter [tilespmem:s30], [sflag:$0x8], $0x3C00, $0x38;
	[tilespmem:$0xF200] =	vst v63  }
0x68: {  	_ =	swait.ge [sflag:s25], $0x3C00  }
0x69: {  	[sflag:s25] =	ssyncset.done $0x0  }
0x6a: {  	[sflag:s25] =	ssyncadd.s32 $0xFFFFC400  }
0x6b: {  	_ =	swait.ge [sflag:s26], $0x3C00  }
0x6c: {  	s14 =	smov.u32 s9;
	[sflag:s26] =	ssyncset.done $0x0  }
0x6d: {  	s10 =	sadd.s32 s14, s15;
	p1 =	seq.s32 s14, $0x0;
	[sflag:s26] =	ssyncadd.s32 $0xFFFFC400  }
0x6e: {  	[tilespmem:s3], [sflag:$0x9] =	stream.linear.gather [hbm4b:s10+s3], $0x80, $0x38;
	[tilespmem:$0xF200] =	vst v63  }
0x6f: {  	s12 =	sadd.s32 s14, s13;
	s10 =	simm.s32 @!p1 $0x6  }
0x70: {  	[tilespmem:s18], [sflag:$0x9] =	stream.linear.gather [hbm4b:s12+s3], $0x80, $0x38;
	[tilespmem:$0xF200] =	vst v63  }
0x71: {  	_ =	swait.ge @!p1 [sflag:s10], $0x3C00  }
0x72: {  	[sflag:s10] =	ssyncset.done @!p1 $0x0  }
0x73: {  	s12 =	simm.s32 @!p1 $0x8;
	[sflag:s10] =	ssyncadd.s32 @!p1 $0xFFFFC400  }
0x74: {  	_ =	swait.ge @!p1 [sflag:s12], $0x3C00  }
0x75: {  	[sflag:s12] =	ssyncset.done @!p1 $0x0  }
0x76: {  	[sflag:s12] =	ssyncadd.s32 @!p1 $0xFFFFC400  }
0x77: {  	_ =	swait.ge [sflag:s28], $0x80  }
0x78: {  	[sflag:s28] =	ssyncset.done $0x0  }
0x79: {  	[sflag:s28] =	ssyncadd.s32 $0xFFFFFF80  }
0x7a: {  	_ =	swait.ge [sflag:s28], $0x80  }
0x7b: {  	[sflag:s28] =	ssyncset.done $0x0  }
0x7c: {  	[sflag:s28] =	ssyncadd.s32 $0xFFFFFF80  }
0x7d: {  	[tilespmem:s29], [sflag:$0x2] =	stream.indirect.gather [hbm4b:s1+s20], $0x80, s23, s20, $0xb8;
	[tilespmem:$0xF200] =	vst v63  }
0x7e: {  	s16 =	sadd.s32 $0xF00, s16  }
0x7f: {  	[tilespmem:s30], [sflag:$0x4] =	stream.indirect.gather [hbm4b:s4+s20], $0x80, s24, s20, $0xb8;
	[tilespmem:$0xF200] =	vst v63  }
0x80: {  	s17 =	sadd.s32 $0xF00, s17;
	s10 =	sadd.s32 $0xFFFFF880, s16  }
0x81: {  	[hbm4b:s10+s3] =	stream.linear.scatter [tilespmem:s21], [sflag:$0x5], $0x3C00, $0x38;
	[tilespmem:$0xF200] =	vst v63  }
0x82: {  	s12 =	sadd.s32 $0xFFFFF880, s17  }
0x83: {  	[hbm4b:s12+s3] =	stream.linear.scatter [tilespmem:s22], [sflag:$0x7], $0x3C00, $0x38;
	[tilespmem:$0xF200] =	vst v63  }
0x84: {  	_ =	swait.ge [sflag:s31], $0x3C00  }
0x85: {  	[sflag:s31] =	ssyncset.done $0x0  }
0x86: {  	[sflag:s31] =	ssyncadd.s32 $0xFFFFC400  }
0x87: {  	_ =	swait.ge [sflag:s2], $0x3C00  }
0x88: {  	s10 =	rddreg [dreg:$0x5];
	[sflag:s2] =	ssyncset.done $0x0  }
0x89: {  	s12 =	rddreg [dreg:$0x4];
	[sflag:s2] =	ssyncadd.s32 $0xFFFFC400;
	s10 =	sadd.s32 s14, s10  }
0x8a: {  	[tilespmem:s23], [sflag:$0xA] =	stream.linear.gather [hbm4b:s10+s3], $0x80, $0x38;
	[tilespmem:$0xF200] =	vst v63  }
0x8b: {  	s14 =	sadd.s32 s14, s12  }
0x8c: {  	[tilespmem:s24], [sflag:$0xA] =	stream.linear.gather [hbm4b:s14+s3], $0x80, $0x38;
	[tilespmem:$0xF200] =	vst v63  }
0x8d: {  	_ =	swait.ge [sflag:s0], $0x3C00  }
0x8e: {  	[sflag:s0] =	ssyncset.done $0x0  }
0x8f: {  	[sflag:s0] =	ssyncadd.s32 $0xFFFFC400  }
0x90: {  	_ =	swait.ge [sflag:s5], $0x3C00  }
0x91: {  	[sflag:s5] =	ssyncset.done $0x0  }
0x92: {  	[sflag:s5] =	ssyncadd.s32 $0xFFFFC400  }
0x93: {  	_ =	swait.ge [sflag:s19], $0x80  }
0x94: {  	[sflag:s19] =	ssyncset.done $0x0  }
0x95: {  	[sflag:s19] =	ssyncadd.s32 $0xFFFFFF80  }
0x96: {  	_ =	swait.ge [sflag:s19], $0x80  }
0x97: {  	s9 =	sadd.s32 $0x20, s9;
	[sflag:s19] =	ssyncset.done $0x0  }
0x98: {  	p0 =	sne.s32 s9, $0x540;
	[sflag:s19] =	ssyncadd.s32 $0xFFFFFF80  }
0x99: {  	[tilespmem:s21], [sflag:$0x1] =	stream.indirect.gather [hbm4b:s1+s20], $0x80, s3, s20, $0xb8;
	[tilespmem:$0xF200] =	vst v63  }
.Ltmp0:
0x9a: {  	_ = 	snop;
	(pc) =	sbr.rel @p0 .LBB2_2-.Ltmp0, $4  }
0x9b: {  	_ = 	snop  }
0x9c: {  	[tilespmem:s22], [sflag:$0x3] =	stream.indirect.gather [hbm4b:s4+s20], $0x80, s18, s20, $0xb8;
	[tilespmem:$0xF200] =	vst v63  }
0x9d: {  	s11 =	smov.u32 s17  }
0x9e: {  	[hbm4b:s16+s3] =	stream.linear.scatter [tilespmem:s29], [sflag:$0x6], $0x3C00, $0x38;
	[tilespmem:$0xF200] =	vst v63  }
0x9f: {  	[hbm4b:s11+s3] =	stream.linear.scatter [tilespmem:s30], [sflag:$0x8], $0x3C00, $0x38;
	[tilespmem:$0xF200] =	vst v63  }
0xa0: {  	_ =	swait.ge [sflag:s25], $0x3C00  }
0xa1: {  	[sflag:s25] =	ssyncset.done $0x0  }
0xa2: {  	[sflag:s25] =	ssyncadd.s32 $0xFFFFC400  }
0xa3: {  	_ =	swait.ge [sflag:s26], $0x3C00  }
0xa4: {  	[sflag:s26] =	ssyncset.done $0x0  }
0xa5: {  	[sflag:s26] =	ssyncadd.s32 $0xFFFFC400  }
0xa6: {  	_ =	swait.ge [sflag:s6], $0x3C00  }
0xa7: {  	[sflag:s6] =	ssyncset.done $0x0  }
0xa8: {  	[sflag:s6] =	ssyncadd.s32 $0xFFFFC400  }
0xa9: {  	_ =	swait.ge [sflag:s7], $0x3C00  }
0xaa: {  	[sflag:s7] =	ssyncset.done $0x0  }
0xab: {  	[sflag:s7] =	ssyncadd.s32 $0xFFFFC400  }
0xac: {  	_ =	swait.ge [sflag:s28], $0x80  }
0xad: {  	[sflag:s28] =	ssyncset.done $0x0  }
0xae: {  	[sflag:s28] =	ssyncadd.s32 $0xFFFFFF80  }
0xaf: {  	_ =	swait.ge [sflag:s28], $0x80  }
0xb0: {  	[sflag:s28] =	ssyncset.done $0x0  }
0xb1: {  	[sflag:s28] =	ssyncadd.s32 $0xFFFFFF80  }
0xb2: {  	[tilespmem:s29], [sflag:$0x2] =	stream.indirect.gather [hbm4b:s1+s20], $0x80, s23, s20, $0xb8;
	[tilespmem:$0xF200] =	vst v63  }
0xb3: {  	_ = 	snop  }
0xb4: {  	[tilespmem:s30], [sflag:$0x4] =	stream.indirect.gather [hbm4b:s4+s20], $0x80, s24, s20, $0xb8;
	[tilespmem:$0xF200] =	vst v63  }
0xb5: {  	s9 =	rddreg [dreg:$0xa]  }
0xb6: {  	[hbm4b:s9+s3] =	stream.linear.scatter [tilespmem:s21], [sflag:$0x5], $0x3C00, $0x38;
	[tilespmem:$0xF200] =	vst v63  }
0xb7: {  	s12 =	rddreg [dreg:$0xb]  }
0xb8: {  	[hbm4b:s12+s3] =	stream.linear.scatter [tilespmem:s22], [sflag:$0x7], $0x3C00, $0x38;
	[tilespmem:$0xF200] =	vst v63  }
0xb9: {  	_ =	swait.ge [sflag:s31], $0x3C00  }
0xba: {  	[sflag:s31] =	ssyncset.done $0x0  }
0xbb: {  	[sflag:s31] =	ssyncadd.s32 $0xFFFFC400  }
0xbc: {  	_ =	swait.ge [sflag:s2], $0x3C00  }
0xbd: {  	[sflag:s2] =	ssyncset.done $0x0  }
0xbe: {  	s14 =	rddreg [dreg:$0xc];
	[sflag:s2] =	ssyncadd.s32 $0xFFFFC400  }
0xbf: {  	[hbm4b:s14+s3] =	stream.linear.scatter [tilespmem:s29], [sflag:$0x6], $0x3C00, $0x38;
	[tilespmem:$0xF200] =	vst v63  }
0xc0: {  	s16 =	rddreg [dreg:$0xd]  }
0xc1: {  	[hbm4b:s16+s3] =	stream.linear.scatter [tilespmem:s30], [sflag:$0x8], $0x3C00, $0x38;
	[tilespmem:$0xF200] =	vst v63  }
0xc2: {  	_ =	swait.ge [sflag:s0], $0x3C00  }
0xc3: {  	[sflag:s0] =	ssyncset.done $0x0  }
0xc4: {  	[sflag:s0] =	ssyncadd.s32 $0xFFFFC400  }
0xc5: {  	_ =	swait.ge [sflag:s5], $0x3C00  }
0xc6: {  	[sflag:s5] =	ssyncset.done $0x0  }
0xc7: {  	[sflag:s5] =	ssyncadd.s32 $0xFFFFC400  }
0xc8: {  	_ =	swait.ge [sflag:s6], $0x3C00  }
0xc9: {  	[sflag:s6] =	ssyncset.done $0x0  }
0xca: {  	[sflag:s6] =	ssyncadd.s32 $0xFFFFC400  }
0xcb: {  	_ =	swait.ge [sflag:s7], $0x3C00  }
0xcc: {  	s8 =	sadd.s32 $0x1, s8;
	s17 =	rddreg [dreg:$0xe]  }
0xcd: {  	p0 =	sne.s32 s8, s17  }
.Ltmp1:
0xce: {  	_ = 	snop;
	(pc) =	sbr.rel @p0 .LBB2_1-.Ltmp1, $3  }
0xcf: {  	_ =	sdelay $0x1  }
0xd0: {  	[sflag:s7] =	ssyncset.done $0x0  }
0xd1: {  	[sflag:s7] =	ssyncadd.s32 $0xFFFFC400  }
0xd2: {  	_ =	sfence.sel $0x180000  }
0xd3: {  	[bflag:$0x0] =	sbarrier.arrive $0xFFFF  }
0xd4: {  	_ =	strace $0x90000050  }
0xd5: {  	s0 =	stileid.u32;
	[bflag:$0x2] =	sbarrier.arrive $0xFFFF  }
0xd6: {  	p0 =	sne.s32 s0, $0x0;
	s0 =	rddreg [dreg:$0x3]  }
0xd7: {  	s0 =	sadd.s32 @!p0 $0x100000, s0  }
0xd8: {  	[sflag:s0] =	ssyncadd.tile.s32 @!p0 $0x1;
	_ =	shalt  }
.Lfunc_end2:
_tile_overlayer_lowered:
.L_overlay_start_2:
0xd9: {  	(tag) =	ssettag $0x2  }
0xda: {  	s0 =	rddreg [dreg:$0x0];
	s2 =	stileid.u32  }
0xdb: {  	s1 =	rddreg [dreg:$0x1];
	p0 =	sne.s32 s2, $0x0  }
0xdc: {  	s3 =	rddreg [dreg:$0x2];
	[bflag:$0x3] =	sbarrier.arrive $0xFFFF;
	s2 =	simm.s32 @!p0 $0x1C0B  }
0xdd: {  	[timem:s3], [sflag:s2] =	dma.local @!p0 [hbm:s0], s1  }
0xde: {  	s0 =	simm.s32 @!p0 $0xB  }
0xdf: {  	_ =	swait.ge @!p0 [sflag:s0], s1  }
0xe0: {  	s1 =	ssub.s32 @!p0 $0x0, s1;
	[sflag:s0] =	ssyncset.done @!p0 $0x0  }
0xe1: {  	[sflag:s0] =	ssyncadd.s32 @!p0 s1  }
0xe2: {  	[bflag:$0x3] =	sbarrier.arrive $0xFFFF  }
0xe3: {  	_ =	shalt  }

</sc_bundles>
